<compile_context>
chip_gen: v7x
topology: tpu7x:2x2x1
jax: 0.10.2.dev20260603
libtpu: 0.0.44.dev20260713+nightly
codegen_flags: <defaults>
</compile_context>

<pallas_src>
import functools

import jax
import jax.numpy as jnp
from jax import lax
from jax.experimental import pallas as pl
from jax.experimental.pallas import tpu as pltpu
from jax.experimental.pallas import tpu_sc as plsc

_NC = 2
_NS = 16
_NW = _NC * _NS
_LANES = 16
_CW = 128

_BLK = 8
_CSZ = 25000
_NBUF = 4


def _sc_penalize(logits_flat, prev_pad, pen_vec, B, V, padl):
    rows_per_tile = B // _NW
    chunks_per_row = padl // _CW
    nch = rows_per_tile * chunks_per_row
    segs_per_chunk = _CW // _LANES

    mesh = plsc.VectorSubcoreMesh(core_axis_name="c", subcore_axis_name="s")

    @functools.partial(
        pl.kernel,
        out_type=jax.ShapeDtypeStruct((B * V,), jnp.float32),
        mesh=mesh,
        scratch_types=[
            pltpu.VMEM((nch, _CW), jnp.int32),
            pltpu.VMEM((nch, _CW), jnp.float32),
            pltpu.VMEM((rows_per_tile, padl), jnp.int32),
            pltpu.VMEM((_LANES,), jnp.float32),
        ] + [pltpu.VMEM((_CSZ,), jnp.float32) for _ in range(_NBUF)]
          + [pltpu.SemaphoreType.DMA for _ in range(2 * _NBUF)]
          + [
            pltpu.SemaphoreType.DMA,
            pltpu.SemaphoreType.DMA,
        ],
    )
    def body(logits_hbm, prev_hbm, pen_hbm, out_hbm,
             idx_v, vals_v, prev_v, pen_v, *rest):
        cbufs = rest[:_NBUF]
        rsems = rest[_NBUF:2 * _NBUF]
        wsems = rest[2 * _NBUF:3 * _NBUF]
        gsem, ssem = rest[3 * _NBUF], rest[3 * _NBUF + 1]
        wid = lax.axis_index("s") * _NC + lax.axis_index("c")
        r0 = wid * rows_per_tile
        base = r0 * V
        span = rows_per_tile * V
        ncp = span // _CSZ
        reads = [
            pltpu.make_async_copy(
                logits_hbm.at[pl.ds(base + i * _CSZ, _CSZ)], cbufs[i % _NBUF],
                rsems[i % _NBUF])
            for i in range(ncp)
        ]
        writes = [
            pltpu.make_async_copy(
                cbufs[i % _NBUF], out_hbm.at[pl.ds(base + i * _CSZ, _CSZ)],
                wsems[i % _NBUF])
            for i in range(ncp)
        ]
        for i in range(min(_NBUF, ncp)):
            reads[i].start()
        for i in range(ncp):
            reads[i].wait()
            writes[i].start()
            if i + _NBUF < ncp:
                writes[i].wait()
                reads[i + _NBUF].start()
        pltpu.sync_copy(prev_hbm.at[pl.ds(r0, rows_per_tile)], prev_v)
        pltpu.sync_copy(pen_hbm, pen_v)
        pen = pen_v[...]
        for r in range(rows_per_tile):
            rowbase = (r0 + r) * V
            for c in range(padl // _LANES):
                ch = r * chunks_per_row + c // segs_per_chunk
                off = (c % segs_per_chunk) * _LANES
                idx_v[ch, pl.ds(off, _LANES)] = (
                    prev_v[r, pl.ds(c * _LANES, _LANES)] + rowbase)
        gathers = [
            pltpu.make_async_copy(logits_hbm.at[idx_v.at[ch]], vals_v.at[ch], gsem)
            for ch in range(nch)
        ]
        for g in gathers:
            g.start()
        for g in gathers:
            g.wait()
        for ch in range(nch):
            for j in range(segs_per_chunk):
                v = vals_v[ch, pl.ds(j * _LANES, _LANES)]
                vals_v[ch, pl.ds(j * _LANES, _LANES)] = jnp.where(
                    v < 0.0, v * pen, v / pen)
        for i in range(max(ncp - _NBUF, 0), ncp):
            writes[i].wait()
        scatters = [
            pltpu.make_async_copy(vals_v.at[ch], out_hbm.at[idx_v.at[ch]], ssem)
            for ch in range(nch)
        ]
        for s in scatters:
            s.start()
        for s in scatters:
            s.wait()

    return body(logits_flat, prev_pad, pen_vec)


def _tc_body(temp_ref, k_ref, logits_ref, expu_ref, out_ref):
    k = k_ref[0, 0]

    def key_to_f32(t):
        return lax.bitcast_convert_type(
            jnp.where(t >= 0, t, t ^ jnp.int32(0x7FFFFFFF)), jnp.float32)

    V = logits_ref.shape[1]
    stripe = 12800

    def cnt_ge(t):
        thr = key_to_f32(t)
        tot = None
        for s0 in range(0, V, stripe):
            w = min(stripe, V - s0)
            c = jnp.sum((logits_ref[:, s0:s0 + w] >= thr).astype(jnp.int32),
                        axis=1, keepdims=True)
            tot = c if tot is None else tot + c
        return tot

    t = jnp.full((out_ref.shape[0], 1), jnp.int32(-(2 ** 31)), jnp.int32)
    zero = jnp.zeros_like(t)
    t = jnp.where(cnt_ge(zero) >= k, zero, t)
    for bit in range(30, -1, -1):
        t2 = t | jnp.int32(1 << bit)
        t = jnp.where(cnt_ge(t2) >= k, t2, t)

    tdiv = jnp.maximum(temp_ref[0, 0], jnp.float32(1e-5))
    pivot = key_to_f32(t) / tdiv
    p = logits_ref[...] / tdiv
    s = p - jnp.log(-jnp.log(expu_ref[...]))
    s = jnp.where(p >= pivot, s, -jnp.inf)
    m = jnp.max(s, axis=1, keepdims=True)
    iota = lax.broadcasted_iota(jnp.int32, s.shape, 1)
    out_ref[...] = jnp.min(jnp.where(s == m, iota, jnp.int32(2 ** 31 - 1)),
                           axis=1, keepdims=True)


def kernel(logits, previous_tokens, temperature, top_k, top_p,
           repetition_penalty, exp_u):
    del top_p
    B, V = logits.shape
    L = previous_tokens.shape[1]
    padl = ((L + _CW - 1) // _CW) * _CW
    prev_pad = jnp.concatenate(
        [previous_tokens,
         jnp.broadcast_to(previous_tokens[:, :1], (B, padl - L))], axis=1)
    pen_vec = jnp.broadcast_to(
        jnp.asarray(repetition_penalty, jnp.float32), (_LANES,))

    penalized = _sc_penalize(logits.reshape(B * V), prev_pad, pen_vec,
                             B, V, padl).reshape(B, V)

    temp_arr = jnp.asarray(temperature, jnp.float32).reshape(1, 1)
    k_arr = jnp.asarray(top_k, jnp.int32).reshape(1, 1)

    return pl.pallas_call(
        _tc_body,
        grid=(B // _BLK,),
        in_specs=[
            pl.BlockSpec(memory_space=pltpu.SMEM),
            pl.BlockSpec(memory_space=pltpu.SMEM),
            pl.BlockSpec((_BLK, V), lambda i: (i, 0)),
            pl.BlockSpec((_BLK, V), lambda i: (i, 0)),
        ],
        out_specs=pl.BlockSpec((_BLK, 1), lambda i: (i, 0)),
        out_shape=jax.ShapeDtypeStruct((B, 1), jnp.int32),
    )(temp_arr, k_arr, penalized, exp_u)

# --- scband reference (transcript-rebuilt; emitter-appended) ---
"""Pipeline reference for scband-sampler-8186207666693 (READ-ONLY COPY).

The authoritative reference and input builder live on the scoring server;
editing this copy changes nothing except your own understanding.
"""

import jax, jax.numpy as jnp
import numpy as np

B, V, L = 64, 100000, 200

def setup_inputs(seed: int = 0):
    key = jax.random.key(seed)
    k1, k2, k3 = jax.random.split(key, 3)
    logits = jax.random.normal(k1, (B, V), dtype=jnp.float32)
    previous_tokens = jax.random.randint(k2, (B, L), 0, V, dtype=jnp.int32)
    exp_u = jax.random.uniform(k3, (B, V), dtype=jnp.float32, minval=1e-7, maxval=1.0)
    return {"logits": logits, "previous_tokens": previous_tokens, "temperature": 1.0, "top_k": 50, "top_p": 1.0, "repetition_penalty": 2.0, "exp_u": exp_u}

def _logits_to_probs(logits, previous_tokens, temperature, top_k, top_p, repetition_penalty):
    b = logits.shape[0]
    rows = jnp.arange(b)[:, None]
    prev = previous_tokens
    # repetition penalty: gather scores at previous tokens, rescale, scatter back
    score = jnp.take_along_axis(logits, prev, axis=1)
    score = jnp.where(score < 0, score * repetition_penalty, score / repetition_penalty)
    logits = logits.at[rows, prev].set(score)
    # top-p (nucleus) filtering via descending sort + cumulative softmax
    order = jnp.argsort(-logits, axis=-1)
    sorted_logits = jnp.take_along_axis(logits, order, axis=-1)
    cum_probs = jnp.cumsum(jax.nn.softmax(sorted_logits, axis=-1), axis=-1)
    sorted_remove = cum_probs > top_p
    sorted_remove = sorted_remove.at[:, 0].set(False)
    # scatter mask back to unsorted vocab order (order is a permutation, so base is fully overwritten)
    indices_to_remove = jnp.zeros_like(sorted_remove).at[rows, order].set(sorted_remove)
    logits = jnp.where(indices_to_remove, -jnp.inf, logits)
    logits = logits / jnp.maximum(temperature, 1e-5)
    # top-k filtering
    sorted_desc = -jnp.sort(-logits, axis=-1)
    pivot_idx = jnp.broadcast_to(jnp.asarray(top_k - 1, dtype=jnp.int32).reshape(1, 1), (b, 1))
    pivot = jnp.take_along_axis(sorted_desc, pivot_idx, axis=-1)
    logits = jnp.where(logits < pivot, -jnp.inf, logits)
    probs = jax.nn.softmax(logits, axis=-1)
    return probs

def reference(logits, previous_tokens, temperature, top_k, top_p, repetition_penalty, exp_u):
    probs = _logits_to_probs(logits, previous_tokens, temperature, top_k, top_p, repetition_penalty)
    # multinomial_sample_one_no_sync: Gumbel-like trick with Exponential(1) noise
    q = -jnp.log(exp_u)
    idx_next = jnp.argmax(probs / q, axis=-1, keepdims=True).astype(jnp.int32)
    return idx_next

if __name__ == "__main__":
    import jax
    _d = setup_inputs()
    print(jax.jit(kernel)(*tuple(_d.values())))

</pallas_src>

<mosaic_0001>
#map = affine_map<(d0, d1) -> (0)>
#map1 = affine_map<(d0, d1) -> (0, 0)>
module attributes {stable_mosaic.version = 14 : i64} {
  func.func @body(%arg0: i32, %arg1: i32, %arg2: memref<6400000xf32, #tpu.memory_space<hbm>>, %arg3: memref<64x256xi32, #tpu.memory_space<hbm>>, %arg4: memref<16xf32, #tpu.memory_space<hbm>>, %arg5: memref<6400000xf32, #tpu.memory_space<hbm>>, %arg6: memref<4x128xi32, #tpu.memory_space<vmem>>, %arg7: memref<4x128xf32, #tpu.memory_space<vmem>>, %arg8: memref<2x256xi32, #tpu.memory_space<vmem>>, %arg9: memref<16xf32, #tpu.memory_space<vmem>>, %arg10: memref<25000xf32, #tpu.memory_space<vmem>>, %arg11: memref<25000xf32, #tpu.memory_space<vmem>>, %arg12: memref<25000xf32, #tpu.memory_space<vmem>>, %arg13: memref<25000xf32, #tpu.memory_space<vmem>>, %arg14: memref<!tpu.dma_semaphore, #tpu.memory_space<semaphore_mem>>, %arg15: memref<!tpu.dma_semaphore, #tpu.memory_space<semaphore_mem>>, %arg16: memref<!tpu.dma_semaphore, #tpu.memory_space<semaphore_mem>>, %arg17: memref<!tpu.dma_semaphore, #tpu.memory_space<semaphore_mem>>, %arg18: memref<!tpu.dma_semaphore, #tpu.memory_space<semaphore_mem>>, %arg19: memref<!tpu.dma_semaphore, #tpu.memory_space<semaphore_mem>>, %arg20: memref<!tpu.dma_semaphore, #tpu.memory_space<semaphore_mem>>, %arg21: memref<!tpu.dma_semaphore, #tpu.memory_space<semaphore_mem>>, %arg22: memref<!tpu.dma_semaphore, #tpu.memory_space<semaphore_mem>>, %arg23: memref<!tpu.dma_semaphore, #tpu.memory_space<semaphore_mem>>) attributes {dimension_semantics = [#tpu.dimension_semantics<core_parallel>, #tpu.dimension_semantics<subcore_parallel>], iteration_bounds = array<i64: 2, 16>, scalar_prefetch = 0 : i64, scratch_operands = 18 : i64, tpu.core_type = #tpu.core_type<sc_vector_subcore>, window_params = [{transform_indices = #map}, {transform_indices = #map1}, {transform_indices = #map}, {transform_indices = #map}]} {
    %mul3A = arith.constant 2 : i32
    %mul3A_0 = arith.muli %arg1, %mul3A : i32
    %add3A = arith.addi %mul3A_0, %arg0 : i32
    %mul3A_1 = arith.constant 2 : i32
    %mul3A_2 = arith.muli %add3A, %mul3A_1 : i32
    %mul3A_3 = arith.constant 100000 : i32
    %mul3A_4 = arith.muli %mul3A_2, %mul3A_3 : i32
    %add3A_5 = arith.constant 0 : i32
    %add3A_6 = arith.addi %mul3A_4, %add3A_5 : i32
    %add3A_7 = arith.constant 25000 : i32
    %add3A_8 = arith.addi %mul3A_4, %add3A_7 : i32
    %add3A_9 = arith.constant 50000 : i32
    %add3A_10 = arith.addi %mul3A_4, %add3A_9 : i32
    %add3A_11 = arith.constant 75000 : i32
    %add3A_12 = arith.addi %mul3A_4, %add3A_11 : i32
    %add3A_13 = arith.constant 100000 : i32
    %add3A_14 = arith.addi %mul3A_4, %add3A_13 : i32
    %add3A_15 = arith.constant 125000 : i32
    %add3A_16 = arith.addi %mul3A_4, %add3A_15 : i32
    %add3A_17 = arith.constant 150000 : i32
    %add3A_18 = arith.addi %mul3A_4, %add3A_17 : i32
    %add3A_19 = arith.constant 175000 : i32
    %add3A_20 = arith.addi %mul3A_4, %add3A_19 : i32
    %add3A_21 = arith.constant 0 : i32
    %add3A_22 = arith.addi %mul3A_4, %add3A_21 : i32
    %add3A_23 = arith.constant 25000 : i32
    %add3A_24 = arith.addi %mul3A_4, %add3A_23 : i32
    %add3A_25 = arith.constant 50000 : i32
    %add3A_26 = arith.addi %mul3A_4, %add3A_25 : i32
    %add3A_27 = arith.constant 75000 : i32
    %add3A_28 = arith.addi %mul3A_4, %add3A_27 : i32
    %add3A_29 = arith.constant 100000 : i32
    %add3A_30 = arith.addi %mul3A_4, %add3A_29 : i32
    %add3A_31 = arith.constant 125000 : i32
    %add3A_32 = arith.addi %mul3A_4, %add3A_31 : i32
    %add3A_33 = arith.constant 150000 : i32
    %add3A_34 = arith.addi %mul3A_4, %add3A_33 : i32
    %add3A_35 = arith.constant 175000 : i32
    %add3A_36 = arith.addi %mul3A_4, %add3A_35 : i32
    %dma_start3A = tpu.memref_slice %arg2[%add3A_6] : memref<6400000xf32, #tpu.memory_space<hbm>> -> memref<25000xf32, #tpu.memory_space<hbm>>
    %dma_start3A_37 = tpu.memref_slice %arg2[%add3A_6] : memref<6400000xf32, #tpu.memory_space<hbm>> -> memref<25000xf32, #tpu.memory_space<hbm>>
    tpu.enqueue_dma source(%dma_start3A_37 : memref<25000xf32, #tpu.memory_space<hbm>>) target(%arg10 : memref<25000xf32, #tpu.memory_space<vmem>>) target_semaphore(%arg14 : memref<!tpu.dma_semaphore, #tpu.memory_space<semaphore_mem>>)
    %dma_start3A_38 = tpu.memref_slice %arg2[%add3A_8] : memref<6400000xf32, #tpu.memory_space<hbm>> -> memref<25000xf32, #tpu.memory_space<hbm>>
    %dma_start3A_39 = tpu.memref_slice %arg2[%add3A_8] : memref<6400000xf32, #tpu.memory_space<hbm>> -> memref<25000xf32, #tpu.memory_space<hbm>>
    tpu.enqueue_dma source(%dma_start3A_39 : memref<25000xf32, #tpu.memory_space<hbm>>) target(%arg11 : memref<25000xf32, #tpu.memory_space<vmem>>) target_semaphore(%arg15 : memref<!tpu.dma_semaphore, #tpu.memory_space<semaphore_mem>>)
    %dma_start3A_40 = tpu.memref_slice %arg2[%add3A_10] : memref<6400000xf32, #tpu.memory_space<hbm>> -> memref<25000xf32, #tpu.memory_space<hbm>>
    %dma_start3A_41 = tpu.memref_slice %arg2[%add3A_10] : memref<6400000xf32, #tpu.memory_space<hbm>> -> memref<25000xf32, #tpu.memory_space<hbm>>
    tpu.enqueue_dma source(%dma_start3A_41 : memref<25000xf32, #tpu.memory_space<hbm>>) target(%arg12 : memref<25000xf32, #tpu.memory_space<vmem>>) target_semaphore(%arg16 : memref<!tpu.dma_semaphore, #tpu.memory_space<semaphore_mem>>)
    %dma_start3A_42 = tpu.memref_slice %arg2[%add3A_12] : memref<6400000xf32, #tpu.memory_space<hbm>> -> memref<25000xf32, #tpu.memory_space<hbm>>
    %dma_start3A_43 = tpu.memref_slice %arg2[%add3A_12] : memref<6400000xf32, #tpu.memory_space<hbm>> -> memref<25000xf32, #tpu.memory_space<hbm>>
    tpu.enqueue_dma source(%dma_start3A_43 : memref<25000xf32, #tpu.memory_space<hbm>>) target(%arg13 : memref<25000xf32, #tpu.memory_space<vmem>>) target_semaphore(%arg17 : memref<!tpu.dma_semaphore, #tpu.memory_space<semaphore_mem>>)
    %dma_wait3A = tpu.memref_slice %arg2[%add3A_6] : memref<6400000xf32, #tpu.memory_space<hbm>> -> memref<25000xf32, #tpu.memory_space<hbm>>
    %dma_wait3A_44 = tpu.memref_slice %arg2[%add3A_6] : memref<6400000xf32, #tpu.memory_space<hbm>> -> memref<25000xf32, #tpu.memory_space<hbm>>
    tpu.wait_dma2 semaphore(%arg14 : memref<!tpu.dma_semaphore, #tpu.memory_space<semaphore_mem>>) src(%dma_wait3A_44 : memref<25000xf32, #tpu.memory_space<hbm>>) dst(%arg10 : memref<25000xf32, #tpu.memory_space<vmem>>)
    %dma_start3A_45 = tpu.memref_slice %arg5[%add3A_22] : memref<6400000xf32, #tpu.memory_space<hbm>> -> memref<25000xf32, #tpu.memory_space<hbm>>
    %dma_start3A_46 = tpu.memref_slice %arg5[%add3A_22] : memref<6400000xf32, #tpu.memory_space<hbm>> -> memref<25000xf32, #tpu.memory_space<hbm>>
    tpu.enqueue_dma source(%arg10 : memref<25000xf32, #tpu.memory_space<vmem>>) target(%dma_start3A_46 : memref<25000xf32, #tpu.memory_space<hbm>>) target_semaphore(%arg18 : memref<!tpu.dma_semaphore, #tpu.memory_space<semaphore_mem>>)
    %dma_wait3A_47 = tpu.memref_slice %arg5[%add3A_22] : memref<6400000xf32, #tpu.memory_space<hbm>> -> memref<25000xf32, #tpu.memory_space<hbm>>
    %dma_wait3A_48 = tpu.memref_slice %arg5[%add3A_22] : memref<6400000xf32, #tpu.memory_space<hbm>> -> memref<25000xf32, #tpu.memory_space<hbm>>
    tpu.wait_dma2 semaphore(%arg18 : memref<!tpu.dma_semaphore, #tpu.memory_space<semaphore_mem>>) src(%arg10 : memref<25000xf32, #tpu.memory_space<vmem>>) dst(%dma_wait3A_48 : memref<25000xf32, #tpu.memory_space<hbm>>)
    %dma_start3A_49 = tpu.memref_slice %arg2[%add3A_14] : memref<6400000xf32, #tpu.memory_space<hbm>> -> memref<25000xf32, #tpu.memory_space<hbm>>
    %dma_start3A_50 = tpu.memref_slice %arg2[%add3A_14] : memref<6400000xf32, #tpu.memory_space<hbm>> -> memref<25000xf32, #tpu.memory_space<hbm>>
    tpu.enqueue_dma source(%dma_start3A_50 : memref<25000xf32, #tpu.memory_space<hbm>>) target(%arg10 : memref<25000xf32, #tpu.memory_space<vmem>>) target_semaphore(%arg14 : memref<!tpu.dma_semaphore, #tpu.memory_space<semaphore_mem>>)
    %dma_wait3A_51 = tpu.memref_slice %arg2[%add3A_8] : memref<6400000xf32, #tpu.memory_space<hbm>> -> memref<25000xf32, #tpu.memory_space<hbm>>
    %dma_wait3A_52 = tpu.memref_slice %arg2[%add3A_8] : memref<6400000xf32, #tpu.memory_space<hbm>> -> memref<25000xf32, #tpu.memory_space<hbm>>
    tpu.wait_dma2 semaphore(%arg15 : memref<!tpu.dma_semaphore, #tpu.memory_space<semaphore_mem>>) src(%dma_wait3A_52 : memref<25000xf32, #tpu.memory_space<hbm>>) dst(%arg11 : memref<25000xf32, #tpu.memory_space<vmem>>)
    %dma_start3A_53 = tpu.memref_slice %arg5[%add3A_24] : memref<6400000xf32, #tpu.memory_space<hbm>> -> memref<25000xf32, #tpu.memory_space<hbm>>
    %dma_start3A_54 = tpu.memref_slice %arg5[%add3A_24] : memref<6400000xf32, #tpu.memory_space<hbm>> -> memref<25000xf32, #tpu.memory_space<hbm>>
    tpu.enqueue_dma source(%arg11 : memref<25000xf32, #tpu.memory_space<vmem>>) target(%dma_start3A_54 : memref<25000xf32, #tpu.memory_space<hbm>>) target_semaphore(%arg19 : memref<!tpu.dma_semaphore, #tpu.memory_space<semaphore_mem>>)
    %dma_wait3A_55 = tpu.memref_slice %arg5[%add3A_24] : memref<6400000xf32, #tpu.memory_space<hbm>> -> memref<25000xf32, #tpu.memory_space<hbm>>
    %dma_wait3A_56 = tpu.memref_slice %arg5[%add3A_24] : memref<6400000xf32, #tpu.memory_space<hbm>> -> memref<25000xf32, #tpu.memory_space<hbm>>
    tpu.wait_dma2 semaphore(%arg19 : memref<!tpu.dma_semaphore, #tpu.memory_space<semaphore_mem>>) src(%arg11 : memref<25000xf32, #tpu.memory_space<vmem>>) dst(%dma_wait3A_56 : memref<25000xf32, #tpu.memory_space<hbm>>)
    %dma_start3A_57 = tpu.memref_slice %arg2[%add3A_16] : memref<6400000xf32, #tpu.memory_space<hbm>> -> memref<25000xf32, #tpu.memory_space<hbm>>
    %dma_start3A_58 = tpu.memref_slice %arg2[%add3A_16] : memref<6400000xf32, #tpu.memory_space<hbm>> -> memref<25000xf32, #tpu.memory_space<hbm>>
    tpu.enqueue_dma source(%dma_start3A_58 : memref<25000xf32, #tpu.memory_space<hbm>>) target(%arg11 : memref<25000xf32, #tpu.memory_space<vmem>>) target_semaphore(%arg15 : memref<!tpu.dma_semaphore, #tpu.memory_space<semaphore_mem>>)
    %dma_wait3A_59 = tpu.memref_slice %arg2[%add3A_10] : memref<6400000xf32, #tpu.memory_space<hbm>> -> memref<25000xf32, #tpu.memory_space<hbm>>
    %dma_wait3A_60 = tpu.memref_slice %arg2[%add3A_10] : memref<6400000xf32, #tpu.memory_space<hbm>> -> memref<25000xf32, #tpu.memory_space<hbm>>
    tpu.wait_dma2 semaphore(%arg16 : memref<!tpu.dma_semaphore, #tpu.memory_space<semaphore_mem>>) src(%dma_wait3A_60 : memref<25000xf32, #tpu.memory_space<hbm>>) dst(%arg12 : memref<25000xf32, #tpu.memory_space<vmem>>)
    %dma_start3A_61 = tpu.memref_slice %arg5[%add3A_26] : memref<6400000xf32, #tpu.memory_space<hbm>> -> memref<25000xf32, #tpu.memory_space<hbm>>
    %dma_start3A_62 = tpu.memref_slice %arg5[%add3A_26] : memref<6400000xf32, #tpu.memory_space<hbm>> -> memref<25000xf32, #tpu.memory_space<hbm>>
    tpu.enqueue_dma source(%arg12 : memref<25000xf32, #tpu.memory_space<vmem>>) target(%dma_start3A_62 : memref<25000xf32, #tpu.memory_space<hbm>>) target_semaphore(%arg20 : memref<!tpu.dma_semaphore, #tpu.memory_space<semaphore_mem>>)
    %dma_wait3A_63 = tpu.memref_slice %arg5[%add3A_26] : memref<6400000xf32, #tpu.memory_space<hbm>> -> memref<25000xf32, #tpu.memory_space<hbm>>
    %dma_wait3A_64 = tpu.memref_slice %arg5[%add3A_26] : memref<6400000xf32, #tpu.memory_space<hbm>> -> memref<25000xf32, #tpu.memory_space<hbm>>
    tpu.wait_dma2 semaphore(%arg20 : memref<!tpu.dma_semaphore, #tpu.memory_space<semaphore_mem>>) src(%arg12 : memref<25000xf32, #tpu.memory_space<vmem>>) dst(%dma_wait3A_64 : memref<25000xf32, #tpu.memory_space<hbm>>)
    %dma_start3A_65 = tpu.memref_slice %arg2[%add3A_18] : memref<6400000xf32, #tpu.memory_space<hbm>> -> memref<25000xf32, #tpu.memory_space<hbm>>
    %dma_start3A_66 = tpu.memref_slice %arg2[%add3A_18] : memref<6400000xf32, #tpu.memory_space<hbm>> -> memref<25000xf32, #tpu.memory_space<hbm>>
    tpu.enqueue_dma source(%dma_start3A_66 : memref<25000xf32, #tpu.memory_space<hbm>>) target(%arg12 : memref<25000xf32, #tpu.memory_space<vmem>>) target_semaphore(%arg16 : memref<!tpu.dma_semaphore, #tpu.memory_space<semaphore_mem>>)
    %dma_wait3A_67 = tpu.memref_slice %arg2[%add3A_12] : memref<6400000xf32, #tpu.memory_space<hbm>> -> memref<25000xf32, #tpu.memory_space<hbm>>
    %dma_wait3A_68 = tpu.memref_slice %arg2[%add3A_12] : memref<6400000xf32, #tpu.memory_space<hbm>> -> memref<25000xf32, #tpu.memory_space<hbm>>
    tpu.wait_dma2 semaphore(%arg17 : memref<!tpu.dma_semaphore, #tpu.memory_space<semaphore_mem>>) src(%dma_wait3A_68 : memref<25000xf32, #tpu.memory_space<hbm>>) dst(%arg13 : memref<25000xf32, #tpu.memory_space<vmem>>)
    %dma_start3A_69 = tpu.memref_slice %arg5[%add3A_28] : memref<6400000xf32, #tpu.memory_space<hbm>> -> memref<25000xf32, #tpu.memory_space<hbm>>
    %dma_start3A_70 = tpu.memref_slice %arg5[%add3A_28] : memref<6400000xf32, #tpu.memory_space<hbm>> -> memref<25000xf32, #tpu.memory_space<hbm>>
    tpu.enqueue_dma source(%arg13 : memref<25000xf32, #tpu.memory_space<vmem>>) target(%dma_start3A_70 : memref<25000xf32, #tpu.memory_space<hbm>>) target_semaphore(%arg21 : memref<!tpu.dma_semaphore, #tpu.memory_space<semaphore_mem>>)
    %dma_wait3A_71 = tpu.memref_slice %arg5[%add3A_28] : memref<6400000xf32, #tpu.memory_space<hbm>> -> memref<25000xf32, #tpu.memory_space<hbm>>
    %dma_wait3A_72 = tpu.memref_slice %arg5[%add3A_28] : memref<6400000xf32, #tpu.memory_space<hbm>> -> memref<25000xf32, #tpu.memory_space<hbm>>
    tpu.wait_dma2 semaphore(%arg21 : memref<!tpu.dma_semaphore, #tpu.memory_space<semaphore_mem>>) src(%arg13 : memref<25000xf32, #tpu.memory_space<vmem>>) dst(%dma_wait3A_72 : memref<25000xf32, #tpu.memory_space<hbm>>)
    %dma_start3A_73 = tpu.memref_slice %arg2[%add3A_20] : memref<6400000xf32, #tpu.memory_space<hbm>> -> memref<25000xf32, #tpu.memory_space<hbm>>
    %dma_start3A_74 = tpu.memref_slice %arg2[%add3A_20] : memref<6400000xf32, #tpu.memory_space<hbm>> -> memref<25000xf32, #tpu.memory_space<hbm>>
    tpu.enqueue_dma source(%dma_start3A_74 : memref<25000xf32, #tpu.memory_space<hbm>>) target(%arg13 : memref<25000xf32, #tpu.memory_space<vmem>>) target_semaphore(%arg17 : memref<!tpu.dma_semaphore, #tpu.memory_space<semaphore_mem>>)
    %dma_wait3A_75 = tpu.memref_slice %arg2[%add3A_14] : memref<6400000xf32, #tpu.memory_space<hbm>> -> memref<25000xf32, #tpu.memory_space<hbm>>
    %dma_wait3A_76 = tpu.memref_slice %arg2[%add3A_14] : memref<6400000xf32, #tpu.memory_space<hbm>> -> memref<25000xf32, #tpu.memory_space<hbm>>
    tpu.wait_dma2 semaphore(%arg14 : memref<!tpu.dma_semaphore, #tpu.memory_space<semaphore_mem>>) src(%dma_wait3A_76 : memref<25000xf32, #tpu.memory_space<hbm>>) dst(%arg10 : memref<25000xf32, #tpu.memory_space<vmem>>)
    %dma_start3A_77 = tpu.memref_slice %arg5[%add3A_30] : memref<6400000xf32, #tpu.memory_space<hbm>> -> memref<25000xf32, #tpu.memory_space<hbm>>
    %dma_start3A_78 = tpu.memref_slice %arg5[%add3A_30] : memref<6400000xf32, #tpu.memory_space<hbm>> -> memref<25000xf32, #tpu.memory_space<hbm>>
    tpu.enqueue_dma source(%arg10 : memref<25000xf32, #tpu.memory_space<vmem>>) target(%dma_start3A_78 : memref<25000xf32, #tpu.memory_space<hbm>>) target_semaphore(%arg18 : memref<!tpu.dma_semaphore, #tpu.memory_space<semaphore_mem>>)
    %dma_wait3A_79 = tpu.memref_slice %arg2[%add3A_16] : memref<6400000xf32, #tpu.memory_space<hbm>> -> memref<25000xf32, #tpu.memory_space<hbm>>
    %dma_wait3A_80 = tpu.memref_slice %arg2[%add3A_16] : memref<6400000xf32, #tpu.memory_space<hbm>> -> memref<25000xf32, #tpu.memory_space<hbm>>
    tpu.wait_dma2 semaphore(%arg15 : memref<!tpu.dma_semaphore, #tpu.memory_space<semaphore_mem>>) src(%dma_wait3A_80 : memref<25000xf32, #tpu.memory_space<hbm>>) dst(%arg11 : memref<25000xf32, #tpu.memory_space<vmem>>)
    %dma_start3A_81 = tpu.memref_slice %arg5[%add3A_32] : memref<6400000xf32, #tpu.memory_space<hbm>> -> memref<25000xf32, #tpu.memory_space<hbm>>
    %dma_start3A_82 = tpu.memref_slice %arg5[%add3A_32] : memref<6400000xf32, #tpu.memory_space<hbm>> -> memref<25000xf32, #tpu.memory_space<hbm>>
    tpu.enqueue_dma source(%arg11 : memref<25000xf32, #tpu.memory_space<vmem>>) target(%dma_start3A_82 : memref<25000xf32, #tpu.memory_space<hbm>>) target_semaphore(%arg19 : memref<!tpu.dma_semaphore, #tpu.memory_space<semaphore_mem>>)
    %dma_wait3A_83 = tpu.memref_slice %arg2[%add3A_18] : memref<6400000xf32, #tpu.memory_space<hbm>> -> memref<25000xf32, #tpu.memory_space<hbm>>
    %dma_wait3A_84 = tpu.memref_slice %arg2[%add3A_18] : memref<6400000xf32, #tpu.memory_space<hbm>> -> memref<25000xf32, #tpu.memory_space<hbm>>
    tpu.wait_dma2 semaphore(%arg16 : memref<!tpu.dma_semaphore, #tpu.memory_space<semaphore_mem>>) src(%dma_wait3A_84 : memref<25000xf32, #tpu.memory_space<hbm>>) dst(%arg12 : memref<25000xf32, #tpu.memory_space<vmem>>)
    %dma_start3A_85 = tpu.memref_slice %arg5[%add3A_34] : memref<6400000xf32, #tpu.memory_space<hbm>> -> memref<25000xf32, #tpu.memory_space<hbm>>
    %dma_start3A_86 = tpu.memref_slice %arg5[%add3A_34] : memref<6400000xf32, #tpu.memory_space<hbm>> -> memref<25000xf32, #tpu.memory_space<hbm>>
    tpu.enqueue_dma source(%arg12 : memref<25000xf32, #tpu.memory_space<vmem>>) target(%dma_start3A_86 : memref<25000xf32, #tpu.memory_space<hbm>>) target_semaphore(%arg20 : memref<!tpu.dma_semaphore, #tpu.memory_space<semaphore_mem>>)
    %dma_wait3A_87 = tpu.memref_slice %arg2[%add3A_20] : memref<6400000xf32, #tpu.memory_space<hbm>> -> memref<25000xf32, #tpu.memory_space<hbm>>
    %dma_wait3A_88 = tpu.memref_slice %arg2[%add3A_20] : memref<6400000xf32, #tpu.memory_space<hbm>> -> memref<25000xf32, #tpu.memory_space<hbm>>
    tpu.wait_dma2 semaphore(%arg17 : memref<!tpu.dma_semaphore, #tpu.memory_space<semaphore_mem>>) src(%dma_wait3A_88 : memref<25000xf32, #tpu.memory_space<hbm>>) dst(%arg13 : memref<25000xf32, #tpu.memory_space<vmem>>)
    %dma_start3A_89 = tpu.memref_slice %arg5[%add3A_36] : memref<6400000xf32, #tpu.memory_space<hbm>> -> memref<25000xf32, #tpu.memory_space<hbm>>
    %dma_start3A_90 = tpu.memref_slice %arg5[%add3A_36] : memref<6400000xf32, #tpu.memory_space<hbm>> -> memref<25000xf32, #tpu.memory_space<hbm>>
    tpu.enqueue_dma source(%arg13 : memref<25000xf32, #tpu.memory_space<vmem>>) target(%dma_start3A_90 : memref<25000xf32, #tpu.memory_space<hbm>>) target_semaphore(%arg21 : memref<!tpu.dma_semaphore, #tpu.memory_space<semaphore_mem>>)
    "tpu.region"() ({
      %run_scoped3A = tpu.sem_alloc : memref<!tpu.dma_semaphore, #tpu.memory_space<semaphore_mem>>
      %dma_start3A_1225 = arith.constant 0 : i32
      %dma_start3A_1226 = tpu.memref_slice %arg3[%mul3A_2, %dma_start3A_1225] : memref<64x256xi32, #tpu.memory_space<hbm>> -> memref<2x256xi32, #tpu.memory_space<hbm>>
      %dma_start3A_1227 = arith.constant 0 : i32
      %dma_start3A_1228 = tpu.memref_slice %arg3[%mul3A_2, %dma_start3A_1227] : memref<64x256xi32, #tpu.memory_space<hbm>> -> memref<2x256xi32, #tpu.memory_space<hbm>>
      tpu.enqueue_dma source(%dma_start3A_1228 : memref<2x256xi32, #tpu.memory_space<hbm>>) target(%arg8 : memref<2x256xi32, #tpu.memory_space<vmem>>) target_semaphore(%run_scoped3A : memref<!tpu.dma_semaphore, #tpu.memory_space<semaphore_mem>>)
      %dma_wait3A_1229 = arith.constant 0 : i32
      %dma_wait3A_1230 = tpu.memref_slice %arg3[%mul3A_2, %dma_wait3A_1229] : memref<64x256xi32, #tpu.memory_space<hbm>> -> memref<2x256xi32, #tpu.memory_space<hbm>>
      %dma_wait3A_1231 = arith.constant 0 : i32
      %dma_wait3A_1232 = tpu.memref_slice %arg3[%mul3A_2, %dma_wait3A_1231] : memref<64x256xi32, #tpu.memory_space<hbm>> -> memref<2x256xi32, #tpu.memory_space<hbm>>
      tpu.wait_dma2 semaphore(%run_scoped3A : memref<!tpu.dma_semaphore, #tpu.memory_space<semaphore_mem>>) src(%dma_wait3A_1232 : memref<2x256xi32, #tpu.memory_space<hbm>>) dst(%arg8 : memref<2x256xi32, #tpu.memory_space<vmem>>)
      tpu.yield
    }) : () -> ()
    "tpu.region"() ({
      %run_scoped3A = tpu.sem_alloc : memref<!tpu.dma_semaphore, #tpu.memory_space<semaphore_mem>>
      tpu.enqueue_dma source(%arg4 : memref<16xf32, #tpu.memory_space<hbm>>) target(%arg9 : memref<16xf32, #tpu.memory_space<vmem>>) target_semaphore(%run_scoped3A : memref<!tpu.dma_semaphore, #tpu.memory_space<semaphore_mem>>)
      tpu.wait_dma2 semaphore(%run_scoped3A : memref<!tpu.dma_semaphore, #tpu.memory_space<semaphore_mem>>) src(%arg4 : memref<16xf32, #tpu.memory_space<hbm>>) dst(%arg9 : memref<16xf32, #tpu.memory_space<vmem>>)
      tpu.yield
    }) : () -> ()
    %get3A = arith.constant 0 : index
    %get3A_91 = tpu.vector_load %arg9[%get3A] {strides = array<i32>} : memref<16xf32, #tpu.memory_space<vmem>>, vector<16xf32>,
    %get3A_92 = vector.shape_cast %get3A_91 : vector<16xf32> to vector<16xf32>
    %add3A_93 = arith.constant 0 : i32
    %add3A_94 = arith.addi %mul3A_2, %add3A_93 : i32
    %mul3A_95 = arith.constant 100000 : i32
    %mul3A_96 = arith.muli %add3A_94, %mul3A_95 : i32
    %get3A_97 = arith.constant 0 : i32
    %get3A_98 = arith.index_cast %get3A_97 : i32 to index
    %get3A_99 = arith.constant 0 : index
    %get3A_100 = tpu.vector_load %arg8[%get3A_98, %get3A_99] {strides = array<i32>} : memref<2x256xi32, #tpu.memory_space<vmem>>, vector<1x16xi32>,
    %get3A_101 = vector.shape_cast %get3A_100 : vector<1x16xi32> to vector<16xi32>
    %add3A_102 = vector.broadcast %mul3A_96 : i32 to vector<16xi32>
    %add3A_103 = arith.addi %get3A_101, %add3A_102 : vector<16xi32>
    %swap3A = arith.constant 0 : i32
    %swap3A_104 = arith.index_cast %swap3A : i32 to index
    %swap3A_105 = arith.constant 0 : index
    %swap3A_106 = tpu.vector_load %arg6[%swap3A_104, %swap3A_105] {strides = array<i32>} : memref<4x128xi32, #tpu.memory_space<vmem>>, vector<1x16xi32>,
    %swap3A_107 = vector.shape_cast %swap3A_106 : vector<1x16xi32> to vector<16xi32>
    %swap3A_108 = vector.shape_cast %add3A_103 : vector<16xi32> to vector<1x16xi32>
    tpu.vector_store %arg6[%swap3A_104, %swap3A_105], %swap3A_108 {strides = array<i32>} : memref<4x128xi32, #tpu.memory_space<vmem>>, vector<1x16xi32>,
    %get3A_109 = arith.constant 0 : i32
    %get3A_110 = arith.index_cast %get3A_109 : i32 to index
    %get3A_111 = arith.constant 16 : index
    %get3A_112 = tpu.vector_load %arg8[%get3A_110, %get3A_111] {strides = array<i32>} : memref<2x256xi32, #tpu.memory_space<vmem>>, vector<1x16xi32>,
    %get3A_113 = vector.shape_cast %get3A_112 : vector<1x16xi32> to vector<16xi32>
    %add3A_114 = vector.broadcast %mul3A_96 : i32 to vector<16xi32>
    %add3A_115 = arith.addi %get3A_113, %add3A_114 : vector<16xi32>
    %swap3A_116 = arith.constant 0 : i32
    %swap3A_117 = arith.index_cast %swap3A_116 : i32 to index
    %swap3A_118 = arith.constant 16 : index
    %swap3A_119 = tpu.vector_load %arg6[%swap3A_117, %swap3A_118] {strides = array<i32>} : memref<4x128xi32, #tpu.memory_space<vmem>>, vector<1x16xi32>,
    %swap3A_120 = vector.shape_cast %swap3A_119 : vector<1x16xi32> to vector<16xi32>
    %swap3A_121 = vector.shape_cast %add3A_115 : vector<16xi32> to vector<1x16xi32>
    tpu.vector_store %arg6[%swap3A_117, %swap3A_118], %swap3A_121 {strides = array<i32>} : memref<4x128xi32, #tpu.memory_space<vmem>>, vector<1x16xi32>,
    %get3A_122 = arith.constant 0 : i32
    %get3A_123 = arith.index_cast %get3A_122 : i32 to index
    %get3A_124 = arith.constant 32 : index
    %get3A_125 = tpu.vector_load %arg8[%get3A_123, %get3A_124] {strides = array<i32>} : memref<2x256xi32, #tpu.memory_space<vmem>>, vector<1x16xi32>,
    %get3A_126 = vector.shape_cast %get3A_125 : vector<1x16xi32> to vector<16xi32>
    %add3A_127 = vector.broadcast %mul3A_96 : i32 to vector<16xi32>
    %add3A_128 = arith.addi %get3A_126, %add3A_127 : vector<16xi32>
    %swap3A_129 = arith.constant 0 : i32
    %swap3A_130 = arith.index_cast %swap3A_129 : i32 to index
    %swap3A_131 = arith.constant 32 : index
    %swap3A_132 = tpu.vector_load %arg6[%swap3A_130, %swap3A_131] {strides = array<i32>} : memref<4x128xi32, #tpu.memory_space<vmem>>, vector<1x16xi32>,
    %swap3A_133 = vector.shape_cast %swap3A_132 : vector<1x16xi32> to vector<16xi32>
    %swap3A_134 = vector.shape_cast %add3A_128 : vector<16xi32> to vector<1x16xi32>
    tpu.vector_store %arg6[%swap3A_130, %swap3A_131], %swap3A_134 {strides = array<i32>} : memref<4x128xi32, #tpu.memory_space<vmem>>, vector<1x16xi32>,
    %get3A_135 = arith.constant 0 : i32
    %get3A_136 = arith.index_cast %get3A_135 : i32 to index
    %get3A_137 = arith.constant 48 : index
    %get3A_138 = tpu.vector_load %arg8[%get3A_136, %get3A_137] {strides = array<i32>} : memref<2x256xi32, #tpu.memory_space<vmem>>, vector<1x16xi32>,
    %get3A_139 = vector.shape_cast %get3A_138 : vector<1x16xi32> to vector<16xi32>
    %add3A_140 = vector.broadcast %mul3A_96 : i32 to vector<16xi32>
    %add3A_141 = arith.addi %get3A_139, %add3A_140 : vector<16xi32>
    %swap3A_142 = arith.constant 0 : i32
    %swap3A_143 = arith.index_cast %swap3A_142 : i32 to index
    %swap3A_144 = arith.constant 48 : index
    %swap3A_145 = tpu.vector_load %arg6[%swap3A_143, %swap3A_144] {strides = array<i32>} : memref<4x128xi32, #tpu.memory_space<vmem>>, vector<1x16xi32>,
    %swap3A_146 = vector.shape_cast %swap3A_145 : vector<1x16xi32> to vector<16xi32>
    %swap3A_147 = vector.shape_cast %add3A_141 : vector<16xi32> to vector<1x16xi32>
    tpu.vector_store %arg6[%swap3A_143, %swap3A_144], %swap3A_147 {strides = array<i32>} : memref<4x128xi32, #tpu.memory_space<vmem>>, vector<1x16xi32>,
    %get3A_148 = arith.constant 0 : i32
    %get3A_149 = arith.index_cast %get3A_148 : i32 to index
    %get3A_150 = arith.constant 64 : index
    %get3A_151 = tpu.vector_load %arg8[%get3A_149, %get3A_150] {strides = array<i32>} : memref<2x256xi32, #tpu.memory_space<vmem>>, vector<1x16xi32>,
    %get3A_152 = vector.shape_cast %get3A_151 : vector<1x16xi32> to vector<16xi32>
    %add3A_153 = vector.broadcast %mul3A_96 : i32 to vector<16xi32>
    %add3A_154 = arith.addi %get3A_152, %add3A_153 : vector<16xi32>
    %swap3A_155 = arith.constant 0 : i32
    %swap3A_156 = arith.index_cast %swap3A_155 : i32 to index
    %swap3A_157 = arith.constant 64 : index
    %swap3A_158 = tpu.vector_load %arg6[%swap3A_156, %swap3A_157] {strides = array<i32>} : memref<4x128xi32, #tpu.memory_space<vmem>>, vector<1x16xi32>,
    %swap3A_159 = vector.shape_cast %swap3A_158 : vector<1x16xi32> to vector<16xi32>
    %swap3A_160 = vector.shape_cast %add3A_154 : vector<16xi32> to vector<1x16xi32>
    tpu.vector_store %arg6[%swap3A_156, %swap3A_157], %swap3A_160 {strides = array<i32>} : memref<4x128xi32, #tpu.memory_space<vmem>>, vector<1x16xi32>,
    %get3A_161 = arith.constant 0 : i32
    %get3A_162 = arith.index_cast %get3A_161 : i32 to index
    %get3A_163 = arith.constant 80 : index
    %get3A_164 = tpu.vector_load %arg8[%get3A_162, %get3A_163] {strides = array<i32>} : memref<2x256xi32, #tpu.memory_space<vmem>>, vector<1x16xi32>,
    %get3A_165 = vector.shape_cast %get3A_164 : vector<1x16xi32> to vector<16xi32>
    %add3A_166 = vector.broadcast %mul3A_96 : i32 to vector<16xi32>
    %add3A_167 = arith.addi %get3A_165, %add3A_166 : vector<16xi32>
    %swap3A_168 = arith.constant 0 : i32
    %swap3A_169 = arith.index_cast %swap3A_168 : i32 to index
    %swap3A_170 = arith.constant 80 : index
    %swap3A_171 = tpu.vector_load %arg6[%swap3A_169, %swap3A_170] {strides = array<i32>} : memref<4x128xi32, #tpu.memory_space<vmem>>, vector<1x16xi32>,
    %swap3A_172 = vector.shape_cast %swap3A_171 : vector<1x16xi32> to vector<16xi32>
    %swap3A_173 = vector.shape_cast %add3A_167 : vector<16xi32> to vector<1x16xi32>
    tpu.vector_store %arg6[%swap3A_169, %swap3A_170], %swap3A_173 {strides = array<i32>} : memref<4x128xi32, #tpu.memory_space<vmem>>, vector<1x16xi32>,
    %get3A_174 = arith.constant 0 : i32
    %get3A_175 = arith.index_cast %get3A_174 : i32 to index
    %get3A_176 = arith.constant 96 : index
    %get3A_177 = tpu.vector_load %arg8[%get3A_175, %get3A_176] {strides = array<i32>} : memref<2x256xi32, #tpu.memory_space<vmem>>, vector<1x16xi32>,
    %get3A_178 = vector.shape_cast %get3A_177 : vector<1x16xi32> to vector<16xi32>
    %add3A_179 = vector.broadcast %mul3A_96 : i32 to vector<16xi32>
    %add3A_180 = arith.addi %get3A_178, %add3A_179 : vector<16xi32>
    %swap3A_181 = arith.constant 0 : i32
    %swap3A_182 = arith.index_cast %swap3A_181 : i32 to index
    %swap3A_183 = arith.constant 96 : index
    %swap3A_184 = tpu.vector_load %arg6[%swap3A_182, %swap3A_183] {strides = array<i32>} : memref<4x128xi32, #tpu.memory_space<vmem>>, vector<1x16xi32>,
    %swap3A_185 = vector.shape_cast %swap3A_184 : vector<1x16xi32> to vector<16xi32>
    %swap3A_186 = vector.shape_cast %add3A_180 : vector<16xi32> to vector<1x16xi32>
    tpu.vector_store %arg6[%swap3A_182, %swap3A_183], %swap3A_186 {strides = array<i32>} : memref<4x128xi32, #tpu.memory_space<vmem>>, vector<1x16xi32>,
    %get3A_187 = arith.constant 0 : i32
    %get3A_188 = arith.index_cast %get3A_187 : i32 to index
    %get3A_189 = arith.constant 112 : index
    %get3A_190 = tpu.vector_load %arg8[%get3A_188, %get3A_189] {strides = array<i32>} : memref<2x256xi32, #tpu.memory_space<vmem>>, vector<1x16xi32>,
    %get3A_191 = vector.shape_cast %get3A_190 : vector<1x16xi32> to vector<16xi32>
    %add3A_192 = vector.broadcast %mul3A_96 : i32 to vector<16xi32>
    %add3A_193 = arith.addi %get3A_191, %add3A_192 : vector<16xi32>
    %swap3A_194 = arith.constant 0 : i32
    %swap3A_195 = arith.index_cast %swap3A_194 : i32 to index
    %swap3A_196 = arith.constant 112 : index
    %swap3A_197 = tpu.vector_load %arg6[%swap3A_195, %swap3A_196] {strides = array<i32>} : memref<4x128xi32, #tpu.memory_space<vmem>>, vector<1x16xi32>,
    %swap3A_198 = vector.shape_cast %swap3A_197 : vector<1x16xi32> to vector<16xi32>
    %swap3A_199 = vector.shape_cast %add3A_193 : vector<16xi32> to vector<1x16xi32>
    tpu.vector_store %arg6[%swap3A_195, %swap3A_196], %swap3A_199 {strides = array<i32>} : memref<4x128xi32, #tpu.memory_space<vmem>>, vector<1x16xi32>,
    %get3A_200 = arith.constant 0 : i32
    %get3A_201 = arith.index_cast %get3A_200 : i32 to index
    %get3A_202 = arith.constant 128 : index
    %get3A_203 = tpu.vector_load %arg8[%get3A_201, %get3A_202] {strides = array<i32>} : memref<2x256xi32, #tpu.memory_space<vmem>>, vector<1x16xi32>,
    %get3A_204 = vector.shape_cast %get3A_203 : vector<1x16xi32> to vector<16xi32>
    %add3A_205 = vector.broadcast %mul3A_96 : i32 to vector<16xi32>
    %add3A_206 = arith.addi %get3A_204, %add3A_205 : vector<16xi32>
    %swap3A_207 = arith.constant 1 : i32
    %swap3A_208 = arith.index_cast %swap3A_207 : i32 to index
    %swap3A_209 = arith.constant 0 : index
    %swap3A_210 = tpu.vector_load %arg6[%swap3A_208, %swap3A_209] {strides = array<i32>} : memref<4x128xi32, #tpu.memory_space<vmem>>, vector<1x16xi32>,
    %swap3A_211 = vector.shape_cast %swap3A_210 : vector<1x16xi32> to vector<16xi32>
    %swap3A_212 = vector.shape_cast %add3A_206 : vector<16xi32> to vector<1x16xi32>
    tpu.vector_store %arg6[%swap3A_208, %swap3A_209], %swap3A_212 {strides = array<i32>} : memref<4x128xi32, #tpu.memory_space<vmem>>, vector<1x16xi32>,
    %get3A_213 = arith.constant 0 : i32
    %get3A_214 = arith.index_cast %get3A_213 : i32 to index
    %get3A_215 = arith.constant 144 : index
    %get3A_216 = tpu.vector_load %arg8[%get3A_214, %get3A_215] {strides = array<i32>} : memref<2x256xi32, #tpu.memory_space<vmem>>, vector<1x16xi32>,
    %get3A_217 = vector.shape_cast %get3A_216 : vector<1x16xi32> to vector<16xi32>
    %add3A_218 = vector.broadcast %mul3A_96 : i32 to vector<16xi32>
    %add3A_219 = arith.addi %get3A_217, %add3A_218 : vector<16xi32>
    %swap3A_220 = arith.constant 1 : i32
    %swap3A_221 = arith.index_cast %swap3A_220 : i32 to index
    %swap3A_222 = arith.constant 16 : index
    %swap3A_223 = tpu.vector_load %arg6[%swap3A_221, %swap3A_222] {strides = array<i32>} : memref<4x128xi32, #tpu.memory_space<vmem>>, vector<1x16xi32>,
    %swap3A_224 = vector.shape_cast %swap3A_223 : vector<1x16xi32> to vector<16xi32>
    %swap3A_225 = vector.shape_cast %add3A_219 : vector<16xi32> to vector<1x16xi32>
    tpu.vector_store %arg6[%swap3A_221, %swap3A_222], %swap3A_225 {strides = array<i32>} : memref<4x128xi32, #tpu.memory_space<vmem>>, vector<1x16xi32>,
    %get3A_226 = arith.constant 0 : i32
    %get3A_227 = arith.index_cast %get3A_226 : i32 to index
    %get3A_228 = arith.constant 160 : index
    %get3A_229 = tpu.vector_load %arg8[%get3A_227, %get3A_228] {strides = array<i32>} : memref<2x256xi32, #tpu.memory_space<vmem>>, vector<1x16xi32>,
    %get3A_230 = vector.shape_cast %get3A_229 : vector<1x16xi32> to vector<16xi32>
    %add3A_231 = vector.broadcast %mul3A_96 : i32 to vector<16xi32>
    %add3A_232 = arith.addi %get3A_230, %add3A_231 : vector<16xi32>
    %swap3A_233 = arith.constant 1 : i32
    %swap3A_234 = arith.index_cast %swap3A_233 : i32 to index
    %swap3A_235 = arith.constant 32 : index
    %swap3A_236 = tpu.vector_load %arg6[%swap3A_234, %swap3A_235] {strides = array<i32>} : memref<4x128xi32, #tpu.memory_space<vmem>>, vector<1x16xi32>,
    %swap3A_237 = vector.shape_cast %swap3A_236 : vector<1x16xi32> to vector<16xi32>
    %swap3A_238 = vector.shape_cast %add3A_232 : vector<16xi32> to vector<1x16xi32>
    tpu.vector_store %arg6[%swap3A_234, %swap3A_235], %swap3A_238 {strides = array<i32>} : memref<4x128xi32, #tpu.memory_space<vmem>>, vector<1x16xi32>,
    %get3A_239 = arith.constant 0 : i32
    %get3A_240 = arith.index_cast %get3A_239 : i32 to index
    %get3A_241 = arith.constant 176 : index
    %get3A_242 = tpu.vector_load %arg8[%get3A_240, %get3A_241] {strides = array<i32>} : memref<2x256xi32, #tpu.memory_space<vmem>>, vector<1x16xi32>,
    %get3A_243 = vector.shape_cast %get3A_242 : vector<1x16xi32> to vector<16xi32>
    %add3A_244 = vector.broadcast %mul3A_96 : i32 to vector<16xi32>
    %add3A_245 = arith.addi %get3A_243, %add3A_244 : vector<16xi32>
    %swap3A_246 = arith.constant 1 : i32
    %swap3A_247 = arith.index_cast %swap3A_246 : i32 to index
    %swap3A_248 = arith.constant 48 : index
    %swap3A_249 = tpu.vector_load %arg6[%swap3A_247, %swap3A_248] {strides = array<i32>} : memref<4x128xi32, #tpu.memory_space<vmem>>, vector<1x16xi32>,
    %swap3A_250 = vector.shape_cast %swap3A_249 : vector<1x16xi32> to vector<16xi32>
    %swap3A_251 = vector.shape_cast %add3A_245 : vector<16xi32> to vector<1x16xi32>
    tpu.vector_store %arg6[%swap3A_247, %swap3A_248], %swap3A_251 {strides = array<i32>} : memref<4x128xi32, #tpu.memory_space<vmem>>, vector<1x16xi32>,
    %get3A_252 = arith.constant 0 : i32
    %get3A_253 = arith.index_cast %get3A_252 : i32 to index
    %get3A_254 = arith.constant 192 : index
    %get3A_255 = tpu.vector_load %arg8[%get3A_253, %get3A_254] {strides = array<i32>} : memref<2x256xi32, #tpu.memory_space<vmem>>, vector<1x16xi32>,
    %get3A_256 = vector.shape_cast %get3A_255 : vector<1x16xi32> to vector<16xi32>
    %add3A_257 = vector.broadcast %mul3A_96 : i32 to vector<16xi32>
    %add3A_258 = arith.addi %get3A_256, %add3A_257 : vector<16xi32>
    %swap3A_259 = arith.constant 1 : i32
    %swap3A_260 = arith.index_cast %swap3A_259 : i32 to index
    %swap3A_261 = arith.constant 64 : index
    %swap3A_262 = tpu.vector_load %arg6[%swap3A_260, %swap3A_261] {strides = array<i32>} : memref<4x128xi32, #tpu.memory_space<vmem>>, vector<1x16xi32>,
    %swap3A_263 = vector.shape_cast %swap3A_262 : vector<1x16xi32> to vector<16xi32>
    %swap3A_264 = vector.shape_cast %add3A_258 : vector<16xi32> to vector<1x16xi32>
    tpu.vector_store %arg6[%swap3A_260, %swap3A_261], %swap3A_264 {strides = array<i32>} : memref<4x128xi32, #tpu.memory_space<vmem>>, vector<1x16xi32>,
    %get3A_265 = arith.constant 0 : i32
    %get3A_266 = arith.index_cast %get3A_265 : i32 to index
    %get3A_267 = arith.constant 208 : index
    %get3A_268 = tpu.vector_load %arg8[%get3A_266, %get3A_267] {strides = array<i32>} : memref<2x256xi32, #tpu.memory_space<vmem>>, vector<1x16xi32>,
    %get3A_269 = vector.shape_cast %get3A_268 : vector<1x16xi32> to vector<16xi32>
    %add3A_270 = vector.broadcast %mul3A_96 : i32 to vector<16xi32>
    %add3A_271 = arith.addi %get3A_269, %add3A_270 : vector<16xi32>
    %swap3A_272 = arith.constant 1 : i32
    %swap3A_273 = arith.index_cast %swap3A_272 : i32 to index
    %swap3A_274 = arith.constant 80 : index
    %swap3A_275 = tpu.vector_load %arg6[%swap3A_273, %swap3A_274] {strides = array<i32>} : memref<4x128xi32, #tpu.memory_space<vmem>>, vector<1x16xi32>,
    %swap3A_276 = vector.shape_cast %swap3A_275 : vector<1x16xi32> to vector<16xi32>
    %swap3A_277 = vector.shape_cast %add3A_271 : vector<16xi32> to vector<1x16xi32>
    tpu.vector_store %arg6[%swap3A_273, %swap3A_274], %swap3A_277 {strides = array<i32>} : memref<4x128xi32, #tpu.memory_space<vmem>>, vector<1x16xi32>,
    %get3A_278 = arith.constant 0 : i32
    %get3A_279 = arith.index_cast %get3A_278 : i32 to index
    %get3A_280 = arith.constant 224 : index
    %get3A_281 = tpu.vector_load %arg8[%get3A_279, %get3A_280] {strides = array<i32>} : memref<2x256xi32, #tpu.memory_space<vmem>>, vector<1x16xi32>,
    %get3A_282 = vector.shape_cast %get3A_281 : vector<1x16xi32> to vector<16xi32>
    %add3A_283 = vector.broadcast %mul3A_96 : i32 to vector<16xi32>
    %add3A_284 = arith.addi %get3A_282, %add3A_283 : vector<16xi32>
    %swap3A_285 = arith.constant 1 : i32
    %swap3A_286 = arith.index_cast %swap3A_285 : i32 to index
    %swap3A_287 = arith.constant 96 : index
    %swap3A_288 = tpu.vector_load %arg6[%swap3A_286, %swap3A_287] {strides = array<i32>} : memref<4x128xi32, #tpu.memory_space<vmem>>, vector<1x16xi32>,
    %swap3A_289 = vector.shape_cast %swap3A_288 : vector<1x16xi32> to vector<16xi32>
    %swap3A_290 = vector.shape_cast %add3A_284 : vector<16xi32> to vector<1x16xi32>
    tpu.vector_store %arg6[%swap3A_286, %swap3A_287], %swap3A_290 {strides = array<i32>} : memref<4x128xi32, #tpu.memory_space<vmem>>, vector<1x16xi32>,
    %get3A_291 = arith.constant 0 : i32
    %get3A_292 = arith.index_cast %get3A_291 : i32 to index
    %get3A_293 = arith.constant 240 : index
    %get3A_294 = tpu.vector_load %arg8[%get3A_292, %get3A_293] {strides = array<i32>} : memref<2x256xi32, #tpu.memory_space<vmem>>, vector<1x16xi32>,
    %get3A_295 = vector.shape_cast %get3A_294 : vector<1x16xi32> to vector<16xi32>
    %add3A_296 = vector.broadcast %mul3A_96 : i32 to vector<16xi32>
    %add3A_297 = arith.addi %get3A_295, %add3A_296 : vector<16xi32>
    %swap3A_298 = arith.constant 1 : i32
    %swap3A_299 = arith.index_cast %swap3A_298 : i32 to index
    %swap3A_300 = arith.constant 112 : index
    %swap3A_301 = tpu.vector_load %arg6[%swap3A_299, %swap3A_300] {strides = array<i32>} : memref<4x128xi32, #tpu.memory_space<vmem>>, vector<1x16xi32>,
    %swap3A_302 = vector.shape_cast %swap3A_301 : vector<1x16xi32> to vector<16xi32>
    %swap3A_303 = vector.shape_cast %add3A_297 : vector<16xi32> to vector<1x16xi32>
    tpu.vector_store %arg6[%swap3A_299, %swap3A_300], %swap3A_303 {strides = array<i32>} : memref<4x128xi32, #tpu.memory_space<vmem>>, vector<1x16xi32>,
    %add3A_304 = arith.constant 1 : i32
    %add3A_305 = arith.addi %mul3A_2, %add3A_304 : i32
    %mul3A_306 = arith.constant 100000 : i32
    %mul3A_307 = arith.muli %add3A_305, %mul3A_306 : i32
    %get3A_308 = arith.constant 1 : i32
    %get3A_309 = arith.index_cast %get3A_308 : i32 to index
    %get3A_310 = arith.constant 0 : index
    %get3A_311 = tpu.vector_load %arg8[%get3A_309, %get3A_310] {strides = array<i32>} : memref<2x256xi32, #tpu.memory_space<vmem>>, vector<1x16xi32>,
    %get3A_312 = vector.shape_cast %get3A_311 : vector<1x16xi32> to vector<16xi32>
    %add3A_313 = vector.broadcast %mul3A_307 : i32 to vector<16xi32>
    %add3A_314 = arith.addi %get3A_312, %add3A_313 : vector<16xi32>
    %swap3A_315 = arith.constant 2 : i32
    %swap3A_316 = arith.index_cast %swap3A_315 : i32 to index
    %swap3A_317 = arith.constant 0 : index
    %swap3A_318 = tpu.vector_load %arg6[%swap3A_316, %swap3A_317] {strides = array<i32>} : memref<4x128xi32, #tpu.memory_space<vmem>>, vector<1x16xi32>,
    %swap3A_319 = vector.shape_cast %swap3A_318 : vector<1x16xi32> to vector<16xi32>
    %swap3A_320 = vector.shape_cast %add3A_314 : vector<16xi32> to vector<1x16xi32>
    tpu.vector_store %arg6[%swap3A_316, %swap3A_317], %swap3A_320 {strides = array<i32>} : memref<4x128xi32, #tpu.memory_space<vmem>>, vector<1x16xi32>,
    %get3A_321 = arith.constant 1 : i32
    %get3A_322 = arith.index_cast %get3A_321 : i32 to index
    %get3A_323 = arith.constant 16 : index
    %get3A_324 = tpu.vector_load %arg8[%get3A_322, %get3A_323] {strides = array<i32>} : memref<2x256xi32, #tpu.memory_space<vmem>>, vector<1x16xi32>,
    %get3A_325 = vector.shape_cast %get3A_324 : vector<1x16xi32> to vector<16xi32>
    %add3A_326 = vector.broadcast %mul3A_307 : i32 to vector<16xi32>
    %add3A_327 = arith.addi %get3A_325, %add3A_326 : vector<16xi32>
    %swap3A_328 = arith.constant 2 : i32
    %swap3A_329 = arith.index_cast %swap3A_328 : i32 to index
    %swap3A_330 = arith.constant 16 : index
    %swap3A_331 = tpu.vector_load %arg6[%swap3A_329, %swap3A_330] {strides = array<i32>} : memref<4x128xi32, #tpu.memory_space<vmem>>, vector<1x16xi32>,
    %swap3A_332 = vector.shape_cast %swap3A_331 : vector<1x16xi32> to vector<16xi32>
    %swap3A_333 = vector.shape_cast %add3A_327 : vector<16xi32> to vector<1x16xi32>
    tpu.vector_store %arg6[%swap3A_329, %swap3A_330], %swap3A_333 {strides = array<i32>} : memref<4x128xi32, #tpu.memory_space<vmem>>, vector<1x16xi32>,
    %get3A_334 = arith.constant 1 : i32
    %get3A_335 = arith.index_cast %get3A_334 : i32 to index
    %get3A_336 = arith.constant 32 : index
    %get3A_337 = tpu.vector_load %arg8[%get3A_335, %get3A_336] {strides = array<i32>} : memref<2x256xi32, #tpu.memory_space<vmem>>, vector<1x16xi32>,
    %get3A_338 = vector.shape_cast %get3A_337 : vector<1x16xi32> to vector<16xi32>
    %add3A_339 = vector.broadcast %mul3A_307 : i32 to vector<16xi32>
    %add3A_340 = arith.addi %get3A_338, %add3A_339 : vector<16xi32>
    %swap3A_341 = arith.constant 2 : i32
    %swap3A_342 = arith.index_cast %swap3A_341 : i32 to index
    %swap3A_343 = arith.constant 32 : index
    %swap3A_344 = tpu.vector_load %arg6[%swap3A_342, %swap3A_343] {strides = array<i32>} : memref<4x128xi32, #tpu.memory_space<vmem>>, vector<1x16xi32>,
    %swap3A_345 = vector.shape_cast %swap3A_344 : vector<1x16xi32> to vector<16xi32>
    %swap3A_346 = vector.shape_cast %add3A_340 : vector<16xi32> to vector<1x16xi32>
    tpu.vector_store %arg6[%swap3A_342, %swap3A_343], %swap3A_346 {strides = array<i32>} : memref<4x128xi32, #tpu.memory_space<vmem>>, vector<1x16xi32>,
    %get3A_347 = arith.constant 1 : i32
    %get3A_348 = arith.index_cast %get3A_347 : i32 to index
    %get3A_349 = arith.constant 48 : index
    %get3A_350 = tpu.vector_load %arg8[%get3A_348, %get3A_349] {strides = array<i32>} : memref<2x256xi32, #tpu.memory_space<vmem>>, vector<1x16xi32>,
    %get3A_351 = vector.shape_cast %get3A_350 : vector<1x16xi32> to vector<16xi32>
    %add3A_352 = vector.broadcast %mul3A_307 : i32 to vector<16xi32>
    %add3A_353 = arith.addi %get3A_351, %add3A_352 : vector<16xi32>
    %swap3A_354 = arith.constant 2 : i32
    %swap3A_355 = arith.index_cast %swap3A_354 : i32 to index
    %swap3A_356 = arith.constant 48 : index
    %swap3A_357 = tpu.vector_load %arg6[%swap3A_355, %swap3A_356] {strides = array<i32>} : memref<4x128xi32, #tpu.memory_space<vmem>>, vector<1x16xi32>,
    %swap3A_358 = vector.shape_cast %swap3A_357 : vector<1x16xi32> to vector<16xi32>
    %swap3A_359 = vector.shape_cast %add3A_353 : vector<16xi32> to vector<1x16xi32>
    tpu.vector_store %arg6[%swap3A_355, %swap3A_356], %swap3A_359 {strides = array<i32>} : memref<4x128xi32, #tpu.memory_space<vmem>>, vector<1x16xi32>,
    %get3A_360 = arith.constant 1 : i32
    %get3A_361 = arith.index_cast %get3A_360 : i32 to index
    %get3A_362 = arith.constant 64 : index
    %get3A_363 = tpu.vector_load %arg8[%get3A_361, %get3A_362] {strides = array<i32>} : memref<2x256xi32, #tpu.memory_space<vmem>>, vector<1x16xi32>,
    %get3A_364 = vector.shape_cast %get3A_363 : vector<1x16xi32> to vector<16xi32>
    %add3A_365 = vector.broadcast %mul3A_307 : i32 to vector<16xi32>
    %add3A_366 = arith.addi %get3A_364, %add3A_365 : vector<16xi32>
    %swap3A_367 = arith.constant 2 : i32
    %swap3A_368 = arith.index_cast %swap3A_367 : i32 to index
    %swap3A_369 = arith.constant 64 : index
    %swap3A_370 = tpu.vector_load %arg6[%swap3A_368, %swap3A_369] {strides = array<i32>} : memref<4x128xi32, #tpu.memory_space<vmem>>, vector<1x16xi32>,
    %swap3A_371 = vector.shape_cast %swap3A_370 : vector<1x16xi32> to vector<16xi32>
    %swap3A_372 = vector.shape_cast %add3A_366 : vector<16xi32> to vector<1x16xi32>
    tpu.vector_store %arg6[%swap3A_368, %swap3A_369], %swap3A_372 {strides = array<i32>} : memref<4x128xi32, #tpu.memory_space<vmem>>, vector<1x16xi32>,
    %get3A_373 = arith.constant 1 : i32
    %get3A_374 = arith.index_cast %get3A_373 : i32 to index
    %get3A_375 = arith.constant 80 : index
    %get3A_376 = tpu.vector_load %arg8[%get3A_374, %get3A_375] {strides = array<i32>} : memref<2x256xi32, #tpu.memory_space<vmem>>, vector<1x16xi32>,
    %get3A_377 = vector.shape_cast %get3A_376 : vector<1x16xi32> to vector<16xi32>
    %add3A_378 = vector.broadcast %mul3A_307 : i32 to vector<16xi32>
    %add3A_379 = arith.addi %get3A_377, %add3A_378 : vector<16xi32>
    %swap3A_380 = arith.constant 2 : i32
    %swap3A_381 = arith.index_cast %swap3A_380 : i32 to index
    %swap3A_382 = arith.constant 80 : index
    %swap3A_383 = tpu.vector_load %arg6[%swap3A_381, %swap3A_382] {strides = array<i32>} : memref<4x128xi32, #tpu.memory_space<vmem>>, vector<1x16xi32>,
    %swap3A_384 = vector.shape_cast %swap3A_383 : vector<1x16xi32> to vector<16xi32>
    %swap3A_385 = vector.shape_cast %add3A_379 : vector<16xi32> to vector<1x16xi32>
    tpu.vector_store %arg6[%swap3A_381, %swap3A_382], %swap3A_385 {strides = array<i32>} : memref<4x128xi32, #tpu.memory_space<vmem>>, vector<1x16xi32>,
    %get3A_386 = arith.constant 1 : i32
    %get3A_387 = arith.index_cast %get3A_386 : i32 to index
    %get3A_388 = arith.constant 96 : index
    %get3A_389 = tpu.vector_load %arg8[%get3A_387, %get3A_388] {strides = array<i32>} : memref<2x256xi32, #tpu.memory_space<vmem>>, vector<1x16xi32>,
    %get3A_390 = vector.shape_cast %get3A_389 : vector<1x16xi32> to vector<16xi32>
    %add3A_391 = vector.broadcast %mul3A_307 : i32 to vector<16xi32>
    %add3A_392 = arith.addi %get3A_390, %add3A_391 : vector<16xi32>
    %swap3A_393 = arith.constant 2 : i32
    %swap3A_394 = arith.index_cast %swap3A_393 : i32 to index
    %swap3A_395 = arith.constant 96 : index
    %swap3A_396 = tpu.vector_load %arg6[%swap3A_394, %swap3A_395] {strides = array<i32>} : memref<4x128xi32, #tpu.memory_space<vmem>>, vector<1x16xi32>,
    %swap3A_397 = vector.shape_cast %swap3A_396 : vector<1x16xi32> to vector<16xi32>
    %swap3A_398 = vector.shape_cast %add3A_392 : vector<16xi32> to vector<1x16xi32>
    tpu.vector_store %arg6[%swap3A_394, %swap3A_395], %swap3A_398 {strides = array<i32>} : memref<4x128xi32, #tpu.memory_space<vmem>>, vector<1x16xi32>,
    %get3A_399 = arith.constant 1 : i32
    %get3A_400 = arith.index_cast %get3A_399 : i32 to index
    %get3A_401 = arith.constant 112 : index
    %get3A_402 = tpu.vector_load %arg8[%get3A_400, %get3A_401] {strides = array<i32>} : memref<2x256xi32, #tpu.memory_space<vmem>>, vector<1x16xi32>,
    %get3A_403 = vector.shape_cast %get3A_402 : vector<1x16xi32> to vector<16xi32>
    %add3A_404 = vector.broadcast %mul3A_307 : i32 to vector<16xi32>
    %add3A_405 = arith.addi %get3A_403, %add3A_404 : vector<16xi32>
    %swap3A_406 = arith.constant 2 : i32
    %swap3A_407 = arith.index_cast %swap3A_406 : i32 to index
    %swap3A_408 = arith.constant 112 : index
    %swap3A_409 = tpu.vector_load %arg6[%swap3A_407, %swap3A_408] {strides = array<i32>} : memref<4x128xi32, #tpu.memory_space<vmem>>, vector<1x16xi32>,
    %swap3A_410 = vector.shape_cast %swap3A_409 : vector<1x16xi32> to vector<16xi32>
    %swap3A_411 = vector.shape_cast %add3A_405 : vector<16xi32> to vector<1x16xi32>
    tpu.vector_store %arg6[%swap3A_407, %swap3A_408], %swap3A_411 {strides = array<i32>} : memref<4x128xi32, #tpu.memory_space<vmem>>, vector<1x16xi32>,
    %get3A_412 = arith.constant 1 : i32
    %get3A_413 = arith.index_cast %get3A_412 : i32 to index
    %get3A_414 = arith.constant 128 : index
    %get3A_415 = tpu.vector_load %arg8[%get3A_413, %get3A_414] {strides = array<i32>} : memref<2x256xi32, #tpu.memory_space<vmem>>, vector<1x16xi32>,
    %get3A_416 = vector.shape_cast %get3A_415 : vector<1x16xi32> to vector<16xi32>
    %add3A_417 = vector.broadcast %mul3A_307 : i32 to vector<16xi32>
    %add3A_418 = arith.addi %get3A_416, %add3A_417 : vector<16xi32>
    %swap3A_419 = arith.constant 3 : i32
    %swap3A_420 = arith.index_cast %swap3A_419 : i32 to index
    %swap3A_421 = arith.constant 0 : index
    %swap3A_422 = tpu.vector_load %arg6[%swap3A_420, %swap3A_421] {strides = array<i32>} : memref<4x128xi32, #tpu.memory_space<vmem>>, vector<1x16xi32>,
    %swap3A_423 = vector.shape_cast %swap3A_422 : vector<1x16xi32> to vector<16xi32>
    %swap3A_424 = vector.shape_cast %add3A_418 : vector<16xi32> to vector<1x16xi32>
    tpu.vector_store %arg6[%swap3A_420, %swap3A_421], %swap3A_424 {strides = array<i32>} : memref<4x128xi32, #tpu.memory_space<vmem>>, vector<1x16xi32>,
    %get3A_425 = arith.constant 1 : i32
    %get3A_426 = arith.index_cast %get3A_425 : i32 to index
    %get3A_427 = arith.constant 144 : index
    %get3A_428 = tpu.vector_load %arg8[%get3A_426, %get3A_427] {strides = array<i32>} : memref<2x256xi32, #tpu.memory_space<vmem>>, vector<1x16xi32>,
    %get3A_429 = vector.shape_cast %get3A_428 : vector<1x16xi32> to vector<16xi32>
    %add3A_430 = vector.broadcast %mul3A_307 : i32 to vector<16xi32>
    %add3A_431 = arith.addi %get3A_429, %add3A_430 : vector<16xi32>
    %swap3A_432 = arith.constant 3 : i32
    %swap3A_433 = arith.index_cast %swap3A_432 : i32 to index
    %swap3A_434 = arith.constant 16 : index
    %swap3A_435 = tpu.vector_load %arg6[%swap3A_433, %swap3A_434] {strides = array<i32>} : memref<4x128xi32, #tpu.memory_space<vmem>>, vector<1x16xi32>,
    %swap3A_436 = vector.shape_cast %swap3A_435 : vector<1x16xi32> to vector<16xi32>
    %swap3A_437 = vector.shape_cast %add3A_431 : vector<16xi32> to vector<1x16xi32>
    tpu.vector_store %arg6[%swap3A_433, %swap3A_434], %swap3A_437 {strides = array<i32>} : memref<4x128xi32, #tpu.memory_space<vmem>>, vector<1x16xi32>,
    %get3A_438 = arith.constant 1 : i32
    %get3A_439 = arith.index_cast %get3A_438 : i32 to index
    %get3A_440 = arith.constant 160 : index
    %get3A_441 = tpu.vector_load %arg8[%get3A_439, %get3A_440] {strides = array<i32>} : memref<2x256xi32, #tpu.memory_space<vmem>>, vector<1x16xi32>,
    %get3A_442 = vector.shape_cast %get3A_441 : vector<1x16xi32> to vector<16xi32>
    %add3A_443 = vector.broadcast %mul3A_307 : i32 to vector<16xi32>
    %add3A_444 = arith.addi %get3A_442, %add3A_443 : vector<16xi32>
    %swap3A_445 = arith.constant 3 : i32
    %swap3A_446 = arith.index_cast %swap3A_445 : i32 to index
    %swap3A_447 = arith.constant 32 : index
    %swap3A_448 = tpu.vector_load %arg6[%swap3A_446, %swap3A_447] {strides = array<i32>} : memref<4x128xi32, #tpu.memory_space<vmem>>, vector<1x16xi32>,
    %swap3A_449 = vector.shape_cast %swap3A_448 : vector<1x16xi32> to vector<16xi32>
    %swap3A_450 = vector.shape_cast %add3A_444 : vector<16xi32> to vector<1x16xi32>
    tpu.vector_store %arg6[%swap3A_446, %swap3A_447], %swap3A_450 {strides = array<i32>} : memref<4x128xi32, #tpu.memory_space<vmem>>, vector<1x16xi32>,
    %get3A_451 = arith.constant 1 : i32
    %get3A_452 = arith.index_cast %get3A_451 : i32 to index
    %get3A_453 = arith.constant 176 : index
    %get3A_454 = tpu.vector_load %arg8[%get3A_452, %get3A_453] {strides = array<i32>} : memref<2x256xi32, #tpu.memory_space<vmem>>, vector<1x16xi32>,
    %get3A_455 = vector.shape_cast %get3A_454 : vector<1x16xi32> to vector<16xi32>
    %add3A_456 = vector.broadcast %mul3A_307 : i32 to vector<16xi32>
    %add3A_457 = arith.addi %get3A_455, %add3A_456 : vector<16xi32>
    %swap3A_458 = arith.constant 3 : i32
    %swap3A_459 = arith.index_cast %swap3A_458 : i32 to index
    %swap3A_460 = arith.constant 48 : index
    %swap3A_461 = tpu.vector_load %arg6[%swap3A_459, %swap3A_460] {strides = array<i32>} : memref<4x128xi32, #tpu.memory_space<vmem>>, vector<1x16xi32>,
    %swap3A_462 = vector.shape_cast %swap3A_461 : vector<1x16xi32> to vector<16xi32>
    %swap3A_463 = vector.shape_cast %add3A_457 : vector<16xi32> to vector<1x16xi32>
    tpu.vector_store %arg6[%swap3A_459, %swap3A_460], %swap3A_463 {strides = array<i32>} : memref<4x128xi32, #tpu.memory_space<vmem>>, vector<1x16xi32>,
    %get3A_464 = arith.constant 1 : i32
    %get3A_465 = arith.index_cast %get3A_464 : i32 to index
    %get3A_466 = arith.constant 192 : index
    %get3A_467 = tpu.vector_load %arg8[%get3A_465, %get3A_466] {strides = array<i32>} : memref<2x256xi32, #tpu.memory_space<vmem>>, vector<1x16xi32>,
    %get3A_468 = vector.shape_cast %get3A_467 : vector<1x16xi32> to vector<16xi32>
    %add3A_469 = vector.broadcast %mul3A_307 : i32 to vector<16xi32>
    %add3A_470 = arith.addi %get3A_468, %add3A_469 : vector<16xi32>
    %swap3A_471 = arith.constant 3 : i32
    %swap3A_472 = arith.index_cast %swap3A_471 : i32 to index
    %swap3A_473 = arith.constant 64 : index
    %swap3A_474 = tpu.vector_load %arg6[%swap3A_472, %swap3A_473] {strides = array<i32>} : memref<4x128xi32, #tpu.memory_space<vmem>>, vector<1x16xi32>,
    %swap3A_475 = vector.shape_cast %swap3A_474 : vector<1x16xi32> to vector<16xi32>
    %swap3A_476 = vector.shape_cast %add3A_470 : vector<16xi32> to vector<1x16xi32>
    tpu.vector_store %arg6[%swap3A_472, %swap3A_473], %swap3A_476 {strides = array<i32>} : memref<4x128xi32, #tpu.memory_space<vmem>>, vector<1x16xi32>,
    %get3A_477 = arith.constant 1 : i32
    %get3A_478 = arith.index_cast %get3A_477 : i32 to index
    %get3A_479 = arith.constant 208 : index
    %get3A_480 = tpu.vector_load %arg8[%get3A_478, %get3A_479] {strides = array<i32>} : memref<2x256xi32, #tpu.memory_space<vmem>>, vector<1x16xi32>,
    %get3A_481 = vector.shape_cast %get3A_480 : vector<1x16xi32> to vector<16xi32>
    %add3A_482 = vector.broadcast %mul3A_307 : i32 to vector<16xi32>
    %add3A_483 = arith.addi %get3A_481, %add3A_482 : vector<16xi32>
    %swap3A_484 = arith.constant 3 : i32
    %swap3A_485 = arith.index_cast %swap3A_484 : i32 to index
    %swap3A_486 = arith.constant 80 : index
    %swap3A_487 = tpu.vector_load %arg6[%swap3A_485, %swap3A_486] {strides = array<i32>} : memref<4x128xi32, #tpu.memory_space<vmem>>, vector<1x16xi32>,
    %swap3A_488 = vector.shape_cast %swap3A_487 : vector<1x16xi32> to vector<16xi32>
    %swap3A_489 = vector.shape_cast %add3A_483 : vector<16xi32> to vector<1x16xi32>
    tpu.vector_store %arg6[%swap3A_485, %swap3A_486], %swap3A_489 {strides = array<i32>} : memref<4x128xi32, #tpu.memory_space<vmem>>, vector<1x16xi32>,
    %get3A_490 = arith.constant 1 : i32
    %get3A_491 = arith.index_cast %get3A_490 : i32 to index
    %get3A_492 = arith.constant 224 : index
    %get3A_493 = tpu.vector_load %arg8[%get3A_491, %get3A_492] {strides = array<i32>} : memref<2x256xi32, #tpu.memory_space<vmem>>, vector<1x16xi32>,
    %get3A_494 = vector.shape_cast %get3A_493 : vector<1x16xi32> to vector<16xi32>
    %add3A_495 = vector.broadcast %mul3A_307 : i32 to vector<16xi32>
    %add3A_496 = arith.addi %get3A_494, %add3A_495 : vector<16xi32>
    %swap3A_497 = arith.constant 3 : i32
    %swap3A_498 = arith.index_cast %swap3A_497 : i32 to index
    %swap3A_499 = arith.constant 96 : index
    %swap3A_500 = tpu.vector_load %arg6[%swap3A_498, %swap3A_499] {strides = array<i32>} : memref<4x128xi32, #tpu.memory_space<vmem>>, vector<1x16xi32>,
    %swap3A_501 = vector.shape_cast %swap3A_500 : vector<1x16xi32> to vector<16xi32>
    %swap3A_502 = vector.shape_cast %add3A_496 : vector<16xi32> to vector<1x16xi32>
    tpu.vector_store %arg6[%swap3A_498, %swap3A_499], %swap3A_502 {strides = array<i32>} : memref<4x128xi32, #tpu.memory_space<vmem>>, vector<1x16xi32>,
    %get3A_503 = arith.constant 1 : i32
    %get3A_504 = arith.index_cast %get3A_503 : i32 to index
    %get3A_505 = arith.constant 240 : index
    %get3A_506 = tpu.vector_load %arg8[%get3A_504, %get3A_505] {strides = array<i32>} : memref<2x256xi32, #tpu.memory_space<vmem>>, vector<1x16xi32>,
    %get3A_507 = vector.shape_cast %get3A_506 : vector<1x16xi32> to vector<16xi32>
    %add3A_508 = vector.broadcast %mul3A_307 : i32 to vector<16xi32>
    %add3A_509 = arith.addi %get3A_507, %add3A_508 : vector<16xi32>
    %swap3A_510 = arith.constant 3 : i32
    %swap3A_511 = arith.index_cast %swap3A_510 : i32 to index
    %swap3A_512 = arith.constant 112 : index
    %swap3A_513 = tpu.vector_load %arg6[%swap3A_511, %swap3A_512] {strides = array<i32>} : memref<4x128xi32, #tpu.memory_space<vmem>>, vector<1x16xi32>,
    %swap3A_514 = vector.shape_cast %swap3A_513 : vector<1x16xi32> to vector<16xi32>
    %swap3A_515 = vector.shape_cast %add3A_509 : vector<16xi32> to vector<1x16xi32>
    tpu.vector_store %arg6[%swap3A_511, %swap3A_512], %swap3A_515 {strides = array<i32>} : memref<4x128xi32, #tpu.memory_space<vmem>>, vector<1x16xi32>,
    %dma_start3A_516 = arith.constant 0 : i32
    %dma_start3A_517 = arith.constant 0 : i32
    %dma_start3A_518 = arith.constant 0 : i32
    %dma_start3A_519 = tpu.memref_slice %arg7[%dma_start3A_517, %dma_start3A_518] : memref<4x128xf32, #tpu.memory_space<vmem>> -> memref<1x128xf32, #tpu.memory_space<vmem>>
    %dma_start3A_520 = tpu.memref_squeeze %dma_start3A_519 : memref<1x128xf32, #tpu.memory_space<vmem>> -> memref<128xf32, #tpu.memory_space<vmem>>
    %dma_start3A_521 = arith.constant 0 : i32
    %dma_start3A_522 = tpu.memref_slice %arg6[%dma_start3A_516, %dma_start3A_521] : memref<4x128xi32, #tpu.memory_space<vmem>> -> memref<1x128xi32, #tpu.memory_space<vmem>>
    %dma_start3A_523 = tpu.memref_squeeze %dma_start3A_522 : memref<1x128xi32, #tpu.memory_space<vmem>> -> memref<128xi32, #tpu.memory_space<vmem>>
    %dma_start3A_524 = arith.constant 0 : i32
    %dma_start3A_525 = tpu.memref_slice %arg2[%dma_start3A_524] : memref<6400000xf32, #tpu.memory_space<hbm>> -> memref<6400000xf32, #tpu.memory_space<hbm>>
    tpu.enqueue_indirect_dma source(%dma_start3A_525 : memref<6400000xf32, #tpu.memory_space<hbm>>) target(%dma_start3A_520 : memref<128xf32, #tpu.memory_space<vmem>>) offsets(%dma_start3A_523 : memref<128xi32, #tpu.memory_space<vmem>>) semaphore(%arg22 : memref<!tpu.dma_semaphore, #tpu.memory_space<semaphore_mem>>)
    %dma_start3A_526 = arith.constant 1 : i32
    %dma_start3A_527 = arith.constant 1 : i32
    %dma_start3A_528 = arith.constant 0 : i32
    %dma_start3A_529 = tpu.memref_slice %arg7[%dma_start3A_527, %dma_start3A_528] : memref<4x128xf32, #tpu.memory_space<vmem>> -> memref<1x128xf32, #tpu.memory_space<vmem>>
    %dma_start3A_530 = tpu.memref_squeeze %dma_start3A_529 : memref<1x128xf32, #tpu.memory_space<vmem>> -> memref<128xf32, #tpu.memory_space<vmem>>
    %dma_start3A_531 = arith.constant 0 : i32
    %dma_start3A_532 = tpu.memref_slice %arg6[%dma_start3A_526, %dma_start3A_531] : memref<4x128xi32, #tpu.memory_space<vmem>> -> memref<1x128xi32, #tpu.memory_space<vmem>>
    %dma_start3A_533 = tpu.memref_squeeze %dma_start3A_532 : memref<1x128xi32, #tpu.memory_space<vmem>> -> memref<128xi32, #tpu.memory_space<vmem>>
    %dma_start3A_534 = arith.constant 0 : i32
    %dma_start3A_535 = tpu.memref_slice %arg2[%dma_start3A_534] : memref<6400000xf32, #tpu.memory_space<hbm>> -> memref<6400000xf32, #tpu.memory_space<hbm>>
    tpu.enqueue_indirect_dma source(%dma_start3A_535 : memref<6400000xf32, #tpu.memory_space<hbm>>) target(%dma_start3A_530 : memref<128xf32, #tpu.memory_space<vmem>>) offsets(%dma_start3A_533 : memref<128xi32, #tpu.memory_space<vmem>>) semaphore(%arg22 : memref<!tpu.dma_semaphore, #tpu.memory_space<semaphore_mem>>)
    %dma_start3A_536 = arith.constant 2 : i32
    %dma_start3A_537 = arith.constant 2 : i32
    %dma_start3A_538 = arith.constant 0 : i32
    %dma_start3A_539 = tpu.memref_slice %arg7[%dma_start3A_537, %dma_start3A_538] : memref<4x128xf32, #tpu.memory_space<vmem>> -> memref<1x128xf32, #tpu.memory_space<vmem>>
    %dma_start3A_540 = tpu.memref_squeeze %dma_start3A_539 : memref<1x128xf32, #tpu.memory_space<vmem>> -> memref<128xf32, #tpu.memory_space<vmem>>
    %dma_start3A_541 = arith.constant 0 : i32
    %dma_start3A_542 = tpu.memref_slice %arg6[%dma_start3A_536, %dma_start3A_541] : memref<4x128xi32, #tpu.memory_space<vmem>> -> memref<1x128xi32, #tpu.memory_space<vmem>>
    %dma_start3A_543 = tpu.memref_squeeze %dma_start3A_542 : memref<1x128xi32, #tpu.memory_space<vmem>> -> memref<128xi32, #tpu.memory_space<vmem>>
    %dma_start3A_544 = arith.constant 0 : i32
    %dma_start3A_545 = tpu.memref_slice %arg2[%dma_start3A_544] : memref<6400000xf32, #tpu.memory_space<hbm>> -> memref<6400000xf32, #tpu.memory_space<hbm>>
    tpu.enqueue_indirect_dma source(%dma_start3A_545 : memref<6400000xf32, #tpu.memory_space<hbm>>) target(%dma_start3A_540 : memref<128xf32, #tpu.memory_space<vmem>>) offsets(%dma_start3A_543 : memref<128xi32, #tpu.memory_space<vmem>>) semaphore(%arg22 : memref<!tpu.dma_semaphore, #tpu.memory_space<semaphore_mem>>)
    %dma_start3A_546 = arith.constant 3 : i32
    %dma_start3A_547 = arith.constant 3 : i32
    %dma_start3A_548 = arith.constant 0 : i32
    %dma_start3A_549 = tpu.memref_slice %arg7[%dma_start3A_547, %dma_start3A_548] : memref<4x128xf32, #tpu.memory_space<vmem>> -> memref<1x128xf32, #tpu.memory_space<vmem>>
    %dma_start3A_550 = tpu.memref_squeeze %dma_start3A_549 : memref<1x128xf32, #tpu.memory_space<vmem>> -> memref<128xf32, #tpu.memory_space<vmem>>
    %dma_start3A_551 = arith.constant 0 : i32
    %dma_start3A_552 = tpu.memref_slice %arg6[%dma_start3A_546, %dma_start3A_551] : memref<4x128xi32, #tpu.memory_space<vmem>> -> memref<1x128xi32, #tpu.memory_space<vmem>>
    %dma_start3A_553 = tpu.memref_squeeze %dma_start3A_552 : memref<1x128xi32, #tpu.memory_space<vmem>> -> memref<128xi32, #tpu.memory_space<vmem>>
    %dma_start3A_554 = arith.constant 0 : i32
    %dma_start3A_555 = tpu.memref_slice %arg2[%dma_start3A_554] : memref<6400000xf32, #tpu.memory_space<hbm>> -> memref<6400000xf32, #tpu.memory_space<hbm>>
    tpu.enqueue_indirect_dma source(%dma_start3A_555 : memref<6400000xf32, #tpu.memory_space<hbm>>) target(%dma_start3A_550 : memref<128xf32, #tpu.memory_space<vmem>>) offsets(%dma_start3A_553 : memref<128xi32, #tpu.memory_space<vmem>>) semaphore(%arg22 : memref<!tpu.dma_semaphore, #tpu.memory_space<semaphore_mem>>)
    %dma_wait3A_556 = arith.constant 0 : i32
    %dma_wait3A_557 = arith.constant 0 : i32
    %dma_wait3A_558 = arith.constant 0 : i32
    %dma_wait3A_559 = tpu.memref_slice %arg7[%dma_wait3A_557, %dma_wait3A_558] : memref<4x128xf32, #tpu.memory_space<vmem>> -> memref<1x128xf32, #tpu.memory_space<vmem>>
    %dma_wait3A_560 = tpu.memref_squeeze %dma_wait3A_559 : memref<1x128xf32, #tpu.memory_space<vmem>> -> memref<128xf32, #tpu.memory_space<vmem>>
    %dma_wait3A_561 = arith.constant 0 : i32
    %dma_wait3A_562 = tpu.memref_slice %arg6[%dma_wait3A_556, %dma_wait3A_561] : memref<4x128xi32, #tpu.memory_space<vmem>> -> memref<1x128xi32, #tpu.memory_space<vmem>>
    %dma_wait3A_563 = tpu.memref_squeeze %dma_wait3A_562 : memref<1x128xi32, #tpu.memory_space<vmem>> -> memref<128xi32, #tpu.memory_space<vmem>>
    %dma_wait3A_564 = arith.constant 0 : i32
    %dma_wait3A_565 = tpu.memref_slice %arg2[%dma_wait3A_564] : memref<6400000xf32, #tpu.memory_space<hbm>> -> memref<6400000xf32, #tpu.memory_space<hbm>>
    tpu.wait_indirect_dma semaphore(%arg22 : memref<!tpu.dma_semaphore, #tpu.memory_space<semaphore_mem>>) src(%dma_wait3A_565 : memref<6400000xf32, #tpu.memory_space<hbm>>) dst(%dma_wait3A_560 : memref<128xf32, #tpu.memory_space<vmem>>)
    %dma_wait3A_566 = arith.constant 1 : i32
    %dma_wait3A_567 = arith.constant 1 : i32
    %dma_wait3A_568 = arith.constant 0 : i32
    %dma_wait3A_569 = tpu.memref_slice %arg7[%dma_wait3A_567, %dma_wait3A_568] : memref<4x128xf32, #tpu.memory_space<vmem>> -> memref<1x128xf32, #tpu.memory_space<vmem>>
    %dma_wait3A_570 = tpu.memref_squeeze %dma_wait3A_569 : memref<1x128xf32, #tpu.memory_space<vmem>> -> memref<128xf32, #tpu.memory_space<vmem>>
    %dma_wait3A_571 = arith.constant 0 : i32
    %dma_wait3A_572 = tpu.memref_slice %arg6[%dma_wait3A_566, %dma_wait3A_571] : memref<4x128xi32, #tpu.memory_space<vmem>> -> memref<1x128xi32, #tpu.memory_space<vmem>>
    %dma_wait3A_573 = tpu.memref_squeeze %dma_wait3A_572 : memref<1x128xi32, #tpu.memory_space<vmem>> -> memref<128xi32, #tpu.memory_space<vmem>>
    %dma_wait3A_574 = arith.constant 0 : i32
    %dma_wait3A_575 = tpu.memref_slice %arg2[%dma_wait3A_574] : memref<6400000xf32, #tpu.memory_space<hbm>> -> memref<6400000xf32, #tpu.memory_space<hbm>>
    tpu.wait_indirect_dma semaphore(%arg22 : memref<!tpu.dma_semaphore, #tpu.memory_space<semaphore_mem>>) src(%dma_wait3A_575 : memref<6400000xf32, #tpu.memory_space<hbm>>) dst(%dma_wait3A_570 : memref<128xf32, #tpu.memory_space<vmem>>)
    %dma_wait3A_576 = arith.constant 2 : i32
    %dma_wait3A_577 = arith.constant 2 : i32
    %dma_wait3A_578 = arith.constant 0 : i32
    %dma_wait3A_579 = tpu.memref_slice %arg7[%dma_wait3A_577, %dma_wait3A_578] : memref<4x128xf32, #tpu.memory_space<vmem>> -> memref<1x128xf32, #tpu.memory_space<vmem>>
    %dma_wait3A_580 = tpu.memref_squeeze %dma_wait3A_579 : memref<1x128xf32, #tpu.memory_space<vmem>> -> memref<128xf32, #tpu.memory_space<vmem>>
    %dma_wait3A_581 = arith.constant 0 : i32
    %dma_wait3A_582 = tpu.memref_slice %arg6[%dma_wait3A_576, %dma_wait3A_581] : memref<4x128xi32, #tpu.memory_space<vmem>> -> memref<1x128xi32, #tpu.memory_space<vmem>>
    %dma_wait3A_583 = tpu.memref_squeeze %dma_wait3A_582 : memref<1x128xi32, #tpu.memory_space<vmem>> -> memref<128xi32, #tpu.memory_space<vmem>>
    %dma_wait3A_584 = arith.constant 0 : i32
    %dma_wait3A_585 = tpu.memref_slice %arg2[%dma_wait3A_584] : memref<6400000xf32, #tpu.memory_space<hbm>> -> memref<6400000xf32, #tpu.memory_space<hbm>>
    tpu.wait_indirect_dma semaphore(%arg22 : memref<!tpu.dma_semaphore, #tpu.memory_space<semaphore_mem>>) src(%dma_wait3A_585 : memref<6400000xf32, #tpu.memory_space<hbm>>) dst(%dma_wait3A_580 : memref<128xf32, #tpu.memory_space<vmem>>)
    %dma_wait3A_586 = arith.constant 3 : i32
    %dma_wait3A_587 = arith.constant 3 : i32
    %dma_wait3A_588 = arith.constant 0 : i32
    %dma_wait3A_589 = tpu.memref_slice %arg7[%dma_wait3A_587, %dma_wait3A_588] : memref<4x128xf32, #tpu.memory_space<vmem>> -> memref<1x128xf32, #tpu.memory_space<vmem>>
    %dma_wait3A_590 = tpu.memref_squeeze %dma_wait3A_589 : memref<1x128xf32, #tpu.memory_space<vmem>> -> memref<128xf32, #tpu.memory_space<vmem>>
    %dma_wait3A_591 = arith.constant 0 : i32
    %dma_wait3A_592 = tpu.memref_slice %arg6[%dma_wait3A_586, %dma_wait3A_591] : memref<4x128xi32, #tpu.memory_space<vmem>> -> memref<1x128xi32, #tpu.memory_space<vmem>>
    %dma_wait3A_593 = tpu.memref_squeeze %dma_wait3A_592 : memref<1x128xi32, #tpu.memory_space<vmem>> -> memref<128xi32, #tpu.memory_space<vmem>>
    %dma_wait3A_594 = arith.constant 0 : i32
    %dma_wait3A_595 = tpu.memref_slice %arg2[%dma_wait3A_594] : memref<6400000xf32, #tpu.memory_space<hbm>> -> memref<6400000xf32, #tpu.memory_space<hbm>>
    tpu.wait_indirect_dma semaphore(%arg22 : memref<!tpu.dma_semaphore, #tpu.memory_space<semaphore_mem>>) src(%dma_wait3A_595 : memref<6400000xf32, #tpu.memory_space<hbm>>) dst(%dma_wait3A_590 : memref<128xf32, #tpu.memory_space<vmem>>)
    %get3A_596 = arith.constant 0 : i32
    %get3A_597 = arith.index_cast %get3A_596 : i32 to index
    %get3A_598 = arith.constant 0 : index
    %get3A_599 = tpu.vector_load %arg7[%get3A_597, %get3A_598] {strides = array<i32>} : memref<4x128xf32, #tpu.memory_space<vmem>>, vector<1x16xf32>,
    %get3A_600 = vector.shape_cast %get3A_599 : vector<1x16xf32> to vector<16xf32>
    %lt3A = arith.constant 0.000000e+00 : f32
    %lt3A_601 = vector.broadcast %lt3A : f32 to vector<16xf32>
    %lt3A_602 = arith.cmpf olt, %get3A_600, %lt3A_601 : vector<16xf32>
    %mul3A_603 = arith.mulf %get3A_600, %get3A_92 : vector<16xf32>
    %div3A = arith.divf %get3A_600, %get3A_92 : vector<16xf32>
    %select_n3A = arith.select %lt3A_602, %mul3A_603, %div3A : vector<16xi1>, vector<16xf32>
    %swap3A_604 = arith.constant 0 : i32
    %swap3A_605 = arith.index_cast %swap3A_604 : i32 to index
    %swap3A_606 = arith.constant 0 : index
    %swap3A_607 = tpu.vector_load %arg7[%swap3A_605, %swap3A_606] {strides = array<i32>} : memref<4x128xf32, #tpu.memory_space<vmem>>, vector<1x16xf32>,
    %swap3A_608 = vector.shape_cast %swap3A_607 : vector<1x16xf32> to vector<16xf32>
    %swap3A_609 = vector.shape_cast %select_n3A : vector<16xf32> to vector<1x16xf32>
    tpu.vector_store %arg7[%swap3A_605, %swap3A_606], %swap3A_609 {strides = array<i32>} : memref<4x128xf32, #tpu.memory_space<vmem>>, vector<1x16xf32>,
    %get3A_610 = arith.constant 0 : i32
    %get3A_611 = arith.index_cast %get3A_610 : i32 to index
    %get3A_612 = arith.constant 16 : index
    %get3A_613 = tpu.vector_load %arg7[%get3A_611, %get3A_612] {strides = array<i32>} : memref<4x128xf32, #tpu.memory_space<vmem>>, vector<1x16xf32>,
    %get3A_614 = vector.shape_cast %get3A_613 : vector<1x16xf32> to vector<16xf32>
    %lt3A_615 = arith.constant 0.000000e+00 : f32
    %lt3A_616 = vector.broadcast %lt3A_615 : f32 to vector<16xf32>
    %lt3A_617 = arith.cmpf olt, %get3A_614, %lt3A_616 : vector<16xf32>
    %mul3A_618 = arith.mulf %get3A_614, %get3A_92 : vector<16xf32>
    %div3A_619 = arith.divf %get3A_614, %get3A_92 : vector<16xf32>
    %select_n3A_620 = arith.select %lt3A_617, %mul3A_618, %div3A_619 : vector<16xi1>, vector<16xf32>
    %swap3A_621 = arith.constant 0 : i32
    %swap3A_622 = arith.index_cast %swap3A_621 : i32 to index
    %swap3A_623 = arith.constant 16 : index
    %swap3A_624 = tpu.vector_load %arg7[%swap3A_622, %swap3A_623] {strides = array<i32>} : memref<4x128xf32, #tpu.memory_space<vmem>>, vector<1x16xf32>,
    %swap3A_625 = vector.shape_cast %swap3A_624 : vector<1x16xf32> to vector<16xf32>
    %swap3A_626 = vector.shape_cast %select_n3A_620 : vector<16xf32> to vector<1x16xf32>
    tpu.vector_store %arg7[%swap3A_622, %swap3A_623], %swap3A_626 {strides = array<i32>} : memref<4x128xf32, #tpu.memory_space<vmem>>, vector<1x16xf32>,
    %get3A_627 = arith.constant 0 : i32
    %get3A_628 = arith.index_cast %get3A_627 : i32 to index
    %get3A_629 = arith.constant 32 : index
    %get3A_630 = tpu.vector_load %arg7[%get3A_628, %get3A_629] {strides = array<i32>} : memref<4x128xf32, #tpu.memory_space<vmem>>, vector<1x16xf32>,
    %get3A_631 = vector.shape_cast %get3A_630 : vector<1x16xf32> to vector<16xf32>
    %lt3A_632 = arith.constant 0.000000e+00 : f32
    %lt3A_633 = vector.broadcast %lt3A_632 : f32 to vector<16xf32>
    %lt3A_634 = arith.cmpf olt, %get3A_631, %lt3A_633 : vector<16xf32>
    %mul3A_635 = arith.mulf %get3A_631, %get3A_92 : vector<16xf32>
    %div3A_636 = arith.divf %get3A_631, %get3A_92 : vector<16xf32>
    %select_n3A_637 = arith.select %lt3A_634, %mul3A_635, %div3A_636 : vector<16xi1>, vector<16xf32>
    %swap3A_638 = arith.constant 0 : i32
    %swap3A_639 = arith.index_cast %swap3A_638 : i32 to index
    %swap3A_640 = arith.constant 32 : index
    %swap3A_641 = tpu.vector_load %arg7[%swap3A_639, %swap3A_640] {strides = array<i32>} : memref<4x128xf32, #tpu.memory_space<vmem>>, vector<1x16xf32>,
    %swap3A_642 = vector.shape_cast %swap3A_641 : vector<1x16xf32> to vector<16xf32>
    %swap3A_643 = vector.shape_cast %select_n3A_637 : vector<16xf32> to vector<1x16xf32>
    tpu.vector_store %arg7[%swap3A_639, %swap3A_640], %swap3A_643 {strides = array<i32>} : memref<4x128xf32, #tpu.memory_space<vmem>>, vector<1x16xf32>,
    %get3A_644 = arith.constant 0 : i32
    %get3A_645 = arith.index_cast %get3A_644 : i32 to index
    %get3A_646 = arith.constant 48 : index
    %get3A_647 = tpu.vector_load %arg7[%get3A_645, %get3A_646] {strides = array<i32>} : memref<4x128xf32, #tpu.memory_space<vmem>>, vector<1x16xf32>,
    %get3A_648 = vector.shape_cast %get3A_647 : vector<1x16xf32> to vector<16xf32>
    %lt3A_649 = arith.constant 0.000000e+00 : f32
    %lt3A_650 = vector.broadcast %lt3A_649 : f32 to vector<16xf32>
    %lt3A_651 = arith.cmpf olt, %get3A_648, %lt3A_650 : vector<16xf32>
    %mul3A_652 = arith.mulf %get3A_648, %get3A_92 : vector<16xf32>
    %div3A_653 = arith.divf %get3A_648, %get3A_92 : vector<16xf32>
    %select_n3A_654 = arith.select %lt3A_651, %mul3A_652, %div3A_653 : vector<16xi1>, vector<16xf32>
    %swap3A_655 = arith.constant 0 : i32
    %swap3A_656 = arith.index_cast %swap3A_655 : i32 to index
    %swap3A_657 = arith.constant 48 : index
    %swap3A_658 = tpu.vector_load %arg7[%swap3A_656, %swap3A_657] {strides = array<i32>} : memref<4x128xf32, #tpu.memory_space<vmem>>, vector<1x16xf32>,
    %swap3A_659 = vector.shape_cast %swap3A_658 : vector<1x16xf32> to vector<16xf32>
    %swap3A_660 = vector.shape_cast %select_n3A_654 : vector<16xf32> to vector<1x16xf32>
    tpu.vector_store %arg7[%swap3A_656, %swap3A_657], %swap3A_660 {strides = array<i32>} : memref<4x128xf32, #tpu.memory_space<vmem>>, vector<1x16xf32>,
    %get3A_661 = arith.constant 0 : i32
    %get3A_662 = arith.index_cast %get3A_661 : i32 to index
    %get3A_663 = arith.constant 64 : index
    %get3A_664 = tpu.vector_load %arg7[%get3A_662, %get3A_663] {strides = array<i32>} : memref<4x128xf32, #tpu.memory_space<vmem>>, vector<1x16xf32>,
    %get3A_665 = vector.shape_cast %get3A_664 : vector<1x16xf32> to vector<16xf32>
    %lt3A_666 = arith.constant 0.000000e+00 : f32
    %lt3A_667 = vector.broadcast %lt3A_666 : f32 to vector<16xf32>
    %lt3A_668 = arith.cmpf olt, %get3A_665, %lt3A_667 : vector<16xf32>
    %mul3A_669 = arith.mulf %get3A_665, %get3A_92 : vector<16xf32>
    %div3A_670 = arith.divf %get3A_665, %get3A_92 : vector<16xf32>
    %select_n3A_671 = arith.select %lt3A_668, %mul3A_669, %div3A_670 : vector<16xi1>, vector<16xf32>
    %swap3A_672 = arith.constant 0 : i32
    %swap3A_673 = arith.index_cast %swap3A_672 : i32 to index
    %swap3A_674 = arith.constant 64 : index
    %swap3A_675 = tpu.vector_load %arg7[%swap3A_673, %swap3A_674] {strides = array<i32>} : memref<4x128xf32, #tpu.memory_space<vmem>>, vector<1x16xf32>,
    %swap3A_676 = vector.shape_cast %swap3A_675 : vector<1x16xf32> to vector<16xf32>
    %swap3A_677 = vector.shape_cast %select_n3A_671 : vector<16xf32> to vector<1x16xf32>
    tpu.vector_store %arg7[%swap3A_673, %swap3A_674], %swap3A_677 {strides = array<i32>} : memref<4x128xf32, #tpu.memory_space<vmem>>, vector<1x16xf32>,
    %get3A_678 = arith.constant 0 : i32
    %get3A_679 = arith.index_cast %get3A_678 : i32 to index
    %get3A_680 = arith.constant 80 : index
    %get3A_681 = tpu.vector_load %arg7[%get3A_679, %get3A_680] {strides = array<i32>} : memref<4x128xf32, #tpu.memory_space<vmem>>, vector<1x16xf32>,
    %get3A_682 = vector.shape_cast %get3A_681 : vector<1x16xf32> to vector<16xf32>
    %lt3A_683 = arith.constant 0.000000e+00 : f32
    %lt3A_684 = vector.broadcast %lt3A_683 : f32 to vector<16xf32>
    %lt3A_685 = arith.cmpf olt, %get3A_682, %lt3A_684 : vector<16xf32>
    %mul3A_686 = arith.mulf %get3A_682, %get3A_92 : vector<16xf32>
    %div3A_687 = arith.divf %get3A_682, %get3A_92 : vector<16xf32>
    %select_n3A_688 = arith.select %lt3A_685, %mul3A_686, %div3A_687 : vector<16xi1>, vector<16xf32>
    %swap3A_689 = arith.constant 0 : i32
    %swap3A_690 = arith.index_cast %swap3A_689 : i32 to index
    %swap3A_691 = arith.constant 80 : index
    %swap3A_692 = tpu.vector_load %arg7[%swap3A_690, %swap3A_691] {strides = array<i32>} : memref<4x128xf32, #tpu.memory_space<vmem>>, vector<1x16xf32>,
    %swap3A_693 = vector.shape_cast %swap3A_692 : vector<1x16xf32> to vector<16xf32>
    %swap3A_694 = vector.shape_cast %select_n3A_688 : vector<16xf32> to vector<1x16xf32>
    tpu.vector_store %arg7[%swap3A_690, %swap3A_691], %swap3A_694 {strides = array<i32>} : memref<4x128xf32, #tpu.memory_space<vmem>>, vector<1x16xf32>,
    %get3A_695 = arith.constant 0 : i32
    %get3A_696 = arith.index_cast %get3A_695 : i32 to index
    %get3A_697 = arith.constant 96 : index
    %get3A_698 = tpu.vector_load %arg7[%get3A_696, %get3A_697] {strides = array<i32>} : memref<4x128xf32, #tpu.memory_space<vmem>>, vector<1x16xf32>,
    %get3A_699 = vector.shape_cast %get3A_698 : vector<1x16xf32> to vector<16xf32>
    %lt3A_700 = arith.constant 0.000000e+00 : f32
    %lt3A_701 = vector.broadcast %lt3A_700 : f32 to vector<16xf32>
    %lt3A_702 = arith.cmpf olt, %get3A_699, %lt3A_701 : vector<16xf32>
    %mul3A_703 = arith.mulf %get3A_699, %get3A_92 : vector<16xf32>
    %div3A_704 = arith.divf %get3A_699, %get3A_92 : vector<16xf32>
    %select_n3A_705 = arith.select %lt3A_702, %mul3A_703, %div3A_704 : vector<16xi1>, vector<16xf32>
    %swap3A_706 = arith.constant 0 : i32
    %swap3A_707 = arith.index_cast %swap3A_706 : i32 to index
    %swap3A_708 = arith.constant 96 : index
    %swap3A_709 = tpu.vector_load %arg7[%swap3A_707, %swap3A_708] {strides = array<i32>} : memref<4x128xf32, #tpu.memory_space<vmem>>, vector<1x16xf32>,
    %swap3A_710 = vector.shape_cast %swap3A_709 : vector<1x16xf32> to vector<16xf32>
    %swap3A_711 = vector.shape_cast %select_n3A_705 : vector<16xf32> to vector<1x16xf32>
    tpu.vector_store %arg7[%swap3A_707, %swap3A_708], %swap3A_711 {strides = array<i32>} : memref<4x128xf32, #tpu.memory_space<vmem>>, vector<1x16xf32>,
    %get3A_712 = arith.constant 0 : i32
    %get3A_713 = arith.index_cast %get3A_712 : i32 to index
    %get3A_714 = arith.constant 112 : index
    %get3A_715 = tpu.vector_load %arg7[%get3A_713, %get3A_714] {strides = array<i32>} : memref<4x128xf32, #tpu.memory_space<vmem>>, vector<1x16xf32>,
    %get3A_716 = vector.shape_cast %get3A_715 : vector<1x16xf32> to vector<16xf32>
    %lt3A_717 = arith.constant 0.000000e+00 : f32
    %lt3A_718 = vector.broadcast %lt3A_717 : f32 to vector<16xf32>
    %lt3A_719 = arith.cmpf olt, %get3A_716, %lt3A_718 : vector<16xf32>
    %mul3A_720 = arith.mulf %get3A_716, %get3A_92 : vector<16xf32>
    %div3A_721 = arith.divf %get3A_716, %get3A_92 : vector<16xf32>
    %select_n3A_722 = arith.select %lt3A_719, %mul3A_720, %div3A_721 : vector<16xi1>, vector<16xf32>
    %swap3A_723 = arith.constant 0 : i32
    %swap3A_724 = arith.index_cast %swap3A_723 : i32 to index
    %swap3A_725 = arith.constant 112 : index
    %swap3A_726 = tpu.vector_load %arg7[%swap3A_724, %swap3A_725] {strides = array<i32>} : memref<4x128xf32, #tpu.memory_space<vmem>>, vector<1x16xf32>,
    %swap3A_727 = vector.shape_cast %swap3A_726 : vector<1x16xf32> to vector<16xf32>
    %swap3A_728 = vector.shape_cast %select_n3A_722 : vector<16xf32> to vector<1x16xf32>
    tpu.vector_store %arg7[%swap3A_724, %swap3A_725], %swap3A_728 {strides = array<i32>} : memref<4x128xf32, #tpu.memory_space<vmem>>, vector<1x16xf32>,
    %get3A_729 = arith.constant 1 : i32
    %get3A_730 = arith.index_cast %get3A_729 : i32 to index
    %get3A_731 = arith.constant 0 : index
    %get3A_732 = tpu.vector_load %arg7[%get3A_730, %get3A_731] {strides = array<i32>} : memref<4x128xf32, #tpu.memory_space<vmem>>, vector<1x16xf32>,
    %get3A_733 = vector.shape_cast %get3A_732 : vector<1x16xf32> to vector<16xf32>
    %lt3A_734 = arith.constant 0.000000e+00 : f32
    %lt3A_735 = vector.broadcast %lt3A_734 : f32 to vector<16xf32>
    %lt3A_736 = arith.cmpf olt, %get3A_733, %lt3A_735 : vector<16xf32>
    %mul3A_737 = arith.mulf %get3A_733, %get3A_92 : vector<16xf32>
    %div3A_738 = arith.divf %get3A_733, %get3A_92 : vector<16xf32>
    %select_n3A_739 = arith.select %lt3A_736, %mul3A_737, %div3A_738 : vector<16xi1>, vector<16xf32>
    %swap3A_740 = arith.constant 1 : i32
    %swap3A_741 = arith.index_cast %swap3A_740 : i32 to index
    %swap3A_742 = arith.constant 0 : index
    %swap3A_743 = tpu.vector_load %arg7[%swap3A_741, %swap3A_742] {strides = array<i32>} : memref<4x128xf32, #tpu.memory_space<vmem>>, vector<1x16xf32>,
    %swap3A_744 = vector.shape_cast %swap3A_743 : vector<1x16xf32> to vector<16xf32>
    %swap3A_745 = vector.shape_cast %select_n3A_739 : vector<16xf32> to vector<1x16xf32>
    tpu.vector_store %arg7[%swap3A_741, %swap3A_742], %swap3A_745 {strides = array<i32>} : memref<4x128xf32, #tpu.memory_space<vmem>>, vector<1x16xf32>,
    %get3A_746 = arith.constant 1 : i32
    %get3A_747 = arith.index_cast %get3A_746 : i32 to index
    %get3A_748 = arith.constant 16 : index
    %get3A_749 = tpu.vector_load %arg7[%get3A_747, %get3A_748] {strides = array<i32>} : memref<4x128xf32, #tpu.memory_space<vmem>>, vector<1x16xf32>,
    %get3A_750 = vector.shape_cast %get3A_749 : vector<1x16xf32> to vector<16xf32>
    %lt3A_751 = arith.constant 0.000000e+00 : f32
    %lt3A_752 = vector.broadcast %lt3A_751 : f32 to vector<16xf32>
    %lt3A_753 = arith.cmpf olt, %get3A_750, %lt3A_752 : vector<16xf32>
    %mul3A_754 = arith.mulf %get3A_750, %get3A_92 : vector<16xf32>
    %div3A_755 = arith.divf %get3A_750, %get3A_92 : vector<16xf32>
    %select_n3A_756 = arith.select %lt3A_753, %mul3A_754, %div3A_755 : vector<16xi1>, vector<16xf32>
    %swap3A_757 = arith.constant 1 : i32
    %swap3A_758 = arith.index_cast %swap3A_757 : i32 to index
    %swap3A_759 = arith.constant 16 : index
    %swap3A_760 = tpu.vector_load %arg7[%swap3A_758, %swap3A_759] {strides = array<i32>} : memref<4x128xf32, #tpu.memory_space<vmem>>, vector<1x16xf32>,
    %swap3A_761 = vector.shape_cast %swap3A_760 : vector<1x16xf32> to vector<16xf32>
    %swap3A_762 = vector.shape_cast %select_n3A_756 : vector<16xf32> to vector<1x16xf32>
    tpu.vector_store %arg7[%swap3A_758, %swap3A_759], %swap3A_762 {strides = array<i32>} : memref<4x128xf32, #tpu.memory_space<vmem>>, vector<1x16xf32>,
    %get3A_763 = arith.constant 1 : i32
    %get3A_764 = arith.index_cast %get3A_763 : i32 to index
    %get3A_765 = arith.constant 32 : index
    %get3A_766 = tpu.vector_load %arg7[%get3A_764, %get3A_765] {strides = array<i32>} : memref<4x128xf32, #tpu.memory_space<vmem>>, vector<1x16xf32>,
    %get3A_767 = vector.shape_cast %get3A_766 : vector<1x16xf32> to vector<16xf32>
    %lt3A_768 = arith.constant 0.000000e+00 : f32
    %lt3A_769 = vector.broadcast %lt3A_768 : f32 to vector<16xf32>
    %lt3A_770 = arith.cmpf olt, %get3A_767, %lt3A_769 : vector<16xf32>
    %mul3A_771 = arith.mulf %get3A_767, %get3A_92 : vector<16xf32>
    %div3A_772 = arith.divf %get3A_767, %get3A_92 : vector<16xf32>
    %select_n3A_773 = arith.select %lt3A_770, %mul3A_771, %div3A_772 : vector<16xi1>, vector<16xf32>
    %swap3A_774 = arith.constant 1 : i32
    %swap3A_775 = arith.index_cast %swap3A_774 : i32 to index
    %swap3A_776 = arith.constant 32 : index
    %swap3A_777 = tpu.vector_load %arg7[%swap3A_775, %swap3A_776] {strides = array<i32>} : memref<4x128xf32, #tpu.memory_space<vmem>>, vector<1x16xf32>,
    %swap3A_778 = vector.shape_cast %swap3A_777 : vector<1x16xf32> to vector<16xf32>
    %swap3A_779 = vector.shape_cast %select_n3A_773 : vector<16xf32> to vector<1x16xf32>
    tpu.vector_store %arg7[%swap3A_775, %swap3A_776], %swap3A_779 {strides = array<i32>} : memref<4x128xf32, #tpu.memory_space<vmem>>, vector<1x16xf32>,
    %get3A_780 = arith.constant 1 : i32
    %get3A_781 = arith.index_cast %get3A_780 : i32 to index
    %get3A_782 = arith.constant 48 : index
    %get3A_783 = tpu.vector_load %arg7[%get3A_781, %get3A_782] {strides = array<i32>} : memref<4x128xf32, #tpu.memory_space<vmem>>, vector<1x16xf32>,
    %get3A_784 = vector.shape_cast %get3A_783 : vector<1x16xf32> to vector<16xf32>
    %lt3A_785 = arith.constant 0.000000e+00 : f32
    %lt3A_786 = vector.broadcast %lt3A_785 : f32 to vector<16xf32>
    %lt3A_787 = arith.cmpf olt, %get3A_784, %lt3A_786 : vector<16xf32>
    %mul3A_788 = arith.mulf %get3A_784, %get3A_92 : vector<16xf32>
    %div3A_789 = arith.divf %get3A_784, %get3A_92 : vector<16xf32>
    %select_n3A_790 = arith.select %lt3A_787, %mul3A_788, %div3A_789 : vector<16xi1>, vector<16xf32>
    %swap3A_791 = arith.constant 1 : i32
    %swap3A_792 = arith.index_cast %swap3A_791 : i32 to index
    %swap3A_793 = arith.constant 48 : index
    %swap3A_794 = tpu.vector_load %arg7[%swap3A_792, %swap3A_793] {strides = array<i32>} : memref<4x128xf32, #tpu.memory_space<vmem>>, vector<1x16xf32>,
    %swap3A_795 = vector.shape_cast %swap3A_794 : vector<1x16xf32> to vector<16xf32>
    %swap3A_796 = vector.shape_cast %select_n3A_790 : vector<16xf32> to vector<1x16xf32>
    tpu.vector_store %arg7[%swap3A_792, %swap3A_793], %swap3A_796 {strides = array<i32>} : memref<4x128xf32, #tpu.memory_space<vmem>>, vector<1x16xf32>,
    %get3A_797 = arith.constant 1 : i32
    %get3A_798 = arith.index_cast %get3A_797 : i32 to index
    %get3A_799 = arith.constant 64 : index
    %get3A_800 = tpu.vector_load %arg7[%get3A_798, %get3A_799] {strides = array<i32>} : memref<4x128xf32, #tpu.memory_space<vmem>>, vector<1x16xf32>,
    %get3A_801 = vector.shape_cast %get3A_800 : vector<1x16xf32> to vector<16xf32>
    %lt3A_802 = arith.constant 0.000000e+00 : f32
    %lt3A_803 = vector.broadcast %lt3A_802 : f32 to vector<16xf32>
    %lt3A_804 = arith.cmpf olt, %get3A_801, %lt3A_803 : vector<16xf32>
    %mul3A_805 = arith.mulf %get3A_801, %get3A_92 : vector<16xf32>
    %div3A_806 = arith.divf %get3A_801, %get3A_92 : vector<16xf32>
    %select_n3A_807 = arith.select %lt3A_804, %mul3A_805, %div3A_806 : vector<16xi1>, vector<16xf32>
    %swap3A_808 = arith.constant 1 : i32
    %swap3A_809 = arith.index_cast %swap3A_808 : i32 to index
    %swap3A_810 = arith.constant 64 : index
    %swap3A_811 = tpu.vector_load %arg7[%swap3A_809, %swap3A_810] {strides = array<i32>} : memref<4x128xf32, #tpu.memory_space<vmem>>, vector<1x16xf32>,
    %swap3A_812 = vector.shape_cast %swap3A_811 : vector<1x16xf32> to vector<16xf32>
    %swap3A_813 = vector.shape_cast %select_n3A_807 : vector<16xf32> to vector<1x16xf32>
    tpu.vector_store %arg7[%swap3A_809, %swap3A_810], %swap3A_813 {strides = array<i32>} : memref<4x128xf32, #tpu.memory_space<vmem>>, vector<1x16xf32>,
    %get3A_814 = arith.constant 1 : i32
    %get3A_815 = arith.index_cast %get3A_814 : i32 to index
    %get3A_816 = arith.constant 80 : index
    %get3A_817 = tpu.vector_load %arg7[%get3A_815, %get3A_816] {strides = array<i32>} : memref<4x128xf32, #tpu.memory_space<vmem>>, vector<1x16xf32>,
    %get3A_818 = vector.shape_cast %get3A_817 : vector<1x16xf32> to vector<16xf32>
    %lt3A_819 = arith.constant 0.000000e+00 : f32
    %lt3A_820 = vector.broadcast %lt3A_819 : f32 to vector<16xf32>
    %lt3A_821 = arith.cmpf olt, %get3A_818, %lt3A_820 : vector<16xf32>
    %mul3A_822 = arith.mulf %get3A_818, %get3A_92 : vector<16xf32>
    %div3A_823 = arith.divf %get3A_818, %get3A_92 : vector<16xf32>
    %select_n3A_824 = arith.select %lt3A_821, %mul3A_822, %div3A_823 : vector<16xi1>, vector<16xf32>
    %swap3A_825 = arith.constant 1 : i32
    %swap3A_826 = arith.index_cast %swap3A_825 : i32 to index
    %swap3A_827 = arith.constant 80 : index
    %swap3A_828 = tpu.vector_load %arg7[%swap3A_826, %swap3A_827] {strides = array<i32>} : memref<4x128xf32, #tpu.memory_space<vmem>>, vector<1x16xf32>,
    %swap3A_829 = vector.shape_cast %swap3A_828 : vector<1x16xf32> to vector<16xf32>
    %swap3A_830 = vector.shape_cast %select_n3A_824 : vector<16xf32> to vector<1x16xf32>
    tpu.vector_store %arg7[%swap3A_826, %swap3A_827], %swap3A_830 {strides = array<i32>} : memref<4x128xf32, #tpu.memory_space<vmem>>, vector<1x16xf32>,
    %get3A_831 = arith.constant 1 : i32
    %get3A_832 = arith.index_cast %get3A_831 : i32 to index
    %get3A_833 = arith.constant 96 : index
    %get3A_834 = tpu.vector_load %arg7[%get3A_832, %get3A_833] {strides = array<i32>} : memref<4x128xf32, #tpu.memory_space<vmem>>, vector<1x16xf32>,
    %get3A_835 = vector.shape_cast %get3A_834 : vector<1x16xf32> to vector<16xf32>
    %lt3A_836 = arith.constant 0.000000e+00 : f32
    %lt3A_837 = vector.broadcast %lt3A_836 : f32 to vector<16xf32>
    %lt3A_838 = arith.cmpf olt, %get3A_835, %lt3A_837 : vector<16xf32>
    %mul3A_839 = arith.mulf %get3A_835, %get3A_92 : vector<16xf32>
    %div3A_840 = arith.divf %get3A_835, %get3A_92 : vector<16xf32>
    %select_n3A_841 = arith.select %lt3A_838, %mul3A_839, %div3A_840 : vector<16xi1>, vector<16xf32>
    %swap3A_842 = arith.constant 1 : i32
    %swap3A_843 = arith.index_cast %swap3A_842 : i32 to index
    %swap3A_844 = arith.constant 96 : index
    %swap3A_845 = tpu.vector_load %arg7[%swap3A_843, %swap3A_844] {strides = array<i32>} : memref<4x128xf32, #tpu.memory_space<vmem>>, vector<1x16xf32>,
    %swap3A_846 = vector.shape_cast %swap3A_845 : vector<1x16xf32> to vector<16xf32>
    %swap3A_847 = vector.shape_cast %select_n3A_841 : vector<16xf32> to vector<1x16xf32>
    tpu.vector_store %arg7[%swap3A_843, %swap3A_844], %swap3A_847 {strides = array<i32>} : memref<4x128xf32, #tpu.memory_space<vmem>>, vector<1x16xf32>,
    %get3A_848 = arith.constant 1 : i32
    %get3A_849 = arith.index_cast %get3A_848 : i32 to index
    %get3A_850 = arith.constant 112 : index
    %get3A_851 = tpu.vector_load %arg7[%get3A_849, %get3A_850] {strides = array<i32>} : memref<4x128xf32, #tpu.memory_space<vmem>>, vector<1x16xf32>,
    %get3A_852 = vector.shape_cast %get3A_851 : vector<1x16xf32> to vector<16xf32>
    %lt3A_853 = arith.constant 0.000000e+00 : f32
    %lt3A_854 = vector.broadcast %lt3A_853 : f32 to vector<16xf32>
    %lt3A_855 = arith.cmpf olt, %get3A_852, %lt3A_854 : vector<16xf32>
    %mul3A_856 = arith.mulf %get3A_852, %get3A_92 : vector<16xf32>
    %div3A_857 = arith.divf %get3A_852, %get3A_92 : vector<16xf32>
    %select_n3A_858 = arith.select %lt3A_855, %mul3A_856, %div3A_857 : vector<16xi1>, vector<16xf32>
    %swap3A_859 = arith.constant 1 : i32
    %swap3A_860 = arith.index_cast %swap3A_859 : i32 to index
    %swap3A_861 = arith.constant 112 : index
    %swap3A_862 = tpu.vector_load %arg7[%swap3A_860, %swap3A_861] {strides = array<i32>} : memref<4x128xf32, #tpu.memory_space<vmem>>, vector<1x16xf32>,
    %swap3A_863 = vector.shape_cast %swap3A_862 : vector<1x16xf32> to vector<16xf32>
    %swap3A_864 = vector.shape_cast %select_n3A_858 : vector<16xf32> to vector<1x16xf32>
    tpu.vector_store %arg7[%swap3A_860, %swap3A_861], %swap3A_864 {strides = array<i32>} : memref<4x128xf32, #tpu.memory_space<vmem>>, vector<1x16xf32>,
    %get3A_865 = arith.constant 2 : i32
    %get3A_866 = arith.index_cast %get3A_865 : i32 to index
    %get3A_867 = arith.constant 0 : index
    %get3A_868 = tpu.vector_load %arg7[%get3A_866, %get3A_867] {strides = array<i32>} : memref<4x128xf32, #tpu.memory_space<vmem>>, vector<1x16xf32>,
    %get3A_869 = vector.shape_cast %get3A_868 : vector<1x16xf32> to vector<16xf32>
    %lt3A_870 = arith.constant 0.000000e+00 : f32
    %lt3A_871 = vector.broadcast %lt3A_870 : f32 to vector<16xf32>
    %lt3A_872 = arith.cmpf olt, %get3A_869, %lt3A_871 : vector<16xf32>
    %mul3A_873 = arith.mulf %get3A_869, %get3A_92 : vector<16xf32>
    %div3A_874 = arith.divf %get3A_869, %get3A_92 : vector<16xf32>
    %select_n3A_875 = arith.select %lt3A_872, %mul3A_873, %div3A_874 : vector<16xi1>, vector<16xf32>
    %swap3A_876 = arith.constant 2 : i32
    %swap3A_877 = arith.index_cast %swap3A_876 : i32 to index
    %swap3A_878 = arith.constant 0 : index
    %swap3A_879 = tpu.vector_load %arg7[%swap3A_877, %swap3A_878] {strides = array<i32>} : memref<4x128xf32, #tpu.memory_space<vmem>>, vector<1x16xf32>,
    %swap3A_880 = vector.shape_cast %swap3A_879 : vector<1x16xf32> to vector<16xf32>
    %swap3A_881 = vector.shape_cast %select_n3A_875 : vector<16xf32> to vector<1x16xf32>
    tpu.vector_store %arg7[%swap3A_877, %swap3A_878], %swap3A_881 {strides = array<i32>} : memref<4x128xf32, #tpu.memory_space<vmem>>, vector<1x16xf32>,
    %get3A_882 = arith.constant 2 : i32
    %get3A_883 = arith.index_cast %get3A_882 : i32 to index
    %get3A_884 = arith.constant 16 : index
    %get3A_885 = tpu.vector_load %arg7[%get3A_883, %get3A_884] {strides = array<i32>} : memref<4x128xf32, #tpu.memory_space<vmem>>, vector<1x16xf32>,
    %get3A_886 = vector.shape_cast %get3A_885 : vector<1x16xf32> to vector<16xf32>
    %lt3A_887 = arith.constant 0.000000e+00 : f32
    %lt3A_888 = vector.broadcast %lt3A_887 : f32 to vector<16xf32>
    %lt3A_889 = arith.cmpf olt, %get3A_886, %lt3A_888 : vector<16xf32>
    %mul3A_890 = arith.mulf %get3A_886, %get3A_92 : vector<16xf32>
    %div3A_891 = arith.divf %get3A_886, %get3A_92 : vector<16xf32>
    %select_n3A_892 = arith.select %lt3A_889, %mul3A_890, %div3A_891 : vector<16xi1>, vector<16xf32>
    %swap3A_893 = arith.constant 2 : i32
    %swap3A_894 = arith.index_cast %swap3A_893 : i32 to index
    %swap3A_895 = arith.constant 16 : index
    %swap3A_896 = tpu.vector_load %arg7[%swap3A_894, %swap3A_895] {strides = array<i32>} : memref<4x128xf32, #tpu.memory_space<vmem>>, vector<1x16xf32>,
    %swap3A_897 = vector.shape_cast %swap3A_896 : vector<1x16xf32> to vector<16xf32>
    %swap3A_898 = vector.shape_cast %select_n3A_892 : vector<16xf32> to vector<1x16xf32>
    tpu.vector_store %arg7[%swap3A_894, %swap3A_895], %swap3A_898 {strides = array<i32>} : memref<4x128xf32, #tpu.memory_space<vmem>>, vector<1x16xf32>,
    %get3A_899 = arith.constant 2 : i32
    %get3A_900 = arith.index_cast %get3A_899 : i32 to index
    %get3A_901 = arith.constant 32 : index
    %get3A_902 = tpu.vector_load %arg7[%get3A_900, %get3A_901] {strides = array<i32>} : memref<4x128xf32, #tpu.memory_space<vmem>>, vector<1x16xf32>,
    %get3A_903 = vector.shape_cast %get3A_902 : vector<1x16xf32> to vector<16xf32>
    %lt3A_904 = arith.constant 0.000000e+00 : f32
    %lt3A_905 = vector.broadcast %lt3A_904 : f32 to vector<16xf32>
    %lt3A_906 = arith.cmpf olt, %get3A_903, %lt3A_905 : vector<16xf32>
    %mul3A_907 = arith.mulf %get3A_903, %get3A_92 : vector<16xf32>
    %div3A_908 = arith.divf %get3A_903, %get3A_92 : vector<16xf32>
    %select_n3A_909 = arith.select %lt3A_906, %mul3A_907, %div3A_908 : vector<16xi1>, vector<16xf32>
    %swap3A_910 = arith.constant 2 : i32
    %swap3A_911 = arith.index_cast %swap3A_910 : i32 to index
    %swap3A_912 = arith.constant 32 : index
    %swap3A_913 = tpu.vector_load %arg7[%swap3A_911, %swap3A_912] {strides = array<i32>} : memref<4x128xf32, #tpu.memory_space<vmem>>, vector<1x16xf32>,
    %swap3A_914 = vector.shape_cast %swap3A_913 : vector<1x16xf32> to vector<16xf32>
    %swap3A_915 = vector.shape_cast %select_n3A_909 : vector<16xf32> to vector<1x16xf32>
    tpu.vector_store %arg7[%swap3A_911, %swap3A_912], %swap3A_915 {strides = array<i32>} : memref<4x128xf32, #tpu.memory_space<vmem>>, vector<1x16xf32>,
    %get3A_916 = arith.constant 2 : i32
    %get3A_917 = arith.index_cast %get3A_916 : i32 to index
    %get3A_918 = arith.constant 48 : index
    %get3A_919 = tpu.vector_load %arg7[%get3A_917, %get3A_918] {strides = array<i32>} : memref<4x128xf32, #tpu.memory_space<vmem>>, vector<1x16xf32>,
    %get3A_920 = vector.shape_cast %get3A_919 : vector<1x16xf32> to vector<16xf32>
    %lt3A_921 = arith.constant 0.000000e+00 : f32
    %lt3A_922 = vector.broadcast %lt3A_921 : f32 to vector<16xf32>
    %lt3A_923 = arith.cmpf olt, %get3A_920, %lt3A_922 : vector<16xf32>
    %mul3A_924 = arith.mulf %get3A_920, %get3A_92 : vector<16xf32>
    %div3A_925 = arith.divf %get3A_920, %get3A_92 : vector<16xf32>
    %select_n3A_926 = arith.select %lt3A_923, %mul3A_924, %div3A_925 : vector<16xi1>, vector<16xf32>
    %swap3A_927 = arith.constant 2 : i32
    %swap3A_928 = arith.index_cast %swap3A_927 : i32 to index
    %swap3A_929 = arith.constant 48 : index
    %swap3A_930 = tpu.vector_load %arg7[%swap3A_928, %swap3A_929] {strides = array<i32>} : memref<4x128xf32, #tpu.memory_space<vmem>>, vector<1x16xf32>,
    %swap3A_931 = vector.shape_cast %swap3A_930 : vector<1x16xf32> to vector<16xf32>
    %swap3A_932 = vector.shape_cast %select_n3A_926 : vector<16xf32> to vector<1x16xf32>
    tpu.vector_store %arg7[%swap3A_928, %swap3A_929], %swap3A_932 {strides = array<i32>} : memref<4x128xf32, #tpu.memory_space<vmem>>, vector<1x16xf32>,
    %get3A_933 = arith.constant 2 : i32
    %get3A_934 = arith.index_cast %get3A_933 : i32 to index
    %get3A_935 = arith.constant 64 : index
    %get3A_936 = tpu.vector_load %arg7[%get3A_934, %get3A_935] {strides = array<i32>} : memref<4x128xf32, #tpu.memory_space<vmem>>, vector<1x16xf32>,
    %get3A_937 = vector.shape_cast %get3A_936 : vector<1x16xf32> to vector<16xf32>
    %lt3A_938 = arith.constant 0.000000e+00 : f32
    %lt3A_939 = vector.broadcast %lt3A_938 : f32 to vector<16xf32>
    %lt3A_940 = arith.cmpf olt, %get3A_937, %lt3A_939 : vector<16xf32>
    %mul3A_941 = arith.mulf %get3A_937, %get3A_92 : vector<16xf32>
    %div3A_942 = arith.divf %get3A_937, %get3A_92 : vector<16xf32>
    %select_n3A_943 = arith.select %lt3A_940, %mul3A_941, %div3A_942 : vector<16xi1>, vector<16xf32>
    %swap3A_944 = arith.constant 2 : i32
    %swap3A_945 = arith.index_cast %swap3A_944 : i32 to index
    %swap3A_946 = arith.constant 64 : index
    %swap3A_947 = tpu.vector_load %arg7[%swap3A_945, %swap3A_946] {strides = array<i32>} : memref<4x128xf32, #tpu.memory_space<vmem>>, vector<1x16xf32>,
    %swap3A_948 = vector.shape_cast %swap3A_947 : vector<1x16xf32> to vector<16xf32>
    %swap3A_949 = vector.shape_cast %select_n3A_943 : vector<16xf32> to vector<1x16xf32>
    tpu.vector_store %arg7[%swap3A_945, %swap3A_946], %swap3A_949 {strides = array<i32>} : memref<4x128xf32, #tpu.memory_space<vmem>>, vector<1x16xf32>,
    %get3A_950 = arith.constant 2 : i32
    %get3A_951 = arith.index_cast %get3A_950 : i32 to index
    %get3A_952 = arith.constant 80 : index
    %get3A_953 = tpu.vector_load %arg7[%get3A_951, %get3A_952] {strides = array<i32>} : memref<4x128xf32, #tpu.memory_space<vmem>>, vector<1x16xf32>,
    %get3A_954 = vector.shape_cast %get3A_953 : vector<1x16xf32> to vector<16xf32>
    %lt3A_955 = arith.constant 0.000000e+00 : f32
    %lt3A_956 = vector.broadcast %lt3A_955 : f32 to vector<16xf32>
    %lt3A_957 = arith.cmpf olt, %get3A_954, %lt3A_956 : vector<16xf32>
    %mul3A_958 = arith.mulf %get3A_954, %get3A_92 : vector<16xf32>
    %div3A_959 = arith.divf %get3A_954, %get3A_92 : vector<16xf32>
    %select_n3A_960 = arith.select %lt3A_957, %mul3A_958, %div3A_959 : vector<16xi1>, vector<16xf32>
    %swap3A_961 = arith.constant 2 : i32
    %swap3A_962 = arith.index_cast %swap3A_961 : i32 to index
    %swap3A_963 = arith.constant 80 : index
    %swap3A_964 = tpu.vector_load %arg7[%swap3A_962, %swap3A_963] {strides = array<i32>} : memref<4x128xf32, #tpu.memory_space<vmem>>, vector<1x16xf32>,
    %swap3A_965 = vector.shape_cast %swap3A_964 : vector<1x16xf32> to vector<16xf32>
    %swap3A_966 = vector.shape_cast %select_n3A_960 : vector<16xf32> to vector<1x16xf32>
    tpu.vector_store %arg7[%swap3A_962, %swap3A_963], %swap3A_966 {strides = array<i32>} : memref<4x128xf32, #tpu.memory_space<vmem>>, vector<1x16xf32>,
    %get3A_967 = arith.constant 2 : i32
    %get3A_968 = arith.index_cast %get3A_967 : i32 to index
    %get3A_969 = arith.constant 96 : index
    %get3A_970 = tpu.vector_load %arg7[%get3A_968, %get3A_969] {strides = array<i32>} : memref<4x128xf32, #tpu.memory_space<vmem>>, vector<1x16xf32>,
    %get3A_971 = vector.shape_cast %get3A_970 : vector<1x16xf32> to vector<16xf32>
    %lt3A_972 = arith.constant 0.000000e+00 : f32
    %lt3A_973 = vector.broadcast %lt3A_972 : f32 to vector<16xf32>
    %lt3A_974 = arith.cmpf olt, %get3A_971, %lt3A_973 : vector<16xf32>
    %mul3A_975 = arith.mulf %get3A_971, %get3A_92 : vector<16xf32>
    %div3A_976 = arith.divf %get3A_971, %get3A_92 : vector<16xf32>
    %select_n3A_977 = arith.select %lt3A_974, %mul3A_975, %div3A_976 : vector<16xi1>, vector<16xf32>
    %swap3A_978 = arith.constant 2 : i32
    %swap3A_979 = arith.index_cast %swap3A_978 : i32 to index
    %swap3A_980 = arith.constant 96 : index
    %swap3A_981 = tpu.vector_load %arg7[%swap3A_979, %swap3A_980] {strides = array<i32>} : memref<4x128xf32, #tpu.memory_space<vmem>>, vector<1x16xf32>,
    %swap3A_982 = vector.shape_cast %swap3A_981 : vector<1x16xf32> to vector<16xf32>
    %swap3A_983 = vector.shape_cast %select_n3A_977 : vector<16xf32> to vector<1x16xf32>
    tpu.vector_store %arg7[%swap3A_979, %swap3A_980], %swap3A_983 {strides = array<i32>} : memref<4x128xf32, #tpu.memory_space<vmem>>, vector<1x16xf32>,
    %get3A_984 = arith.constant 2 : i32
    %get3A_985 = arith.index_cast %get3A_984 : i32 to index
    %get3A_986 = arith.constant 112 : index
    %get3A_987 = tpu.vector_load %arg7[%get3A_985, %get3A_986] {strides = array<i32>} : memref<4x128xf32, #tpu.memory_space<vmem>>, vector<1x16xf32>,
    %get3A_988 = vector.shape_cast %get3A_987 : vector<1x16xf32> to vector<16xf32>
    %lt3A_989 = arith.constant 0.000000e+00 : f32
    %lt3A_990 = vector.broadcast %lt3A_989 : f32 to vector<16xf32>
    %lt3A_991 = arith.cmpf olt, %get3A_988, %lt3A_990 : vector<16xf32>
    %mul3A_992 = arith.mulf %get3A_988, %get3A_92 : vector<16xf32>
    %div3A_993 = arith.divf %get3A_988, %get3A_92 : vector<16xf32>
    %select_n3A_994 = arith.select %lt3A_991, %mul3A_992, %div3A_993 : vector<16xi1>, vector<16xf32>
    %swap3A_995 = arith.constant 2 : i32
    %swap3A_996 = arith.index_cast %swap3A_995 : i32 to index
    %swap3A_997 = arith.constant 112 : index
    %swap3A_998 = tpu.vector_load %arg7[%swap3A_996, %swap3A_997] {strides = array<i32>} : memref<4x128xf32, #tpu.memory_space<vmem>>, vector<1x16xf32>,
    %swap3A_999 = vector.shape_cast %swap3A_998 : vector<1x16xf32> to vector<16xf32>
    %swap3A_1000 = vector.shape_cast %select_n3A_994 : vector<16xf32> to vector<1x16xf32>
    tpu.vector_store %arg7[%swap3A_996, %swap3A_997], %swap3A_1000 {strides = array<i32>} : memref<4x128xf32, #tpu.memory_space<vmem>>, vector<1x16xf32>,
    %get3A_1001 = arith.constant 3 : i32
    %get3A_1002 = arith.index_cast %get3A_1001 : i32 to index
    %get3A_1003 = arith.constant 0 : index
    %get3A_1004 = tpu.vector_load %arg7[%get3A_1002, %get3A_1003] {strides = array<i32>} : memref<4x128xf32, #tpu.memory_space<vmem>>, vector<1x16xf32>,
    %get3A_1005 = vector.shape_cast %get3A_1004 : vector<1x16xf32> to vector<16xf32>
    %lt3A_1006 = arith.constant 0.000000e+00 : f32
    %lt3A_1007 = vector.broadcast %lt3A_1006 : f32 to vector<16xf32>
    %lt3A_1008 = arith.cmpf olt, %get3A_1005, %lt3A_1007 : vector<16xf32>
    %mul3A_1009 = arith.mulf %get3A_1005, %get3A_92 : vector<16xf32>
    %div3A_1010 = arith.divf %get3A_1005, %get3A_92 : vector<16xf32>
    %select_n3A_1011 = arith.select %lt3A_1008, %mul3A_1009, %div3A_1010 : vector<16xi1>, vector<16xf32>
    %swap3A_1012 = arith.constant 3 : i32
    %swap3A_1013 = arith.index_cast %swap3A_1012 : i32 to index
    %swap3A_1014 = arith.constant 0 : index
    %swap3A_1015 = tpu.vector_load %arg7[%swap3A_1013, %swap3A_1014] {strides = array<i32>} : memref<4x128xf32, #tpu.memory_space<vmem>>, vector<1x16xf32>,
    %swap3A_1016 = vector.shape_cast %swap3A_1015 : vector<1x16xf32> to vector<16xf32>
    %swap3A_1017 = vector.shape_cast %select_n3A_1011 : vector<16xf32> to vector<1x16xf32>
    tpu.vector_store %arg7[%swap3A_1013, %swap3A_1014], %swap3A_1017 {strides = array<i32>} : memref<4x128xf32, #tpu.memory_space<vmem>>, vector<1x16xf32>,
    %get3A_1018 = arith.constant 3 : i32
    %get3A_1019 = arith.index_cast %get3A_1018 : i32 to index
    %get3A_1020 = arith.constant 16 : index
    %get3A_1021 = tpu.vector_load %arg7[%get3A_1019, %get3A_1020] {strides = array<i32>} : memref<4x128xf32, #tpu.memory_space<vmem>>, vector<1x16xf32>,
    %get3A_1022 = vector.shape_cast %get3A_1021 : vector<1x16xf32> to vector<16xf32>
    %lt3A_1023 = arith.constant 0.000000e+00 : f32
    %lt3A_1024 = vector.broadcast %lt3A_1023 : f32 to vector<16xf32>
    %lt3A_1025 = arith.cmpf olt, %get3A_1022, %lt3A_1024 : vector<16xf32>
    %mul3A_1026 = arith.mulf %get3A_1022, %get3A_92 : vector<16xf32>
    %div3A_1027 = arith.divf %get3A_1022, %get3A_92 : vector<16xf32>
    %select_n3A_1028 = arith.select %lt3A_1025, %mul3A_1026, %div3A_1027 : vector<16xi1>, vector<16xf32>
    %swap3A_1029 = arith.constant 3 : i32
    %swap3A_1030 = arith.index_cast %swap3A_1029 : i32 to index
    %swap3A_1031 = arith.constant 16 : index
    %swap3A_1032 = tpu.vector_load %arg7[%swap3A_1030, %swap3A_1031] {strides = array<i32>} : memref<4x128xf32, #tpu.memory_space<vmem>>, vector<1x16xf32>,
    %swap3A_1033 = vector.shape_cast %swap3A_1032 : vector<1x16xf32> to vector<16xf32>
    %swap3A_1034 = vector.shape_cast %select_n3A_1028 : vector<16xf32> to vector<1x16xf32>
    tpu.vector_store %arg7[%swap3A_1030, %swap3A_1031], %swap3A_1034 {strides = array<i32>} : memref<4x128xf32, #tpu.memory_space<vmem>>, vector<1x16xf32>,
    %get3A_1035 = arith.constant 3 : i32
    %get3A_1036 = arith.index_cast %get3A_1035 : i32 to index
    %get3A_1037 = arith.constant 32 : index
    %get3A_1038 = tpu.vector_load %arg7[%get3A_1036, %get3A_1037] {strides = array<i32>} : memref<4x128xf32, #tpu.memory_space<vmem>>, vector<1x16xf32>,
    %get3A_1039 = vector.shape_cast %get3A_1038 : vector<1x16xf32> to vector<16xf32>
    %lt3A_1040 = arith.constant 0.000000e+00 : f32
    %lt3A_1041 = vector.broadcast %lt3A_1040 : f32 to vector<16xf32>
    %lt3A_1042 = arith.cmpf olt, %get3A_1039, %lt3A_1041 : vector<16xf32>
    %mul3A_1043 = arith.mulf %get3A_1039, %get3A_92 : vector<16xf32>
    %div3A_1044 = arith.divf %get3A_1039, %get3A_92 : vector<16xf32>
    %select_n3A_1045 = arith.select %lt3A_1042, %mul3A_1043, %div3A_1044 : vector<16xi1>, vector<16xf32>
    %swap3A_1046 = arith.constant 3 : i32
    %swap3A_1047 = arith.index_cast %swap3A_1046 : i32 to index
    %swap3A_1048 = arith.constant 32 : index
    %swap3A_1049 = tpu.vector_load %arg7[%swap3A_1047, %swap3A_1048] {strides = array<i32>} : memref<4x128xf32, #tpu.memory_space<vmem>>, vector<1x16xf32>,
    %swap3A_1050 = vector.shape_cast %swap3A_1049 : vector<1x16xf32> to vector<16xf32>
    %swap3A_1051 = vector.shape_cast %select_n3A_1045 : vector<16xf32> to vector<1x16xf32>
    tpu.vector_store %arg7[%swap3A_1047, %swap3A_1048], %swap3A_1051 {strides = array<i32>} : memref<4x128xf32, #tpu.memory_space<vmem>>, vector<1x16xf32>,
    %get3A_1052 = arith.constant 3 : i32
    %get3A_1053 = arith.index_cast %get3A_1052 : i32 to index
    %get3A_1054 = arith.constant 48 : index
    %get3A_1055 = tpu.vector_load %arg7[%get3A_1053, %get3A_1054] {strides = array<i32>} : memref<4x128xf32, #tpu.memory_space<vmem>>, vector<1x16xf32>,
    %get3A_1056 = vector.shape_cast %get3A_1055 : vector<1x16xf32> to vector<16xf32>
    %lt3A_1057 = arith.constant 0.000000e+00 : f32
    %lt3A_1058 = vector.broadcast %lt3A_1057 : f32 to vector<16xf32>
    %lt3A_1059 = arith.cmpf olt, %get3A_1056, %lt3A_1058 : vector<16xf32>
    %mul3A_1060 = arith.mulf %get3A_1056, %get3A_92 : vector<16xf32>
    %div3A_1061 = arith.divf %get3A_1056, %get3A_92 : vector<16xf32>
    %select_n3A_1062 = arith.select %lt3A_1059, %mul3A_1060, %div3A_1061 : vector<16xi1>, vector<16xf32>
    %swap3A_1063 = arith.constant 3 : i32
    %swap3A_1064 = arith.index_cast %swap3A_1063 : i32 to index
    %swap3A_1065 = arith.constant 48 : index
    %swap3A_1066 = tpu.vector_load %arg7[%swap3A_1064, %swap3A_1065] {strides = array<i32>} : memref<4x128xf32, #tpu.memory_space<vmem>>, vector<1x16xf32>,
    %swap3A_1067 = vector.shape_cast %swap3A_1066 : vector<1x16xf32> to vector<16xf32>
    %swap3A_1068 = vector.shape_cast %select_n3A_1062 : vector<16xf32> to vector<1x16xf32>
    tpu.vector_store %arg7[%swap3A_1064, %swap3A_1065], %swap3A_1068 {strides = array<i32>} : memref<4x128xf32, #tpu.memory_space<vmem>>, vector<1x16xf32>,
    %get3A_1069 = arith.constant 3 : i32
    %get3A_1070 = arith.index_cast %get3A_1069 : i32 to index
    %get3A_1071 = arith.constant 64 : index
    %get3A_1072 = tpu.vector_load %arg7[%get3A_1070, %get3A_1071] {strides = array<i32>} : memref<4x128xf32, #tpu.memory_space<vmem>>, vector<1x16xf32>,
    %get3A_1073 = vector.shape_cast %get3A_1072 : vector<1x16xf32> to vector<16xf32>
    %lt3A_1074 = arith.constant 0.000000e+00 : f32
    %lt3A_1075 = vector.broadcast %lt3A_1074 : f32 to vector<16xf32>
    %lt3A_1076 = arith.cmpf olt, %get3A_1073, %lt3A_1075 : vector<16xf32>
    %mul3A_1077 = arith.mulf %get3A_1073, %get3A_92 : vector<16xf32>
    %div3A_1078 = arith.divf %get3A_1073, %get3A_92 : vector<16xf32>
    %select_n3A_1079 = arith.select %lt3A_1076, %mul3A_1077, %div3A_1078 : vector<16xi1>, vector<16xf32>
    %swap3A_1080 = arith.constant 3 : i32
    %swap3A_1081 = arith.index_cast %swap3A_1080 : i32 to index
    %swap3A_1082 = arith.constant 64 : index
    %swap3A_1083 = tpu.vector_load %arg7[%swap3A_1081, %swap3A_1082] {strides = array<i32>} : memref<4x128xf32, #tpu.memory_space<vmem>>, vector<1x16xf32>,
    %swap3A_1084 = vector.shape_cast %swap3A_1083 : vector<1x16xf32> to vector<16xf32>
    %swap3A_1085 = vector.shape_cast %select_n3A_1079 : vector<16xf32> to vector<1x16xf32>
    tpu.vector_store %arg7[%swap3A_1081, %swap3A_1082], %swap3A_1085 {strides = array<i32>} : memref<4x128xf32, #tpu.memory_space<vmem>>, vector<1x16xf32>,
    %get3A_1086 = arith.constant 3 : i32
    %get3A_1087 = arith.index_cast %get3A_1086 : i32 to index
    %get3A_1088 = arith.constant 80 : index
    %get3A_1089 = tpu.vector_load %arg7[%get3A_1087, %get3A_1088] {strides = array<i32>} : memref<4x128xf32, #tpu.memory_space<vmem>>, vector<1x16xf32>,
    %get3A_1090 = vector.shape_cast %get3A_1089 : vector<1x16xf32> to vector<16xf32>
    %lt3A_1091 = arith.constant 0.000000e+00 : f32
    %lt3A_1092 = vector.broadcast %lt3A_1091 : f32 to vector<16xf32>
    %lt3A_1093 = arith.cmpf olt, %get3A_1090, %lt3A_1092 : vector<16xf32>
    %mul3A_1094 = arith.mulf %get3A_1090, %get3A_92 : vector<16xf32>
    %div3A_1095 = arith.divf %get3A_1090, %get3A_92 : vector<16xf32>
    %select_n3A_1096 = arith.select %lt3A_1093, %mul3A_1094, %div3A_1095 : vector<16xi1>, vector<16xf32>
    %swap3A_1097 = arith.constant 3 : i32
    %swap3A_1098 = arith.index_cast %swap3A_1097 : i32 to index
    %swap3A_1099 = arith.constant 80 : index
    %swap3A_1100 = tpu.vector_load %arg7[%swap3A_1098, %swap3A_1099] {strides = array<i32>} : memref<4x128xf32, #tpu.memory_space<vmem>>, vector<1x16xf32>,
    %swap3A_1101 = vector.shape_cast %swap3A_1100 : vector<1x16xf32> to vector<16xf32>
    %swap3A_1102 = vector.shape_cast %select_n3A_1096 : vector<16xf32> to vector<1x16xf32>
    tpu.vector_store %arg7[%swap3A_1098, %swap3A_1099], %swap3A_1102 {strides = array<i32>} : memref<4x128xf32, #tpu.memory_space<vmem>>, vector<1x16xf32>,
    %get3A_1103 = arith.constant 3 : i32
    %get3A_1104 = arith.index_cast %get3A_1103 : i32 to index
    %get3A_1105 = arith.constant 96 : index
    %get3A_1106 = tpu.vector_load %arg7[%get3A_1104, %get3A_1105] {strides = array<i32>} : memref<4x128xf32, #tpu.memory_space<vmem>>, vector<1x16xf32>,
    %get3A_1107 = vector.shape_cast %get3A_1106 : vector<1x16xf32> to vector<16xf32>
    %lt3A_1108 = arith.constant 0.000000e+00 : f32
    %lt3A_1109 = vector.broadcast %lt3A_1108 : f32 to vector<16xf32>
    %lt3A_1110 = arith.cmpf olt, %get3A_1107, %lt3A_1109 : vector<16xf32>
    %mul3A_1111 = arith.mulf %get3A_1107, %get3A_92 : vector<16xf32>
    %div3A_1112 = arith.divf %get3A_1107, %get3A_92 : vector<16xf32>
    %select_n3A_1113 = arith.select %lt3A_1110, %mul3A_1111, %div3A_1112 : vector<16xi1>, vector<16xf32>
    %swap3A_1114 = arith.constant 3 : i32
    %swap3A_1115 = arith.index_cast %swap3A_1114 : i32 to index
    %swap3A_1116 = arith.constant 96 : index
    %swap3A_1117 = tpu.vector_load %arg7[%swap3A_1115, %swap3A_1116] {strides = array<i32>} : memref<4x128xf32, #tpu.memory_space<vmem>>, vector<1x16xf32>,
    %swap3A_1118 = vector.shape_cast %swap3A_1117 : vector<1x16xf32> to vector<16xf32>
    %swap3A_1119 = vector.shape_cast %select_n3A_1113 : vector<16xf32> to vector<1x16xf32>
    tpu.vector_store %arg7[%swap3A_1115, %swap3A_1116], %swap3A_1119 {strides = array<i32>} : memref<4x128xf32, #tpu.memory_space<vmem>>, vector<1x16xf32>,
    %get3A_1120 = arith.constant 3 : i32
    %get3A_1121 = arith.index_cast %get3A_1120 : i32 to index
    %get3A_1122 = arith.constant 112 : index
    %get3A_1123 = tpu.vector_load %arg7[%get3A_1121, %get3A_1122] {strides = array<i32>} : memref<4x128xf32, #tpu.memory_space<vmem>>, vector<1x16xf32>,
    %get3A_1124 = vector.shape_cast %get3A_1123 : vector<1x16xf32> to vector<16xf32>
    %lt3A_1125 = arith.constant 0.000000e+00 : f32
    %lt3A_1126 = vector.broadcast %lt3A_1125 : f32 to vector<16xf32>
    %lt3A_1127 = arith.cmpf olt, %get3A_1124, %lt3A_1126 : vector<16xf32>
    %mul3A_1128 = arith.mulf %get3A_1124, %get3A_92 : vector<16xf32>
    %div3A_1129 = arith.divf %get3A_1124, %get3A_92 : vector<16xf32>
    %select_n3A_1130 = arith.select %lt3A_1127, %mul3A_1128, %div3A_1129 : vector<16xi1>, vector<16xf32>
    %swap3A_1131 = arith.constant 3 : i32
    %swap3A_1132 = arith.index_cast %swap3A_1131 : i32 to index
    %swap3A_1133 = arith.constant 112 : index
    %swap3A_1134 = tpu.vector_load %arg7[%swap3A_1132, %swap3A_1133] {strides = array<i32>} : memref<4x128xf32, #tpu.memory_space<vmem>>, vector<1x16xf32>,
    %swap3A_1135 = vector.shape_cast %swap3A_1134 : vector<1x16xf32> to vector<16xf32>
    %swap3A_1136 = vector.shape_cast %select_n3A_1130 : vector<16xf32> to vector<1x16xf32>
    tpu.vector_store %arg7[%swap3A_1132, %swap3A_1133], %swap3A_1136 {strides = array<i32>} : memref<4x128xf32, #tpu.memory_space<vmem>>, vector<1x16xf32>,
    %dma_wait3A_1137 = tpu.memref_slice %arg5[%add3A_30] : memref<6400000xf32, #tpu.memory_space<hbm>> -> memref<25000xf32, #tpu.memory_space<hbm>>
    %dma_wait3A_1138 = tpu.memref_slice %arg5[%add3A_30] : memref<6400000xf32, #tpu.memory_space<hbm>> -> memref<25000xf32, #tpu.memory_space<hbm>>
    tpu.wait_dma2 semaphore(%arg18 : memref<!tpu.dma_semaphore, #tpu.memory_space<semaphore_mem>>) src(%arg10 : memref<25000xf32, #tpu.memory_space<vmem>>) dst(%dma_wait3A_1138 : memref<25000xf32, #tpu.memory_space<hbm>>)
    %dma_wait3A_1139 = tpu.memref_slice %arg5[%add3A_32] : memref<6400000xf32, #tpu.memory_space<hbm>> -> memref<25000xf32, #tpu.memory_space<hbm>>
    %dma_wait3A_1140 = tpu.memref_slice %arg5[%add3A_32] : memref<6400000xf32, #tpu.memory_space<hbm>> -> memref<25000xf32, #tpu.memory_space<hbm>>
    tpu.wait_dma2 semaphore(%arg19 : memref<!tpu.dma_semaphore, #tpu.memory_space<semaphore_mem>>) src(%arg11 : memref<25000xf32, #tpu.memory_space<vmem>>) dst(%dma_wait3A_1140 : memref<25000xf32, #tpu.memory_space<hbm>>)
    %dma_wait3A_1141 = tpu.memref_slice %arg5[%add3A_34] : memref<6400000xf32, #tpu.memory_space<hbm>> -> memref<25000xf32, #tpu.memory_space<hbm>>
    %dma_wait3A_1142 = tpu.memref_slice %arg5[%add3A_34] : memref<6400000xf32, #tpu.memory_space<hbm>> -> memref<25000xf32, #tpu.memory_space<hbm>>
    tpu.wait_dma2 semaphore(%arg20 : memref<!tpu.dma_semaphore, #tpu.memory_space<semaphore_mem>>) src(%arg12 : memref<25000xf32, #tpu.memory_space<vmem>>) dst(%dma_wait3A_1142 : memref<25000xf32, #tpu.memory_space<hbm>>)
    %dma_wait3A_1143 = tpu.memref_slice %arg5[%add3A_36] : memref<6400000xf32, #tpu.memory_space<hbm>> -> memref<25000xf32, #tpu.memory_space<hbm>>
    %dma_wait3A_1144 = tpu.memref_slice %arg5[%add3A_36] : memref<6400000xf32, #tpu.memory_space<hbm>> -> memref<25000xf32, #tpu.memory_space<hbm>>
    tpu.wait_dma2 semaphore(%arg21 : memref<!tpu.dma_semaphore, #tpu.memory_space<semaphore_mem>>) src(%arg13 : memref<25000xf32, #tpu.memory_space<vmem>>) dst(%dma_wait3A_1144 : memref<25000xf32, #tpu.memory_space<hbm>>)
    %dma_start3A_1145 = arith.constant 0 : i32
    %dma_start3A_1146 = arith.constant 0 : i32
    %dma_start3A_1147 = arith.constant 0 : i32
    %dma_start3A_1148 = tpu.memref_slice %arg7[%dma_start3A_1145, %dma_start3A_1147] : memref<4x128xf32, #tpu.memory_space<vmem>> -> memref<1x128xf32, #tpu.memory_space<vmem>>
    %dma_start3A_1149 = tpu.memref_squeeze %dma_start3A_1148 : memref<1x128xf32, #tpu.memory_space<vmem>> -> memref<128xf32, #tpu.memory_space<vmem>>
    %dma_start3A_1150 = arith.constant 0 : i32
    %dma_start3A_1151 = tpu.memref_slice %arg6[%dma_start3A_1146, %dma_start3A_1150] : memref<4x128xi32, #tpu.memory_space<vmem>> -> memref<1x128xi32, #tpu.memory_space<vmem>>
    %dma_start3A_1152 = tpu.memref_squeeze %dma_start3A_1151 : memref<1x128xi32, #tpu.memory_space<vmem>> -> memref<128xi32, #tpu.memory_space<vmem>>
    %dma_start3A_1153 = arith.constant 0 : i32
    %dma_start3A_1154 = tpu.memref_slice %arg5[%dma_start3A_1153] : memref<6400000xf32, #tpu.memory_space<hbm>> -> memref<6400000xf32, #tpu.memory_space<hbm>>
    tpu.enqueue_indirect_dma source(%dma_start3A_1149 : memref<128xf32, #tpu.memory_space<vmem>>) target(%dma_start3A_1154 : memref<6400000xf32, #tpu.memory_space<hbm>>) offsets(%dma_start3A_1152 : memref<128xi32, #tpu.memory_space<vmem>>) semaphore(%arg23 : memref<!tpu.dma_semaphore, #tpu.memory_space<semaphore_mem>>)
    %dma_start3A_1155 = arith.constant 1 : i32
    %dma_start3A_1156 = arith.constant 1 : i32
    %dma_start3A_1157 = arith.constant 0 : i32
    %dma_start3A_1158 = tpu.memref_slice %arg7[%dma_start3A_1155, %dma_start3A_1157] : memref<4x128xf32, #tpu.memory_space<vmem>> -> memref<1x128xf32, #tpu.memory_space<vmem>>
    %dma_start3A_1159 = tpu.memref_squeeze %dma_start3A_1158 : memref<1x128xf32, #tpu.memory_space<vmem>> -> memref<128xf32, #tpu.memory_space<vmem>>
    %dma_start3A_1160 = arith.constant 0 : i32
    %dma_start3A_1161 = tpu.memref_slice %arg6[%dma_start3A_1156, %dma_start3A_1160] : memref<4x128xi32, #tpu.memory_space<vmem>> -> memref<1x128xi32, #tpu.memory_space<vmem>>
    %dma_start3A_1162 = tpu.memref_squeeze %dma_start3A_1161 : memref<1x128xi32, #tpu.memory_space<vmem>> -> memref<128xi32, #tpu.memory_space<vmem>>
    %dma_start3A_1163 = arith.constant 0 : i32
    %dma_start3A_1164 = tpu.memref_slice %arg5[%dma_start3A_1163] : memref<6400000xf32, #tpu.memory_space<hbm>> -> memref<6400000xf32, #tpu.memory_space<hbm>>
    tpu.enqueue_indirect_dma source(%dma_start3A_1159 : memref<128xf32, #tpu.memory_space<vmem>>) target(%dma_start3A_1164 : memref<6400000xf32, #tpu.memory_space<hbm>>) offsets(%dma_start3A_1162 : memref<128xi32, #tpu.memory_space<vmem>>) semaphore(%arg23 : memref<!tpu.dma_semaphore, #tpu.memory_space<semaphore_mem>>)
    %dma_start3A_1165 = arith.constant 2 : i32
    %dma_start3A_1166 = arith.constant 2 : i32
    %dma_start3A_1167 = arith.constant 0 : i32
    %dma_start3A_1168 = tpu.memref_slice %arg7[%dma_start3A_1165, %dma_start3A_1167] : memref<4x128xf32, #tpu.memory_space<vmem>> -> memref<1x128xf32, #tpu.memory_space<vmem>>
    %dma_start3A_1169 = tpu.memref_squeeze %dma_start3A_1168 : memref<1x128xf32, #tpu.memory_space<vmem>> -> memref<128xf32, #tpu.memory_space<vmem>>
    %dma_start3A_1170 = arith.constant 0 : i32
    %dma_start3A_1171 = tpu.memref_slice %arg6[%dma_start3A_1166, %dma_start3A_1170] : memref<4x128xi32, #tpu.memory_space<vmem>> -> memref<1x128xi32, #tpu.memory_space<vmem>>
    %dma_start3A_1172 = tpu.memref_squeeze %dma_start3A_1171 : memref<1x128xi32, #tpu.memory_space<vmem>> -> memref<128xi32, #tpu.memory_space<vmem>>
    %dma_start3A_1173 = arith.constant 0 : i32
    %dma_start3A_1174 = tpu.memref_slice %arg5[%dma_start3A_1173] : memref<6400000xf32, #tpu.memory_space<hbm>> -> memref<6400000xf32, #tpu.memory_space<hbm>>
    tpu.enqueue_indirect_dma source(%dma_start3A_1169 : memref<128xf32, #tpu.memory_space<vmem>>) target(%dma_start3A_1174 : memref<6400000xf32, #tpu.memory_space<hbm>>) offsets(%dma_start3A_1172 : memref<128xi32, #tpu.memory_space<vmem>>) semaphore(%arg23 : memref<!tpu.dma_semaphore, #tpu.memory_space<semaphore_mem>>)
    %dma_start3A_1175 = arith.constant 3 : i32
    %dma_start3A_1176 = arith.constant 3 : i32
    %dma_start3A_1177 = arith.constant 0 : i32
    %dma_start3A_1178 = tpu.memref_slice %arg7[%dma_start3A_1175, %dma_start3A_1177] : memref<4x128xf32, #tpu.memory_space<vmem>> -> memref<1x128xf32, #tpu.memory_space<vmem>>
    %dma_start3A_1179 = tpu.memref_squeeze %dma_start3A_1178 : memref<1x128xf32, #tpu.memory_space<vmem>> -> memref<128xf32, #tpu.memory_space<vmem>>
    %dma_start3A_1180 = arith.constant 0 : i32
    %dma_start3A_1181 = tpu.memref_slice %arg6[%dma_start3A_1176, %dma_start3A_1180] : memref<4x128xi32, #tpu.memory_space<vmem>> -> memref<1x128xi32, #tpu.memory_space<vmem>>
    %dma_start3A_1182 = tpu.memref_squeeze %dma_start3A_1181 : memref<1x128xi32, #tpu.memory_space<vmem>> -> memref<128xi32, #tpu.memory_space<vmem>>
    %dma_start3A_1183 = arith.constant 0 : i32
    %dma_start3A_1184 = tpu.memref_slice %arg5[%dma_start3A_1183] : memref<6400000xf32, #tpu.memory_space<hbm>> -> memref<6400000xf32, #tpu.memory_space<hbm>>
    tpu.enqueue_indirect_dma source(%dma_start3A_1179 : memref<128xf32, #tpu.memory_space<vmem>>) target(%dma_start3A_1184 : memref<6400000xf32, #tpu.memory_space<hbm>>) offsets(%dma_start3A_1182 : memref<128xi32, #tpu.memory_space<vmem>>) semaphore(%arg23 : memref<!tpu.dma_semaphore, #tpu.memory_space<semaphore_mem>>)
    %dma_wait3A_1185 = arith.constant 0 : i32
    %dma_wait3A_1186 = arith.constant 0 : i32
    %dma_wait3A_1187 = arith.constant 0 : i32
    %dma_wait3A_1188 = tpu.memref_slice %arg7[%dma_wait3A_1185, %dma_wait3A_1187] : memref<4x128xf32, #tpu.memory_space<vmem>> -> memref<1x128xf32, #tpu.memory_space<vmem>>
    %dma_wait3A_1189 = tpu.memref_squeeze %dma_wait3A_1188 : memref<1x128xf32, #tpu.memory_space<vmem>> -> memref<128xf32, #tpu.memory_space<vmem>>
    %dma_wait3A_1190 = arith.constant 0 : i32
    %dma_wait3A_1191 = tpu.memref_slice %arg6[%dma_wait3A_1186, %dma_wait3A_1190] : memref<4x128xi32, #tpu.memory_space<vmem>> -> memref<1x128xi32, #tpu.memory_space<vmem>>
    %dma_wait3A_1192 = tpu.memref_squeeze %dma_wait3A_1191 : memref<1x128xi32, #tpu.memory_space<vmem>> -> memref<128xi32, #tpu.memory_space<vmem>>
    %dma_wait3A_1193 = arith.constant 0 : i32
    %dma_wait3A_1194 = tpu.memref_slice %arg5[%dma_wait3A_1193] : memref<6400000xf32, #tpu.memory_space<hbm>> -> memref<6400000xf32, #tpu.memory_space<hbm>>
    tpu.wait_indirect_dma semaphore(%arg23 : memref<!tpu.dma_semaphore, #tpu.memory_space<semaphore_mem>>) src(%dma_wait3A_1189 : memref<128xf32, #tpu.memory_space<vmem>>) dst(%dma_wait3A_1194 : memref<6400000xf32, #tpu.memory_space<hbm>>)
    %dma_wait3A_1195 = arith.constant 1 : i32
    %dma_wait3A_1196 = arith.constant 1 : i32
    %dma_wait3A_1197 = arith.constant 0 : i32
    %dma_wait3A_1198 = tpu.memref_slice %arg7[%dma_wait3A_1195, %dma_wait3A_1197] : memref<4x128xf32, #tpu.memory_space<vmem>> -> memref<1x128xf32, #tpu.memory_space<vmem>>
    %dma_wait3A_1199 = tpu.memref_squeeze %dma_wait3A_1198 : memref<1x128xf32, #tpu.memory_space<vmem>> -> memref<128xf32, #tpu.memory_space<vmem>>
    %dma_wait3A_1200 = arith.constant 0 : i32
    %dma_wait3A_1201 = tpu.memref_slice %arg6[%dma_wait3A_1196, %dma_wait3A_1200] : memref<4x128xi32, #tpu.memory_space<vmem>> -> memref<1x128xi32, #tpu.memory_space<vmem>>
    %dma_wait3A_1202 = tpu.memref_squeeze %dma_wait3A_1201 : memref<1x128xi32, #tpu.memory_space<vmem>> -> memref<128xi32, #tpu.memory_space<vmem>>
    %dma_wait3A_1203 = arith.constant 0 : i32
    %dma_wait3A_1204 = tpu.memref_slice %arg5[%dma_wait3A_1203] : memref<6400000xf32, #tpu.memory_space<hbm>> -> memref<6400000xf32, #tpu.memory_space<hbm>>
    tpu.wait_indirect_dma semaphore(%arg23 : memref<!tpu.dma_semaphore, #tpu.memory_space<semaphore_mem>>) src(%dma_wait3A_1199 : memref<128xf32, #tpu.memory_space<vmem>>) dst(%dma_wait3A_1204 : memref<6400000xf32, #tpu.memory_space<hbm>>)
    %dma_wait3A_1205 = arith.constant 2 : i32
    %dma_wait3A_1206 = arith.constant 2 : i32
    %dma_wait3A_1207 = arith.constant 0 : i32
    %dma_wait3A_1208 = tpu.memref_slice %arg7[%dma_wait3A_1205, %dma_wait3A_1207] : memref<4x128xf32, #tpu.memory_space<vmem>> -> memref<1x128xf32, #tpu.memory_space<vmem>>
    %dma_wait3A_1209 = tpu.memref_squeeze %dma_wait3A_1208 : memref<1x128xf32, #tpu.memory_space<vmem>> -> memref<128xf32, #tpu.memory_space<vmem>>
    %dma_wait3A_1210 = arith.constant 0 : i32
    %dma_wait3A_1211 = tpu.memref_slice %arg6[%dma_wait3A_1206, %dma_wait3A_1210] : memref<4x128xi32, #tpu.memory_space<vmem>> -> memref<1x128xi32, #tpu.memory_space<vmem>>
    %dma_wait3A_1212 = tpu.memref_squeeze %dma_wait3A_1211 : memref<1x128xi32, #tpu.memory_space<vmem>> -> memref<128xi32, #tpu.memory_space<vmem>>
    %dma_wait3A_1213 = arith.constant 0 : i32
    %dma_wait3A_1214 = tpu.memref_slice %arg5[%dma_wait3A_1213] : memref<6400000xf32, #tpu.memory_space<hbm>> -> memref<6400000xf32, #tpu.memory_space<hbm>>
    tpu.wait_indirect_dma semaphore(%arg23 : memref<!tpu.dma_semaphore, #tpu.memory_space<semaphore_mem>>) src(%dma_wait3A_1209 : memref<128xf32, #tpu.memory_space<vmem>>) dst(%dma_wait3A_1214 : memref<6400000xf32, #tpu.memory_space<hbm>>)
    %dma_wait3A_1215 = arith.constant 3 : i32
    %dma_wait3A_1216 = arith.constant 3 : i32
    %dma_wait3A_1217 = arith.constant 0 : i32
    %dma_wait3A_1218 = tpu.memref_slice %arg7[%dma_wait3A_1215, %dma_wait3A_1217] : memref<4x128xf32, #tpu.memory_space<vmem>> -> memref<1x128xf32, #tpu.memory_space<vmem>>
    %dma_wait3A_1219 = tpu.memref_squeeze %dma_wait3A_1218 : memref<1x128xf32, #tpu.memory_space<vmem>> -> memref<128xf32, #tpu.memory_space<vmem>>
    %dma_wait3A_1220 = arith.constant 0 : i32
    %dma_wait3A_1221 = tpu.memref_slice %arg6[%dma_wait3A_1216, %dma_wait3A_1220] : memref<4x128xi32, #tpu.memory_space<vmem>> -> memref<1x128xi32, #tpu.memory_space<vmem>>
    %dma_wait3A_1222 = tpu.memref_squeeze %dma_wait3A_1221 : memref<1x128xi32, #tpu.memory_space<vmem>> -> memref<128xi32, #tpu.memory_space<vmem>>
    %dma_wait3A_1223 = arith.constant 0 : i32
    %dma_wait3A_1224 = tpu.memref_slice %arg5[%dma_wait3A_1223] : memref<6400000xf32, #tpu.memory_space<hbm>> -> memref<6400000xf32, #tpu.memory_space<hbm>>
    tpu.wait_indirect_dma semaphore(%arg23 : memref<!tpu.dma_semaphore, #tpu.memory_space<semaphore_mem>>) src(%dma_wait3A_1219 : memref<128xf32, #tpu.memory_space<vmem>>) dst(%dma_wait3A_1224 : memref<6400000xf32, #tpu.memory_space<hbm>>)
    return
  }
}

module attributes {stable_mosaic.version = 14 : i64} {
  func.func @_tc_body(%arg0: i32, %arg1: memref<1x1xf32, #tpu.memory_space<smem>>, %arg2: memref<1x1xi32, #tpu.memory_space<smem>>, %arg3: memref<8x100000xf32, #tpu.memory_space<vmem>>, %arg4: memref<8x100000xf32, #tpu.memory_space<vmem>>, %arg5: memref<8x1xi32, #tpu.memory_space<vmem>>) attributes {dimension_semantics = [#tpu.dimension_semantics<arbitrary>], iteration_bounds = array<i64: 8>, scalar_prefetch = 0 : i64, scratch_operands = 0 : i64, tpu.core_type = #tpu.core_type<tc>, window_params = [{transform_indices = @transform_0, window_bounds = array<i64: 1, 1>}, {transform_indices = @transform_1, window_bounds = array<i64: 1, 1>}, {transform_indices = @transform_2, window_bounds = array<i64: 8, 100000>}, {transform_indices = @transform_3, window_bounds = array<i64: 8, 100000>}, {transform_indices = @transform_4, window_bounds = array<i64: 8, 1>}]} {
    %get3A = arith.constant 0 : index
    %get3A_0 = arith.constant 0 : index
    %get3A_1 = memref.load %arg2[%get3A, %get3A_0] : memref<1x1xi32, #tpu.memory_space<smem>>
    %broadcast_in_dim3A = arith.constant -2147483648 : i32
    %broadcast_in_dim3A_2 = vector.broadcast %broadcast_in_dim3A : i32 to vector<8x1xi32>
    %broadcast_in_dim3A_3 = arith.constant 0 : i32
    %broadcast_in_dim3A_4 = vector.broadcast %broadcast_in_dim3A_3 : i32 to vector<8x1xi32>
    %ge3A = arith.constant 0 : i32
    %ge3A_5 = vector.broadcast %ge3A : i32 to vector<8x1xi32>
    %ge3A_6 = arith.cmpi sge, %broadcast_in_dim3A_4, %ge3A_5 : vector<8x1xi32>
    %xor3A = arith.constant 2147483647 : i32
    %xor3A_7 = vector.broadcast %xor3A : i32 to vector<8x1xi32>
    %xor3A_8 = arith.xori %broadcast_in_dim3A_4, %xor3A_7 : vector<8x1xi32>
    %select_n3A = arith.select %ge3A_6, %broadcast_in_dim3A_4, %xor3A_8 : vector<8x1xi1>, vector<8x1xi32>
    %bitcast_convert_type3A = tpu.bitcast %select_n3A : vector<8x1xi32> -> vector<8x1xf32>
    %get3A_9 = arith.constant 0 : index
    %get3A_10 = arith.constant 0 : index
    %get3A_11 = vector.load %arg3[%get3A_9, %get3A_10] : memref<8x100000xf32, #tpu.memory_space<vmem>>, vector<8x12800xf32>
    %ge3A_12 = vector.broadcast %bitcast_convert_type3A : vector<8x1xf32> to vector<8x12800xf32>
    %ge3A_13 = arith.cmpf oge, %get3A_11, %ge3A_12 : vector<8x12800xf32>
    %convert_element_type3A = arith.extui %ge3A_13 : vector<8x12800xi1> to vector<8x12800xi32>
    %reduce_sum3A = arith.constant dense<0> : vector<8xi32>
    %reduce_sum3A_14 = vector.multi_reduction <add>, %convert_element_type3A, %reduce_sum3A [1] : vector<8x12800xi32> to vector<8xi32>
    %broadcast_in_dim3A_15 = vector.shape_cast %reduce_sum3A_14 : vector<8xi32> to vector<8x1xi32>
    %get3A_16 = arith.constant 0 : index
    %get3A_17 = arith.constant 12800 : index
    %get3A_18 = vector.load %arg3[%get3A_16, %get3A_17] : memref<8x100000xf32, #tpu.memory_space<vmem>>, vector<8x12800xf32>
    %ge3A_19 = vector.broadcast %bitcast_convert_type3A : vector<8x1xf32> to vector<8x12800xf32>
    %ge3A_20 = arith.cmpf oge, %get3A_18, %ge3A_19 : vector<8x12800xf32>
    %convert_element_type3A_21 = arith.extui %ge3A_20 : vector<8x12800xi1> to vector<8x12800xi32>
    %reduce_sum3A_22 = arith.constant dense<0> : vector<8xi32>
    %reduce_sum3A_23 = vector.multi_reduction <add>, %convert_element_type3A_21, %reduce_sum3A_22 [1] : vector<8x12800xi32> to vector<8xi32>
    %broadcast_in_dim3A_24 = vector.shape_cast %reduce_sum3A_23 : vector<8xi32> to vector<8x1xi32>
    %add3A = arith.addi %broadcast_in_dim3A_15, %broadcast_in_dim3A_24 : vector<8x1xi32>
    %get3A_25 = arith.constant 0 : index
    %get3A_26 = arith.constant 25600 : index
    %get3A_27 = vector.load %arg3[%get3A_25, %get3A_26] : memref<8x100000xf32, #tpu.memory_space<vmem>>, vector<8x12800xf32>
    %ge3A_28 = vector.broadcast %bitcast_convert_type3A : vector<8x1xf32> to vector<8x12800xf32>
    %ge3A_29 = arith.cmpf oge, %get3A_27, %ge3A_28 : vector<8x12800xf32>
    %convert_element_type3A_30 = arith.extui %ge3A_29 : vector<8x12800xi1> to vector<8x12800xi32>
    %reduce_sum3A_31 = arith.constant dense<0> : vector<8xi32>
    %reduce_sum3A_32 = vector.multi_reduction <add>, %convert_element_type3A_30, %reduce_sum3A_31 [1] : vector<8x12800xi32> to vector<8xi32>
    %broadcast_in_dim3A_33 = vector.shape_cast %reduce_sum3A_32 : vector<8xi32> to vector<8x1xi32>
    %add3A_34 = arith.addi %add3A, %broadcast_in_dim3A_33 : vector<8x1xi32>
    %get3A_35 = arith.constant 0 : index
    %get3A_36 = arith.constant 38400 : index
    %get3A_37 = vector.load %arg3[%get3A_35, %get3A_36] : memref<8x100000xf32, #tpu.memory_space<vmem>>, vector<8x12800xf32>
    %ge3A_38 = vector.broadcast %bitcast_convert_type3A : vector<8x1xf32> to vector<8x12800xf32>
    %ge3A_39 = arith.cmpf oge, %get3A_37, %ge3A_38 : vector<8x12800xf32>
    %convert_element_type3A_40 = arith.extui %ge3A_39 : vector<8x12800xi1> to vector<8x12800xi32>
    %reduce_sum3A_41 = arith.constant dense<0> : vector<8xi32>
    %reduce_sum3A_42 = vector.multi_reduction <add>, %convert_element_type3A_40, %reduce_sum3A_41 [1] : vector<8x12800xi32> to vector<8xi32>
    %broadcast_in_dim3A_43 = vector.shape_cast %reduce_sum3A_42 : vector<8xi32> to vector<8x1xi32>
    %add3A_44 = arith.addi %add3A_34, %broadcast_in_dim3A_43 : vector<8x1xi32>
    %get3A_45 = arith.constant 0 : index
    %get3A_46 = arith.constant 51200 : index
    %get3A_47 = vector.load %arg3[%get3A_45, %get3A_46] : memref<8x100000xf32, #tpu.memory_space<vmem>>, vector<8x12800xf32>
    %ge3A_48 = vector.broadcast %bitcast_convert_type3A : vector<8x1xf32> to vector<8x12800xf32>
    %ge3A_49 = arith.cmpf oge, %get3A_47, %ge3A_48 : vector<8x12800xf32>
    %convert_element_type3A_50 = arith.extui %ge3A_49 : vector<8x12800xi1> to vector<8x12800xi32>
    %reduce_sum3A_51 = arith.constant dense<0> : vector<8xi32>
    %reduce_sum3A_52 = vector.multi_reduction <add>, %convert_element_type3A_50, %reduce_sum3A_51 [1] : vector<8x12800xi32> to vector<8xi32>
    %broadcast_in_dim3A_53 = vector.shape_cast %reduce_sum3A_52 : vector<8xi32> to vector<8x1xi32>
    %add3A_54 = arith.addi %add3A_44, %broadcast_in_dim3A_53 : vector<8x1xi32>
    %get3A_55 = arith.constant 0 : index
    %get3A_56 = arith.constant 64000 : index
    %get3A_57 = vector.load %arg3[%get3A_55, %get3A_56] : memref<8x100000xf32, #tpu.memory_space<vmem>>, vector<8x12800xf32>
    %ge3A_58 = vector.broadcast %bitcast_convert_type3A : vector<8x1xf32> to vector<8x12800xf32>
    %ge3A_59 = arith.cmpf oge, %get3A_57, %ge3A_58 : vector<8x12800xf32>
    %convert_element_type3A_60 = arith.extui %ge3A_59 : vector<8x12800xi1> to vector<8x12800xi32>
    %reduce_sum3A_61 = arith.constant dense<0> : vector<8xi32>
    %reduce_sum3A_62 = vector.multi_reduction <add>, %convert_element_type3A_60, %reduce_sum3A_61 [1] : vector<8x12800xi32> to vector<8xi32>
    %broadcast_in_dim3A_63 = vector.shape_cast %reduce_sum3A_62 : vector<8xi32> to vector<8x1xi32>
    %add3A_64 = arith.addi %add3A_54, %broadcast_in_dim3A_63 : vector<8x1xi32>
    %get3A_65 = arith.constant 0 : index
    %get3A_66 = arith.constant 76800 : index
    %get3A_67 = vector.load %arg3[%get3A_65, %get3A_66] : memref<8x100000xf32, #tpu.memory_space<vmem>>, vector<8x12800xf32>
    %ge3A_68 = vector.broadcast %bitcast_convert_type3A : vector<8x1xf32> to vector<8x12800xf32>
    %ge3A_69 = arith.cmpf oge, %get3A_67, %ge3A_68 : vector<8x12800xf32>
    %convert_element_type3A_70 = arith.extui %ge3A_69 : vector<8x12800xi1> to vector<8x12800xi32>
    %reduce_sum3A_71 = arith.constant dense<0> : vector<8xi32>
    %reduce_sum3A_72 = vector.multi_reduction <add>, %convert_element_type3A_70, %reduce_sum3A_71 [1] : vector<8x12800xi32> to vector<8xi32>
    %broadcast_in_dim3A_73 = vector.shape_cast %reduce_sum3A_72 : vector<8xi32> to vector<8x1xi32>
    %add3A_74 = arith.addi %add3A_64, %broadcast_in_dim3A_73 : vector<8x1xi32>
    %get3A_75 = arith.constant 0 : index
    %get3A_76 = arith.constant 89600 : index
    %get3A_77 = vector.load %arg3[%get3A_75, %get3A_76] : memref<8x100000xf32, #tpu.memory_space<vmem>>, vector<8x10400xf32>
    %ge3A_78 = vector.broadcast %bitcast_convert_type3A : vector<8x1xf32> to vector<8x10400xf32>
    %ge3A_79 = arith.cmpf oge, %get3A_77, %ge3A_78 : vector<8x10400xf32>
    %convert_element_type3A_80 = arith.extui %ge3A_79 : vector<8x10400xi1> to vector<8x10400xi32>
    %reduce_sum3A_81 = arith.constant dense<0> : vector<8xi32>
    %reduce_sum3A_82 = vector.multi_reduction <add>, %convert_element_type3A_80, %reduce_sum3A_81 [1] : vector<8x10400xi32> to vector<8xi32>
    %broadcast_in_dim3A_83 = vector.shape_cast %reduce_sum3A_82 : vector<8xi32> to vector<8x1xi32>
    %add3A_84 = arith.addi %add3A_74, %broadcast_in_dim3A_83 : vector<8x1xi32>
    %ge3A_85 = vector.broadcast %get3A_1 : i32 to vector<8x1xi32>
    %ge3A_86 = arith.cmpi sge, %add3A_84, %ge3A_85 : vector<8x1xi32>
    %select_n3A_87 = arith.select %ge3A_86, %broadcast_in_dim3A_4, %broadcast_in_dim3A_2 : vector<8x1xi1>, vector<8x1xi32>
    %or3A = arith.constant 1073741824 : i32
    %or3A_88 = vector.broadcast %or3A : i32 to vector<8x1xi32>
    %or3A_89 = arith.ori %select_n3A_87, %or3A_88 : vector<8x1xi32>
    %ge3A_90 = arith.constant 0 : i32
    %ge3A_91 = vector.broadcast %ge3A_90 : i32 to vector<8x1xi32>
    %ge3A_92 = arith.cmpi sge, %or3A_89, %ge3A_91 : vector<8x1xi32>
    %xor3A_93 = arith.constant 2147483647 : i32
    %xor3A_94 = vector.broadcast %xor3A_93 : i32 to vector<8x1xi32>
    %xor3A_95 = arith.xori %or3A_89, %xor3A_94 : vector<8x1xi32>
    %select_n3A_96 = arith.select %ge3A_92, %or3A_89, %xor3A_95 : vector<8x1xi1>, vector<8x1xi32>
    %bitcast_convert_type3A_97 = tpu.bitcast %select_n3A_96 : vector<8x1xi32> -> vector<8x1xf32>
    %get3A_98 = arith.constant 0 : index
    %get3A_99 = arith.constant 0 : index
    %get3A_100 = vector.load %arg3[%get3A_98, %get3A_99] : memref<8x100000xf32, #tpu.memory_space<vmem>>, vector<8x12800xf32>
    %ge3A_101 = vector.broadcast %bitcast_convert_type3A_97 : vector<8x1xf32> to vector<8x12800xf32>
    %ge3A_102 = arith.cmpf oge, %get3A_100, %ge3A_101 : vector<8x12800xf32>
    %convert_element_type3A_103 = arith.extui %ge3A_102 : vector<8x12800xi1> to vector<8x12800xi32>
    %reduce_sum3A_104 = arith.constant dense<0> : vector<8xi32>
    %reduce_sum3A_105 = vector.multi_reduction <add>, %convert_element_type3A_103, %reduce_sum3A_104 [1] : vector<8x12800xi32> to vector<8xi32>
    %broadcast_in_dim3A_106 = vector.shape_cast %reduce_sum3A_105 : vector<8xi32> to vector<8x1xi32>
    %get3A_107 = arith.constant 0 : index
    %get3A_108 = arith.constant 12800 : index
    %get3A_109 = vector.load %arg3[%get3A_107, %get3A_108] : memref<8x100000xf32, #tpu.memory_space<vmem>>, vector<8x12800xf32>
    %ge3A_110 = vector.broadcast %bitcast_convert_type3A_97 : vector<8x1xf32> to vector<8x12800xf32>
    %ge3A_111 = arith.cmpf oge, %get3A_109, %ge3A_110 : vector<8x12800xf32>
    %convert_element_type3A_112 = arith.extui %ge3A_111 : vector<8x12800xi1> to vector<8x12800xi32>
    %reduce_sum3A_113 = arith.constant dense<0> : vector<8xi32>
    %reduce_sum3A_114 = vector.multi_reduction <add>, %convert_element_type3A_112, %reduce_sum3A_113 [1] : vector<8x12800xi32> to vector<8xi32>
    %broadcast_in_dim3A_115 = vector.shape_cast %reduce_sum3A_114 : vector<8xi32> to vector<8x1xi32>
    %add3A_116 = arith.addi %broadcast_in_dim3A_106, %broadcast_in_dim3A_115 : vector<8x1xi32>
    %get3A_117 = arith.constant 0 : index
    %get3A_118 = arith.constant 25600 : index
    %get3A_119 = vector.load %arg3[%get3A_117, %get3A_118] : memref<8x100000xf32, #tpu.memory_space<vmem>>, vector<8x12800xf32>
    %ge3A_120 = vector.broadcast %bitcast_convert_type3A_97 : vector<8x1xf32> to vector<8x12800xf32>
    %ge3A_121 = arith.cmpf oge, %get3A_119, %ge3A_120 : vector<8x12800xf32>
    %convert_element_type3A_122 = arith.extui %ge3A_121 : vector<8x12800xi1> to vector<8x12800xi32>
    %reduce_sum3A_123 = arith.constant dense<0> : vector<8xi32>
    %reduce_sum3A_124 = vector.multi_reduction <add>, %convert_element_type3A_122, %reduce_sum3A_123 [1] : vector<8x12800xi32> to vector<8xi32>
    %broadcast_in_dim3A_125 = vector.shape_cast %reduce_sum3A_124 : vector<8xi32> to vector<8x1xi32>
    %add3A_126 = arith.addi %add3A_116, %broadcast_in_dim3A_125 : vector<8x1xi32>
    %get3A_127 = arith.constant 0 : index
    %get3A_128 = arith.constant 38400 : index
    %get3A_129 = vector.load %arg3[%get3A_127, %get3A_128] : memref<8x100000xf32, #tpu.memory_space<vmem>>, vector<8x12800xf32>
    %ge3A_130 = vector.broadcast %bitcast_convert_type3A_97 : vector<8x1xf32> to vector<8x12800xf32>
    %ge3A_131 = arith.cmpf oge, %get3A_129, %ge3A_130 : vector<8x12800xf32>
    %convert_element_type3A_132 = arith.extui %ge3A_131 : vector<8x12800xi1> to vector<8x12800xi32>
    %reduce_sum3A_133 = arith.constant dense<0> : vector<8xi32>
    %reduce_sum3A_134 = vector.multi_reduction <add>, %convert_element_type3A_132, %reduce_sum3A_133 [1] : vector<8x12800xi32> to vector<8xi32>
    %broadcast_in_dim3A_135 = vector.shape_cast %reduce_sum3A_134 : vector<8xi32> to vector<8x1xi32>
    %add3A_136 = arith.addi %add3A_126, %broadcast_in_dim3A_135 : vector<8x1xi32>
    %get3A_137 = arith.constant 0 : index
    %get3A_138 = arith.constant 51200 : index
    %get3A_139 = vector.load %arg3[%get3A_137, %get3A_138] : memref<8x100000xf32, #tpu.memory_space<vmem>>, vector<8x12800xf32>
    %ge3A_140 = vector.broadcast %bitcast_convert_type3A_97 : vector<8x1xf32> to vector<8x12800xf32>
    %ge3A_141 = arith.cmpf oge, %get3A_139, %ge3A_140 : vector<8x12800xf32>
    %convert_element_type3A_142 = arith.extui %ge3A_141 : vector<8x12800xi1> to vector<8x12800xi32>
    %reduce_sum3A_143 = arith.constant dense<0> : vector<8xi32>
    %reduce_sum3A_144 = vector.multi_reduction <add>, %convert_element_type3A_142, %reduce_sum3A_143 [1] : vector<8x12800xi32> to vector<8xi32>
    %broadcast_in_dim3A_145 = vector.shape_cast %reduce_sum3A_144 : vector<8xi32> to vector<8x1xi32>
    %add3A_146 = arith.addi %add3A_136, %broadcast_in_dim3A_145 : vector<8x1xi32>
    %get3A_147 = arith.constant 0 : index
    %get3A_148 = arith.constant 64000 : index
    %get3A_149 = vector.load %arg3[%get3A_147, %get3A_148] : memref<8x100000xf32, #tpu.memory_space<vmem>>, vector<8x12800xf32>
    %ge3A_150 = vector.broadcast %bitcast_convert_type3A_97 : vector<8x1xf32> to vector<8x12800xf32>
    %ge3A_151 = arith.cmpf oge, %get3A_149, %ge3A_150 : vector<8x12800xf32>
    %convert_element_type3A_152 = arith.extui %ge3A_151 : vector<8x12800xi1> to vector<8x12800xi32>
    %reduce_sum3A_153 = arith.constant dense<0> : vector<8xi32>
    %reduce_sum3A_154 = vector.multi_reduction <add>, %convert_element_type3A_152, %reduce_sum3A_153 [1] : vector<8x12800xi32> to vector<8xi32>
    %broadcast_in_dim3A_155 = vector.shape_cast %reduce_sum3A_154 : vector<8xi32> to vector<8x1xi32>
    %add3A_156 = arith.addi %add3A_146, %broadcast_in_dim3A_155 : vector<8x1xi32>
    %get3A_157 = arith.constant 0 : index
    %get3A_158 = arith.constant 76800 : index
    %get3A_159 = vector.load %arg3[%get3A_157, %get3A_158] : memref<8x100000xf32, #tpu.memory_space<vmem>>, vector<8x12800xf32>
    %ge3A_160 = vector.broadcast %bitcast_convert_type3A_97 : vector<8x1xf32> to vector<8x12800xf32>
    %ge3A_161 = arith.cmpf oge, %get3A_159, %ge3A_160 : vector<8x12800xf32>
    %convert_element_type3A_162 = arith.extui %ge3A_161 : vector<8x12800xi1> to vector<8x12800xi32>
    %reduce_sum3A_163 = arith.constant dense<0> : vector<8xi32>
    %reduce_sum3A_164 = vector.multi_reduction <add>, %convert_element_type3A_162, %reduce_sum3A_163 [1] : vector<8x12800xi32> to vector<8xi32>
    %broadcast_in_dim3A_165 = vector.shape_cast %reduce_sum3A_164 : vector<8xi32> to vector<8x1xi32>
    %add3A_166 = arith.addi %add3A_156, %broadcast_in_dim3A_165 : vector<8x1xi32>
    %get3A_167 = arith.constant 0 : index
    %get3A_168 = arith.constant 89600 : index
    %get3A_169 = vector.load %arg3[%get3A_167, %get3A_168] : memref<8x100000xf32, #tpu.memory_space<vmem>>, vector<8x10400xf32>
    %ge3A_170 = vector.broadcast %bitcast_convert_type3A_97 : vector<8x1xf32> to vector<8x10400xf32>
    %ge3A_171 = arith.cmpf oge, %get3A_169, %ge3A_170 : vector<8x10400xf32>
    %convert_element_type3A_172 = arith.extui %ge3A_171 : vector<8x10400xi1> to vector<8x10400xi32>
    %reduce_sum3A_173 = arith.constant dense<0> : vector<8xi32>
    %reduce_sum3A_174 = vector.multi_reduction <add>, %convert_element_type3A_172, %reduce_sum3A_173 [1] : vector<8x10400xi32> to vector<8xi32>
    %broadcast_in_dim3A_175 = vector.shape_cast %reduce_sum3A_174 : vector<8xi32> to vector<8x1xi32>
    %add3A_176 = arith.addi %add3A_166, %broadcast_in_dim3A_175 : vector<8x1xi32>
    %ge3A_177 = vector.broadcast %get3A_1 : i32 to vector<8x1xi32>
    %ge3A_178 = arith.cmpi sge, %add3A_176, %ge3A_177 : vector<8x1xi32>
    %select_n3A_179 = arith.select %ge3A_178, %or3A_89, %select_n3A_87 : vector<8x1xi1>, vector<8x1xi32>
    %or3A_180 = arith.constant 536870912 : i32
    %or3A_181 = vector.broadcast %or3A_180 : i32 to vector<8x1xi32>
    %or3A_182 = arith.ori %select_n3A_179, %or3A_181 : vector<8x1xi32>
    %ge3A_183 = arith.constant 0 : i32
    %ge3A_184 = vector.broadcast %ge3A_183 : i32 to vector<8x1xi32>
    %ge3A_185 = arith.cmpi sge, %or3A_182, %ge3A_184 : vector<8x1xi32>
    %xor3A_186 = arith.constant 2147483647 : i32
    %xor3A_187 = vector.broadcast %xor3A_186 : i32 to vector<8x1xi32>
    %xor3A_188 = arith.xori %or3A_182, %xor3A_187 : vector<8x1xi32>
    %select_n3A_189 = arith.select %ge3A_185, %or3A_182, %xor3A_188 : vector<8x1xi1>, vector<8x1xi32>
    %bitcast_convert_type3A_190 = tpu.bitcast %select_n3A_189 : vector<8x1xi32> -> vector<8x1xf32>
    %get3A_191 = arith.constant 0 : index
    %get3A_192 = arith.constant 0 : index
    %get3A_193 = vector.load %arg3[%get3A_191, %get3A_192] : memref<8x100000xf32, #tpu.memory_space<vmem>>, vector<8x12800xf32>
    %ge3A_194 = vector.broadcast %bitcast_convert_type3A_190 : vector<8x1xf32> to vector<8x12800xf32>
    %ge3A_195 = arith.cmpf oge, %get3A_193, %ge3A_194 : vector<8x12800xf32>
    %convert_element_type3A_196 = arith.extui %ge3A_195 : vector<8x12800xi1> to vector<8x12800xi32>
    %reduce_sum3A_197 = arith.constant dense<0> : vector<8xi32>
    %reduce_sum3A_198 = vector.multi_reduction <add>, %convert_element_type3A_196, %reduce_sum3A_197 [1] : vector<8x12800xi32> to vector<8xi32>
    %broadcast_in_dim3A_199 = vector.shape_cast %reduce_sum3A_198 : vector<8xi32> to vector<8x1xi32>
    %get3A_200 = arith.constant 0 : index
    %get3A_201 = arith.constant 12800 : index
    %get3A_202 = vector.load %arg3[%get3A_200, %get3A_201] : memref<8x100000xf32, #tpu.memory_space<vmem>>, vector<8x12800xf32>
    %ge3A_203 = vector.broadcast %bitcast_convert_type3A_190 : vector<8x1xf32> to vector<8x12800xf32>
    %ge3A_204 = arith.cmpf oge, %get3A_202, %ge3A_203 : vector<8x12800xf32>
    %convert_element_type3A_205 = arith.extui %ge3A_204 : vector<8x12800xi1> to vector<8x12800xi32>
    %reduce_sum3A_206 = arith.constant dense<0> : vector<8xi32>
    %reduce_sum3A_207 = vector.multi_reduction <add>, %convert_element_type3A_205, %reduce_sum3A_206 [1] : vector<8x12800xi32> to vector<8xi32>
    %broadcast_in_dim3A_208 = vector.shape_cast %reduce_sum3A_207 : vector<8xi32> to vector<8x1xi32>
    %add3A_209 = arith.addi %broadcast_in_dim3A_199, %broadcast_in_dim3A_208 : vector<8x1xi32>
    %get3A_210 = arith.constant 0 : index
    %get3A_211 = arith.constant 25600 : index
    %get3A_212 = vector.load %arg3[%get3A_210, %get3A_211] : memref<8x100000xf32, #tpu.memory_space<vmem>>, vector<8x12800xf32>
    %ge3A_213 = vector.broadcast %bitcast_convert_type3A_190 : vector<8x1xf32> to vector<8x12800xf32>
    %ge3A_214 = arith.cmpf oge, %get3A_212, %ge3A_213 : vector<8x12800xf32>
    %convert_element_type3A_215 = arith.extui %ge3A_214 : vector<8x12800xi1> to vector<8x12800xi32>
    %reduce_sum3A_216 = arith.constant dense<0> : vector<8xi32>
    %reduce_sum3A_217 = vector.multi_reduction <add>, %convert_element_type3A_215, %reduce_sum3A_216 [1] : vector<8x12800xi32> to vector<8xi32>
    %broadcast_in_dim3A_218 = vector.shape_cast %reduce_sum3A_217 : vector<8xi32> to vector<8x1xi32>
    %add3A_219 = arith.addi %add3A_209, %broadcast_in_dim3A_218 : vector<8x1xi32>
    %get3A_220 = arith.constant 0 : index
    %get3A_221 = arith.constant 38400 : index
    %get3A_222 = vector.load %arg3[%get3A_220, %get3A_221] : memref<8x100000xf32, #tpu.memory_space<vmem>>, vector<8x12800xf32>
    %ge3A_223 = vector.broadcast %bitcast_convert_type3A_190 : vector<8x1xf32> to vector<8x12800xf32>
    %ge3A_224 = arith.cmpf oge, %get3A_222, %ge3A_223 : vector<8x12800xf32>
    %convert_element_type3A_225 = arith.extui %ge3A_224 : vector<8x12800xi1> to vector<8x12800xi32>
    %reduce_sum3A_226 = arith.constant dense<0> : vector<8xi32>
    %reduce_sum3A_227 = vector.multi_reduction <add>, %convert_element_type3A_225, %reduce_sum3A_226 [1] : vector<8x12800xi32> to vector<8xi32>
    %broadcast_in_dim3A_228 = vector.shape_cast %reduce_sum3A_227 : vector<8xi32> to vector<8x1xi32>
    %add3A_229 = arith.addi %add3A_219, %broadcast_in_dim3A_228 : vector<8x1xi32>
    %get3A_230 = arith.constant 0 : index
    %get3A_231 = arith.constant 51200 : index
    %get3A_232 = vector.load %arg3[%get3A_230, %get3A_231] : memref<8x100000xf32, #tpu.memory_space<vmem>>, vector<8x12800xf32>
    %ge3A_233 = vector.broadcast %bitcast_convert_type3A_190 : vector<8x1xf32> to vector<8x12800xf32>
    %ge3A_234 = arith.cmpf oge, %get3A_232, %ge3A_233 : vector<8x12800xf32>
    %convert_element_type3A_235 = arith.extui %ge3A_234 : vector<8x12800xi1> to vector<8x12800xi32>
    %reduce_sum3A_236 = arith.constant dense<0> : vector<8xi32>
    %reduce_sum3A_237 = vector.multi_reduction <add>, %convert_element_type3A_235, %reduce_sum3A_236 [1] : vector<8x12800xi32> to vector<8xi32>
    %broadcast_in_dim3A_238 = vector.shape_cast %reduce_sum3A_237 : vector<8xi32> to vector<8x1xi32>
    %add3A_239 = arith.addi %add3A_229, %broadcast_in_dim3A_238 : vector<8x1xi32>
    %get3A_240 = arith.constant 0 : index
    %get3A_241 = arith.constant 64000 : index
    %get3A_242 = vector.load %arg3[%get3A_240, %get3A_241] : memref<8x100000xf32, #tpu.memory_space<vmem>>, vector<8x12800xf32>
    %ge3A_243 = vector.broadcast %bitcast_convert_type3A_190 : vector<8x1xf32> to vector<8x12800xf32>
    %ge3A_244 = arith.cmpf oge, %get3A_242, %ge3A_243 : vector<8x12800xf32>
    %convert_element_type3A_245 = arith.extui %ge3A_244 : vector<8x12800xi1> to vector<8x12800xi32>
    %reduce_sum3A_246 = arith.constant dense<0> : vector<8xi32>
    %reduce_sum3A_247 = vector.multi_reduction <add>, %convert_element_type3A_245, %reduce_sum3A_246 [1] : vector<8x12800xi32> to vector<8xi32>
    %broadcast_in_dim3A_248 = vector.shape_cast %reduce_sum3A_247 : vector<8xi32> to vector<8x1xi32>
    %add3A_249 = arith.addi %add3A_239, %broadcast_in_dim3A_248 : vector<8x1xi32>
    %get3A_250 = arith.constant 0 : index
    %get3A_251 = arith.constant 76800 : index
    %get3A_252 = vector.load %arg3[%get3A_250, %get3A_251] : memref<8x100000xf32, #tpu.memory_space<vmem>>, vector<8x12800xf32>
    %ge3A_253 = vector.broadcast %bitcast_convert_type3A_190 : vector<8x1xf32> to vector<8x12800xf32>
    %ge3A_254 = arith.cmpf oge, %get3A_252, %ge3A_253 : vector<8x12800xf32>
    %convert_element_type3A_255 = arith.extui %ge3A_254 : vector<8x12800xi1> to vector<8x12800xi32>
    %reduce_sum3A_256 = arith.constant dense<0> : vector<8xi32>
    %reduce_sum3A_257 = vector.multi_reduction <add>, %convert_element_type3A_255, %reduce_sum3A_256 [1] : vector<8x12800xi32> to vector<8xi32>
    %broadcast_in_dim3A_258 = vector.shape_cast %reduce_sum3A_257 : vector<8xi32> to vector<8x1xi32>
    %add3A_259 = arith.addi %add3A_249, %broadcast_in_dim3A_258 : vector<8x1xi32>
    %get3A_260 = arith.constant 0 : index
    %get3A_261 = arith.constant 89600 : index
    %get3A_262 = vector.load %arg3[%get3A_260, %get3A_261] : memref<8x100000xf32, #tpu.memory_space<vmem>>, vector<8x10400xf32>
    %ge3A_263 = vector.broadcast %bitcast_convert_type3A_190 : vector<8x1xf32> to vector<8x10400xf32>
    %ge3A_264 = arith.cmpf oge, %get3A_262, %ge3A_263 : vector<8x10400xf32>
    %convert_element_type3A_265 = arith.extui %ge3A_264 : vector<8x10400xi1> to vector<8x10400xi32>
    %reduce_sum3A_266 = arith.constant dense<0> : vector<8xi32>
    %reduce_sum3A_267 = vector.multi_reduction <add>, %convert_element_type3A_265, %reduce_sum3A_266 [1] : vector<8x10400xi32> to vector<8xi32>
    %broadcast_in_dim3A_268 = vector.shape_cast %reduce_sum3A_267 : vector<8xi32> to vector<8x1xi32>
    %add3A_269 = arith.addi %add3A_259, %broadcast_in_dim3A_268 : vector<8x1xi32>
    %ge3A_270 = vector.broadcast %get3A_1 : i32 to vector<8x1xi32>
    %ge3A_271 = arith.cmpi sge, %add3A_269, %ge3A_270 : vector<8x1xi32>
    %select_n3A_272 = arith.select %ge3A_271, %or3A_182, %select_n3A_179 : vector<8x1xi1>, vector<8x1xi32>
    %or3A_273 = arith.constant 268435456 : i32
    %or3A_274 = vector.broadcast %or3A_273 : i32 to vector<8x1xi32>
    %or3A_275 = arith.ori %select_n3A_272, %or3A_274 : vector<8x1xi32>
    %ge3A_276 = arith.constant 0 : i32
    %ge3A_277 = vector.broadcast %ge3A_276 : i32 to vector<8x1xi32>
    %ge3A_278 = arith.cmpi sge, %or3A_275, %ge3A_277 : vector<8x1xi32>
    %xor3A_279 = arith.constant 2147483647 : i32
    %xor3A_280 = vector.broadcast %xor3A_279 : i32 to vector<8x1xi32>
    %xor3A_281 = arith.xori %or3A_275, %xor3A_280 : vector<8x1xi32>
    %select_n3A_282 = arith.select %ge3A_278, %or3A_275, %xor3A_281 : vector<8x1xi1>, vector<8x1xi32>
    %bitcast_convert_type3A_283 = tpu.bitcast %select_n3A_282 : vector<8x1xi32> -> vector<8x1xf32>
    %get3A_284 = arith.constant 0 : index
    %get3A_285 = arith.constant 0 : index
    %get3A_286 = vector.load %arg3[%get3A_284, %get3A_285] : memref<8x100000xf32, #tpu.memory_space<vmem>>, vector<8x12800xf32>
    %ge3A_287 = vector.broadcast %bitcast_convert_type3A_283 : vector<8x1xf32> to vector<8x12800xf32>
    %ge3A_288 = arith.cmpf oge, %get3A_286, %ge3A_287 : vector<8x12800xf32>
    %convert_element_type3A_289 = arith.extui %ge3A_288 : vector<8x12800xi1> to vector<8x12800xi32>
    %reduce_sum3A_290 = arith.constant dense<0> : vector<8xi32>
    %reduce_sum3A_291 = vector.multi_reduction <add>, %convert_element_type3A_289, %reduce_sum3A_290 [1] : vector<8x12800xi32> to vector<8xi32>
    %broadcast_in_dim3A_292 = vector.shape_cast %reduce_sum3A_291 : vector<8xi32> to vector<8x1xi32>
    %get3A_293 = arith.constant 0 : index
    %get3A_294 = arith.constant 12800 : index
    %get3A_295 = vector.load %arg3[%get3A_293, %get3A_294] : memref<8x100000xf32, #tpu.memory_space<vmem>>, vector<8x12800xf32>
    %ge3A_296 = vector.broadcast %bitcast_convert_type3A_283 : vector<8x1xf32> to vector<8x12800xf32>
    %ge3A_297 = arith.cmpf oge, %get3A_295, %ge3A_296 : vector<8x12800xf32>
    %convert_element_type3A_298 = arith.extui %ge3A_297 : vector<8x12800xi1> to vector<8x12800xi32>
    %reduce_sum3A_299 = arith.constant dense<0> : vector<8xi32>
    %reduce_sum3A_300 = vector.multi_reduction <add>, %convert_element_type3A_298, %reduce_sum3A_299 [1] : vector<8x12800xi32> to vector<8xi32>
    %broadcast_in_dim3A_301 = vector.shape_cast %reduce_sum3A_300 : vector<8xi32> to vector<8x1xi32>
    %add3A_302 = arith.addi %broadcast_in_dim3A_292, %broadcast_in_dim3A_301 : vector<8x1xi32>
    %get3A_303 = arith.constant 0 : index
    %get3A_304 = arith.constant 25600 : index
    %get3A_305 = vector.load %arg3[%get3A_303, %get3A_304] : memref<8x100000xf32, #tpu.memory_space<vmem>>, vector<8x12800xf32>
    %ge3A_306 = vector.broadcast %bitcast_convert_type3A_283 : vector<8x1xf32> to vector<8x12800xf32>
    %ge3A_307 = arith.cmpf oge, %get3A_305, %ge3A_306 : vector<8x12800xf32>
    %convert_element_type3A_308 = arith.extui %ge3A_307 : vector<8x12800xi1> to vector<8x12800xi32>
    %reduce_sum3A_309 = arith.constant dense<0> : vector<8xi32>
    %reduce_sum3A_310 = vector.multi_reduction <add>, %convert_element_type3A_308, %reduce_sum3A_309 [1] : vector<8x12800xi32> to vector<8xi32>
    %broadcast_in_dim3A_311 = vector.shape_cast %reduce_sum3A_310 : vector<8xi32> to vector<8x1xi32>
    %add3A_312 = arith.addi %add3A_302, %broadcast_in_dim3A_311 : vector<8x1xi32>
    %get3A_313 = arith.constant 0 : index
    %get3A_314 = arith.constant 38400 : index
    %get3A_315 = vector.load %arg3[%get3A_313, %get3A_314] : memref<8x100000xf32, #tpu.memory_space<vmem>>, vector<8x12800xf32>
    %ge3A_316 = vector.broadcast %bitcast_convert_type3A_283 : vector<8x1xf32> to vector<8x12800xf32>
    %ge3A_317 = arith.cmpf oge, %get3A_315, %ge3A_316 : vector<8x12800xf32>
    %convert_element_type3A_318 = arith.extui %ge3A_317 : vector<8x12800xi1> to vector<8x12800xi32>
    %reduce_sum3A_319 = arith.constant dense<0> : vector<8xi32>
    %reduce_sum3A_320 = vector.multi_reduction <add>, %convert_element_type3A_318, %reduce_sum3A_319 [1] : vector<8x12800xi32> to vector<8xi32>
    %broadcast_in_dim3A_321 = vector.shape_cast %reduce_sum3A_320 : vector<8xi32> to vector<8x1xi32>
    %add3A_322 = arith.addi %add3A_312, %broadcast_in_dim3A_321 : vector<8x1xi32>
    %get3A_323 = arith.constant 0 : index
    %get3A_324 = arith.constant 51200 : index
    %get3A_325 = vector.load %arg3[%get3A_323, %get3A_324] : memref<8x100000xf32, #tpu.memory_space<vmem>>, vector<8x12800xf32>
    %ge3A_326 = vector.broadcast %bitcast_convert_type3A_283 : vector<8x1xf32> to vector<8x12800xf32>
    %ge3A_327 = arith.cmpf oge, %get3A_325, %ge3A_326 : vector<8x12800xf32>
    %convert_element_type3A_328 = arith.extui %ge3A_327 : vector<8x12800xi1> to vector<8x12800xi32>
    %reduce_sum3A_329 = arith.constant dense<0> : vector<8xi32>
    %reduce_sum3A_330 = vector.multi_reduction <add>, %convert_element_type3A_328, %reduce_sum3A_329 [1] : vector<8x12800xi32> to vector<8xi32>
    %broadcast_in_dim3A_331 = vector.shape_cast %reduce_sum3A_330 : vector<8xi32> to vector<8x1xi32>
    %add3A_332 = arith.addi %add3A_322, %broadcast_in_dim3A_331 : vector<8x1xi32>
    %get3A_333 = arith.constant 0 : index
    %get3A_334 = arith.constant 64000 : index
    %get3A_335 = vector.load %arg3[%get3A_333, %get3A_334] : memref<8x100000xf32, #tpu.memory_space<vmem>>, vector<8x12800xf32>
    %ge3A_336 = vector.broadcast %bitcast_convert_type3A_283 : vector<8x1xf32> to vector<8x12800xf32>
    %ge3A_337 = arith.cmpf oge, %get3A_335, %ge3A_336 : vector<8x12800xf32>
    %convert_element_type3A_338 = arith.extui %ge3A_337 : vector<8x12800xi1> to vector<8x12800xi32>
    %reduce_sum3A_339 = arith.constant dense<0> : vector<8xi32>
    %reduce_sum3A_340 = vector.multi_reduction <add>, %convert_element_type3A_338, %reduce_sum3A_339 [1] : vector<8x12800xi32> to vector<8xi32>
    %broadcast_in_dim3A_341 = vector.shape_cast %reduce_sum3A_340 : vector<8xi32> to vector<8x1xi32>
    %add3A_342 = arith.addi %add3A_332, %broadcast_in_dim3A_341 : vector<8x1xi32>
    %get3A_343 = arith.constant 0 : index
    %get3A_344 = arith.constant 76800 : index
    %get3A_345 = vector.load %arg3[%get3A_343, %get3A_344] : memref<8x100000xf32, #tpu.memory_space<vmem>>, vector<8x12800xf32>
    %ge3A_346 = vector.broadcast %bitcast_convert_type3A_283 : vector<8x1xf32> to vector<8x12800xf32>
    %ge3A_347 = arith.cmpf oge, %get3A_345, %ge3A_346 : vector<8x12800xf32>
    %convert_element_type3A_348 = arith.extui %ge3A_347 : vector<8x12800xi1> to vector<8x12800xi32>
    %reduce_sum3A_349 = arith.constant dense<0> : vector<8xi32>
    %reduce_sum3A_350 = vector.multi_reduction <add>, %convert_element_type3A_348, %reduce_sum3A_349 [1] : vector<8x12800xi32> to vector<8xi32>
    %broadcast_in_dim3A_351 = vector.shape_cast %reduce_sum3A_350 : vector<8xi32> to vector<8x1xi32>
    %add3A_352 = arith.addi %add3A_342, %broadcast_in_dim3A_351 : vector<8x1xi32>
    %get3A_353 = arith.constant 0 : index
    %get3A_354 = arith.constant 89600 : index
    %get3A_355 = vector.load %arg3[%get3A_353, %get3A_354] : memref<8x100000xf32, #tpu.memory_space<vmem>>, vector<8x10400xf32>
    %ge3A_356 = vector.broadcast %bitcast_convert_type3A_283 : vector<8x1xf32> to vector<8x10400xf32>
    %ge3A_357 = arith.cmpf oge, %get3A_355, %ge3A_356 : vector<8x10400xf32>
    %convert_element_type3A_358 = arith.extui %ge3A_357 : vector<8x10400xi1> to vector<8x10400xi32>
    %reduce_sum3A_359 = arith.constant dense<0> : vector<8xi32>
    %reduce_sum3A_360 = vector.multi_reduction <add>, %convert_element_type3A_358, %reduce_sum3A_359 [1] : vector<8x10400xi32> to vector<8xi32>
    %broadcast_in_dim3A_361 = vector.shape_cast %reduce_sum3A_360 : vector<8xi32> to vector<8x1xi32>
    %add3A_362 = arith.addi %add3A_352, %broadcast_in_dim3A_361 : vector<8x1xi32>
    %ge3A_363 = vector.broadcast %get3A_1 : i32 to vector<8x1xi32>
    %ge3A_364 = arith.cmpi sge, %add3A_362, %ge3A_363 : vector<8x1xi32>
    %select_n3A_365 = arith.select %ge3A_364, %or3A_275, %select_n3A_272 : vector<8x1xi1>, vector<8x1xi32>
    %or3A_366 = arith.constant 134217728 : i32
    %or3A_367 = vector.broadcast %or3A_366 : i32 to vector<8x1xi32>
    %or3A_368 = arith.ori %select_n3A_365, %or3A_367 : vector<8x1xi32>
    %ge3A_369 = arith.constant 0 : i32
    %ge3A_370 = vector.broadcast %ge3A_369 : i32 to vector<8x1xi32>
    %ge3A_371 = arith.cmpi sge, %or3A_368, %ge3A_370 : vector<8x1xi32>
    %xor3A_372 = arith.constant 2147483647 : i32
    %xor3A_373 = vector.broadcast %xor3A_372 : i32 to vector<8x1xi32>
    %xor3A_374 = arith.xori %or3A_368, %xor3A_373 : vector<8x1xi32>
    %select_n3A_375 = arith.select %ge3A_371, %or3A_368, %xor3A_374 : vector<8x1xi1>, vector<8x1xi32>
    %bitcast_convert_type3A_376 = tpu.bitcast %select_n3A_375 : vector<8x1xi32> -> vector<8x1xf32>
    %get3A_377 = arith.constant 0 : index
    %get3A_378 = arith.constant 0 : index
    %get3A_379 = vector.load %arg3[%get3A_377, %get3A_378] : memref<8x100000xf32, #tpu.memory_space<vmem>>, vector<8x12800xf32>
    %ge3A_380 = vector.broadcast %bitcast_convert_type3A_376 : vector<8x1xf32> to vector<8x12800xf32>
    %ge3A_381 = arith.cmpf oge, %get3A_379, %ge3A_380 : vector<8x12800xf32>
    %convert_element_type3A_382 = arith.extui %ge3A_381 : vector<8x12800xi1> to vector<8x12800xi32>
    %reduce_sum3A_383 = arith.constant dense<0> : vector<8xi32>
    %reduce_sum3A_384 = vector.multi_reduction <add>, %convert_element_type3A_382, %reduce_sum3A_383 [1] : vector<8x12800xi32> to vector<8xi32>
    %broadcast_in_dim3A_385 = vector.shape_cast %reduce_sum3A_384 : vector<8xi32> to vector<8x1xi32>
    %get3A_386 = arith.constant 0 : index
    %get3A_387 = arith.constant 12800 : index
    %get3A_388 = vector.load %arg3[%get3A_386, %get3A_387] : memref<8x100000xf32, #tpu.memory_space<vmem>>, vector<8x12800xf32>
    %ge3A_389 = vector.broadcast %bitcast_convert_type3A_376 : vector<8x1xf32> to vector<8x12800xf32>
    %ge3A_390 = arith.cmpf oge, %get3A_388, %ge3A_389 : vector<8x12800xf32>
    %convert_element_type3A_391 = arith.extui %ge3A_390 : vector<8x12800xi1> to vector<8x12800xi32>
    %reduce_sum3A_392 = arith.constant dense<0> : vector<8xi32>
    %reduce_sum3A_393 = vector.multi_reduction <add>, %convert_element_type3A_391, %reduce_sum3A_392 [1] : vector<8x12800xi32> to vector<8xi32>
    %broadcast_in_dim3A_394 = vector.shape_cast %reduce_sum3A_393 : vector<8xi32> to vector<8x1xi32>
    %add3A_395 = arith.addi %broadcast_in_dim3A_385, %broadcast_in_dim3A_394 : vector<8x1xi32>
    %get3A_396 = arith.constant 0 : index
    %get3A_397 = arith.constant 25600 : index
    %get3A_398 = vector.load %arg3[%get3A_396, %get3A_397] : memref<8x100000xf32, #tpu.memory_space<vmem>>, vector<8x12800xf32>
    %ge3A_399 = vector.broadcast %bitcast_convert_type3A_376 : vector<8x1xf32> to vector<8x12800xf32>
    %ge3A_400 = arith.cmpf oge, %get3A_398, %ge3A_399 : vector<8x12800xf32>
    %convert_element_type3A_401 = arith.extui %ge3A_400 : vector<8x12800xi1> to vector<8x12800xi32>
    %reduce_sum3A_402 = arith.constant dense<0> : vector<8xi32>
    %reduce_sum3A_403 = vector.multi_reduction <add>, %convert_element_type3A_401, %reduce_sum3A_402 [1] : vector<8x12800xi32> to vector<8xi32>
    %broadcast_in_dim3A_404 = vector.shape_cast %reduce_sum3A_403 : vector<8xi32> to vector<8x1xi32>
    %add3A_405 = arith.addi %add3A_395, %broadcast_in_dim3A_404 : vector<8x1xi32>
    %get3A_406 = arith.constant 0 : index
    %get3A_407 = arith.constant 38400 : index
    %get3A_408 = vector.load %arg3[%get3A_406, %get3A_407] : memref<8x100000xf32, #tpu.memory_space<vmem>>, vector<8x12800xf32>
    %ge3A_409 = vector.broadcast %bitcast_convert_type3A_376 : vector<8x1xf32> to vector<8x12800xf32>
    %ge3A_410 = arith.cmpf oge, %get3A_408, %ge3A_409 : vector<8x12800xf32>
    %convert_element_type3A_411 = arith.extui %ge3A_410 : vector<8x12800xi1> to vector<8x12800xi32>
    %reduce_sum3A_412 = arith.constant dense<0> : vector<8xi32>
    %reduce_sum3A_413 = vector.multi_reduction <add>, %convert_element_type3A_411, %reduce_sum3A_412 [1] : vector<8x12800xi32> to vector<8xi32>
    %broadcast_in_dim3A_414 = vector.shape_cast %reduce_sum3A_413 : vector<8xi32> to vector<8x1xi32>
    %add3A_415 = arith.addi %add3A_405, %broadcast_in_dim3A_414 : vector<8x1xi32>
    %get3A_416 = arith.constant 0 : index
    %get3A_417 = arith.constant 51200 : index
    %get3A_418 = vector.load %arg3[%get3A_416, %get3A_417] : memref<8x100000xf32, #tpu.memory_space<vmem>>, vector<8x12800xf32>
    %ge3A_419 = vector.broadcast %bitcast_convert_type3A_376 : vector<8x1xf32> to vector<8x12800xf32>
    %ge3A_420 = arith.cmpf oge, %get3A_418, %ge3A_419 : vector<8x12800xf32>
    %convert_element_type3A_421 = arith.extui %ge3A_420 : vector<8x12800xi1> to vector<8x12800xi32>
    %reduce_sum3A_422 = arith.constant dense<0> : vector<8xi32>
    %reduce_sum3A_423 = vector.multi_reduction <add>, %convert_element_type3A_421, %reduce_sum3A_422 [1] : vector<8x12800xi32> to vector<8xi32>
    %broadcast_in_dim3A_424 = vector.shape_cast %reduce_sum3A_423 : vector<8xi32> to vector<8x1xi32>
    %add3A_425 = arith.addi %add3A_415, %broadcast_in_dim3A_424 : vector<8x1xi32>
    %get3A_426 = arith.constant 0 : index
    %get3A_427 = arith.constant 64000 : index
    %get3A_428 = vector.load %arg3[%get3A_426, %get3A_427] : memref<8x100000xf32, #tpu.memory_space<vmem>>, vector<8x12800xf32>
    %ge3A_429 = vector.broadcast %bitcast_convert_type3A_376 : vector<8x1xf32> to vector<8x12800xf32>
    %ge3A_430 = arith.cmpf oge, %get3A_428, %ge3A_429 : vector<8x12800xf32>
    %convert_element_type3A_431 = arith.extui %ge3A_430 : vector<8x12800xi1> to vector<8x12800xi32>
    %reduce_sum3A_432 = arith.constant dense<0> : vector<8xi32>
    %reduce_sum3A_433 = vector.multi_reduction <add>, %convert_element_type3A_431, %reduce_sum3A_432 [1] : vector<8x12800xi32> to vector<8xi32>
    %broadcast_in_dim3A_434 = vector.shape_cast %reduce_sum3A_433 : vector<8xi32> to vector<8x1xi32>
    %add3A_435 = arith.addi %add3A_425, %broadcast_in_dim3A_434 : vector<8x1xi32>
    %get3A_436 = arith.constant 0 : index
    %get3A_437 = arith.constant 76800 : index
    %get3A_438 = vector.load %arg3[%get3A_436, %get3A_437] : memref<8x100000xf32, #tpu.memory_space<vmem>>, vector<8x12800xf32>
    %ge3A_439 = vector.broadcast %bitcast_convert_type3A_376 : vector<8x1xf32> to vector<8x12800xf32>
    %ge3A_440 = arith.cmpf oge, %get3A_438, %ge3A_439 : vector<8x12800xf32>
    %convert_element_type3A_441 = arith.extui %ge3A_440 : vector<8x12800xi1> to vector<8x12800xi32>
    %reduce_sum3A_442 = arith.constant dense<0> : vector<8xi32>
    %reduce_sum3A_443 = vector.multi_reduction <add>, %convert_element_type3A_441, %reduce_sum3A_442 [1] : vector<8x12800xi32> to vector<8xi32>
    %broadcast_in_dim3A_444 = vector.shape_cast %reduce_sum3A_443 : vector<8xi32> to vector<8x1xi32>
    %add3A_445 = arith.addi %add3A_435, %broadcast_in_dim3A_444 : vector<8x1xi32>
    %get3A_446 = arith.constant 0 : index
    %get3A_447 = arith.constant 89600 : index
    %get3A_448 = vector.load %arg3[%get3A_446, %get3A_447] : memref<8x100000xf32, #tpu.memory_space<vmem>>, vector<8x10400xf32>
    %ge3A_449 = vector.broadcast %bitcast_convert_type3A_376 : vector<8x1xf32> to vector<8x10400xf32>
    %ge3A_450 = arith.cmpf oge, %get3A_448, %ge3A_449 : vector<8x10400xf32>
    %convert_element_type3A_451 = arith.extui %ge3A_450 : vector<8x10400xi1> to vector<8x10400xi32>
    %reduce_sum3A_452 = arith.constant dense<0> : vector<8xi32>
    %reduce_sum3A_453 = vector.multi_reduction <add>, %convert_element_type3A_451, %reduce_sum3A_452 [1] : vector<8x10400xi32> to vector<8xi32>
    %broadcast_in_dim3A_454 = vector.shape_cast %reduce_sum3A_453 : vector<8xi32> to vector<8x1xi32>
    %add3A_455 = arith.addi %add3A_445, %broadcast_in_dim3A_454 : vector<8x1xi32>
    %ge3A_456 = vector.broadcast %get3A_1 : i32 to vector<8x1xi32>
    %ge3A_457 = arith.cmpi sge, %add3A_455, %ge3A_456 : vector<8x1xi32>
    %select_n3A_458 = arith.select %ge3A_457, %or3A_368, %select_n3A_365 : vector<8x1xi1>, vector<8x1xi32>
    %or3A_459 = arith.constant 67108864 : i32
    %or3A_460 = vector.broadcast %or3A_459 : i32 to vector<8x1xi32>
    %or3A_461 = arith.ori %select_n3A_458, %or3A_460 : vector<8x1xi32>
    %ge3A_462 = arith.constant 0 : i32
    %ge3A_463 = vector.broadcast %ge3A_462 : i32 to vector<8x1xi32>
    %ge3A_464 = arith.cmpi sge, %or3A_461, %ge3A_463 : vector<8x1xi32>
    %xor3A_465 = arith.constant 2147483647 : i32
    %xor3A_466 = vector.broadcast %xor3A_465 : i32 to vector<8x1xi32>
    %xor3A_467 = arith.xori %or3A_461, %xor3A_466 : vector<8x1xi32>
    %select_n3A_468 = arith.select %ge3A_464, %or3A_461, %xor3A_467 : vector<8x1xi1>, vector<8x1xi32>
    %bitcast_convert_type3A_469 = tpu.bitcast %select_n3A_468 : vector<8x1xi32> -> vector<8x1xf32>
    %get3A_470 = arith.constant 0 : index
    %get3A_471 = arith.constant 0 : index
    %get3A_472 = vector.load %arg3[%get3A_470, %get3A_471] : memref<8x100000xf32, #tpu.memory_space<vmem>>, vector<8x12800xf32>
    %ge3A_473 = vector.broadcast %bitcast_convert_type3A_469 : vector<8x1xf32> to vector<8x12800xf32>
    %ge3A_474 = arith.cmpf oge, %get3A_472, %ge3A_473 : vector<8x12800xf32>
    %convert_element_type3A_475 = arith.extui %ge3A_474 : vector<8x12800xi1> to vector<8x12800xi32>
    %reduce_sum3A_476 = arith.constant dense<0> : vector<8xi32>
    %reduce_sum3A_477 = vector.multi_reduction <add>, %convert_element_type3A_475, %reduce_sum3A_476 [1] : vector<8x12800xi32> to vector<8xi32>
    %broadcast_in_dim3A_478 = vector.shape_cast %reduce_sum3A_477 : vector<8xi32> to vector<8x1xi32>
    %get3A_479 = arith.constant 0 : index
    %get3A_480 = arith.constant 12800 : index
    %get3A_481 = vector.load %arg3[%get3A_479, %get3A_480] : memref<8x100000xf32, #tpu.memory_space<vmem>>, vector<8x12800xf32>
    %ge3A_482 = vector.broadcast %bitcast_convert_type3A_469 : vector<8x1xf32> to vector<8x12800xf32>
    %ge3A_483 = arith.cmpf oge, %get3A_481, %ge3A_482 : vector<8x12800xf32>
    %convert_element_type3A_484 = arith.extui %ge3A_483 : vector<8x12800xi1> to vector<8x12800xi32>
    %reduce_sum3A_485 = arith.constant dense<0> : vector<8xi32>
    %reduce_sum3A_486 = vector.multi_reduction <add>, %convert_element_type3A_484, %reduce_sum3A_485 [1] : vector<8x12800xi32> to vector<8xi32>
    %broadcast_in_dim3A_487 = vector.shape_cast %reduce_sum3A_486 : vector<8xi32> to vector<8x1xi32>
    %add3A_488 = arith.addi %broadcast_in_dim3A_478, %broadcast_in_dim3A_487 : vector<8x1xi32>
    %get3A_489 = arith.constant 0 : index
    %get3A_490 = arith.constant 25600 : index
    %get3A_491 = vector.load %arg3[%get3A_489, %get3A_490] : memref<8x100000xf32, #tpu.memory_space<vmem>>, vector<8x12800xf32>
    %ge3A_492 = vector.broadcast %bitcast_convert_type3A_469 : vector<8x1xf32> to vector<8x12800xf32>
    %ge3A_493 = arith.cmpf oge, %get3A_491, %ge3A_492 : vector<8x12800xf32>
    %convert_element_type3A_494 = arith.extui %ge3A_493 : vector<8x12800xi1> to vector<8x12800xi32>
    %reduce_sum3A_495 = arith.constant dense<0> : vector<8xi32>
    %reduce_sum3A_496 = vector.multi_reduction <add>, %convert_element_type3A_494, %reduce_sum3A_495 [1] : vector<8x12800xi32> to vector<8xi32>
    %broadcast_in_dim3A_497 = vector.shape_cast %reduce_sum3A_496 : vector<8xi32> to vector<8x1xi32>
    %add3A_498 = arith.addi %add3A_488, %broadcast_in_dim3A_497 : vector<8x1xi32>
    %get3A_499 = arith.constant 0 : index
    %get3A_500 = arith.constant 38400 : index
    %get3A_501 = vector.load %arg3[%get3A_499, %get3A_500] : memref<8x100000xf32, #tpu.memory_space<vmem>>, vector<8x12800xf32>
    %ge3A_502 = vector.broadcast %bitcast_convert_type3A_469 : vector<8x1xf32> to vector<8x12800xf32>
    %ge3A_503 = arith.cmpf oge, %get3A_501, %ge3A_502 : vector<8x12800xf32>
    %convert_element_type3A_504 = arith.extui %ge3A_503 : vector<8x12800xi1> to vector<8x12800xi32>
    %reduce_sum3A_505 = arith.constant dense<0> : vector<8xi32>
    %reduce_sum3A_506 = vector.multi_reduction <add>, %convert_element_type3A_504, %reduce_sum3A_505 [1] : vector<8x12800xi32> to vector<8xi32>
    %broadcast_in_dim3A_507 = vector.shape_cast %reduce_sum3A_506 : vector<8xi32> to vector<8x1xi32>
    %add3A_508 = arith.addi %add3A_498, %broadcast_in_dim3A_507 : vector<8x1xi32>
    %get3A_509 = arith.constant 0 : index
    %get3A_510 = arith.constant 51200 : index
    %get3A_511 = vector.load %arg3[%get3A_509, %get3A_510] : memref<8x100000xf32, #tpu.memory_space<vmem>>, vector<8x12800xf32>
    %ge3A_512 = vector.broadcast %bitcast_convert_type3A_469 : vector<8x1xf32> to vector<8x12800xf32>
    %ge3A_513 = arith.cmpf oge, %get3A_511, %ge3A_512 : vector<8x12800xf32>
    %convert_element_type3A_514 = arith.extui %ge3A_513 : vector<8x12800xi1> to vector<8x12800xi32>
    %reduce_sum3A_515 = arith.constant dense<0> : vector<8xi32>
    %reduce_sum3A_516 = vector.multi_reduction <add>, %convert_element_type3A_514, %reduce_sum3A_515 [1] : vector<8x12800xi32> to vector<8xi32>
    %broadcast_in_dim3A_517 = vector.shape_cast %reduce_sum3A_516 : vector<8xi32> to vector<8x1xi32>
    %add3A_518 = arith.addi %add3A_508, %broadcast_in_dim3A_517 : vector<8x1xi32>
    %get3A_519 = arith.constant 0 : index
    %get3A_520 = arith.constant 64000 : index
    %get3A_521 = vector.load %arg3[%get3A_519, %get3A_520] : memref<8x100000xf32, #tpu.memory_space<vmem>>, vector<8x12800xf32>
    %ge3A_522 = vector.broadcast %bitcast_convert_type3A_469 : vector<8x1xf32> to vector<8x12800xf32>
    %ge3A_523 = arith.cmpf oge, %get3A_521, %ge3A_522 : vector<8x12800xf32>
    %convert_element_type3A_524 = arith.extui %ge3A_523 : vector<8x12800xi1> to vector<8x12800xi32>
    %reduce_sum3A_525 = arith.constant dense<0> : vector<8xi32>
    %reduce_sum3A_526 = vector.multi_reduction <add>, %convert_element_type3A_524, %reduce_sum3A_525 [1] : vector<8x12800xi32> to vector<8xi32>
    %broadcast_in_dim3A_527 = vector.shape_cast %reduce_sum3A_526 : vector<8xi32> to vector<8x1xi32>
    %add3A_528 = arith.addi %add3A_518, %broadcast_in_dim3A_527 : vector<8x1xi32>
    %get3A_529 = arith.constant 0 : index
    %get3A_530 = arith.constant 76800 : index
    %get3A_531 = vector.load %arg3[%get3A_529, %get3A_530] : memref<8x100000xf32, #tpu.memory_space<vmem>>, vector<8x12800xf32>
    %ge3A_532 = vector.broadcast %bitcast_convert_type3A_469 : vector<8x1xf32> to vector<8x12800xf32>
    %ge3A_533 = arith.cmpf oge, %get3A_531, %ge3A_532 : vector<8x12800xf32>
    %convert_element_type3A_534 = arith.extui %ge3A_533 : vector<8x12800xi1> to vector<8x12800xi32>
    %reduce_sum3A_535 = arith.constant dense<0> : vector<8xi32>
    %reduce_sum3A_536 = vector.multi_reduction <add>, %convert_element_type3A_534, %reduce_sum3A_535 [1] : vector<8x12800xi32> to vector<8xi32>
    %broadcast_in_dim3A_537 = vector.shape_cast %reduce_sum3A_536 : vector<8xi32> to vector<8x1xi32>
    %add3A_538 = arith.addi %add3A_528, %broadcast_in_dim3A_537 : vector<8x1xi32>
    %get3A_539 = arith.constant 0 : index
    %get3A_540 = arith.constant 89600 : index
    %get3A_541 = vector.load %arg3[%get3A_539, %get3A_540] : memref<8x100000xf32, #tpu.memory_space<vmem>>, vector<8x10400xf32>
    %ge3A_542 = vector.broadcast %bitcast_convert_type3A_469 : vector<8x1xf32> to vector<8x10400xf32>
    %ge3A_543 = arith.cmpf oge, %get3A_541, %ge3A_542 : vector<8x10400xf32>
    %convert_element_type3A_544 = arith.extui %ge3A_543 : vector<8x10400xi1> to vector<8x10400xi32>
    %reduce_sum3A_545 = arith.constant dense<0> : vector<8xi32>
    %reduce_sum3A_546 = vector.multi_reduction <add>, %convert_element_type3A_544, %reduce_sum3A_545 [1] : vector<8x10400xi32> to vector<8xi32>
    %broadcast_in_dim3A_547 = vector.shape_cast %reduce_sum3A_546 : vector<8xi32> to vector<8x1xi32>
    %add3A_548 = arith.addi %add3A_538, %broadcast_in_dim3A_547 : vector<8x1xi32>
    %ge3A_549 = vector.broadcast %get3A_1 : i32 to vector<8x1xi32>
    %ge3A_550 = arith.cmpi sge, %add3A_548, %ge3A_549 : vector<8x1xi32>
    %select_n3A_551 = arith.select %ge3A_550, %or3A_461, %select_n3A_458 : vector<8x1xi1>, vector<8x1xi32>
    %or3A_552 = arith.constant 33554432 : i32
    %or3A_553 = vector.broadcast %or3A_552 : i32 to vector<8x1xi32>
    %or3A_554 = arith.ori %select_n3A_551, %or3A_553 : vector<8x1xi32>
    %ge3A_555 = arith.constant 0 : i32
    %ge3A_556 = vector.broadcast %ge3A_555 : i32 to vector<8x1xi32>
    %ge3A_557 = arith.cmpi sge, %or3A_554, %ge3A_556 : vector<8x1xi32>
    %xor3A_558 = arith.constant 2147483647 : i32
    %xor3A_559 = vector.broadcast %xor3A_558 : i32 to vector<8x1xi32>
    %xor3A_560 = arith.xori %or3A_554, %xor3A_559 : vector<8x1xi32>
    %select_n3A_561 = arith.select %ge3A_557, %or3A_554, %xor3A_560 : vector<8x1xi1>, vector<8x1xi32>
    %bitcast_convert_type3A_562 = tpu.bitcast %select_n3A_561 : vector<8x1xi32> -> vector<8x1xf32>
    %get3A_563 = arith.constant 0 : index
    %get3A_564 = arith.constant 0 : index
    %get3A_565 = vector.load %arg3[%get3A_563, %get3A_564] : memref<8x100000xf32, #tpu.memory_space<vmem>>, vector<8x12800xf32>
    %ge3A_566 = vector.broadcast %bitcast_convert_type3A_562 : vector<8x1xf32> to vector<8x12800xf32>
    %ge3A_567 = arith.cmpf oge, %get3A_565, %ge3A_566 : vector<8x12800xf32>
    %convert_element_type3A_568 = arith.extui %ge3A_567 : vector<8x12800xi1> to vector<8x12800xi32>
    %reduce_sum3A_569 = arith.constant dense<0> : vector<8xi32>
    %reduce_sum3A_570 = vector.multi_reduction <add>, %convert_element_type3A_568, %reduce_sum3A_569 [1] : vector<8x12800xi32> to vector<8xi32>
    %broadcast_in_dim3A_571 = vector.shape_cast %reduce_sum3A_570 : vector<8xi32> to vector<8x1xi32>
    %get3A_572 = arith.constant 0 : index
    %get3A_573 = arith.constant 12800 : index
    %get3A_574 = vector.load %arg3[%get3A_572, %get3A_573] : memref<8x100000xf32, #tpu.memory_space<vmem>>, vector<8x12800xf32>
    %ge3A_575 = vector.broadcast %bitcast_convert_type3A_562 : vector<8x1xf32> to vector<8x12800xf32>
    %ge3A_576 = arith.cmpf oge, %get3A_574, %ge3A_575 : vector<8x12800xf32>
    %convert_element_type3A_577 = arith.extui %ge3A_576 : vector<8x12800xi1> to vector<8x12800xi32>
    %reduce_sum3A_578 = arith.constant dense<0> : vector<8xi32>
    %reduce_sum3A_579 = vector.multi_reduction <add>, %convert_element_type3A_577, %reduce_sum3A_578 [1] : vector<8x12800xi32> to vector<8xi32>
    %broadcast_in_dim3A_580 = vector.shape_cast %reduce_sum3A_579 : vector<8xi32> to vector<8x1xi32>
    %add3A_581 = arith.addi %broadcast_in_dim3A_571, %broadcast_in_dim3A_580 : vector<8x1xi32>
    %get3A_582 = arith.constant 0 : index
    %get3A_583 = arith.constant 25600 : index
    %get3A_584 = vector.load %arg3[%get3A_582, %get3A_583] : memref<8x100000xf32, #tpu.memory_space<vmem>>, vector<8x12800xf32>
    %ge3A_585 = vector.broadcast %bitcast_convert_type3A_562 : vector<8x1xf32> to vector<8x12800xf32>
    %ge3A_586 = arith.cmpf oge, %get3A_584, %ge3A_585 : vector<8x12800xf32>
    %convert_element_type3A_587 = arith.extui %ge3A_586 : vector<8x12800xi1> to vector<8x12800xi32>
    %reduce_sum3A_588 = arith.constant dense<0> : vector<8xi32>
    %reduce_sum3A_589 = vector.multi_reduction <add>, %convert_element_type3A_587, %reduce_sum3A_588 [1] : vector<8x12800xi32> to vector<8xi32>
    %broadcast_in_dim3A_590 = vector.shape_cast %reduce_sum3A_589 : vector<8xi32> to vector<8x1xi32>
    %add3A_591 = arith.addi %add3A_581, %broadcast_in_dim3A_590 : vector<8x1xi32>
    %get3A_592 = arith.constant 0 : index
    %get3A_593 = arith.constant 38400 : index
    %get3A_594 = vector.load %arg3[%get3A_592, %get3A_593] : memref<8x100000xf32, #tpu.memory_space<vmem>>, vector<8x12800xf32>
    %ge3A_595 = vector.broadcast %bitcast_convert_type3A_562 : vector<8x1xf32> to vector<8x12800xf32>
    %ge3A_596 = arith.cmpf oge, %get3A_594, %ge3A_595 : vector<8x12800xf32>
    %convert_element_type3A_597 = arith.extui %ge3A_596 : vector<8x12800xi1> to vector<8x12800xi32>
    %reduce_sum3A_598 = arith.constant dense<0> : vector<8xi32>
    %reduce_sum3A_599 = vector.multi_reduction <add>, %convert_element_type3A_597, %reduce_sum3A_598 [1] : vector<8x12800xi32> to vector<8xi32>
    %broadcast_in_dim3A_600 = vector.shape_cast %reduce_sum3A_599 : vector<8xi32> to vector<8x1xi32>
    %add3A_601 = arith.addi %add3A_591, %broadcast_in_dim3A_600 : vector<8x1xi32>
    %get3A_602 = arith.constant 0 : index
    %get3A_603 = arith.constant 51200 : index
    %get3A_604 = vector.load %arg3[%get3A_602, %get3A_603] : memref<8x100000xf32, #tpu.memory_space<vmem>>, vector<8x12800xf32>
    %ge3A_605 = vector.broadcast %bitcast_convert_type3A_562 : vector<8x1xf32> to vector<8x12800xf32>
    %ge3A_606 = arith.cmpf oge, %get3A_604, %ge3A_605 : vector<8x12800xf32>
    %convert_element_type3A_607 = arith.extui %ge3A_606 : vector<8x12800xi1> to vector<8x12800xi32>
    %reduce_sum3A_608 = arith.constant dense<0> : vector<8xi32>
    %reduce_sum3A_609 = vector.multi_reduction <add>, %convert_element_type3A_607, %reduce_sum3A_608 [1] : vector<8x12800xi32> to vector<8xi32>
    %broadcast_in_dim3A_610 = vector.shape_cast %reduce_sum3A_609 : vector<8xi32> to vector<8x1xi32>
    %add3A_611 = arith.addi %add3A_601, %broadcast_in_dim3A_610 : vector<8x1xi32>
    %get3A_612 = arith.constant 0 : index
    %get3A_613 = arith.constant 64000 : index
    %get3A_614 = vector.load %arg3[%get3A_612, %get3A_613] : memref<8x100000xf32, #tpu.memory_space<vmem>>, vector<8x12800xf32>
    %ge3A_615 = vector.broadcast %bitcast_convert_type3A_562 : vector<8x1xf32> to vector<8x12800xf32>
    %ge3A_616 = arith.cmpf oge, %get3A_614, %ge3A_615 : vector<8x12800xf32>
    %convert_element_type3A_617 = arith.extui %ge3A_616 : vector<8x12800xi1> to vector<8x12800xi32>
    %reduce_sum3A_618 = arith.constant dense<0> : vector<8xi32>
    %reduce_sum3A_619 = vector.multi_reduction <add>, %convert_element_type3A_617, %reduce_sum3A_618 [1] : vector<8x12800xi32> to vector<8xi32>
    %broadcast_in_dim3A_620 = vector.shape_cast %reduce_sum3A_619 : vector<8xi32> to vector<8x1xi32>
    %add3A_621 = arith.addi %add3A_611, %broadcast_in_dim3A_620 : vector<8x1xi32>
    %get3A_622 = arith.constant 0 : index
    %get3A_623 = arith.constant 76800 : index
    %get3A_624 = vector.load %arg3[%get3A_622, %get3A_623] : memref<8x100000xf32, #tpu.memory_space<vmem>>, vector<8x12800xf32>
    %ge3A_625 = vector.broadcast %bitcast_convert_type3A_562 : vector<8x1xf32> to vector<8x12800xf32>
    %ge3A_626 = arith.cmpf oge, %get3A_624, %ge3A_625 : vector<8x12800xf32>
    %convert_element_type3A_627 = arith.extui %ge3A_626 : vector<8x12800xi1> to vector<8x12800xi32>
    %reduce_sum3A_628 = arith.constant dense<0> : vector<8xi32>
    %reduce_sum3A_629 = vector.multi_reduction <add>, %convert_element_type3A_627, %reduce_sum3A_628 [1] : vector<8x12800xi32> to vector<8xi32>
    %broadcast_in_dim3A_630 = vector.shape_cast %reduce_sum3A_629 : vector<8xi32> to vector<8x1xi32>
    %add3A_631 = arith.addi %add3A_621, %broadcast_in_dim3A_630 : vector<8x1xi32>
    %get3A_632 = arith.constant 0 : index
    %get3A_633 = arith.constant 89600 : index
    %get3A_634 = vector.load %arg3[%get3A_632, %get3A_633] : memref<8x100000xf32, #tpu.memory_space<vmem>>, vector<8x10400xf32>
    %ge3A_635 = vector.broadcast %bitcast_convert_type3A_562 : vector<8x1xf32> to vector<8x10400xf32>
    %ge3A_636 = arith.cmpf oge, %get3A_634, %ge3A_635 : vector<8x10400xf32>
    %convert_element_type3A_637 = arith.extui %ge3A_636 : vector<8x10400xi1> to vector<8x10400xi32>
    %reduce_sum3A_638 = arith.constant dense<0> : vector<8xi32>
    %reduce_sum3A_639 = vector.multi_reduction <add>, %convert_element_type3A_637, %reduce_sum3A_638 [1] : vector<8x10400xi32> to vector<8xi32>
    %broadcast_in_dim3A_640 = vector.shape_cast %reduce_sum3A_639 : vector<8xi32> to vector<8x1xi32>
    %add3A_641 = arith.addi %add3A_631, %broadcast_in_dim3A_640 : vector<8x1xi32>
    %ge3A_642 = vector.broadcast %get3A_1 : i32 to vector<8x1xi32>
    %ge3A_643 = arith.cmpi sge, %add3A_641, %ge3A_642 : vector<8x1xi32>
    %select_n3A_644 = arith.select %ge3A_643, %or3A_554, %select_n3A_551 : vector<8x1xi1>, vector<8x1xi32>
    %or3A_645 = arith.constant 16777216 : i32
    %or3A_646 = vector.broadcast %or3A_645 : i32 to vector<8x1xi32>
    %or3A_647 = arith.ori %select_n3A_644, %or3A_646 : vector<8x1xi32>
    %ge3A_648 = arith.constant 0 : i32
    %ge3A_649 = vector.broadcast %ge3A_648 : i32 to vector<8x1xi32>
    %ge3A_650 = arith.cmpi sge, %or3A_647, %ge3A_649 : vector<8x1xi32>
    %xor3A_651 = arith.constant 2147483647 : i32
    %xor3A_652 = vector.broadcast %xor3A_651 : i32 to vector<8x1xi32>
    %xor3A_653 = arith.xori %or3A_647, %xor3A_652 : vector<8x1xi32>
    %select_n3A_654 = arith.select %ge3A_650, %or3A_647, %xor3A_653 : vector<8x1xi1>, vector<8x1xi32>
    %bitcast_convert_type3A_655 = tpu.bitcast %select_n3A_654 : vector<8x1xi32> -> vector<8x1xf32>
    %get3A_656 = arith.constant 0 : index
    %get3A_657 = arith.constant 0 : index
    %get3A_658 = vector.load %arg3[%get3A_656, %get3A_657] : memref<8x100000xf32, #tpu.memory_space<vmem>>, vector<8x12800xf32>
    %ge3A_659 = vector.broadcast %bitcast_convert_type3A_655 : vector<8x1xf32> to vector<8x12800xf32>
    %ge3A_660 = arith.cmpf oge, %get3A_658, %ge3A_659 : vector<8x12800xf32>
    %convert_element_type3A_661 = arith.extui %ge3A_660 : vector<8x12800xi1> to vector<8x12800xi32>
    %reduce_sum3A_662 = arith.constant dense<0> : vector<8xi32>
    %reduce_sum3A_663 = vector.multi_reduction <add>, %convert_element_type3A_661, %reduce_sum3A_662 [1] : vector<8x12800xi32> to vector<8xi32>
    %broadcast_in_dim3A_664 = vector.shape_cast %reduce_sum3A_663 : vector<8xi32> to vector<8x1xi32>
    %get3A_665 = arith.constant 0 : index
    %get3A_666 = arith.constant 12800 : index
    %get3A_667 = vector.load %arg3[%get3A_665, %get3A_666] : memref<8x100000xf32, #tpu.memory_space<vmem>>, vector<8x12800xf32>
    %ge3A_668 = vector.broadcast %bitcast_convert_type3A_655 : vector<8x1xf32> to vector<8x12800xf32>
    %ge3A_669 = arith.cmpf oge, %get3A_667, %ge3A_668 : vector<8x12800xf32>
    %convert_element_type3A_670 = arith.extui %ge3A_669 : vector<8x12800xi1> to vector<8x12800xi32>
    %reduce_sum3A_671 = arith.constant dense<0> : vector<8xi32>
    %reduce_sum3A_672 = vector.multi_reduction <add>, %convert_element_type3A_670, %reduce_sum3A_671 [1] : vector<8x12800xi32> to vector<8xi32>
    %broadcast_in_dim3A_673 = vector.shape_cast %reduce_sum3A_672 : vector<8xi32> to vector<8x1xi32>
    %add3A_674 = arith.addi %broadcast_in_dim3A_664, %broadcast_in_dim3A_673 : vector<8x1xi32>
    %get3A_675 = arith.constant 0 : index
    %get3A_676 = arith.constant 25600 : index
    %get3A_677 = vector.load %arg3[%get3A_675, %get3A_676] : memref<8x100000xf32, #tpu.memory_space<vmem>>, vector<8x12800xf32>
    %ge3A_678 = vector.broadcast %bitcast_convert_type3A_655 : vector<8x1xf32> to vector<8x12800xf32>
    %ge3A_679 = arith.cmpf oge, %get3A_677, %ge3A_678 : vector<8x12800xf32>
    %convert_element_type3A_680 = arith.extui %ge3A_679 : vector<8x12800xi1> to vector<8x12800xi32>
    %reduce_sum3A_681 = arith.constant dense<0> : vector<8xi32>
    %reduce_sum3A_682 = vector.multi_reduction <add>, %convert_element_type3A_680, %reduce_sum3A_681 [1] : vector<8x12800xi32> to vector<8xi32>
    %broadcast_in_dim3A_683 = vector.shape_cast %reduce_sum3A_682 : vector<8xi32> to vector<8x1xi32>
    %add3A_684 = arith.addi %add3A_674, %broadcast_in_dim3A_683 : vector<8x1xi32>
    %get3A_685 = arith.constant 0 : index
    %get3A_686 = arith.constant 38400 : index
    %get3A_687 = vector.load %arg3[%get3A_685, %get3A_686] : memref<8x100000xf32, #tpu.memory_space<vmem>>, vector<8x12800xf32>
    %ge3A_688 = vector.broadcast %bitcast_convert_type3A_655 : vector<8x1xf32> to vector<8x12800xf32>
    %ge3A_689 = arith.cmpf oge, %get3A_687, %ge3A_688 : vector<8x12800xf32>
    %convert_element_type3A_690 = arith.extui %ge3A_689 : vector<8x12800xi1> to vector<8x12800xi32>
    %reduce_sum3A_691 = arith.constant dense<0> : vector<8xi32>
    %reduce_sum3A_692 = vector.multi_reduction <add>, %convert_element_type3A_690, %reduce_sum3A_691 [1] : vector<8x12800xi32> to vector<8xi32>
    %broadcast_in_dim3A_693 = vector.shape_cast %reduce_sum3A_692 : vector<8xi32> to vector<8x1xi32>
    %add3A_694 = arith.addi %add3A_684, %broadcast_in_dim3A_693 : vector<8x1xi32>
    %get3A_695 = arith.constant 0 : index
    %get3A_696 = arith.constant 51200 : index
    %get3A_697 = vector.load %arg3[%get3A_695, %get3A_696] : memref<8x100000xf32, #tpu.memory_space<vmem>>, vector<8x12800xf32>
    %ge3A_698 = vector.broadcast %bitcast_convert_type3A_655 : vector<8x1xf32> to vector<8x12800xf32>
    %ge3A_699 = arith.cmpf oge, %get3A_697, %ge3A_698 : vector<8x12800xf32>
    %convert_element_type3A_700 = arith.extui %ge3A_699 : vector<8x12800xi1> to vector<8x12800xi32>
    %reduce_sum3A_701 = arith.constant dense<0> : vector<8xi32>
    %reduce_sum3A_702 = vector.multi_reduction <add>, %convert_element_type3A_700, %reduce_sum3A_701 [1] : vector<8x12800xi32> to vector<8xi32>
    %broadcast_in_dim3A_703 = vector.shape_cast %reduce_sum3A_702 : vector<8xi32> to vector<8x1xi32>
    %add3A_704 = arith.addi %add3A_694, %broadcast_in_dim3A_703 : vector<8x1xi32>
    %get3A_705 = arith.constant 0 : index
    %get3A_706 = arith.constant 64000 : index
    %get3A_707 = vector.load %arg3[%get3A_705, %get3A_706] : memref<8x100000xf32, #tpu.memory_space<vmem>>, vector<8x12800xf32>
    %ge3A_708 = vector.broadcast %bitcast_convert_type3A_655 : vector<8x1xf32> to vector<8x12800xf32>
    %ge3A_709 = arith.cmpf oge, %get3A_707, %ge3A_708 : vector<8x12800xf32>
    %convert_element_type3A_710 = arith.extui %ge3A_709 : vector<8x12800xi1> to vector<8x12800xi32>
    %reduce_sum3A_711 = arith.constant dense<0> : vector<8xi32>
    %reduce_sum3A_712 = vector.multi_reduction <add>, %convert_element_type3A_710, %reduce_sum3A_711 [1] : vector<8x12800xi32> to vector<8xi32>
    %broadcast_in_dim3A_713 = vector.shape_cast %reduce_sum3A_712 : vector<8xi32> to vector<8x1xi32>
    %add3A_714 = arith.addi %add3A_704, %broadcast_in_dim3A_713 : vector<8x1xi32>
    %get3A_715 = arith.constant 0 : index
    %get3A_716 = arith.constant 76800 : index
    %get3A_717 = vector.load %arg3[%get3A_715, %get3A_716] : memref<8x100000xf32, #tpu.memory_space<vmem>>, vector<8x12800xf32>
    %ge3A_718 = vector.broadcast %bitcast_convert_type3A_655 : vector<8x1xf32> to vector<8x12800xf32>
    %ge3A_719 = arith.cmpf oge, %get3A_717, %ge3A_718 : vector<8x12800xf32>
    %convert_element_type3A_720 = arith.extui %ge3A_719 : vector<8x12800xi1> to vector<8x12800xi32>
    %reduce_sum3A_721 = arith.constant dense<0> : vector<8xi32>
    %reduce_sum3A_722 = vector.multi_reduction <add>, %convert_element_type3A_720, %reduce_sum3A_721 [1] : vector<8x12800xi32> to vector<8xi32>
    %broadcast_in_dim3A_723 = vector.shape_cast %reduce_sum3A_722 : vector<8xi32> to vector<8x1xi32>
    %add3A_724 = arith.addi %add3A_714, %broadcast_in_dim3A_723 : vector<8x1xi32>
    %get3A_725 = arith.constant 0 : index
    %get3A_726 = arith.constant 89600 : index
    %get3A_727 = vector.load %arg3[%get3A_725, %get3A_726] : memref<8x100000xf32, #tpu.memory_space<vmem>>, vector<8x10400xf32>
    %ge3A_728 = vector.broadcast %bitcast_convert_type3A_655 : vector<8x1xf32> to vector<8x10400xf32>
    %ge3A_729 = arith.cmpf oge, %get3A_727, %ge3A_728 : vector<8x10400xf32>
    %convert_element_type3A_730 = arith.extui %ge3A_729 : vector<8x10400xi1> to vector<8x10400xi32>
    %reduce_sum3A_731 = arith.constant dense<0> : vector<8xi32>
    %reduce_sum3A_732 = vector.multi_reduction <add>, %convert_element_type3A_730, %reduce_sum3A_731 [1] : vector<8x10400xi32> to vector<8xi32>
    %broadcast_in_dim3A_733 = vector.shape_cast %reduce_sum3A_732 : vector<8xi32> to vector<8x1xi32>
    %add3A_734 = arith.addi %add3A_724, %broadcast_in_dim3A_733 : vector<8x1xi32>
    %ge3A_735 = vector.broadcast %get3A_1 : i32 to vector<8x1xi32>
    %ge3A_736 = arith.cmpi sge, %add3A_734, %ge3A_735 : vector<8x1xi32>
    %select_n3A_737 = arith.select %ge3A_736, %or3A_647, %select_n3A_644 : vector<8x1xi1>, vector<8x1xi32>
    %or3A_738 = arith.constant 8388608 : i32
    %or3A_739 = vector.broadcast %or3A_738 : i32 to vector<8x1xi32>
    %or3A_740 = arith.ori %select_n3A_737, %or3A_739 : vector<8x1xi32>
    %ge3A_741 = arith.constant 0 : i32
    %ge3A_742 = vector.broadcast %ge3A_741 : i32 to vector<8x1xi32>
    %ge3A_743 = arith.cmpi sge, %or3A_740, %ge3A_742 : vector<8x1xi32>
    %xor3A_744 = arith.constant 2147483647 : i32
    %xor3A_745 = vector.broadcast %xor3A_744 : i32 to vector<8x1xi32>
    %xor3A_746 = arith.xori %or3A_740, %xor3A_745 : vector<8x1xi32>
    %select_n3A_747 = arith.select %ge3A_743, %or3A_740, %xor3A_746 : vector<8x1xi1>, vector<8x1xi32>
    %bitcast_convert_type3A_748 = tpu.bitcast %select_n3A_747 : vector<8x1xi32> -> vector<8x1xf32>
    %get3A_749 = arith.constant 0 : index
    %get3A_750 = arith.constant 0 : index
    %get3A_751 = vector.load %arg3[%get3A_749, %get3A_750] : memref<8x100000xf32, #tpu.memory_space<vmem>>, vector<8x12800xf32>
    %ge3A_752 = vector.broadcast %bitcast_convert_type3A_748 : vector<8x1xf32> to vector<8x12800xf32>
    %ge3A_753 = arith.cmpf oge, %get3A_751, %ge3A_752 : vector<8x12800xf32>
    %convert_element_type3A_754 = arith.extui %ge3A_753 : vector<8x12800xi1> to vector<8x12800xi32>
    %reduce_sum3A_755 = arith.constant dense<0> : vector<8xi32>
    %reduce_sum3A_756 = vector.multi_reduction <add>, %convert_element_type3A_754, %reduce_sum3A_755 [1] : vector<8x12800xi32> to vector<8xi32>
    %broadcast_in_dim3A_757 = vector.shape_cast %reduce_sum3A_756 : vector<8xi32> to vector<8x1xi32>
    %get3A_758 = arith.constant 0 : index
    %get3A_759 = arith.constant 12800 : index
    %get3A_760 = vector.load %arg3[%get3A_758, %get3A_759] : memref<8x100000xf32, #tpu.memory_space<vmem>>, vector<8x12800xf32>
    %ge3A_761 = vector.broadcast %bitcast_convert_type3A_748 : vector<8x1xf32> to vector<8x12800xf32>
    %ge3A_762 = arith.cmpf oge, %get3A_760, %ge3A_761 : vector<8x12800xf32>
    %convert_element_type3A_763 = arith.extui %ge3A_762 : vector<8x12800xi1> to vector<8x12800xi32>
    %reduce_sum3A_764 = arith.constant dense<0> : vector<8xi32>
    %reduce_sum3A_765 = vector.multi_reduction <add>, %convert_element_type3A_763, %reduce_sum3A_764 [1] : vector<8x12800xi32> to vector<8xi32>
    %broadcast_in_dim3A_766 = vector.shape_cast %reduce_sum3A_765 : vector<8xi32> to vector<8x1xi32>
    %add3A_767 = arith.addi %broadcast_in_dim3A_757, %broadcast_in_dim3A_766 : vector<8x1xi32>
    %get3A_768 = arith.constant 0 : index
    %get3A_769 = arith.constant 25600 : index
    %get3A_770 = vector.load %arg3[%get3A_768, %get3A_769] : memref<8x100000xf32, #tpu.memory_space<vmem>>, vector<8x12800xf32>
    %ge3A_771 = vector.broadcast %bitcast_convert_type3A_748 : vector<8x1xf32> to vector<8x12800xf32>
    %ge3A_772 = arith.cmpf oge, %get3A_770, %ge3A_771 : vector<8x12800xf32>
    %convert_element_type3A_773 = arith.extui %ge3A_772 : vector<8x12800xi1> to vector<8x12800xi32>
    %reduce_sum3A_774 = arith.constant dense<0> : vector<8xi32>
    %reduce_sum3A_775 = vector.multi_reduction <add>, %convert_element_type3A_773, %reduce_sum3A_774 [1] : vector<8x12800xi32> to vector<8xi32>
    %broadcast_in_dim3A_776 = vector.shape_cast %reduce_sum3A_775 : vector<8xi32> to vector<8x1xi32>
    %add3A_777 = arith.addi %add3A_767, %broadcast_in_dim3A_776 : vector<8x1xi32>
    %get3A_778 = arith.constant 0 : index
    %get3A_779 = arith.constant 38400 : index
    %get3A_780 = vector.load %arg3[%get3A_778, %get3A_779] : memref<8x100000xf32, #tpu.memory_space<vmem>>, vector<8x12800xf32>
    %ge3A_781 = vector.broadcast %bitcast_convert_type3A_748 : vector<8x1xf32> to vector<8x12800xf32>
    %ge3A_782 = arith.cmpf oge, %get3A_780, %ge3A_781 : vector<8x12800xf32>
    %convert_element_type3A_783 = arith.extui %ge3A_782 : vector<8x12800xi1> to vector<8x12800xi32>
    %reduce_sum3A_784 = arith.constant dense<0> : vector<8xi32>
    %reduce_sum3A_785 = vector.multi_reduction <add>, %convert_element_type3A_783, %reduce_sum3A_784 [1] : vector<8x12800xi32> to vector<8xi32>
    %broadcast_in_dim3A_786 = vector.shape_cast %reduce_sum3A_785 : vector<8xi32> to vector<8x1xi32>
    %add3A_787 = arith.addi %add3A_777, %broadcast_in_dim3A_786 : vector<8x1xi32>
    %get3A_788 = arith.constant 0 : index
    %get3A_789 = arith.constant 51200 : index
    %get3A_790 = vector.load %arg3[%get3A_788, %get3A_789] : memref<8x100000xf32, #tpu.memory_space<vmem>>, vector<8x12800xf32>
    %ge3A_791 = vector.broadcast %bitcast_convert_type3A_748 : vector<8x1xf32> to vector<8x12800xf32>
    %ge3A_792 = arith.cmpf oge, %get3A_790, %ge3A_791 : vector<8x12800xf32>
    %convert_element_type3A_793 = arith.extui %ge3A_792 : vector<8x12800xi1> to vector<8x12800xi32>
    %reduce_sum3A_794 = arith.constant dense<0> : vector<8xi32>
    %reduce_sum3A_795 = vector.multi_reduction <add>, %convert_element_type3A_793, %reduce_sum3A_794 [1] : vector<8x12800xi32> to vector<8xi32>
    %broadcast_in_dim3A_796 = vector.shape_cast %reduce_sum3A_795 : vector<8xi32> to vector<8x1xi32>
    %add3A_797 = arith.addi %add3A_787, %broadcast_in_dim3A_796 : vector<8x1xi32>
    %get3A_798 = arith.constant 0 : index
    %get3A_799 = arith.constant 64000 : index
    %get3A_800 = vector.load %arg3[%get3A_798, %get3A_799] : memref<8x100000xf32, #tpu.memory_space<vmem>>, vector<8x12800xf32>
    %ge3A_801 = vector.broadcast %bitcast_convert_type3A_748 : vector<8x1xf32> to vector<8x12800xf32>
    %ge3A_802 = arith.cmpf oge, %get3A_800, %ge3A_801 : vector<8x12800xf32>
    %convert_element_type3A_803 = arith.extui %ge3A_802 : vector<8x12800xi1> to vector<8x12800xi32>
    %reduce_sum3A_804 = arith.constant dense<0> : vector<8xi32>
    %reduce_sum3A_805 = vector.multi_reduction <add>, %convert_element_type3A_803, %reduce_sum3A_804 [1] : vector<8x12800xi32> to vector<8xi32>
    %broadcast_in_dim3A_806 = vector.shape_cast %reduce_sum3A_805 : vector<8xi32> to vector<8x1xi32>
    %add3A_807 = arith.addi %add3A_797, %broadcast_in_dim3A_806 : vector<8x1xi32>
    %get3A_808 = arith.constant 0 : index
    %get3A_809 = arith.constant 76800 : index
    %get3A_810 = vector.load %arg3[%get3A_808, %get3A_809] : memref<8x100000xf32, #tpu.memory_space<vmem>>, vector<8x12800xf32>
    %ge3A_811 = vector.broadcast %bitcast_convert_type3A_748 : vector<8x1xf32> to vector<8x12800xf32>
    %ge3A_812 = arith.cmpf oge, %get3A_810, %ge3A_811 : vector<8x12800xf32>
    %convert_element_type3A_813 = arith.extui %ge3A_812 : vector<8x12800xi1> to vector<8x12800xi32>
    %reduce_sum3A_814 = arith.constant dense<0> : vector<8xi32>
    %reduce_sum3A_815 = vector.multi_reduction <add>, %convert_element_type3A_813, %reduce_sum3A_814 [1] : vector<8x12800xi32> to vector<8xi32>
    %broadcast_in_dim3A_816 = vector.shape_cast %reduce_sum3A_815 : vector<8xi32> to vector<8x1xi32>
    %add3A_817 = arith.addi %add3A_807, %broadcast_in_dim3A_816 : vector<8x1xi32>
    %get3A_818 = arith.constant 0 : index
    %get3A_819 = arith.constant 89600 : index
    %get3A_820 = vector.load %arg3[%get3A_818, %get3A_819] : memref<8x100000xf32, #tpu.memory_space<vmem>>, vector<8x10400xf32>
    %ge3A_821 = vector.broadcast %bitcast_convert_type3A_748 : vector<8x1xf32> to vector<8x10400xf32>
    %ge3A_822 = arith.cmpf oge, %get3A_820, %ge3A_821 : vector<8x10400xf32>
    %convert_element_type3A_823 = arith.extui %ge3A_822 : vector<8x10400xi1> to vector<8x10400xi32>
    %reduce_sum3A_824 = arith.constant dense<0> : vector<8xi32>
    %reduce_sum3A_825 = vector.multi_reduction <add>, %convert_element_type3A_823, %reduce_sum3A_824 [1] : vector<8x10400xi32> to vector<8xi32>
    %broadcast_in_dim3A_826 = vector.shape_cast %reduce_sum3A_825 : vector<8xi32> to vector<8x1xi32>
    %add3A_827 = arith.addi %add3A_817, %broadcast_in_dim3A_826 : vector<8x1xi32>
    %ge3A_828 = vector.broadcast %get3A_1 : i32 to vector<8x1xi32>
    %ge3A_829 = arith.cmpi sge, %add3A_827, %ge3A_828 : vector<8x1xi32>
    %select_n3A_830 = arith.select %ge3A_829, %or3A_740, %select_n3A_737 : vector<8x1xi1>, vector<8x1xi32>
    %or3A_831 = arith.constant 4194304 : i32
    %or3A_832 = vector.broadcast %or3A_831 : i32 to vector<8x1xi32>
    %or3A_833 = arith.ori %select_n3A_830, %or3A_832 : vector<8x1xi32>
    %ge3A_834 = arith.constant 0 : i32
    %ge3A_835 = vector.broadcast %ge3A_834 : i32 to vector<8x1xi32>
    %ge3A_836 = arith.cmpi sge, %or3A_833, %ge3A_835 : vector<8x1xi32>
    %xor3A_837 = arith.constant 2147483647 : i32
    %xor3A_838 = vector.broadcast %xor3A_837 : i32 to vector<8x1xi32>
    %xor3A_839 = arith.xori %or3A_833, %xor3A_838 : vector<8x1xi32>
    %select_n3A_840 = arith.select %ge3A_836, %or3A_833, %xor3A_839 : vector<8x1xi1>, vector<8x1xi32>
    %bitcast_convert_type3A_841 = tpu.bitcast %select_n3A_840 : vector<8x1xi32> -> vector<8x1xf32>
    %get3A_842 = arith.constant 0 : index
    %get3A_843 = arith.constant 0 : index
    %get3A_844 = vector.load %arg3[%get3A_842, %get3A_843] : memref<8x100000xf32, #tpu.memory_space<vmem>>, vector<8x12800xf32>
    %ge3A_845 = vector.broadcast %bitcast_convert_type3A_841 : vector<8x1xf32> to vector<8x12800xf32>
    %ge3A_846 = arith.cmpf oge, %get3A_844, %ge3A_845 : vector<8x12800xf32>
    %convert_element_type3A_847 = arith.extui %ge3A_846 : vector<8x12800xi1> to vector<8x12800xi32>
    %reduce_sum3A_848 = arith.constant dense<0> : vector<8xi32>
    %reduce_sum3A_849 = vector.multi_reduction <add>, %convert_element_type3A_847, %reduce_sum3A_848 [1] : vector<8x12800xi32> to vector<8xi32>
    %broadcast_in_dim3A_850 = vector.shape_cast %reduce_sum3A_849 : vector<8xi32> to vector<8x1xi32>
    %get3A_851 = arith.constant 0 : index
    %get3A_852 = arith.constant 12800 : index
    %get3A_853 = vector.load %arg3[%get3A_851, %get3A_852] : memref<8x100000xf32, #tpu.memory_space<vmem>>, vector<8x12800xf32>
    %ge3A_854 = vector.broadcast %bitcast_convert_type3A_841 : vector<8x1xf32> to vector<8x12800xf32>
    %ge3A_855 = arith.cmpf oge, %get3A_853, %ge3A_854 : vector<8x12800xf32>
    %convert_element_type3A_856 = arith.extui %ge3A_855 : vector<8x12800xi1> to vector<8x12800xi32>
    %reduce_sum3A_857 = arith.constant dense<0> : vector<8xi32>
    %reduce_sum3A_858 = vector.multi_reduction <add>, %convert_element_type3A_856, %reduce_sum3A_857 [1] : vector<8x12800xi32> to vector<8xi32>
    %broadcast_in_dim3A_859 = vector.shape_cast %reduce_sum3A_858 : vector<8xi32> to vector<8x1xi32>
    %add3A_860 = arith.addi %broadcast_in_dim3A_850, %broadcast_in_dim3A_859 : vector<8x1xi32>
    %get3A_861 = arith.constant 0 : index
    %get3A_862 = arith.constant 25600 : index
    %get3A_863 = vector.load %arg3[%get3A_861, %get3A_862] : memref<8x100000xf32, #tpu.memory_space<vmem>>, vector<8x12800xf32>
    %ge3A_864 = vector.broadcast %bitcast_convert_type3A_841 : vector<8x1xf32> to vector<8x12800xf32>
    %ge3A_865 = arith.cmpf oge, %get3A_863, %ge3A_864 : vector<8x12800xf32>
    %convert_element_type3A_866 = arith.extui %ge3A_865 : vector<8x12800xi1> to vector<8x12800xi32>
    %reduce_sum3A_867 = arith.constant dense<0> : vector<8xi32>
    %reduce_sum3A_868 = vector.multi_reduction <add>, %convert_element_type3A_866, %reduce_sum3A_867 [1] : vector<8x12800xi32> to vector<8xi32>
    %broadcast_in_dim3A_869 = vector.shape_cast %reduce_sum3A_868 : vector<8xi32> to vector<8x1xi32>
    %add3A_870 = arith.addi %add3A_860, %broadcast_in_dim3A_869 : vector<8x1xi32>
    %get3A_871 = arith.constant 0 : index
    %get3A_872 = arith.constant 38400 : index
    %get3A_873 = vector.load %arg3[%get3A_871, %get3A_872] : memref<8x100000xf32, #tpu.memory_space<vmem>>, vector<8x12800xf32>
    %ge3A_874 = vector.broadcast %bitcast_convert_type3A_841 : vector<8x1xf32> to vector<8x12800xf32>
    %ge3A_875 = arith.cmpf oge, %get3A_873, %ge3A_874 : vector<8x12800xf32>
    %convert_element_type3A_876 = arith.extui %ge3A_875 : vector<8x12800xi1> to vector<8x12800xi32>
    %reduce_sum3A_877 = arith.constant dense<0> : vector<8xi32>
    %reduce_sum3A_878 = vector.multi_reduction <add>, %convert_element_type3A_876, %reduce_sum3A_877 [1] : vector<8x12800xi32> to vector<8xi32>
    %broadcast_in_dim3A_879 = vector.shape_cast %reduce_sum3A_878 : vector<8xi32> to vector<8x1xi32>
    %add3A_880 = arith.addi %add3A_870, %broadcast_in_dim3A_879 : vector<8x1xi32>
    %get3A_881 = arith.constant 0 : index
    %get3A_882 = arith.constant 51200 : index
    %get3A_883 = vector.load %arg3[%get3A_881, %get3A_882] : memref<8x100000xf32, #tpu.memory_space<vmem>>, vector<8x12800xf32>
    %ge3A_884 = vector.broadcast %bitcast_convert_type3A_841 : vector<8x1xf32> to vector<8x12800xf32>
    %ge3A_885 = arith.cmpf oge, %get3A_883, %ge3A_884 : vector<8x12800xf32>
    %convert_element_type3A_886 = arith.extui %ge3A_885 : vector<8x12800xi1> to vector<8x12800xi32>
    %reduce_sum3A_887 = arith.constant dense<0> : vector<8xi32>
    %reduce_sum3A_888 = vector.multi_reduction <add>, %convert_element_type3A_886, %reduce_sum3A_887 [1] : vector<8x12800xi32> to vector<8xi32>
    %broadcast_in_dim3A_889 = vector.shape_cast %reduce_sum3A_888 : vector<8xi32> to vector<8x1xi32>
    %add3A_890 = arith.addi %add3A_880, %broadcast_in_dim3A_889 : vector<8x1xi32>
    %get3A_891 = arith.constant 0 : index
    %get3A_892 = arith.constant 64000 : index
    %get3A_893 = vector.load %arg3[%get3A_891, %get3A_892] : memref<8x100000xf32, #tpu.memory_space<vmem>>, vector<8x12800xf32>
    %ge3A_894 = vector.broadcast %bitcast_convert_type3A_841 : vector<8x1xf32> to vector<8x12800xf32>
    %ge3A_895 = arith.cmpf oge, %get3A_893, %ge3A_894 : vector<8x12800xf32>
    %convert_element_type3A_896 = arith.extui %ge3A_895 : vector<8x12800xi1> to vector<8x12800xi32>
    %reduce_sum3A_897 = arith.constant dense<0> : vector<8xi32>
    %reduce_sum3A_898 = vector.multi_reduction <add>, %convert_element_type3A_896, %reduce_sum3A_897 [1] : vector<8x12800xi32> to vector<8xi32>
    %broadcast_in_dim3A_899 = vector.shape_cast %reduce_sum3A_898 : vector<8xi32> to vector<8x1xi32>
    %add3A_900 = arith.addi %add3A_890, %broadcast_in_dim3A_899 : vector<8x1xi32>
    %get3A_901 = arith.constant 0 : index
    %get3A_902 = arith.constant 76800 : index
    %get3A_903 = vector.load %arg3[%get3A_901, %get3A_902] : memref<8x100000xf32, #tpu.memory_space<vmem>>, vector<8x12800xf32>
    %ge3A_904 = vector.broadcast %bitcast_convert_type3A_841 : vector<8x1xf32> to vector<8x12800xf32>
    %ge3A_905 = arith.cmpf oge, %get3A_903, %ge3A_904 : vector<8x12800xf32>
    %convert_element_type3A_906 = arith.extui %ge3A_905 : vector<8x12800xi1> to vector<8x12800xi32>
    %reduce_sum3A_907 = arith.constant dense<0> : vector<8xi32>
    %reduce_sum3A_908 = vector.multi_reduction <add>, %convert_element_type3A_906, %reduce_sum3A_907 [1] : vector<8x12800xi32> to vector<8xi32>
    %broadcast_in_dim3A_909 = vector.shape_cast %reduce_sum3A_908 : vector<8xi32> to vector<8x1xi32>
    %add3A_910 = arith.addi %add3A_900, %broadcast_in_dim3A_909 : vector<8x1xi32>
    %get3A_911 = arith.constant 0 : index
    %get3A_912 = arith.constant 89600 : index
    %get3A_913 = vector.load %arg3[%get3A_911, %get3A_912] : memref<8x100000xf32, #tpu.memory_space<vmem>>, vector<8x10400xf32>
    %ge3A_914 = vector.broadcast %bitcast_convert_type3A_841 : vector<8x1xf32> to vector<8x10400xf32>
    %ge3A_915 = arith.cmpf oge, %get3A_913, %ge3A_914 : vector<8x10400xf32>
    %convert_element_type3A_916 = arith.extui %ge3A_915 : vector<8x10400xi1> to vector<8x10400xi32>
    %reduce_sum3A_917 = arith.constant dense<0> : vector<8xi32>
    %reduce_sum3A_918 = vector.multi_reduction <add>, %convert_element_type3A_916, %reduce_sum3A_917 [1] : vector<8x10400xi32> to vector<8xi32>
    %broadcast_in_dim3A_919 = vector.shape_cast %reduce_sum3A_918 : vector<8xi32> to vector<8x1xi32>
    %add3A_920 = arith.addi %add3A_910, %broadcast_in_dim3A_919 : vector<8x1xi32>
    %ge3A_921 = vector.broadcast %get3A_1 : i32 to vector<8x1xi32>
    %ge3A_922 = arith.cmpi sge, %add3A_920, %ge3A_921 : vector<8x1xi32>
    %select_n3A_923 = arith.select %ge3A_922, %or3A_833, %select_n3A_830 : vector<8x1xi1>, vector<8x1xi32>
    %or3A_924 = arith.constant 2097152 : i32
    %or3A_925 = vector.broadcast %or3A_924 : i32 to vector<8x1xi32>
    %or3A_926 = arith.ori %select_n3A_923, %or3A_925 : vector<8x1xi32>
    %ge3A_927 = arith.constant 0 : i32
    %ge3A_928 = vector.broadcast %ge3A_927 : i32 to vector<8x1xi32>
    %ge3A_929 = arith.cmpi sge, %or3A_926, %ge3A_928 : vector<8x1xi32>
    %xor3A_930 = arith.constant 2147483647 : i32
    %xor3A_931 = vector.broadcast %xor3A_930 : i32 to vector<8x1xi32>
    %xor3A_932 = arith.xori %or3A_926, %xor3A_931 : vector<8x1xi32>
    %select_n3A_933 = arith.select %ge3A_929, %or3A_926, %xor3A_932 : vector<8x1xi1>, vector<8x1xi32>
    %bitcast_convert_type3A_934 = tpu.bitcast %select_n3A_933 : vector<8x1xi32> -> vector<8x1xf32>
    %get3A_935 = arith.constant 0 : index
    %get3A_936 = arith.constant 0 : index
    %get3A_937 = vector.load %arg3[%get3A_935, %get3A_936] : memref<8x100000xf32, #tpu.memory_space<vmem>>, vector<8x12800xf32>
    %ge3A_938 = vector.broadcast %bitcast_convert_type3A_934 : vector<8x1xf32> to vector<8x12800xf32>
    %ge3A_939 = arith.cmpf oge, %get3A_937, %ge3A_938 : vector<8x12800xf32>
    %convert_element_type3A_940 = arith.extui %ge3A_939 : vector<8x12800xi1> to vector<8x12800xi32>
    %reduce_sum3A_941 = arith.constant dense<0> : vector<8xi32>
    %reduce_sum3A_942 = vector.multi_reduction <add>, %convert_element_type3A_940, %reduce_sum3A_941 [1] : vector<8x12800xi32> to vector<8xi32>
    %broadcast_in_dim3A_943 = vector.shape_cast %reduce_sum3A_942 : vector<8xi32> to vector<8x1xi32>
    %get3A_944 = arith.constant 0 : index
    %get3A_945 = arith.constant 12800 : index
    %get3A_946 = vector.load %arg3[%get3A_944, %get3A_945] : memref<8x100000xf32, #tpu.memory_space<vmem>>, vector<8x12800xf32>
    %ge3A_947 = vector.broadcast %bitcast_convert_type3A_934 : vector<8x1xf32> to vector<8x12800xf32>
    %ge3A_948 = arith.cmpf oge, %get3A_946, %ge3A_947 : vector<8x12800xf32>
    %convert_element_type3A_949 = arith.extui %ge3A_948 : vector<8x12800xi1> to vector<8x12800xi32>
    %reduce_sum3A_950 = arith.constant dense<0> : vector<8xi32>
    %reduce_sum3A_951 = vector.multi_reduction <add>, %convert_element_type3A_949, %reduce_sum3A_950 [1] : vector<8x12800xi32> to vector<8xi32>
    %broadcast_in_dim3A_952 = vector.shape_cast %reduce_sum3A_951 : vector<8xi32> to vector<8x1xi32>
    %add3A_953 = arith.addi %broadcast_in_dim3A_943, %broadcast_in_dim3A_952 : vector<8x1xi32>
    %get3A_954 = arith.constant 0 : index
    %get3A_955 = arith.constant 25600 : index
    %get3A_956 = vector.load %arg3[%get3A_954, %get3A_955] : memref<8x100000xf32, #tpu.memory_space<vmem>>, vector<8x12800xf32>
    %ge3A_957 = vector.broadcast %bitcast_convert_type3A_934 : vector<8x1xf32> to vector<8x12800xf32>
    %ge3A_958 = arith.cmpf oge, %get3A_956, %ge3A_957 : vector<8x12800xf32>
    %convert_element_type3A_959 = arith.extui %ge3A_958 : vector<8x12800xi1> to vector<8x12800xi32>
    %reduce_sum3A_960 = arith.constant dense<0> : vector<8xi32>
    %reduce_sum3A_961 = vector.multi_reduction <add>, %convert_element_type3A_959, %reduce_sum3A_960 [1] : vector<8x12800xi32> to vector<8xi32>
    %broadcast_in_dim3A_962 = vector.shape_cast %reduce_sum3A_961 : vector<8xi32> to vector<8x1xi32>
    %add3A_963 = arith.addi %add3A_953, %broadcast_in_dim3A_962 : vector<8x1xi32>
    %get3A_964 = arith.constant 0 : index
    %get3A_965 = arith.constant 38400 : index
    %get3A_966 = vector.load %arg3[%get3A_964, %get3A_965] : memref<8x100000xf32, #tpu.memory_space<vmem>>, vector<8x12800xf32>
    %ge3A_967 = vector.broadcast %bitcast_convert_type3A_934 : vector<8x1xf32> to vector<8x12800xf32>
    %ge3A_968 = arith.cmpf oge, %get3A_966, %ge3A_967 : vector<8x12800xf32>
    %convert_element_type3A_969 = arith.extui %ge3A_968 : vector<8x12800xi1> to vector<8x12800xi32>
    %reduce_sum3A_970 = arith.constant dense<0> : vector<8xi32>
    %reduce_sum3A_971 = vector.multi_reduction <add>, %convert_element_type3A_969, %reduce_sum3A_970 [1] : vector<8x12800xi32> to vector<8xi32>
    %broadcast_in_dim3A_972 = vector.shape_cast %reduce_sum3A_971 : vector<8xi32> to vector<8x1xi32>
    %add3A_973 = arith.addi %add3A_963, %broadcast_in_dim3A_972 : vector<8x1xi32>
    %get3A_974 = arith.constant 0 : index
    %get3A_975 = arith.constant 51200 : index
    %get3A_976 = vector.load %arg3[%get3A_974, %get3A_975] : memref<8x100000xf32, #tpu.memory_space<vmem>>, vector<8x12800xf32>
    %ge3A_977 = vector.broadcast %bitcast_convert_type3A_934 : vector<8x1xf32> to vector<8x12800xf32>
    %ge3A_978 = arith.cmpf oge, %get3A_976, %ge3A_977 : vector<8x12800xf32>
    %convert_element_type3A_979 = arith.extui %ge3A_978 : vector<8x12800xi1> to vector<8x12800xi32>
    %reduce_sum3A_980 = arith.constant dense<0> : vector<8xi32>
    %reduce_sum3A_981 = vector.multi_reduction <add>, %convert_element_type3A_979, %reduce_sum3A_980 [1] : vector<8x12800xi32> to vector<8xi32>
    %broadcast_in_dim3A_982 = vector.shape_cast %reduce_sum3A_981 : vector<8xi32> to vector<8x1xi32>
    %add3A_983 = arith.addi %add3A_973, %broadcast_in_dim3A_982 : vector<8x1xi32>
    %get3A_984 = arith.constant 0 : index
    %get3A_985 = arith.constant 64000 : index
    %get3A_986 = vector.load %arg3[%get3A_984, %get3A_985] : memref<8x100000xf32, #tpu.memory_space<vmem>>, vector<8x12800xf32>
    %ge3A_987 = vector.broadcast %bitcast_convert_type3A_934 : vector<8x1xf32> to vector<8x12800xf32>
    %ge3A_988 = arith.cmpf oge, %get3A_986, %ge3A_987 : vector<8x12800xf32>
    %convert_element_type3A_989 = arith.extui %ge3A_988 : vector<8x12800xi1> to vector<8x12800xi32>
    %reduce_sum3A_990 = arith.constant dense<0> : vector<8xi32>
    %reduce_sum3A_991 = vector.multi_reduction <add>, %convert_element_type3A_989, %reduce_sum3A_990 [1] : vector<8x12800xi32> to vector<8xi32>
    %broadcast_in_dim3A_992 = vector.shape_cast %reduce_sum3A_991 : vector<8xi32> to vector<8x1xi32>
    %add3A_993 = arith.addi %add3A_983, %broadcast_in_dim3A_992 : vector<8x1xi32>
    %get3A_994 = arith.constant 0 : index
    %get3A_995 = arith.constant 76800 : index
    %get3A_996 = vector.load %arg3[%get3A_994, %get3A_995] : memref<8x100000xf32, #tpu.memory_space<vmem>>, vector<8x12800xf32>
    %ge3A_997 = vector.broadcast %bitcast_convert_type3A_934 : vector<8x1xf32> to vector<8x12800xf32>
    %ge3A_998 = arith.cmpf oge, %get3A_996, %ge3A_997 : vector<8x12800xf32>
    %convert_element_type3A_999 = arith.extui %ge3A_998 : vector<8x12800xi1> to vector<8x12800xi32>
    %reduce_sum3A_1000 = arith.constant dense<0> : vector<8xi32>
    %reduce_sum3A_1001 = vector.multi_reduction <add>, %convert_element_type3A_999, %reduce_sum3A_1000 [1] : vector<8x12800xi32> to vector<8xi32>
    %broadcast_in_dim3A_1002 = vector.shape_cast %reduce_sum3A_1001 : vector<8xi32> to vector<8x1xi32>
    %add3A_1003 = arith.addi %add3A_993, %broadcast_in_dim3A_1002 : vector<8x1xi32>
    %get3A_1004 = arith.constant 0 : index
    %get3A_1005 = arith.constant 89600 : index
    %get3A_1006 = vector.load %arg3[%get3A_1004, %get3A_1005] : memref<8x100000xf32, #tpu.memory_space<vmem>>, vector<8x10400xf32>
    %ge3A_1007 = vector.broadcast %bitcast_convert_type3A_934 : vector<8x1xf32> to vector<8x10400xf32>
    %ge3A_1008 = arith.cmpf oge, %get3A_1006, %ge3A_1007 : vector<8x10400xf32>
    %convert_element_type3A_1009 = arith.extui %ge3A_1008 : vector<8x10400xi1> to vector<8x10400xi32>
    %reduce_sum3A_1010 = arith.constant dense<0> : vector<8xi32>
    %reduce_sum3A_1011 = vector.multi_reduction <add>, %convert_element_type3A_1009, %reduce_sum3A_1010 [1] : vector<8x10400xi32> to vector<8xi32>
    %broadcast_in_dim3A_1012 = vector.shape_cast %reduce_sum3A_1011 : vector<8xi32> to vector<8x1xi32>
    %add3A_1013 = arith.addi %add3A_1003, %broadcast_in_dim3A_1012 : vector<8x1xi32>
    %ge3A_1014 = vector.broadcast %get3A_1 : i32 to vector<8x1xi32>
    %ge3A_1015 = arith.cmpi sge, %add3A_1013, %ge3A_1014 : vector<8x1xi32>
    %select_n3A_1016 = arith.select %ge3A_1015, %or3A_926, %select_n3A_923 : vector<8x1xi1>, vector<8x1xi32>
    %or3A_1017 = arith.constant 1048576 : i32
    %or3A_1018 = vector.broadcast %or3A_1017 : i32 to vector<8x1xi32>
    %or3A_1019 = arith.ori %select_n3A_1016, %or3A_1018 : vector<8x1xi32>
    %ge3A_1020 = arith.constant 0 : i32
    %ge3A_1021 = vector.broadcast %ge3A_1020 : i32 to vector<8x1xi32>
    %ge3A_1022 = arith.cmpi sge, %or3A_1019, %ge3A_1021 : vector<8x1xi32>
    %xor3A_1023 = arith.constant 2147483647 : i32
    %xor3A_1024 = vector.broadcast %xor3A_1023 : i32 to vector<8x1xi32>
    %xor3A_1025 = arith.xori %or3A_1019, %xor3A_1024 : vector<8x1xi32>
    %select_n3A_1026 = arith.select %ge3A_1022, %or3A_1019, %xor3A_1025 : vector<8x1xi1>, vector<8x1xi32>
    %bitcast_convert_type3A_1027 = tpu.bitcast %select_n3A_1026 : vector<8x1xi32> -> vector<8x1xf32>
    %get3A_1028 = arith.constant 0 : index
    %get3A_1029 = arith.constant 0 : index
    %get3A_1030 = vector.load %arg3[%get3A_1028, %get3A_1029] : memref<8x100000xf32, #tpu.memory_space<vmem>>, vector<8x12800xf32>
    %ge3A_1031 = vector.broadcast %bitcast_convert_type3A_1027 : vector<8x1xf32> to vector<8x12800xf32>
    %ge3A_1032 = arith.cmpf oge, %get3A_1030, %ge3A_1031 : vector<8x12800xf32>
    %convert_element_type3A_1033 = arith.extui %ge3A_1032 : vector<8x12800xi1> to vector<8x12800xi32>
    %reduce_sum3A_1034 = arith.constant dense<0> : vector<8xi32>
    %reduce_sum3A_1035 = vector.multi_reduction <add>, %convert_element_type3A_1033, %reduce_sum3A_1034 [1] : vector<8x12800xi32> to vector<8xi32>
    %broadcast_in_dim3A_1036 = vector.shape_cast %reduce_sum3A_1035 : vector<8xi32> to vector<8x1xi32>
    %get3A_1037 = arith.constant 0 : index
    %get3A_1038 = arith.constant 12800 : index
    %get3A_1039 = vector.load %arg3[%get3A_1037, %get3A_1038] : memref<8x100000xf32, #tpu.memory_space<vmem>>, vector<8x12800xf32>
    %ge3A_1040 = vector.broadcast %bitcast_convert_type3A_1027 : vector<8x1xf32> to vector<8x12800xf32>
    %ge3A_1041 = arith.cmpf oge, %get3A_1039, %ge3A_1040 : vector<8x12800xf32>
    %convert_element_type3A_1042 = arith.extui %ge3A_1041 : vector<8x12800xi1> to vector<8x12800xi32>
    %reduce_sum3A_1043 = arith.constant dense<0> : vector<8xi32>
    %reduce_sum3A_1044 = vector.multi_reduction <add>, %convert_element_type3A_1042, %reduce_sum3A_1043 [1] : vector<8x12800xi32> to vector<8xi32>
    %broadcast_in_dim3A_1045 = vector.shape_cast %reduce_sum3A_1044 : vector<8xi32> to vector<8x1xi32>
    %add3A_1046 = arith.addi %broadcast_in_dim3A_1036, %broadcast_in_dim3A_1045 : vector<8x1xi32>
    %get3A_1047 = arith.constant 0 : index
    %get3A_1048 = arith.constant 25600 : index
    %get3A_1049 = vector.load %arg3[%get3A_1047, %get3A_1048] : memref<8x100000xf32, #tpu.memory_space<vmem>>, vector<8x12800xf32>
    %ge3A_1050 = vector.broadcast %bitcast_convert_type3A_1027 : vector<8x1xf32> to vector<8x12800xf32>
    %ge3A_1051 = arith.cmpf oge, %get3A_1049, %ge3A_1050 : vector<8x12800xf32>
    %convert_element_type3A_1052 = arith.extui %ge3A_1051 : vector<8x12800xi1> to vector<8x12800xi32>
    %reduce_sum3A_1053 = arith.constant dense<0> : vector<8xi32>
    %reduce_sum3A_1054 = vector.multi_reduction <add>, %convert_element_type3A_1052, %reduce_sum3A_1053 [1] : vector<8x12800xi32> to vector<8xi32>
    %broadcast_in_dim3A_1055 = vector.shape_cast %reduce_sum3A_1054 : vector<8xi32> to vector<8x1xi32>
    %add3A_1056 = arith.addi %add3A_1046, %broadcast_in_dim3A_1055 : vector<8x1xi32>
    %get3A_1057 = arith.constant 0 : index
    %get3A_1058 = arith.constant 38400 : index
    %get3A_1059 = vector.load %arg3[%get3A_1057, %get3A_1058] : memref<8x100000xf32, #tpu.memory_space<vmem>>, vector<8x12800xf32>
    %ge3A_1060 = vector.broadcast %bitcast_convert_type3A_1027 : vector<8x1xf32> to vector<8x12800xf32>
    %ge3A_1061 = arith.cmpf oge, %get3A_1059, %ge3A_1060 : vector<8x12800xf32>
    %convert_element_type3A_1062 = arith.extui %ge3A_1061 : vector<8x12800xi1> to vector<8x12800xi32>
    %reduce_sum3A_1063 = arith.constant dense<0> : vector<8xi32>
    %reduce_sum3A_1064 = vector.multi_reduction <add>, %convert_element_type3A_1062, %reduce_sum3A_1063 [1] : vector<8x12800xi32> to vector<8xi32>
    %broadcast_in_dim3A_1065 = vector.shape_cast %reduce_sum3A_1064 : vector<8xi32> to vector<8x1xi32>
    %add3A_1066 = arith.addi %add3A_1056, %broadcast_in_dim3A_1065 : vector<8x1xi32>
    %get3A_1067 = arith.constant 0 : index
    %get3A_1068 = arith.constant 51200 : index
    %get3A_1069 = vector.load %arg3[%get3A_1067, %get3A_1068] : memref<8x100000xf32, #tpu.memory_space<vmem>>, vector<8x12800xf32>
    %ge3A_1070 = vector.broadcast %bitcast_convert_type3A_1027 : vector<8x1xf32> to vector<8x12800xf32>
    %ge3A_1071 = arith.cmpf oge, %get3A_1069, %ge3A_1070 : vector<8x12800xf32>
    %convert_element_type3A_1072 = arith.extui %ge3A_1071 : vector<8x12800xi1> to vector<8x12800xi32>
    %reduce_sum3A_1073 = arith.constant dense<0> : vector<8xi32>
    %reduce_sum3A_1074 = vector.multi_reduction <add>, %convert_element_type3A_1072, %reduce_sum3A_1073 [1] : vector<8x12800xi32> to vector<8xi32>
    %broadcast_in_dim3A_1075 = vector.shape_cast %reduce_sum3A_1074 : vector<8xi32> to vector<8x1xi32>
    %add3A_1076 = arith.addi %add3A_1066, %broadcast_in_dim3A_1075 : vector<8x1xi32>
    %get3A_1077 = arith.constant 0 : index
    %get3A_1078 = arith.constant 64000 : index
    %get3A_1079 = vector.load %arg3[%get3A_1077, %get3A_1078] : memref<8x100000xf32, #tpu.memory_space<vmem>>, vector<8x12800xf32>
    %ge3A_1080 = vector.broadcast %bitcast_convert_type3A_1027 : vector<8x1xf32> to vector<8x12800xf32>
    %ge3A_1081 = arith.cmpf oge, %get3A_1079, %ge3A_1080 : vector<8x12800xf32>
    %convert_element_type3A_1082 = arith.extui %ge3A_1081 : vector<8x12800xi1> to vector<8x12800xi32>
    %reduce_sum3A_1083 = arith.constant dense<0> : vector<8xi32>
    %reduce_sum3A_1084 = vector.multi_reduction <add>, %convert_element_type3A_1082, %reduce_sum3A_1083 [1] : vector<8x12800xi32> to vector<8xi32>
    %broadcast_in_dim3A_1085 = vector.shape_cast %reduce_sum3A_1084 : vector<8xi32> to vector<8x1xi32>
    %add3A_1086 = arith.addi %add3A_1076, %broadcast_in_dim3A_1085 : vector<8x1xi32>
    %get3A_1087 = arith.constant 0 : index
    %get3A_1088 = arith.constant 76800 : index
    %get3A_1089 = vector.load %arg3[%get3A_1087, %get3A_1088] : memref<8x100000xf32, #tpu.memory_space<vmem>>, vector<8x12800xf32>
    %ge3A_1090 = vector.broadcast %bitcast_convert_type3A_1027 : vector<8x1xf32> to vector<8x12800xf32>
    %ge3A_1091 = arith.cmpf oge, %get3A_1089, %ge3A_1090 : vector<8x12800xf32>
    %convert_element_type3A_1092 = arith.extui %ge3A_1091 : vector<8x12800xi1> to vector<8x12800xi32>
    %reduce_sum3A_1093 = arith.constant dense<0> : vector<8xi32>
    %reduce_sum3A_1094 = vector.multi_reduction <add>, %convert_element_type3A_1092, %reduce_sum3A_1093 [1] : vector<8x12800xi32> to vector<8xi32>
    %broadcast_in_dim3A_1095 = vector.shape_cast %reduce_sum3A_1094 : vector<8xi32> to vector<8x1xi32>
    %add3A_1096 = arith.addi %add3A_1086, %broadcast_in_dim3A_1095 : vector<8x1xi32>
    %get3A_1097 = arith.constant 0 : index
    %get3A_1098 = arith.constant 89600 : index
    %get3A_1099 = vector.load %arg3[%get3A_1097, %get3A_1098] : memref<8x100000xf32, #tpu.memory_space<vmem>>, vector<8x10400xf32>
    %ge3A_1100 = vector.broadcast %bitcast_convert_type3A_1027 : vector<8x1xf32> to vector<8x10400xf32>
    %ge3A_1101 = arith.cmpf oge, %get3A_1099, %ge3A_1100 : vector<8x10400xf32>
    %convert_element_type3A_1102 = arith.extui %ge3A_1101 : vector<8x10400xi1> to vector<8x10400xi32>
    %reduce_sum3A_1103 = arith.constant dense<0> : vector<8xi32>
    %reduce_sum3A_1104 = vector.multi_reduction <add>, %convert_element_type3A_1102, %reduce_sum3A_1103 [1] : vector<8x10400xi32> to vector<8xi32>
    %broadcast_in_dim3A_1105 = vector.shape_cast %reduce_sum3A_1104 : vector<8xi32> to vector<8x1xi32>
    %add3A_1106 = arith.addi %add3A_1096, %broadcast_in_dim3A_1105 : vector<8x1xi32>
    %ge3A_1107 = vector.broadcast %get3A_1 : i32 to vector<8x1xi32>
    %ge3A_1108 = arith.cmpi sge, %add3A_1106, %ge3A_1107 : vector<8x1xi32>
    %select_n3A_1109 = arith.select %ge3A_1108, %or3A_1019, %select_n3A_1016 : vector<8x1xi1>, vector<8x1xi32>
    %or3A_1110 = arith.constant 524288 : i32
    %or3A_1111 = vector.broadcast %or3A_1110 : i32 to vector<8x1xi32>
    %or3A_1112 = arith.ori %select_n3A_1109, %or3A_1111 : vector<8x1xi32>
    %ge3A_1113 = arith.constant 0 : i32
    %ge3A_1114 = vector.broadcast %ge3A_1113 : i32 to vector<8x1xi32>
    %ge3A_1115 = arith.cmpi sge, %or3A_1112, %ge3A_1114 : vector<8x1xi32>
    %xor3A_1116 = arith.constant 2147483647 : i32
    %xor3A_1117 = vector.broadcast %xor3A_1116 : i32 to vector<8x1xi32>
    %xor3A_1118 = arith.xori %or3A_1112, %xor3A_1117 : vector<8x1xi32>
    %select_n3A_1119 = arith.select %ge3A_1115, %or3A_1112, %xor3A_1118 : vector<8x1xi1>, vector<8x1xi32>
    %bitcast_convert_type3A_1120 = tpu.bitcast %select_n3A_1119 : vector<8x1xi32> -> vector<8x1xf32>
    %get3A_1121 = arith.constant 0 : index
    %get3A_1122 = arith.constant 0 : index
    %get3A_1123 = vector.load %arg3[%get3A_1121, %get3A_1122] : memref<8x100000xf32, #tpu.memory_space<vmem>>, vector<8x12800xf32>
    %ge3A_1124 = vector.broadcast %bitcast_convert_type3A_1120 : vector<8x1xf32> to vector<8x12800xf32>
    %ge3A_1125 = arith.cmpf oge, %get3A_1123, %ge3A_1124 : vector<8x12800xf32>
    %convert_element_type3A_1126 = arith.extui %ge3A_1125 : vector<8x12800xi1> to vector<8x12800xi32>
    %reduce_sum3A_1127 = arith.constant dense<0> : vector<8xi32>
    %reduce_sum3A_1128 = vector.multi_reduction <add>, %convert_element_type3A_1126, %reduce_sum3A_1127 [1] : vector<8x12800xi32> to vector<8xi32>
    %broadcast_in_dim3A_1129 = vector.shape_cast %reduce_sum3A_1128 : vector<8xi32> to vector<8x1xi32>
    %get3A_1130 = arith.constant 0 : index
    %get3A_1131 = arith.constant 12800 : index
    %get3A_1132 = vector.load %arg3[%get3A_1130, %get3A_1131] : memref<8x100000xf32, #tpu.memory_space<vmem>>, vector<8x12800xf32>
    %ge3A_1133 = vector.broadcast %bitcast_convert_type3A_1120 : vector<8x1xf32> to vector<8x12800xf32>
    %ge3A_1134 = arith.cmpf oge, %get3A_1132, %ge3A_1133 : vector<8x12800xf32>
    %convert_element_type3A_1135 = arith.extui %ge3A_1134 : vector<8x12800xi1> to vector<8x12800xi32>
    %reduce_sum3A_1136 = arith.constant dense<0> : vector<8xi32>
    %reduce_sum3A_1137 = vector.multi_reduction <add>, %convert_element_type3A_1135, %reduce_sum3A_1136 [1] : vector<8x12800xi32> to vector<8xi32>
    %broadcast_in_dim3A_1138 = vector.shape_cast %reduce_sum3A_1137 : vector<8xi32> to vector<8x1xi32>
    %add3A_1139 = arith.addi %broadcast_in_dim3A_1129, %broadcast_in_dim3A_1138 : vector<8x1xi32>
    %get3A_1140 = arith.constant 0 : index
    %get3A_1141 = arith.constant 25600 : index
    %get3A_1142 = vector.load %arg3[%get3A_1140, %get3A_1141] : memref<8x100000xf32, #tpu.memory_space<vmem>>, vector<8x12800xf32>
    %ge3A_1143 = vector.broadcast %bitcast_convert_type3A_1120 : vector<8x1xf32> to vector<8x12800xf32>
    %ge3A_1144 = arith.cmpf oge, %get3A_1142, %ge3A_1143 : vector<8x12800xf32>
    %convert_element_type3A_1145 = arith.extui %ge3A_1144 : vector<8x12800xi1> to vector<8x12800xi32>
    %reduce_sum3A_1146 = arith.constant dense<0> : vector<8xi32>
    %reduce_sum3A_1147 = vector.multi_reduction <add>, %convert_element_type3A_1145, %reduce_sum3A_1146 [1] : vector<8x12800xi32> to vector<8xi32>
    %broadcast_in_dim3A_1148 = vector.shape_cast %reduce_sum3A_1147 : vector<8xi32> to vector<8x1xi32>
    %add3A_1149 = arith.addi %add3A_1139, %broadcast_in_dim3A_1148 : vector<8x1xi32>
    %get3A_1150 = arith.constant 0 : index
    %get3A_1151 = arith.constant 38400 : index
    %get3A_1152 = vector.load %arg3[%get3A_1150, %get3A_1151] : memref<8x100000xf32, #tpu.memory_space<vmem>>, vector<8x12800xf32>
    %ge3A_1153 = vector.broadcast %bitcast_convert_type3A_1120 : vector<8x1xf32> to vector<8x12800xf32>
    %ge3A_1154 = arith.cmpf oge, %get3A_1152, %ge3A_1153 : vector<8x12800xf32>
    %convert_element_type3A_1155 = arith.extui %ge3A_1154 : vector<8x12800xi1> to vector<8x12800xi32>
    %reduce_sum3A_1156 = arith.constant dense<0> : vector<8xi32>
    %reduce_sum3A_1157 = vector.multi_reduction <add>, %convert_element_type3A_1155, %reduce_sum3A_1156 [1] : vector<8x12800xi32> to vector<8xi32>
    %broadcast_in_dim3A_1158 = vector.shape_cast %reduce_sum3A_1157 : vector<8xi32> to vector<8x1xi32>
    %add3A_1159 = arith.addi %add3A_1149, %broadcast_in_dim3A_1158 : vector<8x1xi32>
    %get3A_1160 = arith.constant 0 : index
    %get3A_1161 = arith.constant 51200 : index
    %get3A_1162 = vector.load %arg3[%get3A_1160, %get3A_1161] : memref<8x100000xf32, #tpu.memory_space<vmem>>, vector<8x12800xf32>
    %ge3A_1163 = vector.broadcast %bitcast_convert_type3A_1120 : vector<8x1xf32> to vector<8x12800xf32>
    %ge3A_1164 = arith.cmpf oge, %get3A_1162, %ge3A_1163 : vector<8x12800xf32>
    %convert_element_type3A_1165 = arith.extui %ge3A_1164 : vector<8x12800xi1> to vector<8x12800xi32>
    %reduce_sum3A_1166 = arith.constant dense<0> : vector<8xi32>
    %reduce_sum3A_1167 = vector.multi_reduction <add>, %convert_element_type3A_1165, %reduce_sum3A_1166 [1] : vector<8x12800xi32> to vector<8xi32>
    %broadcast_in_dim3A_1168 = vector.shape_cast %reduce_sum3A_1167 : vector<8xi32> to vector<8x1xi32>
    %add3A_1169 = arith.addi %add3A_1159, %broadcast_in_dim3A_1168 : vector<8x1xi32>
    %get3A_1170 = arith.constant 0 : index
    %get3A_1171 = arith.constant 64000 : index
    %get3A_1172 = vector.load %arg3[%get3A_1170, %get3A_1171] : memref<8x100000xf32, #tpu.memory_space<vmem>>, vector<8x12800xf32>
    %ge3A_1173 = vector.broadcast %bitcast_convert_type3A_1120 : vector<8x1xf32> to vector<8x12800xf32>
    %ge3A_1174 = arith.cmpf oge, %get3A_1172, %ge3A_1173 : vector<8x12800xf32>
    %convert_element_type3A_1175 = arith.extui %ge3A_1174 : vector<8x12800xi1> to vector<8x12800xi32>
    %reduce_sum3A_1176 = arith.constant dense<0> : vector<8xi32>
    %reduce_sum3A_1177 = vector.multi_reduction <add>, %convert_element_type3A_1175, %reduce_sum3A_1176 [1] : vector<8x12800xi32> to vector<8xi32>
    %broadcast_in_dim3A_1178 = vector.shape_cast %reduce_sum3A_1177 : vector<8xi32> to vector<8x1xi32>
    %add3A_1179 = arith.addi %add3A_1169, %broadcast_in_dim3A_1178 : vector<8x1xi32>
    %get3A_1180 = arith.constant 0 : index
    %get3A_1181 = arith.constant 76800 : index
    %get3A_1182 = vector.load %arg3[%get3A_1180, %get3A_1181] : memref<8x100000xf32, #tpu.memory_space<vmem>>, vector<8x12800xf32>
    %ge3A_1183 = vector.broadcast %bitcast_convert_type3A_1120 : vector<8x1xf32> to vector<8x12800xf32>
    %ge3A_1184 = arith.cmpf oge, %get3A_1182, %ge3A_1183 : vector<8x12800xf32>
    %convert_element_type3A_1185 = arith.extui %ge3A_1184 : vector<8x12800xi1> to vector<8x12800xi32>
    %reduce_sum3A_1186 = arith.constant dense<0> : vector<8xi32>
    %reduce_sum3A_1187 = vector.multi_reduction <add>, %convert_element_type3A_1185, %reduce_sum3A_1186 [1] : vector<8x12800xi32> to vector<8xi32>
    %broadcast_in_dim3A_1188 = vector.shape_cast %reduce_sum3A_1187 : vector<8xi32> to vector<8x1xi32>
    %add3A_1189 = arith.addi %add3A_1179, %broadcast_in_dim3A_1188 : vector<8x1xi32>
    %get3A_1190 = arith.constant 0 : index
    %get3A_1191 = arith.constant 89600 : index
    %get3A_1192 = vector.load %arg3[%get3A_1190, %get3A_1191] : memref<8x100000xf32, #tpu.memory_space<vmem>>, vector<8x10400xf32>
    %ge3A_1193 = vector.broadcast %bitcast_convert_type3A_1120 : vector<8x1xf32> to vector<8x10400xf32>
    %ge3A_1194 = arith.cmpf oge, %get3A_1192, %ge3A_1193 : vector<8x10400xf32>
    %convert_element_type3A_1195 = arith.extui %ge3A_1194 : vector<8x10400xi1> to vector<8x10400xi32>
    %reduce_sum3A_1196 = arith.constant dense<0> : vector<8xi32>
    %reduce_sum3A_1197 = vector.multi_reduction <add>, %convert_element_type3A_1195, %reduce_sum3A_1196 [1] : vector<8x10400xi32> to vector<8xi32>
    %broadcast_in_dim3A_1198 = vector.shape_cast %reduce_sum3A_1197 : vector<8xi32> to vector<8x1xi32>
    %add3A_1199 = arith.addi %add3A_1189, %broadcast_in_dim3A_1198 : vector<8x1xi32>
    %ge3A_1200 = vector.broadcast %get3A_1 : i32 to vector<8x1xi32>
    %ge3A_1201 = arith.cmpi sge, %add3A_1199, %ge3A_1200 : vector<8x1xi32>
    %select_n3A_1202 = arith.select %ge3A_1201, %or3A_1112, %select_n3A_1109 : vector<8x1xi1>, vector<8x1xi32>
    %or3A_1203 = arith.constant 262144 : i32
    %or3A_1204 = vector.broadcast %or3A_1203 : i32 to vector<8x1xi32>
    %or3A_1205 = arith.ori %select_n3A_1202, %or3A_1204 : vector<8x1xi32>
    %ge3A_1206 = arith.constant 0 : i32
    %ge3A_1207 = vector.broadcast %ge3A_1206 : i32 to vector<8x1xi32>
    %ge3A_1208 = arith.cmpi sge, %or3A_1205, %ge3A_1207 : vector<8x1xi32>
    %xor3A_1209 = arith.constant 2147483647 : i32
    %xor3A_1210 = vector.broadcast %xor3A_1209 : i32 to vector<8x1xi32>
    %xor3A_1211 = arith.xori %or3A_1205, %xor3A_1210 : vector<8x1xi32>
    %select_n3A_1212 = arith.select %ge3A_1208, %or3A_1205, %xor3A_1211 : vector<8x1xi1>, vector<8x1xi32>
    %bitcast_convert_type3A_1213 = tpu.bitcast %select_n3A_1212 : vector<8x1xi32> -> vector<8x1xf32>
    %get3A_1214 = arith.constant 0 : index
    %get3A_1215 = arith.constant 0 : index
    %get3A_1216 = vector.load %arg3[%get3A_1214, %get3A_1215] : memref<8x100000xf32, #tpu.memory_space<vmem>>, vector<8x12800xf32>
    %ge3A_1217 = vector.broadcast %bitcast_convert_type3A_1213 : vector<8x1xf32> to vector<8x12800xf32>
    %ge3A_1218 = arith.cmpf oge, %get3A_1216, %ge3A_1217 : vector<8x12800xf32>
    %convert_element_type3A_1219 = arith.extui %ge3A_1218 : vector<8x12800xi1> to vector<8x12800xi32>
    %reduce_sum3A_1220 = arith.constant dense<0> : vector<8xi32>
    %reduce_sum3A_1221 = vector.multi_reduction <add>, %convert_element_type3A_1219, %reduce_sum3A_1220 [1] : vector<8x12800xi32> to vector<8xi32>
    %broadcast_in_dim3A_1222 = vector.shape_cast %reduce_sum3A_1221 : vector<8xi32> to vector<8x1xi32>
    %get3A_1223 = arith.constant 0 : index
    %get3A_1224 = arith.constant 12800 : index
    %get3A_1225 = vector.load %arg3[%get3A_1223, %get3A_1224] : memref<8x100000xf32, #tpu.memory_space<vmem>>, vector<8x12800xf32>
    %ge3A_1226 = vector.broadcast %bitcast_convert_type3A_1213 : vector<8x1xf32> to vector<8x12800xf32>
    %ge3A_1227 = arith.cmpf oge, %get3A_1225, %ge3A_1226 : vector<8x12800xf32>
    %convert_element_type3A_1228 = arith.extui %ge3A_1227 : vector<8x12800xi1> to vector<8x12800xi32>
    %reduce_sum3A_1229 = arith.constant dense<0> : vector<8xi32>
    %reduce_sum3A_1230 = vector.multi_reduction <add>, %convert_element_type3A_1228, %reduce_sum3A_1229 [1] : vector<8x12800xi32> to vector<8xi32>
    %broadcast_in_dim3A_1231 = vector.shape_cast %reduce_sum3A_1230 : vector<8xi32> to vector<8x1xi32>
    %add3A_1232 = arith.addi %broadcast_in_dim3A_1222, %broadcast_in_dim3A_1231 : vector<8x1xi32>
    %get3A_1233 = arith.constant 0 : index
    %get3A_1234 = arith.constant 25600 : index
    %get3A_1235 = vector.load %arg3[%get3A_1233, %get3A_1234] : memref<8x100000xf32, #tpu.memory_space<vmem>>, vector<8x12800xf32>
    %ge3A_1236 = vector.broadcast %bitcast_convert_type3A_1213 : vector<8x1xf32> to vector<8x12800xf32>
    %ge3A_1237 = arith.cmpf oge, %get3A_1235, %ge3A_1236 : vector<8x12800xf32>
    %convert_element_type3A_1238 = arith.extui %ge3A_1237 : vector<8x12800xi1> to vector<8x12800xi32>
    %reduce_sum3A_1239 = arith.constant dense<0> : vector<8xi32>
    %reduce_sum3A_1240 = vector.multi_reduction <add>, %convert_element_type3A_1238, %reduce_sum3A_1239 [1] : vector<8x12800xi32> to vector<8xi32>
    %broadcast_in_dim3A_1241 = vector.shape_cast %reduce_sum3A_1240 : vector<8xi32> to vector<8x1xi32>
    %add3A_1242 = arith.addi %add3A_1232, %broadcast_in_dim3A_1241 : vector<8x1xi32>
    %get3A_1243 = arith.constant 0 : index
    %get3A_1244 = arith.constant 38400 : index
    %get3A_1245 = vector.load %arg3[%get3A_1243, %get3A_1244] : memref<8x100000xf32, #tpu.memory_space<vmem>>, vector<8x12800xf32>
    %ge3A_1246 = vector.broadcast %bitcast_convert_type3A_1213 : vector<8x1xf32> to vector<8x12800xf32>
    %ge3A_1247 = arith.cmpf oge, %get3A_1245, %ge3A_1246 : vector<8x12800xf32>
    %convert_element_type3A_1248 = arith.extui %ge3A_1247 : vector<8x12800xi1> to vector<8x12800xi32>
    %reduce_sum3A_1249 = arith.constant dense<0> : vector<8xi32>
    %reduce_sum3A_1250 = vector.multi_reduction <add>, %convert_element_type3A_1248, %reduce_sum3A_1249 [1] : vector<8x12800xi32> to vector<8xi32>
    %broadcast_in_dim3A_1251 = vector.shape_cast %reduce_sum3A_1250 : vector<8xi32> to vector<8x1xi32>
    %add3A_1252 = arith.addi %add3A_1242, %broadcast_in_dim3A_1251 : vector<8x1xi32>
    %get3A_1253 = arith.constant 0 : index
    %get3A_1254 = arith.constant 51200 : index
    %get3A_1255 = vector.load %arg3[%get3A_1253, %get3A_1254] : memref<8x100000xf32, #tpu.memory_space<vmem>>, vector<8x12800xf32>
    %ge3A_1256 = vector.broadcast %bitcast_convert_type3A_1213 : vector<8x1xf32> to vector<8x12800xf32>
    %ge3A_1257 = arith.cmpf oge, %get3A_1255, %ge3A_1256 : vector<8x12800xf32>
    %convert_element_type3A_1258 = arith.extui %ge3A_1257 : vector<8x12800xi1> to vector<8x12800xi32>
    %reduce_sum3A_1259 = arith.constant dense<0> : vector<8xi32>
    %reduce_sum3A_1260 = vector.multi_reduction <add>, %convert_element_type3A_1258, %reduce_sum3A_1259 [1] : vector<8x12800xi32> to vector<8xi32>
    %broadcast_in_dim3A_1261 = vector.shape_cast %reduce_sum3A_1260 : vector<8xi32> to vector<8x1xi32>
    %add3A_1262 = arith.addi %add3A_1252, %broadcast_in_dim3A_1261 : vector<8x1xi32>
    %get3A_1263 = arith.constant 0 : index
    %get3A_1264 = arith.constant 64000 : index
    %get3A_1265 = vector.load %arg3[%get3A_1263, %get3A_1264] : memref<8x100000xf32, #tpu.memory_space<vmem>>, vector<8x12800xf32>
    %ge3A_1266 = vector.broadcast %bitcast_convert_type3A_1213 : vector<8x1xf32> to vector<8x12800xf32>
    %ge3A_1267 = arith.cmpf oge, %get3A_1265, %ge3A_1266 : vector<8x12800xf32>
    %convert_element_type3A_1268 = arith.extui %ge3A_1267 : vector<8x12800xi1> to vector<8x12800xi32>
    %reduce_sum3A_1269 = arith.constant dense<0> : vector<8xi32>
    %reduce_sum3A_1270 = vector.multi_reduction <add>, %convert_element_type3A_1268, %reduce_sum3A_1269 [1] : vector<8x12800xi32> to vector<8xi32>
    %broadcast_in_dim3A_1271 = vector.shape_cast %reduce_sum3A_1270 : vector<8xi32> to vector<8x1xi32>
    %add3A_1272 = arith.addi %add3A_1262, %broadcast_in_dim3A_1271 : vector<8x1xi32>
    %get3A_1273 = arith.constant 0 : index
    %get3A_1274 = arith.constant 76800 : index
    %get3A_1275 = vector.load %arg3[%get3A_1273, %get3A_1274] : memref<8x100000xf32, #tpu.memory_space<vmem>>, vector<8x12800xf32>
    %ge3A_1276 = vector.broadcast %bitcast_convert_type3A_1213 : vector<8x1xf32> to vector<8x12800xf32>
    %ge3A_1277 = arith.cmpf oge, %get3A_1275, %ge3A_1276 : vector<8x12800xf32>
    %convert_element_type3A_1278 = arith.extui %ge3A_1277 : vector<8x12800xi1> to vector<8x12800xi32>
    %reduce_sum3A_1279 = arith.constant dense<0> : vector<8xi32>
    %reduce_sum3A_1280 = vector.multi_reduction <add>, %convert_element_type3A_1278, %reduce_sum3A_1279 [1] : vector<8x12800xi32> to vector<8xi32>
    %broadcast_in_dim3A_1281 = vector.shape_cast %reduce_sum3A_1280 : vector<8xi32> to vector<8x1xi32>
    %add3A_1282 = arith.addi %add3A_1272, %broadcast_in_dim3A_1281 : vector<8x1xi32>
    %get3A_1283 = arith.constant 0 : index
    %get3A_1284 = arith.constant 89600 : index
    %get3A_1285 = vector.load %arg3[%get3A_1283, %get3A_1284] : memref<8x100000xf32, #tpu.memory_space<vmem>>, vector<8x10400xf32>
    %ge3A_1286 = vector.broadcast %bitcast_convert_type3A_1213 : vector<8x1xf32> to vector<8x10400xf32>
    %ge3A_1287 = arith.cmpf oge, %get3A_1285, %ge3A_1286 : vector<8x10400xf32>
    %convert_element_type3A_1288 = arith.extui %ge3A_1287 : vector<8x10400xi1> to vector<8x10400xi32>
    %reduce_sum3A_1289 = arith.constant dense<0> : vector<8xi32>
    %reduce_sum3A_1290 = vector.multi_reduction <add>, %convert_element_type3A_1288, %reduce_sum3A_1289 [1] : vector<8x10400xi32> to vector<8xi32>
    %broadcast_in_dim3A_1291 = vector.shape_cast %reduce_sum3A_1290 : vector<8xi32> to vector<8x1xi32>
    %add3A_1292 = arith.addi %add3A_1282, %broadcast_in_dim3A_1291 : vector<8x1xi32>
    %ge3A_1293 = vector.broadcast %get3A_1 : i32 to vector<8x1xi32>
    %ge3A_1294 = arith.cmpi sge, %add3A_1292, %ge3A_1293 : vector<8x1xi32>
    %select_n3A_1295 = arith.select %ge3A_1294, %or3A_1205, %select_n3A_1202 : vector<8x1xi1>, vector<8x1xi32>
    %or3A_1296 = arith.constant 131072 : i32
    %or3A_1297 = vector.broadcast %or3A_1296 : i32 to vector<8x1xi32>
    %or3A_1298 = arith.ori %select_n3A_1295, %or3A_1297 : vector<8x1xi32>
    %ge3A_1299 = arith.constant 0 : i32
    %ge3A_1300 = vector.broadcast %ge3A_1299 : i32 to vector<8x1xi32>
    %ge3A_1301 = arith.cmpi sge, %or3A_1298, %ge3A_1300 : vector<8x1xi32>
    %xor3A_1302 = arith.constant 2147483647 : i32
    %xor3A_1303 = vector.broadcast %xor3A_1302 : i32 to vector<8x1xi32>
    %xor3A_1304 = arith.xori %or3A_1298, %xor3A_1303 : vector<8x1xi32>
    %select_n3A_1305 = arith.select %ge3A_1301, %or3A_1298, %xor3A_1304 : vector<8x1xi1>, vector<8x1xi32>
    %bitcast_convert_type3A_1306 = tpu.bitcast %select_n3A_1305 : vector<8x1xi32> -> vector<8x1xf32>
    %get3A_1307 = arith.constant 0 : index
    %get3A_1308 = arith.constant 0 : index
    %get3A_1309 = vector.load %arg3[%get3A_1307, %get3A_1308] : memref<8x100000xf32, #tpu.memory_space<vmem>>, vector<8x12800xf32>
    %ge3A_1310 = vector.broadcast %bitcast_convert_type3A_1306 : vector<8x1xf32> to vector<8x12800xf32>
    %ge3A_1311 = arith.cmpf oge, %get3A_1309, %ge3A_1310 : vector<8x12800xf32>
    %convert_element_type3A_1312 = arith.extui %ge3A_1311 : vector<8x12800xi1> to vector<8x12800xi32>
    %reduce_sum3A_1313 = arith.constant dense<0> : vector<8xi32>
    %reduce_sum3A_1314 = vector.multi_reduction <add>, %convert_element_type3A_1312, %reduce_sum3A_1313 [1] : vector<8x12800xi32> to vector<8xi32>
    %broadcast_in_dim3A_1315 = vector.shape_cast %reduce_sum3A_1314 : vector<8xi32> to vector<8x1xi32>
    %get3A_1316 = arith.constant 0 : index
    %get3A_1317 = arith.constant 12800 : index
    %get3A_1318 = vector.load %arg3[%get3A_1316, %get3A_1317] : memref<8x100000xf32, #tpu.memory_space<vmem>>, vector<8x12800xf32>
    %ge3A_1319 = vector.broadcast %bitcast_convert_type3A_1306 : vector<8x1xf32> to vector<8x12800xf32>
    %ge3A_1320 = arith.cmpf oge, %get3A_1318, %ge3A_1319 : vector<8x12800xf32>
    %convert_element_type3A_1321 = arith.extui %ge3A_1320 : vector<8x12800xi1> to vector<8x12800xi32>
    %reduce_sum3A_1322 = arith.constant dense<0> : vector<8xi32>
    %reduce_sum3A_1323 = vector.multi_reduction <add>, %convert_element_type3A_1321, %reduce_sum3A_1322 [1] : vector<8x12800xi32> to vector<8xi32>
    %broadcast_in_dim3A_1324 = vector.shape_cast %reduce_sum3A_1323 : vector<8xi32> to vector<8x1xi32>
    %add3A_1325 = arith.addi %broadcast_in_dim3A_1315, %broadcast_in_dim3A_1324 : vector<8x1xi32>
    %get3A_1326 = arith.constant 0 : index
    %get3A_1327 = arith.constant 25600 : index
    %get3A_1328 = vector.load %arg3[%get3A_1326, %get3A_1327] : memref<8x100000xf32, #tpu.memory_space<vmem>>, vector<8x12800xf32>
    %ge3A_1329 = vector.broadcast %bitcast_convert_type3A_1306 : vector<8x1xf32> to vector<8x12800xf32>
    %ge3A_1330 = arith.cmpf oge, %get3A_1328, %ge3A_1329 : vector<8x12800xf32>
    %convert_element_type3A_1331 = arith.extui %ge3A_1330 : vector<8x12800xi1> to vector<8x12800xi32>
    %reduce_sum3A_1332 = arith.constant dense<0> : vector<8xi32>
    %reduce_sum3A_1333 = vector.multi_reduction <add>, %convert_element_type3A_1331, %reduce_sum3A_1332 [1] : vector<8x12800xi32> to vector<8xi32>
    %broadcast_in_dim3A_1334 = vector.shape_cast %reduce_sum3A_1333 : vector<8xi32> to vector<8x1xi32>
    %add3A_1335 = arith.addi %add3A_1325, %broadcast_in_dim3A_1334 : vector<8x1xi32>
    %get3A_1336 = arith.constant 0 : index
    %get3A_1337 = arith.constant 38400 : index
    %get3A_1338 = vector.load %arg3[%get3A_1336, %get3A_1337] : memref<8x100000xf32, #tpu.memory_space<vmem>>, vector<8x12800xf32>
    %ge3A_1339 = vector.broadcast %bitcast_convert_type3A_1306 : vector<8x1xf32> to vector<8x12800xf32>
    %ge3A_1340 = arith.cmpf oge, %get3A_1338, %ge3A_1339 : vector<8x12800xf32>
    %convert_element_type3A_1341 = arith.extui %ge3A_1340 : vector<8x12800xi1> to vector<8x12800xi32>
    %reduce_sum3A_1342 = arith.constant dense<0> : vector<8xi32>
    %reduce_sum3A_1343 = vector.multi_reduction <add>, %convert_element_type3A_1341, %reduce_sum3A_1342 [1] : vector<8x12800xi32> to vector<8xi32>
    %broadcast_in_dim3A_1344 = vector.shape_cast %reduce_sum3A_1343 : vector<8xi32> to vector<8x1xi32>
    %add3A_1345 = arith.addi %add3A_1335, %broadcast_in_dim3A_1344 : vector<8x1xi32>
    %get3A_1346 = arith.constant 0 : index
    %get3A_1347 = arith.constant 51200 : index
    %get3A_1348 = vector.load %arg3[%get3A_1346, %get3A_1347] : memref<8x100000xf32, #tpu.memory_space<vmem>>, vector<8x12800xf32>
    %ge3A_1349 = vector.broadcast %bitcast_convert_type3A_1306 : vector<8x1xf32> to vector<8x12800xf32>
    %ge3A_1350 = arith.cmpf oge, %get3A_1348, %ge3A_1349 : vector<8x12800xf32>
    %convert_element_type3A_1351 = arith.extui %ge3A_1350 : vector<8x12800xi1> to vector<8x12800xi32>
    %reduce_sum3A_1352 = arith.constant dense<0> : vector<8xi32>
    %reduce_sum3A_1353 = vector.multi_reduction <add>, %convert_element_type3A_1351, %reduce_sum3A_1352 [1] : vector<8x12800xi32> to vector<8xi32>
    %broadcast_in_dim3A_1354 = vector.shape_cast %reduce_sum3A_1353 : vector<8xi32> to vector<8x1xi32>
    %add3A_1355 = arith.addi %add3A_1345, %broadcast_in_dim3A_1354 : vector<8x1xi32>
    %get3A_1356 = arith.constant 0 : index
    %get3A_1357 = arith.constant 64000 : index
    %get3A_1358 = vector.load %arg3[%get3A_1356, %get3A_1357] : memref<8x100000xf32, #tpu.memory_space<vmem>>, vector<8x12800xf32>
    %ge3A_1359 = vector.broadcast %bitcast_convert_type3A_1306 : vector<8x1xf32> to vector<8x12800xf32>
    %ge3A_1360 = arith.cmpf oge, %get3A_1358, %ge3A_1359 : vector<8x12800xf32>
    %convert_element_type3A_1361 = arith.extui %ge3A_1360 : vector<8x12800xi1> to vector<8x12800xi32>
    %reduce_sum3A_1362 = arith.constant dense<0> : vector<8xi32>
    %reduce_sum3A_1363 = vector.multi_reduction <add>, %convert_element_type3A_1361, %reduce_sum3A_1362 [1] : vector<8x12800xi32> to vector<8xi32>
    %broadcast_in_dim3A_1364 = vector.shape_cast %reduce_sum3A_1363 : vector<8xi32> to vector<8x1xi32>
    %add3A_1365 = arith.addi %add3A_1355, %broadcast_in_dim3A_1364 : vector<8x1xi32>
    %get3A_1366 = arith.constant 0 : index
    %get3A_1367 = arith.constant 76800 : index
    %get3A_1368 = vector.load %arg3[%get3A_1366, %get3A_1367] : memref<8x100000xf32, #tpu.memory_space<vmem>>, vector<8x12800xf32>
    %ge3A_1369 = vector.broadcast %bitcast_convert_type3A_1306 : vector<8x1xf32> to vector<8x12800xf32>
    %ge3A_1370 = arith.cmpf oge, %get3A_1368, %ge3A_1369 : vector<8x12800xf32>
    %convert_element_type3A_1371 = arith.extui %ge3A_1370 : vector<8x12800xi1> to vector<8x12800xi32>
    %reduce_sum3A_1372 = arith.constant dense<0> : vector<8xi32>
    %reduce_sum3A_1373 = vector.multi_reduction <add>, %convert_element_type3A_1371, %reduce_sum3A_1372 [1] : vector<8x12800xi32> to vector<8xi32>
    %broadcast_in_dim3A_1374 = vector.shape_cast %reduce_sum3A_1373 : vector<8xi32> to vector<8x1xi32>
    %add3A_1375 = arith.addi %add3A_1365, %broadcast_in_dim3A_1374 : vector<8x1xi32>
    %get3A_1376 = arith.constant 0 : index
    %get3A_1377 = arith.constant 89600 : index
    %get3A_1378 = vector.load %arg3[%get3A_1376, %get3A_1377] : memref<8x100000xf32, #tpu.memory_space<vmem>>, vector<8x10400xf32>
    %ge3A_1379 = vector.broadcast %bitcast_convert_type3A_1306 : vector<8x1xf32> to vector<8x10400xf32>
    %ge3A_1380 = arith.cmpf oge, %get3A_1378, %ge3A_1379 : vector<8x10400xf32>
    %convert_element_type3A_1381 = arith.extui %ge3A_1380 : vector<8x10400xi1> to vector<8x10400xi32>
    %reduce_sum3A_1382 = arith.constant dense<0> : vector<8xi32>
    %reduce_sum3A_1383 = vector.multi_reduction <add>, %convert_element_type3A_1381, %reduce_sum3A_1382 [1] : vector<8x10400xi32> to vector<8xi32>
    %broadcast_in_dim3A_1384 = vector.shape_cast %reduce_sum3A_1383 : vector<8xi32> to vector<8x1xi32>
    %add3A_1385 = arith.addi %add3A_1375, %broadcast_in_dim3A_1384 : vector<8x1xi32>
    %ge3A_1386 = vector.broadcast %get3A_1 : i32 to vector<8x1xi32>
    %ge3A_1387 = arith.cmpi sge, %add3A_1385, %ge3A_1386 : vector<8x1xi32>
    %select_n3A_1388 = arith.select %ge3A_1387, %or3A_1298, %select_n3A_1295 : vector<8x1xi1>, vector<8x1xi32>
    %or3A_1389 = arith.constant 65536 : i32
    %or3A_1390 = vector.broadcast %or3A_1389 : i32 to vector<8x1xi32>
    %or3A_1391 = arith.ori %select_n3A_1388, %or3A_1390 : vector<8x1xi32>
    %ge3A_1392 = arith.constant 0 : i32
    %ge3A_1393 = vector.broadcast %ge3A_1392 : i32 to vector<8x1xi32>
    %ge3A_1394 = arith.cmpi sge, %or3A_1391, %ge3A_1393 : vector<8x1xi32>
    %xor3A_1395 = arith.constant 2147483647 : i32
    %xor3A_1396 = vector.broadcast %xor3A_1395 : i32 to vector<8x1xi32>
    %xor3A_1397 = arith.xori %or3A_1391, %xor3A_1396 : vector<8x1xi32>
    %select_n3A_1398 = arith.select %ge3A_1394, %or3A_1391, %xor3A_1397 : vector<8x1xi1>, vector<8x1xi32>
    %bitcast_convert_type3A_1399 = tpu.bitcast %select_n3A_1398 : vector<8x1xi32> -> vector<8x1xf32>
    %get3A_1400 = arith.constant 0 : index
    %get3A_1401 = arith.constant 0 : index
    %get3A_1402 = vector.load %arg3[%get3A_1400, %get3A_1401] : memref<8x100000xf32, #tpu.memory_space<vmem>>, vector<8x12800xf32>
    %ge3A_1403 = vector.broadcast %bitcast_convert_type3A_1399 : vector<8x1xf32> to vector<8x12800xf32>
    %ge3A_1404 = arith.cmpf oge, %get3A_1402, %ge3A_1403 : vector<8x12800xf32>
    %convert_element_type3A_1405 = arith.extui %ge3A_1404 : vector<8x12800xi1> to vector<8x12800xi32>
    %reduce_sum3A_1406 = arith.constant dense<0> : vector<8xi32>
    %reduce_sum3A_1407 = vector.multi_reduction <add>, %convert_element_type3A_1405, %reduce_sum3A_1406 [1] : vector<8x12800xi32> to vector<8xi32>
    %broadcast_in_dim3A_1408 = vector.shape_cast %reduce_sum3A_1407 : vector<8xi32> to vector<8x1xi32>
    %get3A_1409 = arith.constant 0 : index
    %get3A_1410 = arith.constant 12800 : index
    %get3A_1411 = vector.load %arg3[%get3A_1409, %get3A_1410] : memref<8x100000xf32, #tpu.memory_space<vmem>>, vector<8x12800xf32>
    %ge3A_1412 = vector.broadcast %bitcast_convert_type3A_1399 : vector<8x1xf32> to vector<8x12800xf32>
    %ge3A_1413 = arith.cmpf oge, %get3A_1411, %ge3A_1412 : vector<8x12800xf32>
    %convert_element_type3A_1414 = arith.extui %ge3A_1413 : vector<8x12800xi1> to vector<8x12800xi32>
    %reduce_sum3A_1415 = arith.constant dense<0> : vector<8xi32>
    %reduce_sum3A_1416 = vector.multi_reduction <add>, %convert_element_type3A_1414, %reduce_sum3A_1415 [1] : vector<8x12800xi32> to vector<8xi32>
    %broadcast_in_dim3A_1417 = vector.shape_cast %reduce_sum3A_1416 : vector<8xi32> to vector<8x1xi32>
    %add3A_1418 = arith.addi %broadcast_in_dim3A_1408, %broadcast_in_dim3A_1417 : vector<8x1xi32>
    %get3A_1419 = arith.constant 0 : index
    %get3A_1420 = arith.constant 25600 : index
    %get3A_1421 = vector.load %arg3[%get3A_1419, %get3A_1420] : memref<8x100000xf32, #tpu.memory_space<vmem>>, vector<8x12800xf32>
    %ge3A_1422 = vector.broadcast %bitcast_convert_type3A_1399 : vector<8x1xf32> to vector<8x12800xf32>
    %ge3A_1423 = arith.cmpf oge, %get3A_1421, %ge3A_1422 : vector<8x12800xf32>
    %convert_element_type3A_1424 = arith.extui %ge3A_1423 : vector<8x12800xi1> to vector<8x12800xi32>
    %reduce_sum3A_1425 = arith.constant dense<0> : vector<8xi32>
    %reduce_sum3A_1426 = vector.multi_reduction <add>, %convert_element_type3A_1424, %reduce_sum3A_1425 [1] : vector<8x12800xi32> to vector<8xi32>
    %broadcast_in_dim3A_1427 = vector.shape_cast %reduce_sum3A_1426 : vector<8xi32> to vector<8x1xi32>
    %add3A_1428 = arith.addi %add3A_1418, %broadcast_in_dim3A_1427 : vector<8x1xi32>
    %get3A_1429 = arith.constant 0 : index
    %get3A_1430 = arith.constant 38400 : index
    %get3A_1431 = vector.load %arg3[%get3A_1429, %get3A_1430] : memref<8x100000xf32, #tpu.memory_space<vmem>>, vector<8x12800xf32>
    %ge3A_1432 = vector.broadcast %bitcast_convert_type3A_1399 : vector<8x1xf32> to vector<8x12800xf32>
    %ge3A_1433 = arith.cmpf oge, %get3A_1431, %ge3A_1432 : vector<8x12800xf32>
    %convert_element_type3A_1434 = arith.extui %ge3A_1433 : vector<8x12800xi1> to vector<8x12800xi32>
    %reduce_sum3A_1435 = arith.constant dense<0> : vector<8xi32>
    %reduce_sum3A_1436 = vector.multi_reduction <add>, %convert_element_type3A_1434, %reduce_sum3A_1435 [1] : vector<8x12800xi32> to vector<8xi32>
    %broadcast_in_dim3A_1437 = vector.shape_cast %reduce_sum3A_1436 : vector<8xi32> to vector<8x1xi32>
    %add3A_1438 = arith.addi %add3A_1428, %broadcast_in_dim3A_1437 : vector<8x1xi32>
    %get3A_1439 = arith.constant 0 : index
    %get3A_1440 = arith.constant 51200 : index
    %get3A_1441 = vector.load %arg3[%get3A_1439, %get3A_1440] : memref<8x100000xf32, #tpu.memory_space<vmem>>, vector<8x12800xf32>
    %ge3A_1442 = vector.broadcast %bitcast_convert_type3A_1399 : vector<8x1xf32> to vector<8x12800xf32>
    %ge3A_1443 = arith.cmpf oge, %get3A_1441, %ge3A_1442 : vector<8x12800xf32>
    %convert_element_type3A_1444 = arith.extui %ge3A_1443 : vector<8x12800xi1> to vector<8x12800xi32>
    %reduce_sum3A_1445 = arith.constant dense<0> : vector<8xi32>
    %reduce_sum3A_1446 = vector.multi_reduction <add>, %convert_element_type3A_1444, %reduce_sum3A_1445 [1] : vector<8x12800xi32> to vector<8xi32>
    %broadcast_in_dim3A_1447 = vector.shape_cast %reduce_sum3A_1446 : vector<8xi32> to vector<8x1xi32>
    %add3A_1448 = arith.addi %add3A_1438, %broadcast_in_dim3A_1447 : vector<8x1xi32>
    %get3A_1449 = arith.constant 0 : index
    %get3A_1450 = arith.constant 64000 : index
    %get3A_1451 = vector.load %arg3[%get3A_1449, %get3A_1450] : memref<8x100000xf32, #tpu.memory_space<vmem>>, vector<8x12800xf32>
    %ge3A_1452 = vector.broadcast %bitcast_convert_type3A_1399 : vector<8x1xf32> to vector<8x12800xf32>
    %ge3A_1453 = arith.cmpf oge, %get3A_1451, %ge3A_1452 : vector<8x12800xf32>
    %convert_element_type3A_1454 = arith.extui %ge3A_1453 : vector<8x12800xi1> to vector<8x12800xi32>
    %reduce_sum3A_1455 = arith.constant dense<0> : vector<8xi32>
    %reduce_sum3A_1456 = vector.multi_reduction <add>, %convert_element_type3A_1454, %reduce_sum3A_1455 [1] : vector<8x12800xi32> to vector<8xi32>
    %broadcast_in_dim3A_1457 = vector.shape_cast %reduce_sum3A_1456 : vector<8xi32> to vector<8x1xi32>
    %add3A_1458 = arith.addi %add3A_1448, %broadcast_in_dim3A_1457 : vector<8x1xi32>
    %get3A_1459 = arith.constant 0 : index
    %get3A_1460 = arith.constant 76800 : index
    %get3A_1461 = vector.load %arg3[%get3A_1459, %get3A_1460] : memref<8x100000xf32, #tpu.memory_space<vmem>>, vector<8x12800xf32>
    %ge3A_1462 = vector.broadcast %bitcast_convert_type3A_1399 : vector<8x1xf32> to vector<8x12800xf32>
    %ge3A_1463 = arith.cmpf oge, %get3A_1461, %ge3A_1462 : vector<8x12800xf32>
    %convert_element_type3A_1464 = arith.extui %ge3A_1463 : vector<8x12800xi1> to vector<8x12800xi32>
    %reduce_sum3A_1465 = arith.constant dense<0> : vector<8xi32>
    %reduce_sum3A_1466 = vector.multi_reduction <add>, %convert_element_type3A_1464, %reduce_sum3A_1465 [1] : vector<8x12800xi32> to vector<8xi32>
    %broadcast_in_dim3A_1467 = vector.shape_cast %reduce_sum3A_1466 : vector<8xi32> to vector<8x1xi32>
    %add3A_1468 = arith.addi %add3A_1458, %broadcast_in_dim3A_1467 : vector<8x1xi32>
    %get3A_1469 = arith.constant 0 : index
    %get3A_1470 = arith.constant 89600 : index
    %get3A_1471 = vector.load %arg3[%get3A_1469, %get3A_1470] : memref<8x100000xf32, #tpu.memory_space<vmem>>, vector<8x10400xf32>
    %ge3A_1472 = vector.broadcast %bitcast_convert_type3A_1399 : vector<8x1xf32> to vector<8x10400xf32>
    %ge3A_1473 = arith.cmpf oge, %get3A_1471, %ge3A_1472 : vector<8x10400xf32>
    %convert_element_type3A_1474 = arith.extui %ge3A_1473 : vector<8x10400xi1> to vector<8x10400xi32>
    %reduce_sum3A_1475 = arith.constant dense<0> : vector<8xi32>
    %reduce_sum3A_1476 = vector.multi_reduction <add>, %convert_element_type3A_1474, %reduce_sum3A_1475 [1] : vector<8x10400xi32> to vector<8xi32>
    %broadcast_in_dim3A_1477 = vector.shape_cast %reduce_sum3A_1476 : vector<8xi32> to vector<8x1xi32>
    %add3A_1478 = arith.addi %add3A_1468, %broadcast_in_dim3A_1477 : vector<8x1xi32>
    %ge3A_1479 = vector.broadcast %get3A_1 : i32 to vector<8x1xi32>
    %ge3A_1480 = arith.cmpi sge, %add3A_1478, %ge3A_1479 : vector<8x1xi32>
    %select_n3A_1481 = arith.select %ge3A_1480, %or3A_1391, %select_n3A_1388 : vector<8x1xi1>, vector<8x1xi32>
    %or3A_1482 = arith.constant 32768 : i32
    %or3A_1483 = vector.broadcast %or3A_1482 : i32 to vector<8x1xi32>
    %or3A_1484 = arith.ori %select_n3A_1481, %or3A_1483 : vector<8x1xi32>
    %ge3A_1485 = arith.constant 0 : i32
    %ge3A_1486 = vector.broadcast %ge3A_1485 : i32 to vector<8x1xi32>
    %ge3A_1487 = arith.cmpi sge, %or3A_1484, %ge3A_1486 : vector<8x1xi32>
    %xor3A_1488 = arith.constant 2147483647 : i32
    %xor3A_1489 = vector.broadcast %xor3A_1488 : i32 to vector<8x1xi32>
    %xor3A_1490 = arith.xori %or3A_1484, %xor3A_1489 : vector<8x1xi32>
    %select_n3A_1491 = arith.select %ge3A_1487, %or3A_1484, %xor3A_1490 : vector<8x1xi1>, vector<8x1xi32>
    %bitcast_convert_type3A_1492 = tpu.bitcast %select_n3A_1491 : vector<8x1xi32> -> vector<8x1xf32>
    %get3A_1493 = arith.constant 0 : index
    %get3A_1494 = arith.constant 0 : index
    %get3A_1495 = vector.load %arg3[%get3A_1493, %get3A_1494] : memref<8x100000xf32, #tpu.memory_space<vmem>>, vector<8x12800xf32>
    %ge3A_1496 = vector.broadcast %bitcast_convert_type3A_1492 : vector<8x1xf32> to vector<8x12800xf32>
    %ge3A_1497 = arith.cmpf oge, %get3A_1495, %ge3A_1496 : vector<8x12800xf32>
    %convert_element_type3A_1498 = arith.extui %ge3A_1497 : vector<8x12800xi1> to vector<8x12800xi32>
    %reduce_sum3A_1499 = arith.constant dense<0> : vector<8xi32>
    %reduce_sum3A_1500 = vector.multi_reduction <add>, %convert_element_type3A_1498, %reduce_sum3A_1499 [1] : vector<8x12800xi32> to vector<8xi32>
    %broadcast_in_dim3A_1501 = vector.shape_cast %reduce_sum3A_1500 : vector<8xi32> to vector<8x1xi32>
    %get3A_1502 = arith.constant 0 : index
    %get3A_1503 = arith.constant 12800 : index
    %get3A_1504 = vector.load %arg3[%get3A_1502, %get3A_1503] : memref<8x100000xf32, #tpu.memory_space<vmem>>, vector<8x12800xf32>
    %ge3A_1505 = vector.broadcast %bitcast_convert_type3A_1492 : vector<8x1xf32> to vector<8x12800xf32>
    %ge3A_1506 = arith.cmpf oge, %get3A_1504, %ge3A_1505 : vector<8x12800xf32>
    %convert_element_type3A_1507 = arith.extui %ge3A_1506 : vector<8x12800xi1> to vector<8x12800xi32>
    %reduce_sum3A_1508 = arith.constant dense<0> : vector<8xi32>
    %reduce_sum3A_1509 = vector.multi_reduction <add>, %convert_element_type3A_1507, %reduce_sum3A_1508 [1] : vector<8x12800xi32> to vector<8xi32>
    %broadcast_in_dim3A_1510 = vector.shape_cast %reduce_sum3A_1509 : vector<8xi32> to vector<8x1xi32>
    %add3A_1511 = arith.addi %broadcast_in_dim3A_1501, %broadcast_in_dim3A_1510 : vector<8x1xi32>
    %get3A_1512 = arith.constant 0 : index
    %get3A_1513 = arith.constant 25600 : index
    %get3A_1514 = vector.load %arg3[%get3A_1512, %get3A_1513] : memref<8x100000xf32, #tpu.memory_space<vmem>>, vector<8x12800xf32>
    %ge3A_1515 = vector.broadcast %bitcast_convert_type3A_1492 : vector<8x1xf32> to vector<8x12800xf32>
    %ge3A_1516 = arith.cmpf oge, %get3A_1514, %ge3A_1515 : vector<8x12800xf32>
    %convert_element_type3A_1517 = arith.extui %ge3A_1516 : vector<8x12800xi1> to vector<8x12800xi32>
    %reduce_sum3A_1518 = arith.constant dense<0> : vector<8xi32>
    %reduce_sum3A_1519 = vector.multi_reduction <add>, %convert_element_type3A_1517, %reduce_sum3A_1518 [1] : vector<8x12800xi32> to vector<8xi32>
    %broadcast_in_dim3A_1520 = vector.shape_cast %reduce_sum3A_1519 : vector<8xi32> to vector<8x1xi32>
    %add3A_1521 = arith.addi %add3A_1511, %broadcast_in_dim3A_1520 : vector<8x1xi32>
    %get3A_1522 = arith.constant 0 : index
    %get3A_1523 = arith.constant 38400 : index
    %get3A_1524 = vector.load %arg3[%get3A_1522, %get3A_1523] : memref<8x100000xf32, #tpu.memory_space<vmem>>, vector<8x12800xf32>
    %ge3A_1525 = vector.broadcast %bitcast_convert_type3A_1492 : vector<8x1xf32> to vector<8x12800xf32>
    %ge3A_1526 = arith.cmpf oge, %get3A_1524, %ge3A_1525 : vector<8x12800xf32>
    %convert_element_type3A_1527 = arith.extui %ge3A_1526 : vector<8x12800xi1> to vector<8x12800xi32>
    %reduce_sum3A_1528 = arith.constant dense<0> : vector<8xi32>
    %reduce_sum3A_1529 = vector.multi_reduction <add>, %convert_element_type3A_1527, %reduce_sum3A_1528 [1] : vector<8x12800xi32> to vector<8xi32>
    %broadcast_in_dim3A_1530 = vector.shape_cast %reduce_sum3A_1529 : vector<8xi32> to vector<8x1xi32>
    %add3A_1531 = arith.addi %add3A_1521, %broadcast_in_dim3A_1530 : vector<8x1xi32>
    %get3A_1532 = arith.constant 0 : index
    %get3A_1533 = arith.constant 51200 : index
    %get3A_1534 = vector.load %arg3[%get3A_1532, %get3A_1533] : memref<8x100000xf32, #tpu.memory_space<vmem>>, vector<8x12800xf32>
    %ge3A_1535 = vector.broadcast %bitcast_convert_type3A_1492 : vector<8x1xf32> to vector<8x12800xf32>
    %ge3A_1536 = arith.cmpf oge, %get3A_1534, %ge3A_1535 : vector<8x12800xf32>
    %convert_element_type3A_1537 = arith.extui %ge3A_1536 : vector<8x12800xi1> to vector<8x12800xi32>
    %reduce_sum3A_1538 = arith.constant dense<0> : vector<8xi32>
    %reduce_sum3A_1539 = vector.multi_reduction <add>, %convert_element_type3A_1537, %reduce_sum3A_1538 [1] : vector<8x12800xi32> to vector<8xi32>
    %broadcast_in_dim3A_1540 = vector.shape_cast %reduce_sum3A_1539 : vector<8xi32> to vector<8x1xi32>
    %add3A_1541 = arith.addi %add3A_1531, %broadcast_in_dim3A_1540 : vector<8x1xi32>
    %get3A_1542 = arith.constant 0 : index
    %get3A_1543 = arith.constant 64000 : index
    %get3A_1544 = vector.load %arg3[%get3A_1542, %get3A_1543] : memref<8x100000xf32, #tpu.memory_space<vmem>>, vector<8x12800xf32>
    %ge3A_1545 = vector.broadcast %bitcast_convert_type3A_1492 : vector<8x1xf32> to vector<8x12800xf32>
    %ge3A_1546 = arith.cmpf oge, %get3A_1544, %ge3A_1545 : vector<8x12800xf32>
    %convert_element_type3A_1547 = arith.extui %ge3A_1546 : vector<8x12800xi1> to vector<8x12800xi32>
    %reduce_sum3A_1548 = arith.constant dense<0> : vector<8xi32>
    %reduce_sum3A_1549 = vector.multi_reduction <add>, %convert_element_type3A_1547, %reduce_sum3A_1548 [1] : vector<8x12800xi32> to vector<8xi32>
    %broadcast_in_dim3A_1550 = vector.shape_cast %reduce_sum3A_1549 : vector<8xi32> to vector<8x1xi32>
    %add3A_1551 = arith.addi %add3A_1541, %broadcast_in_dim3A_1550 : vector<8x1xi32>
    %get3A_1552 = arith.constant 0 : index
    %get3A_1553 = arith.constant 76800 : index
    %get3A_1554 = vector.load %arg3[%get3A_1552, %get3A_1553] : memref<8x100000xf32, #tpu.memory_space<vmem>>, vector<8x12800xf32>
    %ge3A_1555 = vector.broadcast %bitcast_convert_type3A_1492 : vector<8x1xf32> to vector<8x12800xf32>
    %ge3A_1556 = arith.cmpf oge, %get3A_1554, %ge3A_1555 : vector<8x12800xf32>
    %convert_element_type3A_1557 = arith.extui %ge3A_1556 : vector<8x12800xi1> to vector<8x12800xi32>
    %reduce_sum3A_1558 = arith.constant dense<0> : vector<8xi32>
    %reduce_sum3A_1559 = vector.multi_reduction <add>, %convert_element_type3A_1557, %reduce_sum3A_1558 [1] : vector<8x12800xi32> to vector<8xi32>
    %broadcast_in_dim3A_1560 = vector.shape_cast %reduce_sum3A_1559 : vector<8xi32> to vector<8x1xi32>
    %add3A_1561 = arith.addi %add3A_1551, %broadcast_in_dim3A_1560 : vector<8x1xi32>
    %get3A_1562 = arith.constant 0 : index
    %get3A_1563 = arith.constant 89600 : index
    %get3A_1564 = vector.load %arg3[%get3A_1562, %get3A_1563] : memref<8x100000xf32, #tpu.memory_space<vmem>>, vector<8x10400xf32>
    %ge3A_1565 = vector.broadcast %bitcast_convert_type3A_1492 : vector<8x1xf32> to vector<8x10400xf32>
    %ge3A_1566 = arith.cmpf oge, %get3A_1564, %ge3A_1565 : vector<8x10400xf32>
    %convert_element_type3A_1567 = arith.extui %ge3A_1566 : vector<8x10400xi1> to vector<8x10400xi32>
    %reduce_sum3A_1568 = arith.constant dense<0> : vector<8xi32>
    %reduce_sum3A_1569 = vector.multi_reduction <add>, %convert_element_type3A_1567, %reduce_sum3A_1568 [1] : vector<8x10400xi32> to vector<8xi32>
    %broadcast_in_dim3A_1570 = vector.shape_cast %reduce_sum3A_1569 : vector<8xi32> to vector<8x1xi32>
    %add3A_1571 = arith.addi %add3A_1561, %broadcast_in_dim3A_1570 : vector<8x1xi32>
    %ge3A_1572 = vector.broadcast %get3A_1 : i32 to vector<8x1xi32>
    %ge3A_1573 = arith.cmpi sge, %add3A_1571, %ge3A_1572 : vector<8x1xi32>
    %select_n3A_1574 = arith.select %ge3A_1573, %or3A_1484, %select_n3A_1481 : vector<8x1xi1>, vector<8x1xi32>
    %or3A_1575 = arith.constant 16384 : i32
    %or3A_1576 = vector.broadcast %or3A_1575 : i32 to vector<8x1xi32>
    %or3A_1577 = arith.ori %select_n3A_1574, %or3A_1576 : vector<8x1xi32>
    %ge3A_1578 = arith.constant 0 : i32
    %ge3A_1579 = vector.broadcast %ge3A_1578 : i32 to vector<8x1xi32>
    %ge3A_1580 = arith.cmpi sge, %or3A_1577, %ge3A_1579 : vector<8x1xi32>
    %xor3A_1581 = arith.constant 2147483647 : i32
    %xor3A_1582 = vector.broadcast %xor3A_1581 : i32 to vector<8x1xi32>
    %xor3A_1583 = arith.xori %or3A_1577, %xor3A_1582 : vector<8x1xi32>
    %select_n3A_1584 = arith.select %ge3A_1580, %or3A_1577, %xor3A_1583 : vector<8x1xi1>, vector<8x1xi32>
    %bitcast_convert_type3A_1585 = tpu.bitcast %select_n3A_1584 : vector<8x1xi32> -> vector<8x1xf32>
    %get3A_1586 = arith.constant 0 : index
    %get3A_1587 = arith.constant 0 : index
    %get3A_1588 = vector.load %arg3[%get3A_1586, %get3A_1587] : memref<8x100000xf32, #tpu.memory_space<vmem>>, vector<8x12800xf32>
    %ge3A_1589 = vector.broadcast %bitcast_convert_type3A_1585 : vector<8x1xf32> to vector<8x12800xf32>
    %ge3A_1590 = arith.cmpf oge, %get3A_1588, %ge3A_1589 : vector<8x12800xf32>
    %convert_element_type3A_1591 = arith.extui %ge3A_1590 : vector<8x12800xi1> to vector<8x12800xi32>
    %reduce_sum3A_1592 = arith.constant dense<0> : vector<8xi32>
    %reduce_sum3A_1593 = vector.multi_reduction <add>, %convert_element_type3A_1591, %reduce_sum3A_1592 [1] : vector<8x12800xi32> to vector<8xi32>
    %broadcast_in_dim3A_1594 = vector.shape_cast %reduce_sum3A_1593 : vector<8xi32> to vector<8x1xi32>
    %get3A_1595 = arith.constant 0 : index
    %get3A_1596 = arith.constant 12800 : index
    %get3A_1597 = vector.load %arg3[%get3A_1595, %get3A_1596] : memref<8x100000xf32, #tpu.memory_space<vmem>>, vector<8x12800xf32>
    %ge3A_1598 = vector.broadcast %bitcast_convert_type3A_1585 : vector<8x1xf32> to vector<8x12800xf32>
    %ge3A_1599 = arith.cmpf oge, %get3A_1597, %ge3A_1598 : vector<8x12800xf32>
    %convert_element_type3A_1600 = arith.extui %ge3A_1599 : vector<8x12800xi1> to vector<8x12800xi32>
    %reduce_sum3A_1601 = arith.constant dense<0> : vector<8xi32>
    %reduce_sum3A_1602 = vector.multi_reduction <add>, %convert_element_type3A_1600, %reduce_sum3A_1601 [1] : vector<8x12800xi32> to vector<8xi32>
    %broadcast_in_dim3A_1603 = vector.shape_cast %reduce_sum3A_1602 : vector<8xi32> to vector<8x1xi32>
    %add3A_1604 = arith.addi %broadcast_in_dim3A_1594, %broadcast_in_dim3A_1603 : vector<8x1xi32>
    %get3A_1605 = arith.constant 0 : index
    %get3A_1606 = arith.constant 25600 : index
    %get3A_1607 = vector.load %arg3[%get3A_1605, %get3A_1606] : memref<8x100000xf32, #tpu.memory_space<vmem>>, vector<8x12800xf32>
    %ge3A_1608 = vector.broadcast %bitcast_convert_type3A_1585 : vector<8x1xf32> to vector<8x12800xf32>
    %ge3A_1609 = arith.cmpf oge, %get3A_1607, %ge3A_1608 : vector<8x12800xf32>
    %convert_element_type3A_1610 = arith.extui %ge3A_1609 : vector<8x12800xi1> to vector<8x12800xi32>
    %reduce_sum3A_1611 = arith.constant dense<0> : vector<8xi32>
    %reduce_sum3A_1612 = vector.multi_reduction <add>, %convert_element_type3A_1610, %reduce_sum3A_1611 [1] : vector<8x12800xi32> to vector<8xi32>
    %broadcast_in_dim3A_1613 = vector.shape_cast %reduce_sum3A_1612 : vector<8xi32> to vector<8x1xi32>
    %add3A_1614 = arith.addi %add3A_1604, %broadcast_in_dim3A_1613 : vector<8x1xi32>
    %get3A_1615 = arith.constant 0 : index
    %get3A_1616 = arith.constant 38400 : index
    %get3A_1617 = vector.load %arg3[%get3A_1615, %get3A_1616] : memref<8x100000xf32, #tpu.memory_space<vmem>>, vector<8x12800xf32>
    %ge3A_1618 = vector.broadcast %bitcast_convert_type3A_1585 : vector<8x1xf32> to vector<8x12800xf32>
    %ge3A_1619 = arith.cmpf oge, %get3A_1617, %ge3A_1618 : vector<8x12800xf32>
    %convert_element_type3A_1620 = arith.extui %ge3A_1619 : vector<8x12800xi1> to vector<8x12800xi32>
    %reduce_sum3A_1621 = arith.constant dense<0> : vector<8xi32>
    %reduce_sum3A_1622 = vector.multi_reduction <add>, %convert_element_type3A_1620, %reduce_sum3A_1621 [1] : vector<8x12800xi32> to vector<8xi32>
    %broadcast_in_dim3A_1623 = vector.shape_cast %reduce_sum3A_1622 : vector<8xi32> to vector<8x1xi32>
    %add3A_1624 = arith.addi %add3A_1614, %broadcast_in_dim3A_1623 : vector<8x1xi32>
    %get3A_1625 = arith.constant 0 : index
    %get3A_1626 = arith.constant 51200 : index
    %get3A_1627 = vector.load %arg3[%get3A_1625, %get3A_1626] : memref<8x100000xf32, #tpu.memory_space<vmem>>, vector<8x12800xf32>
    %ge3A_1628 = vector.broadcast %bitcast_convert_type3A_1585 : vector<8x1xf32> to vector<8x12800xf32>
    %ge3A_1629 = arith.cmpf oge, %get3A_1627, %ge3A_1628 : vector<8x12800xf32>
    %convert_element_type3A_1630 = arith.extui %ge3A_1629 : vector<8x12800xi1> to vector<8x12800xi32>
    %reduce_sum3A_1631 = arith.constant dense<0> : vector<8xi32>
    %reduce_sum3A_1632 = vector.multi_reduction <add>, %convert_element_type3A_1630, %reduce_sum3A_1631 [1] : vector<8x12800xi32> to vector<8xi32>
    %broadcast_in_dim3A_1633 = vector.shape_cast %reduce_sum3A_1632 : vector<8xi32> to vector<8x1xi32>
    %add3A_1634 = arith.addi %add3A_1624, %broadcast_in_dim3A_1633 : vector<8x1xi32>
    %get3A_1635 = arith.constant 0 : index
    %get3A_1636 = arith.constant 64000 : index
    %get3A_1637 = vector.load %arg3[%get3A_1635, %get3A_1636] : memref<8x100000xf32, #tpu.memory_space<vmem>>, vector<8x12800xf32>
    %ge3A_1638 = vector.broadcast %bitcast_convert_type3A_1585 : vector<8x1xf32> to vector<8x12800xf32>
    %ge3A_1639 = arith.cmpf oge, %get3A_1637, %ge3A_1638 : vector<8x12800xf32>
    %convert_element_type3A_1640 = arith.extui %ge3A_1639 : vector<8x12800xi1> to vector<8x12800xi32>
    %reduce_sum3A_1641 = arith.constant dense<0> : vector<8xi32>
    %reduce_sum3A_1642 = vector.multi_reduction <add>, %convert_element_type3A_1640, %reduce_sum3A_1641 [1] : vector<8x12800xi32> to vector<8xi32>
    %broadcast_in_dim3A_1643 = vector.shape_cast %reduce_sum3A_1642 : vector<8xi32> to vector<8x1xi32>
    %add3A_1644 = arith.addi %add3A_1634, %broadcast_in_dim3A_1643 : vector<8x1xi32>
    %get3A_1645 = arith.constant 0 : index
    %get3A_1646 = arith.constant 76800 : index
    %get3A_1647 = vector.load %arg3[%get3A_1645, %get3A_1646] : memref<8x100000xf32, #tpu.memory_space<vmem>>, vector<8x12800xf32>
    %ge3A_1648 = vector.broadcast %bitcast_convert_type3A_1585 : vector<8x1xf32> to vector<8x12800xf32>
    %ge3A_1649 = arith.cmpf oge, %get3A_1647, %ge3A_1648 : vector<8x12800xf32>
    %convert_element_type3A_1650 = arith.extui %ge3A_1649 : vector<8x12800xi1> to vector<8x12800xi32>
    %reduce_sum3A_1651 = arith.constant dense<0> : vector<8xi32>
    %reduce_sum3A_1652 = vector.multi_reduction <add>, %convert_element_type3A_1650, %reduce_sum3A_1651 [1] : vector<8x12800xi32> to vector<8xi32>
    %broadcast_in_dim3A_1653 = vector.shape_cast %reduce_sum3A_1652 : vector<8xi32> to vector<8x1xi32>
    %add3A_1654 = arith.addi %add3A_1644, %broadcast_in_dim3A_1653 : vector<8x1xi32>
    %get3A_1655 = arith.constant 0 : index
    %get3A_1656 = arith.constant 89600 : index
    %get3A_1657 = vector.load %arg3[%get3A_1655, %get3A_1656] : memref<8x100000xf32, #tpu.memory_space<vmem>>, vector<8x10400xf32>
    %ge3A_1658 = vector.broadcast %bitcast_convert_type3A_1585 : vector<8x1xf32> to vector<8x10400xf32>
    %ge3A_1659 = arith.cmpf oge, %get3A_1657, %ge3A_1658 : vector<8x10400xf32>
    %convert_element_type3A_1660 = arith.extui %ge3A_1659 : vector<8x10400xi1> to vector<8x10400xi32>
    %reduce_sum3A_1661 = arith.constant dense<0> : vector<8xi32>
    %reduce_sum3A_1662 = vector.multi_reduction <add>, %convert_element_type3A_1660, %reduce_sum3A_1661 [1] : vector<8x10400xi32> to vector<8xi32>
    %broadcast_in_dim3A_1663 = vector.shape_cast %reduce_sum3A_1662 : vector<8xi32> to vector<8x1xi32>
    %add3A_1664 = arith.addi %add3A_1654, %broadcast_in_dim3A_1663 : vector<8x1xi32>
    %ge3A_1665 = vector.broadcast %get3A_1 : i32 to vector<8x1xi32>
    %ge3A_1666 = arith.cmpi sge, %add3A_1664, %ge3A_1665 : vector<8x1xi32>
    %select_n3A_1667 = arith.select %ge3A_1666, %or3A_1577, %select_n3A_1574 : vector<8x1xi1>, vector<8x1xi32>
    %or3A_1668 = arith.constant 8192 : i32
    %or3A_1669 = vector.broadcast %or3A_1668 : i32 to vector<8x1xi32>
    %or3A_1670 = arith.ori %select_n3A_1667, %or3A_1669 : vector<8x1xi32>
    %ge3A_1671 = arith.constant 0 : i32
    %ge3A_1672 = vector.broadcast %ge3A_1671 : i32 to vector<8x1xi32>
    %ge3A_1673 = arith.cmpi sge, %or3A_1670, %ge3A_1672 : vector<8x1xi32>
    %xor3A_1674 = arith.constant 2147483647 : i32
    %xor3A_1675 = vector.broadcast %xor3A_1674 : i32 to vector<8x1xi32>
    %xor3A_1676 = arith.xori %or3A_1670, %xor3A_1675 : vector<8x1xi32>
    %select_n3A_1677 = arith.select %ge3A_1673, %or3A_1670, %xor3A_1676 : vector<8x1xi1>, vector<8x1xi32>
    %bitcast_convert_type3A_1678 = tpu.bitcast %select_n3A_1677 : vector<8x1xi32> -> vector<8x1xf32>
    %get3A_1679 = arith.constant 0 : index
    %get3A_1680 = arith.constant 0 : index
    %get3A_1681 = vector.load %arg3[%get3A_1679, %get3A_1680] : memref<8x100000xf32, #tpu.memory_space<vmem>>, vector<8x12800xf32>
    %ge3A_1682 = vector.broadcast %bitcast_convert_type3A_1678 : vector<8x1xf32> to vector<8x12800xf32>
    %ge3A_1683 = arith.cmpf oge, %get3A_1681, %ge3A_1682 : vector<8x12800xf32>
    %convert_element_type3A_1684 = arith.extui %ge3A_1683 : vector<8x12800xi1> to vector<8x12800xi32>
    %reduce_sum3A_1685 = arith.constant dense<0> : vector<8xi32>
    %reduce_sum3A_1686 = vector.multi_reduction <add>, %convert_element_type3A_1684, %reduce_sum3A_1685 [1] : vector<8x12800xi32> to vector<8xi32>
    %broadcast_in_dim3A_1687 = vector.shape_cast %reduce_sum3A_1686 : vector<8xi32> to vector<8x1xi32>
    %get3A_1688 = arith.constant 0 : index
    %get3A_1689 = arith.constant 12800 : index
    %get3A_1690 = vector.load %arg3[%get3A_1688, %get3A_1689] : memref<8x100000xf32, #tpu.memory_space<vmem>>, vector<8x12800xf32>
    %ge3A_1691 = vector.broadcast %bitcast_convert_type3A_1678 : vector<8x1xf32> to vector<8x12800xf32>
    %ge3A_1692 = arith.cmpf oge, %get3A_1690, %ge3A_1691 : vector<8x12800xf32>
    %convert_element_type3A_1693 = arith.extui %ge3A_1692 : vector<8x12800xi1> to vector<8x12800xi32>
    %reduce_sum3A_1694 = arith.constant dense<0> : vector<8xi32>
    %reduce_sum3A_1695 = vector.multi_reduction <add>, %convert_element_type3A_1693, %reduce_sum3A_1694 [1] : vector<8x12800xi32> to vector<8xi32>
    %broadcast_in_dim3A_1696 = vector.shape_cast %reduce_sum3A_1695 : vector<8xi32> to vector<8x1xi32>
    %add3A_1697 = arith.addi %broadcast_in_dim3A_1687, %broadcast_in_dim3A_1696 : vector<8x1xi32>
    %get3A_1698 = arith.constant 0 : index
    %get3A_1699 = arith.constant 25600 : index
    %get3A_1700 = vector.load %arg3[%get3A_1698, %get3A_1699] : memref<8x100000xf32, #tpu.memory_space<vmem>>, vector<8x12800xf32>
    %ge3A_1701 = vector.broadcast %bitcast_convert_type3A_1678 : vector<8x1xf32> to vector<8x12800xf32>
    %ge3A_1702 = arith.cmpf oge, %get3A_1700, %ge3A_1701 : vector<8x12800xf32>
    %convert_element_type3A_1703 = arith.extui %ge3A_1702 : vector<8x12800xi1> to vector<8x12800xi32>
    %reduce_sum3A_1704 = arith.constant dense<0> : vector<8xi32>
    %reduce_sum3A_1705 = vector.multi_reduction <add>, %convert_element_type3A_1703, %reduce_sum3A_1704 [1] : vector<8x12800xi32> to vector<8xi32>
    %broadcast_in_dim3A_1706 = vector.shape_cast %reduce_sum3A_1705 : vector<8xi32> to vector<8x1xi32>
    %add3A_1707 = arith.addi %add3A_1697, %broadcast_in_dim3A_1706 : vector<8x1xi32>
    %get3A_1708 = arith.constant 0 : index
    %get3A_1709 = arith.constant 38400 : index
    %get3A_1710 = vector.load %arg3[%get3A_1708, %get3A_1709] : memref<8x100000xf32, #tpu.memory_space<vmem>>, vector<8x12800xf32>
    %ge3A_1711 = vector.broadcast %bitcast_convert_type3A_1678 : vector<8x1xf32> to vector<8x12800xf32>
    %ge3A_1712 = arith.cmpf oge, %get3A_1710, %ge3A_1711 : vector<8x12800xf32>
    %convert_element_type3A_1713 = arith.extui %ge3A_1712 : vector<8x12800xi1> to vector<8x12800xi32>
    %reduce_sum3A_1714 = arith.constant dense<0> : vector<8xi32>
    %reduce_sum3A_1715 = vector.multi_reduction <add>, %convert_element_type3A_1713, %reduce_sum3A_1714 [1] : vector<8x12800xi32> to vector<8xi32>
    %broadcast_in_dim3A_1716 = vector.shape_cast %reduce_sum3A_1715 : vector<8xi32> to vector<8x1xi32>
    %add3A_1717 = arith.addi %add3A_1707, %broadcast_in_dim3A_1716 : vector<8x1xi32>
    %get3A_1718 = arith.constant 0 : index
    %get3A_1719 = arith.constant 51200 : index
    %get3A_1720 = vector.load %arg3[%get3A_1718, %get3A_1719] : memref<8x100000xf32, #tpu.memory_space<vmem>>, vector<8x12800xf32>
    %ge3A_1721 = vector.broadcast %bitcast_convert_type3A_1678 : vector<8x1xf32> to vector<8x12800xf32>
    %ge3A_1722 = arith.cmpf oge, %get3A_1720, %ge3A_1721 : vector<8x12800xf32>
    %convert_element_type3A_1723 = arith.extui %ge3A_1722 : vector<8x12800xi1> to vector<8x12800xi32>
    %reduce_sum3A_1724 = arith.constant dense<0> : vector<8xi32>
    %reduce_sum3A_1725 = vector.multi_reduction <add>, %convert_element_type3A_1723, %reduce_sum3A_1724 [1] : vector<8x12800xi32> to vector<8xi32>
    %broadcast_in_dim3A_1726 = vector.shape_cast %reduce_sum3A_1725 : vector<8xi32> to vector<8x1xi32>
    %add3A_1727 = arith.addi %add3A_1717, %broadcast_in_dim3A_1726 : vector<8x1xi32>
    %get3A_1728 = arith.constant 0 : index
    %get3A_1729 = arith.constant 64000 : index
    %get3A_1730 = vector.load %arg3[%get3A_1728, %get3A_1729] : memref<8x100000xf32, #tpu.memory_space<vmem>>, vector<8x12800xf32>
    %ge3A_1731 = vector.broadcast %bitcast_convert_type3A_1678 : vector<8x1xf32> to vector<8x12800xf32>
    %ge3A_1732 = arith.cmpf oge, %get3A_1730, %ge3A_1731 : vector<8x12800xf32>
    %convert_element_type3A_1733 = arith.extui %ge3A_1732 : vector<8x12800xi1> to vector<8x12800xi32>
    %reduce_sum3A_1734 = arith.constant dense<0> : vector<8xi32>
    %reduce_sum3A_1735 = vector.multi_reduction <add>, %convert_element_type3A_1733, %reduce_sum3A_1734 [1] : vector<8x12800xi32> to vector<8xi32>
    %broadcast_in_dim3A_1736 = vector.shape_cast %reduce_sum3A_1735 : vector<8xi32> to vector<8x1xi32>
    %add3A_1737 = arith.addi %add3A_1727, %broadcast_in_dim3A_1736 : vector<8x1xi32>
    %get3A_1738 = arith.constant 0 : index
    %get3A_1739 = arith.constant 76800 : index
    %get3A_1740 = vector.load %arg3[%get3A_1738, %get3A_1739] : memref<8x100000xf32, #tpu.memory_space<vmem>>, vector<8x12800xf32>
    %ge3A_1741 = vector.broadcast %bitcast_convert_type3A_1678 : vector<8x1xf32> to vector<8x12800xf32>
    %ge3A_1742 = arith.cmpf oge, %get3A_1740, %ge3A_1741 : vector<8x12800xf32>
    %convert_element_type3A_1743 = arith.extui %ge3A_1742 : vector<8x12800xi1> to vector<8x12800xi32>
    %reduce_sum3A_1744 = arith.constant dense<0> : vector<8xi32>
    %reduce_sum3A_1745 = vector.multi_reduction <add>, %convert_element_type3A_1743, %reduce_sum3A_1744 [1] : vector<8x12800xi32> to vector<8xi32>
    %broadcast_in_dim3A_1746 = vector.shape_cast %reduce_sum3A_1745 : vector<8xi32> to vector<8x1xi32>
    %add3A_1747 = arith.addi %add3A_1737, %broadcast_in_dim3A_1746 : vector<8x1xi32>
    %get3A_1748 = arith.constant 0 : index
    %get3A_1749 = arith.constant 89600 : index
    %get3A_1750 = vector.load %arg3[%get3A_1748, %get3A_1749] : memref<8x100000xf32, #tpu.memory_space<vmem>>, vector<8x10400xf32>
    %ge3A_1751 = vector.broadcast %bitcast_convert_type3A_1678 : vector<8x1xf32> to vector<8x10400xf32>
    %ge3A_1752 = arith.cmpf oge, %get3A_1750, %ge3A_1751 : vector<8x10400xf32>
    %convert_element_type3A_1753 = arith.extui %ge3A_1752 : vector<8x10400xi1> to vector<8x10400xi32>
    %reduce_sum3A_1754 = arith.constant dense<0> : vector<8xi32>
    %reduce_sum3A_1755 = vector.multi_reduction <add>, %convert_element_type3A_1753, %reduce_sum3A_1754 [1] : vector<8x10400xi32> to vector<8xi32>
    %broadcast_in_dim3A_1756 = vector.shape_cast %reduce_sum3A_1755 : vector<8xi32> to vector<8x1xi32>
    %add3A_1757 = arith.addi %add3A_1747, %broadcast_in_dim3A_1756 : vector<8x1xi32>
    %ge3A_1758 = vector.broadcast %get3A_1 : i32 to vector<8x1xi32>
    %ge3A_1759 = arith.cmpi sge, %add3A_1757, %ge3A_1758 : vector<8x1xi32>
    %select_n3A_1760 = arith.select %ge3A_1759, %or3A_1670, %select_n3A_1667 : vector<8x1xi1>, vector<8x1xi32>
    %or3A_1761 = arith.constant 4096 : i32
    %or3A_1762 = vector.broadcast %or3A_1761 : i32 to vector<8x1xi32>
    %or3A_1763 = arith.ori %select_n3A_1760, %or3A_1762 : vector<8x1xi32>
    %ge3A_1764 = arith.constant 0 : i32
    %ge3A_1765 = vector.broadcast %ge3A_1764 : i32 to vector<8x1xi32>
    %ge3A_1766 = arith.cmpi sge, %or3A_1763, %ge3A_1765 : vector<8x1xi32>
    %xor3A_1767 = arith.constant 2147483647 : i32
    %xor3A_1768 = vector.broadcast %xor3A_1767 : i32 to vector<8x1xi32>
    %xor3A_1769 = arith.xori %or3A_1763, %xor3A_1768 : vector<8x1xi32>
    %select_n3A_1770 = arith.select %ge3A_1766, %or3A_1763, %xor3A_1769 : vector<8x1xi1>, vector<8x1xi32>
    %bitcast_convert_type3A_1771 = tpu.bitcast %select_n3A_1770 : vector<8x1xi32> -> vector<8x1xf32>
    %get3A_1772 = arith.constant 0 : index
    %get3A_1773 = arith.constant 0 : index
    %get3A_1774 = vector.load %arg3[%get3A_1772, %get3A_1773] : memref<8x100000xf32, #tpu.memory_space<vmem>>, vector<8x12800xf32>
    %ge3A_1775 = vector.broadcast %bitcast_convert_type3A_1771 : vector<8x1xf32> to vector<8x12800xf32>
    %ge3A_1776 = arith.cmpf oge, %get3A_1774, %ge3A_1775 : vector<8x12800xf32>
    %convert_element_type3A_1777 = arith.extui %ge3A_1776 : vector<8x12800xi1> to vector<8x12800xi32>
    %reduce_sum3A_1778 = arith.constant dense<0> : vector<8xi32>
    %reduce_sum3A_1779 = vector.multi_reduction <add>, %convert_element_type3A_1777, %reduce_sum3A_1778 [1] : vector<8x12800xi32> to vector<8xi32>
    %broadcast_in_dim3A_1780 = vector.shape_cast %reduce_sum3A_1779 : vector<8xi32> to vector<8x1xi32>
    %get3A_1781 = arith.constant 0 : index
    %get3A_1782 = arith.constant 12800 : index
    %get3A_1783 = vector.load %arg3[%get3A_1781, %get3A_1782] : memref<8x100000xf32, #tpu.memory_space<vmem>>, vector<8x12800xf32>
    %ge3A_1784 = vector.broadcast %bitcast_convert_type3A_1771 : vector<8x1xf32> to vector<8x12800xf32>
    %ge3A_1785 = arith.cmpf oge, %get3A_1783, %ge3A_1784 : vector<8x12800xf32>
    %convert_element_type3A_1786 = arith.extui %ge3A_1785 : vector<8x12800xi1> to vector<8x12800xi32>
    %reduce_sum3A_1787 = arith.constant dense<0> : vector<8xi32>
    %reduce_sum3A_1788 = vector.multi_reduction <add>, %convert_element_type3A_1786, %reduce_sum3A_1787 [1] : vector<8x12800xi32> to vector<8xi32>
    %broadcast_in_dim3A_1789 = vector.shape_cast %reduce_sum3A_1788 : vector<8xi32> to vector<8x1xi32>
    %add3A_1790 = arith.addi %broadcast_in_dim3A_1780, %broadcast_in_dim3A_1789 : vector<8x1xi32>
    %get3A_1791 = arith.constant 0 : index
    %get3A_1792 = arith.constant 25600 : index
    %get3A_1793 = vector.load %arg3[%get3A_1791, %get3A_1792] : memref<8x100000xf32, #tpu.memory_space<vmem>>, vector<8x12800xf32>
    %ge3A_1794 = vector.broadcast %bitcast_convert_type3A_1771 : vector<8x1xf32> to vector<8x12800xf32>
    %ge3A_1795 = arith.cmpf oge, %get3A_1793, %ge3A_1794 : vector<8x12800xf32>
    %convert_element_type3A_1796 = arith.extui %ge3A_1795 : vector<8x12800xi1> to vector<8x12800xi32>
    %reduce_sum3A_1797 = arith.constant dense<0> : vector<8xi32>
    %reduce_sum3A_1798 = vector.multi_reduction <add>, %convert_element_type3A_1796, %reduce_sum3A_1797 [1] : vector<8x12800xi32> to vector<8xi32>
    %broadcast_in_dim3A_1799 = vector.shape_cast %reduce_sum3A_1798 : vector<8xi32> to vector<8x1xi32>
    %add3A_1800 = arith.addi %add3A_1790, %broadcast_in_dim3A_1799 : vector<8x1xi32>
    %get3A_1801 = arith.constant 0 : index
    %get3A_1802 = arith.constant 38400 : index
    %get3A_1803 = vector.load %arg3[%get3A_1801, %get3A_1802] : memref<8x100000xf32, #tpu.memory_space<vmem>>, vector<8x12800xf32>
    %ge3A_1804 = vector.broadcast %bitcast_convert_type3A_1771 : vector<8x1xf32> to vector<8x12800xf32>
    %ge3A_1805 = arith.cmpf oge, %get3A_1803, %ge3A_1804 : vector<8x12800xf32>
    %convert_element_type3A_1806 = arith.extui %ge3A_1805 : vector<8x12800xi1> to vector<8x12800xi32>
    %reduce_sum3A_1807 = arith.constant dense<0> : vector<8xi32>
    %reduce_sum3A_1808 = vector.multi_reduction <add>, %convert_element_type3A_1806, %reduce_sum3A_1807 [1] : vector<8x12800xi32> to vector<8xi32>
    %broadcast_in_dim3A_1809 = vector.shape_cast %reduce_sum3A_1808 : vector<8xi32> to vector<8x1xi32>
    %add3A_1810 = arith.addi %add3A_1800, %broadcast_in_dim3A_1809 : vector<8x1xi32>
    %get3A_1811 = arith.constant 0 : index
    %get3A_1812 = arith.constant 51200 : index
    %get3A_1813 = vector.load %arg3[%get3A_1811, %get3A_1812] : memref<8x100000xf32, #tpu.memory_space<vmem>>, vector<8x12800xf32>
    %ge3A_1814 = vector.broadcast %bitcast_convert_type3A_1771 : vector<8x1xf32> to vector<8x12800xf32>
    %ge3A_1815 = arith.cmpf oge, %get3A_1813, %ge3A_1814 : vector<8x12800xf32>
    %convert_element_type3A_1816 = arith.extui %ge3A_1815 : vector<8x12800xi1> to vector<8x12800xi32>
    %reduce_sum3A_1817 = arith.constant dense<0> : vector<8xi32>
    %reduce_sum3A_1818 = vector.multi_reduction <add>, %convert_element_type3A_1816, %reduce_sum3A_1817 [1] : vector<8x12800xi32> to vector<8xi32>
    %broadcast_in_dim3A_1819 = vector.shape_cast %reduce_sum3A_1818 : vector<8xi32> to vector<8x1xi32>
    %add3A_1820 = arith.addi %add3A_1810, %broadcast_in_dim3A_1819 : vector<8x1xi32>
    %get3A_1821 = arith.constant 0 : index
    %get3A_1822 = arith.constant 64000 : index
    %get3A_1823 = vector.load %arg3[%get3A_1821, %get3A_1822] : memref<8x100000xf32, #tpu.memory_space<vmem>>, vector<8x12800xf32>
    %ge3A_1824 = vector.broadcast %bitcast_convert_type3A_1771 : vector<8x1xf32> to vector<8x12800xf32>
    %ge3A_1825 = arith.cmpf oge, %get3A_1823, %ge3A_1824 : vector<8x12800xf32>
    %convert_element_type3A_1826 = arith.extui %ge3A_1825 : vector<8x12800xi1> to vector<8x12800xi32>
    %reduce_sum3A_1827 = arith.constant dense<0> : vector<8xi32>
    %reduce_sum3A_1828 = vector.multi_reduction <add>, %convert_element_type3A_1826, %reduce_sum3A_1827 [1] : vector<8x12800xi32> to vector<8xi32>
    %broadcast_in_dim3A_1829 = vector.shape_cast %reduce_sum3A_1828 : vector<8xi32> to vector<8x1xi32>
    %add3A_1830 = arith.addi %add3A_1820, %broadcast_in_dim3A_1829 : vector<8x1xi32>
    %get3A_1831 = arith.constant 0 : index
    %get3A_1832 = arith.constant 76800 : index
    %get3A_1833 = vector.load %arg3[%get3A_1831, %get3A_1832] : memref<8x100000xf32, #tpu.memory_space<vmem>>, vector<8x12800xf32>
    %ge3A_1834 = vector.broadcast %bitcast_convert_type3A_1771 : vector<8x1xf32> to vector<8x12800xf32>
    %ge3A_1835 = arith.cmpf oge, %get3A_1833, %ge3A_1834 : vector<8x12800xf32>
    %convert_element_type3A_1836 = arith.extui %ge3A_1835 : vector<8x12800xi1> to vector<8x12800xi32>
    %reduce_sum3A_1837 = arith.constant dense<0> : vector<8xi32>
    %reduce_sum3A_1838 = vector.multi_reduction <add>, %convert_element_type3A_1836, %reduce_sum3A_1837 [1] : vector<8x12800xi32> to vector<8xi32>
    %broadcast_in_dim3A_1839 = vector.shape_cast %reduce_sum3A_1838 : vector<8xi32> to vector<8x1xi32>
    %add3A_1840 = arith.addi %add3A_1830, %broadcast_in_dim3A_1839 : vector<8x1xi32>
    %get3A_1841 = arith.constant 0 : index
    %get3A_1842 = arith.constant 89600 : index
    %get3A_1843 = vector.load %arg3[%get3A_1841, %get3A_1842] : memref<8x100000xf32, #tpu.memory_space<vmem>>, vector<8x10400xf32>
    %ge3A_1844 = vector.broadcast %bitcast_convert_type3A_1771 : vector<8x1xf32> to vector<8x10400xf32>
    %ge3A_1845 = arith.cmpf oge, %get3A_1843, %ge3A_1844 : vector<8x10400xf32>
    %convert_element_type3A_1846 = arith.extui %ge3A_1845 : vector<8x10400xi1> to vector<8x10400xi32>
    %reduce_sum3A_1847 = arith.constant dense<0> : vector<8xi32>
    %reduce_sum3A_1848 = vector.multi_reduction <add>, %convert_element_type3A_1846, %reduce_sum3A_1847 [1] : vector<8x10400xi32> to vector<8xi32>
    %broadcast_in_dim3A_1849 = vector.shape_cast %reduce_sum3A_1848 : vector<8xi32> to vector<8x1xi32>
    %add3A_1850 = arith.addi %add3A_1840, %broadcast_in_dim3A_1849 : vector<8x1xi32>
    %ge3A_1851 = vector.broadcast %get3A_1 : i32 to vector<8x1xi32>
    %ge3A_1852 = arith.cmpi sge, %add3A_1850, %ge3A_1851 : vector<8x1xi32>
    %select_n3A_1853 = arith.select %ge3A_1852, %or3A_1763, %select_n3A_1760 : vector<8x1xi1>, vector<8x1xi32>
    %or3A_1854 = arith.constant 2048 : i32
    %or3A_1855 = vector.broadcast %or3A_1854 : i32 to vector<8x1xi32>
    %or3A_1856 = arith.ori %select_n3A_1853, %or3A_1855 : vector<8x1xi32>
    %ge3A_1857 = arith.constant 0 : i32
    %ge3A_1858 = vector.broadcast %ge3A_1857 : i32 to vector<8x1xi32>
    %ge3A_1859 = arith.cmpi sge, %or3A_1856, %ge3A_1858 : vector<8x1xi32>
    %xor3A_1860 = arith.constant 2147483647 : i32
    %xor3A_1861 = vector.broadcast %xor3A_1860 : i32 to vector<8x1xi32>
    %xor3A_1862 = arith.xori %or3A_1856, %xor3A_1861 : vector<8x1xi32>
    %select_n3A_1863 = arith.select %ge3A_1859, %or3A_1856, %xor3A_1862 : vector<8x1xi1>, vector<8x1xi32>
    %bitcast_convert_type3A_1864 = tpu.bitcast %select_n3A_1863 : vector<8x1xi32> -> vector<8x1xf32>
    %get3A_1865 = arith.constant 0 : index
    %get3A_1866 = arith.constant 0 : index
    %get3A_1867 = vector.load %arg3[%get3A_1865, %get3A_1866] : memref<8x100000xf32, #tpu.memory_space<vmem>>, vector<8x12800xf32>
    %ge3A_1868 = vector.broadcast %bitcast_convert_type3A_1864 : vector<8x1xf32> to vector<8x12800xf32>
    %ge3A_1869 = arith.cmpf oge, %get3A_1867, %ge3A_1868 : vector<8x12800xf32>
    %convert_element_type3A_1870 = arith.extui %ge3A_1869 : vector<8x12800xi1> to vector<8x12800xi32>
    %reduce_sum3A_1871 = arith.constant dense<0> : vector<8xi32>
    %reduce_sum3A_1872 = vector.multi_reduction <add>, %convert_element_type3A_1870, %reduce_sum3A_1871 [1] : vector<8x12800xi32> to vector<8xi32>
    %broadcast_in_dim3A_1873 = vector.shape_cast %reduce_sum3A_1872 : vector<8xi32> to vector<8x1xi32>
    %get3A_1874 = arith.constant 0 : index
    %get3A_1875 = arith.constant 12800 : index
    %get3A_1876 = vector.load %arg3[%get3A_1874, %get3A_1875] : memref<8x100000xf32, #tpu.memory_space<vmem>>, vector<8x12800xf32>
    %ge3A_1877 = vector.broadcast %bitcast_convert_type3A_1864 : vector<8x1xf32> to vector<8x12800xf32>
    %ge3A_1878 = arith.cmpf oge, %get3A_1876, %ge3A_1877 : vector<8x12800xf32>
    %convert_element_type3A_1879 = arith.extui %ge3A_1878 : vector<8x12800xi1> to vector<8x12800xi32>
    %reduce_sum3A_1880 = arith.constant dense<0> : vector<8xi32>
    %reduce_sum3A_1881 = vector.multi_reduction <add>, %convert_element_type3A_1879, %reduce_sum3A_1880 [1] : vector<8x12800xi32> to vector<8xi32>
    %broadcast_in_dim3A_1882 = vector.shape_cast %reduce_sum3A_1881 : vector<8xi32> to vector<8x1xi32>
    %add3A_1883 = arith.addi %broadcast_in_dim3A_1873, %broadcast_in_dim3A_1882 : vector<8x1xi32>
    %get3A_1884 = arith.constant 0 : index
    %get3A_1885 = arith.constant 25600 : index
    %get3A_1886 = vector.load %arg3[%get3A_1884, %get3A_1885] : memref<8x100000xf32, #tpu.memory_space<vmem>>, vector<8x12800xf32>
    %ge3A_1887 = vector.broadcast %bitcast_convert_type3A_1864 : vector<8x1xf32> to vector<8x12800xf32>
    %ge3A_1888 = arith.cmpf oge, %get3A_1886, %ge3A_1887 : vector<8x12800xf32>
    %convert_element_type3A_1889 = arith.extui %ge3A_1888 : vector<8x12800xi1> to vector<8x12800xi32>
    %reduce_sum3A_1890 = arith.constant dense<0> : vector<8xi32>
    %reduce_sum3A_1891 = vector.multi_reduction <add>, %convert_element_type3A_1889, %reduce_sum3A_1890 [1] : vector<8x12800xi32> to vector<8xi32>
    %broadcast_in_dim3A_1892 = vector.shape_cast %reduce_sum3A_1891 : vector<8xi32> to vector<8x1xi32>
    %add3A_1893 = arith.addi %add3A_1883, %broadcast_in_dim3A_1892 : vector<8x1xi32>
    %get3A_1894 = arith.constant 0 : index
    %get3A_1895 = arith.constant 38400 : index
    %get3A_1896 = vector.load %arg3[%get3A_1894, %get3A_1895] : memref<8x100000xf32, #tpu.memory_space<vmem>>, vector<8x12800xf32>
    %ge3A_1897 = vector.broadcast %bitcast_convert_type3A_1864 : vector<8x1xf32> to vector<8x12800xf32>
    %ge3A_1898 = arith.cmpf oge, %get3A_1896, %ge3A_1897 : vector<8x12800xf32>
    %convert_element_type3A_1899 = arith.extui %ge3A_1898 : vector<8x12800xi1> to vector<8x12800xi32>
    %reduce_sum3A_1900 = arith.constant dense<0> : vector<8xi32>
    %reduce_sum3A_1901 = vector.multi_reduction <add>, %convert_element_type3A_1899, %reduce_sum3A_1900 [1] : vector<8x12800xi32> to vector<8xi32>
    %broadcast_in_dim3A_1902 = vector.shape_cast %reduce_sum3A_1901 : vector<8xi32> to vector<8x1xi32>
    %add3A_1903 = arith.addi %add3A_1893, %broadcast_in_dim3A_1902 : vector<8x1xi32>
    %get3A_1904 = arith.constant 0 : index
    %get3A_1905 = arith.constant 51200 : index
    %get3A_1906 = vector.load %arg3[%get3A_1904, %get3A_1905] : memref<8x100000xf32, #tpu.memory_space<vmem>>, vector<8x12800xf32>
    %ge3A_1907 = vector.broadcast %bitcast_convert_type3A_1864 : vector<8x1xf32> to vector<8x12800xf32>
    %ge3A_1908 = arith.cmpf oge, %get3A_1906, %ge3A_1907 : vector<8x12800xf32>
    %convert_element_type3A_1909 = arith.extui %ge3A_1908 : vector<8x12800xi1> to vector<8x12800xi32>
    %reduce_sum3A_1910 = arith.constant dense<0> : vector<8xi32>
    %reduce_sum3A_1911 = vector.multi_reduction <add>, %convert_element_type3A_1909, %reduce_sum3A_1910 [1] : vector<8x12800xi32> to vector<8xi32>
    %broadcast_in_dim3A_1912 = vector.shape_cast %reduce_sum3A_1911 : vector<8xi32> to vector<8x1xi32>
    %add3A_1913 = arith.addi %add3A_1903, %broadcast_in_dim3A_1912 : vector<8x1xi32>
    %get3A_1914 = arith.constant 0 : index
    %get3A_1915 = arith.constant 64000 : index
    %get3A_1916 = vector.load %arg3[%get3A_1914, %get3A_1915] : memref<8x100000xf32, #tpu.memory_space<vmem>>, vector<8x12800xf32>
    %ge3A_1917 = vector.broadcast %bitcast_convert_type3A_1864 : vector<8x1xf32> to vector<8x12800xf32>
    %ge3A_1918 = arith.cmpf oge, %get3A_1916, %ge3A_1917 : vector<8x12800xf32>
    %convert_element_type3A_1919 = arith.extui %ge3A_1918 : vector<8x12800xi1> to vector<8x12800xi32>
    %reduce_sum3A_1920 = arith.constant dense<0> : vector<8xi32>
    %reduce_sum3A_1921 = vector.multi_reduction <add>, %convert_element_type3A_1919, %reduce_sum3A_1920 [1] : vector<8x12800xi32> to vector<8xi32>
    %broadcast_in_dim3A_1922 = vector.shape_cast %reduce_sum3A_1921 : vector<8xi32> to vector<8x1xi32>
    %add3A_1923 = arith.addi %add3A_1913, %broadcast_in_dim3A_1922 : vector<8x1xi32>
    %get3A_1924 = arith.constant 0 : index
    %get3A_1925 = arith.constant 76800 : index
    %get3A_1926 = vector.load %arg3[%get3A_1924, %get3A_1925] : memref<8x100000xf32, #tpu.memory_space<vmem>>, vector<8x12800xf32>
    %ge3A_1927 = vector.broadcast %bitcast_convert_type3A_1864 : vector<8x1xf32> to vector<8x12800xf32>
    %ge3A_1928 = arith.cmpf oge, %get3A_1926, %ge3A_1927 : vector<8x12800xf32>
    %convert_element_type3A_1929 = arith.extui %ge3A_1928 : vector<8x12800xi1> to vector<8x12800xi32>
    %reduce_sum3A_1930 = arith.constant dense<0> : vector<8xi32>
    %reduce_sum3A_1931 = vector.multi_reduction <add>, %convert_element_type3A_1929, %reduce_sum3A_1930 [1] : vector<8x12800xi32> to vector<8xi32>
    %broadcast_in_dim3A_1932 = vector.shape_cast %reduce_sum3A_1931 : vector<8xi32> to vector<8x1xi32>
    %add3A_1933 = arith.addi %add3A_1923, %broadcast_in_dim3A_1932 : vector<8x1xi32>
    %get3A_1934 = arith.constant 0 : index
    %get3A_1935 = arith.constant 89600 : index
    %get3A_1936 = vector.load %arg3[%get3A_1934, %get3A_1935] : memref<8x100000xf32, #tpu.memory_space<vmem>>, vector<8x10400xf32>
    %ge3A_1937 = vector.broadcast %bitcast_convert_type3A_1864 : vector<8x1xf32> to vector<8x10400xf32>
    %ge3A_1938 = arith.cmpf oge, %get3A_1936, %ge3A_1937 : vector<8x10400xf32>
    %convert_element_type3A_1939 = arith.extui %ge3A_1938 : vector<8x10400xi1> to vector<8x10400xi32>
    %reduce_sum3A_1940 = arith.constant dense<0> : vector<8xi32>
    %reduce_sum3A_1941 = vector.multi_reduction <add>, %convert_element_type3A_1939, %reduce_sum3A_1940 [1] : vector<8x10400xi32> to vector<8xi32>
    %broadcast_in_dim3A_1942 = vector.shape_cast %reduce_sum3A_1941 : vector<8xi32> to vector<8x1xi32>
    %add3A_1943 = arith.addi %add3A_1933, %broadcast_in_dim3A_1942 : vector<8x1xi32>
    %ge3A_1944 = vector.broadcast %get3A_1 : i32 to vector<8x1xi32>
    %ge3A_1945 = arith.cmpi sge, %add3A_1943, %ge3A_1944 : vector<8x1xi32>
    %select_n3A_1946 = arith.select %ge3A_1945, %or3A_1856, %select_n3A_1853 : vector<8x1xi1>, vector<8x1xi32>
    %or3A_1947 = arith.constant 1024 : i32
    %or3A_1948 = vector.broadcast %or3A_1947 : i32 to vector<8x1xi32>
    %or3A_1949 = arith.ori %select_n3A_1946, %or3A_1948 : vector<8x1xi32>
    %ge3A_1950 = arith.constant 0 : i32
    %ge3A_1951 = vector.broadcast %ge3A_1950 : i32 to vector<8x1xi32>
    %ge3A_1952 = arith.cmpi sge, %or3A_1949, %ge3A_1951 : vector<8x1xi32>
    %xor3A_1953 = arith.constant 2147483647 : i32
    %xor3A_1954 = vector.broadcast %xor3A_1953 : i32 to vector<8x1xi32>
    %xor3A_1955 = arith.xori %or3A_1949, %xor3A_1954 : vector<8x1xi32>
    %select_n3A_1956 = arith.select %ge3A_1952, %or3A_1949, %xor3A_1955 : vector<8x1xi1>, vector<8x1xi32>
    %bitcast_convert_type3A_1957 = tpu.bitcast %select_n3A_1956 : vector<8x1xi32> -> vector<8x1xf32>
    %get3A_1958 = arith.constant 0 : index
    %get3A_1959 = arith.constant 0 : index
    %get3A_1960 = vector.load %arg3[%get3A_1958, %get3A_1959] : memref<8x100000xf32, #tpu.memory_space<vmem>>, vector<8x12800xf32>
    %ge3A_1961 = vector.broadcast %bitcast_convert_type3A_1957 : vector<8x1xf32> to vector<8x12800xf32>
    %ge3A_1962 = arith.cmpf oge, %get3A_1960, %ge3A_1961 : vector<8x12800xf32>
    %convert_element_type3A_1963 = arith.extui %ge3A_1962 : vector<8x12800xi1> to vector<8x12800xi32>
    %reduce_sum3A_1964 = arith.constant dense<0> : vector<8xi32>
    %reduce_sum3A_1965 = vector.multi_reduction <add>, %convert_element_type3A_1963, %reduce_sum3A_1964 [1] : vector<8x12800xi32> to vector<8xi32>
    %broadcast_in_dim3A_1966 = vector.shape_cast %reduce_sum3A_1965 : vector<8xi32> to vector<8x1xi32>
    %get3A_1967 = arith.constant 0 : index
    %get3A_1968 = arith.constant 12800 : index
    %get3A_1969 = vector.load %arg3[%get3A_1967, %get3A_1968] : memref<8x100000xf32, #tpu.memory_space<vmem>>, vector<8x12800xf32>
    %ge3A_1970 = vector.broadcast %bitcast_convert_type3A_1957 : vector<8x1xf32> to vector<8x12800xf32>
    %ge3A_1971 = arith.cmpf oge, %get3A_1969, %ge3A_1970 : vector<8x12800xf32>
    %convert_element_type3A_1972 = arith.extui %ge3A_1971 : vector<8x12800xi1> to vector<8x12800xi32>
    %reduce_sum3A_1973 = arith.constant dense<0> : vector<8xi32>
    %reduce_sum3A_1974 = vector.multi_reduction <add>, %convert_element_type3A_1972, %reduce_sum3A_1973 [1] : vector<8x12800xi32> to vector<8xi32>
    %broadcast_in_dim3A_1975 = vector.shape_cast %reduce_sum3A_1974 : vector<8xi32> to vector<8x1xi32>
    %add3A_1976 = arith.addi %broadcast_in_dim3A_1966, %broadcast_in_dim3A_1975 : vector<8x1xi32>
    %get3A_1977 = arith.constant 0 : index
    %get3A_1978 = arith.constant 25600 : index
    %get3A_1979 = vector.load %arg3[%get3A_1977, %get3A_1978] : memref<8x100000xf32, #tpu.memory_space<vmem>>, vector<8x12800xf32>
    %ge3A_1980 = vector.broadcast %bitcast_convert_type3A_1957 : vector<8x1xf32> to vector<8x12800xf32>
    %ge3A_1981 = arith.cmpf oge, %get3A_1979, %ge3A_1980 : vector<8x12800xf32>
    %convert_element_type3A_1982 = arith.extui %ge3A_1981 : vector<8x12800xi1> to vector<8x12800xi32>
    %reduce_sum3A_1983 = arith.constant dense<0> : vector<8xi32>
    %reduce_sum3A_1984 = vector.multi_reduction <add>, %convert_element_type3A_1982, %reduce_sum3A_1983 [1] : vector<8x12800xi32> to vector<8xi32>
    %broadcast_in_dim3A_1985 = vector.shape_cast %reduce_sum3A_1984 : vector<8xi32> to vector<8x1xi32>
    %add3A_1986 = arith.addi %add3A_1976, %broadcast_in_dim3A_1985 : vector<8x1xi32>
    %get3A_1987 = arith.constant 0 : index
    %get3A_1988 = arith.constant 38400 : index
    %get3A_1989 = vector.load %arg3[%get3A_1987, %get3A_1988] : memref<8x100000xf32, #tpu.memory_space<vmem>>, vector<8x12800xf32>
    %ge3A_1990 = vector.broadcast %bitcast_convert_type3A_1957 : vector<8x1xf32> to vector<8x12800xf32>
    %ge3A_1991 = arith.cmpf oge, %get3A_1989, %ge3A_1990 : vector<8x12800xf32>
    %convert_element_type3A_1992 = arith.extui %ge3A_1991 : vector<8x12800xi1> to vector<8x12800xi32>
    %reduce_sum3A_1993 = arith.constant dense<0> : vector<8xi32>
    %reduce_sum3A_1994 = vector.multi_reduction <add>, %convert_element_type3A_1992, %reduce_sum3A_1993 [1] : vector<8x12800xi32> to vector<8xi32>
    %broadcast_in_dim3A_1995 = vector.shape_cast %reduce_sum3A_1994 : vector<8xi32> to vector<8x1xi32>
    %add3A_1996 = arith.addi %add3A_1986, %broadcast_in_dim3A_1995 : vector<8x1xi32>
    %get3A_1997 = arith.constant 0 : index
    %get3A_1998 = arith.constant 51200 : index
    %get3A_1999 = vector.load %arg3[%get3A_1997, %get3A_1998] : memref<8x100000xf32, #tpu.memory_space<vmem>>, vector<8x12800xf32>
    %ge3A_2000 = vector.broadcast %bitcast_convert_type3A_1957 : vector<8x1xf32> to vector<8x12800xf32>
    %ge3A_2001 = arith.cmpf oge, %get3A_1999, %ge3A_2000 : vector<8x12800xf32>
    %convert_element_type3A_2002 = arith.extui %ge3A_2001 : vector<8x12800xi1> to vector<8x12800xi32>
    %reduce_sum3A_2003 = arith.constant dense<0> : vector<8xi32>
    %reduce_sum3A_2004 = vector.multi_reduction <add>, %convert_element_type3A_2002, %reduce_sum3A_2003 [1] : vector<8x12800xi32> to vector<8xi32>
    %broadcast_in_dim3A_2005 = vector.shape_cast %reduce_sum3A_2004 : vector<8xi32> to vector<8x1xi32>
    %add3A_2006 = arith.addi %add3A_1996, %broadcast_in_dim3A_2005 : vector<8x1xi32>
    %get3A_2007 = arith.constant 0 : index
    %get3A_2008 = arith.constant 64000 : index
    %get3A_2009 = vector.load %arg3[%get3A_2007, %get3A_2008] : memref<8x100000xf32, #tpu.memory_space<vmem>>, vector<8x12800xf32>
    %ge3A_2010 = vector.broadcast %bitcast_convert_type3A_1957 : vector<8x1xf32> to vector<8x12800xf32>
    %ge3A_2011 = arith.cmpf oge, %get3A_2009, %ge3A_2010 : vector<8x12800xf32>
    %convert_element_type3A_2012 = arith.extui %ge3A_2011 : vector<8x12800xi1> to vector<8x12800xi32>
    %reduce_sum3A_2013 = arith.constant dense<0> : vector<8xi32>
    %reduce_sum3A_2014 = vector.multi_reduction <add>, %convert_element_type3A_2012, %reduce_sum3A_2013 [1] : vector<8x12800xi32> to vector<8xi32>
    %broadcast_in_dim3A_2015 = vector.shape_cast %reduce_sum3A_2014 : vector<8xi32> to vector<8x1xi32>
    %add3A_2016 = arith.addi %add3A_2006, %broadcast_in_dim3A_2015 : vector<8x1xi32>
    %get3A_2017 = arith.constant 0 : index
    %get3A_2018 = arith.constant 76800 : index
    %get3A_2019 = vector.load %arg3[%get3A_2017, %get3A_2018] : memref<8x100000xf32, #tpu.memory_space<vmem>>, vector<8x12800xf32>
    %ge3A_2020 = vector.broadcast %bitcast_convert_type3A_1957 : vector<8x1xf32> to vector<8x12800xf32>
    %ge3A_2021 = arith.cmpf oge, %get3A_2019, %ge3A_2020 : vector<8x12800xf32>
    %convert_element_type3A_2022 = arith.extui %ge3A_2021 : vector<8x12800xi1> to vector<8x12800xi32>
    %reduce_sum3A_2023 = arith.constant dense<0> : vector<8xi32>
    %reduce_sum3A_2024 = vector.multi_reduction <add>, %convert_element_type3A_2022, %reduce_sum3A_2023 [1] : vector<8x12800xi32> to vector<8xi32>
    %broadcast_in_dim3A_2025 = vector.shape_cast %reduce_sum3A_2024 : vector<8xi32> to vector<8x1xi32>
    %add3A_2026 = arith.addi %add3A_2016, %broadcast_in_dim3A_2025 : vector<8x1xi32>
    %get3A_2027 = arith.constant 0 : index
    %get3A_2028 = arith.constant 89600 : index
    %get3A_2029 = vector.load %arg3[%get3A_2027, %get3A_2028] : memref<8x100000xf32, #tpu.memory_space<vmem>>, vector<8x10400xf32>
    %ge3A_2030 = vector.broadcast %bitcast_convert_type3A_1957 : vector<8x1xf32> to vector<8x10400xf32>
    %ge3A_2031 = arith.cmpf oge, %get3A_2029, %ge3A_2030 : vector<8x10400xf32>
    %convert_element_type3A_2032 = arith.extui %ge3A_2031 : vector<8x10400xi1> to vector<8x10400xi32>
    %reduce_sum3A_2033 = arith.constant dense<0> : vector<8xi32>
    %reduce_sum3A_2034 = vector.multi_reduction <add>, %convert_element_type3A_2032, %reduce_sum3A_2033 [1] : vector<8x10400xi32> to vector<8xi32>
    %broadcast_in_dim3A_2035 = vector.shape_cast %reduce_sum3A_2034 : vector<8xi32> to vector<8x1xi32>
    %add3A_2036 = arith.addi %add3A_2026, %broadcast_in_dim3A_2035 : vector<8x1xi32>
    %ge3A_2037 = vector.broadcast %get3A_1 : i32 to vector<8x1xi32>
    %ge3A_2038 = arith.cmpi sge, %add3A_2036, %ge3A_2037 : vector<8x1xi32>
    %select_n3A_2039 = arith.select %ge3A_2038, %or3A_1949, %select_n3A_1946 : vector<8x1xi1>, vector<8x1xi32>
    %or3A_2040 = arith.constant 512 : i32
    %or3A_2041 = vector.broadcast %or3A_2040 : i32 to vector<8x1xi32>
    %or3A_2042 = arith.ori %select_n3A_2039, %or3A_2041 : vector<8x1xi32>
    %ge3A_2043 = arith.constant 0 : i32
    %ge3A_2044 = vector.broadcast %ge3A_2043 : i32 to vector<8x1xi32>
    %ge3A_2045 = arith.cmpi sge, %or3A_2042, %ge3A_2044 : vector<8x1xi32>
    %xor3A_2046 = arith.constant 2147483647 : i32
    %xor3A_2047 = vector.broadcast %xor3A_2046 : i32 to vector<8x1xi32>
    %xor3A_2048 = arith.xori %or3A_2042, %xor3A_2047 : vector<8x1xi32>
    %select_n3A_2049 = arith.select %ge3A_2045, %or3A_2042, %xor3A_2048 : vector<8x1xi1>, vector<8x1xi32>
    %bitcast_convert_type3A_2050 = tpu.bitcast %select_n3A_2049 : vector<8x1xi32> -> vector<8x1xf32>
    %get3A_2051 = arith.constant 0 : index
    %get3A_2052 = arith.constant 0 : index
    %get3A_2053 = vector.load %arg3[%get3A_2051, %get3A_2052] : memref<8x100000xf32, #tpu.memory_space<vmem>>, vector<8x12800xf32>
    %ge3A_2054 = vector.broadcast %bitcast_convert_type3A_2050 : vector<8x1xf32> to vector<8x12800xf32>
    %ge3A_2055 = arith.cmpf oge, %get3A_2053, %ge3A_2054 : vector<8x12800xf32>
    %convert_element_type3A_2056 = arith.extui %ge3A_2055 : vector<8x12800xi1> to vector<8x12800xi32>
    %reduce_sum3A_2057 = arith.constant dense<0> : vector<8xi32>
    %reduce_sum3A_2058 = vector.multi_reduction <add>, %convert_element_type3A_2056, %reduce_sum3A_2057 [1] : vector<8x12800xi32> to vector<8xi32>
    %broadcast_in_dim3A_2059 = vector.shape_cast %reduce_sum3A_2058 : vector<8xi32> to vector<8x1xi32>
    %get3A_2060 = arith.constant 0 : index
    %get3A_2061 = arith.constant 12800 : index
    %get3A_2062 = vector.load %arg3[%get3A_2060, %get3A_2061] : memref<8x100000xf32, #tpu.memory_space<vmem>>, vector<8x12800xf32>
    %ge3A_2063 = vector.broadcast %bitcast_convert_type3A_2050 : vector<8x1xf32> to vector<8x12800xf32>
    %ge3A_2064 = arith.cmpf oge, %get3A_2062, %ge3A_2063 : vector<8x12800xf32>
    %convert_element_type3A_2065 = arith.extui %ge3A_2064 : vector<8x12800xi1> to vector<8x12800xi32>
    %reduce_sum3A_2066 = arith.constant dense<0> : vector<8xi32>
    %reduce_sum3A_2067 = vector.multi_reduction <add>, %convert_element_type3A_2065, %reduce_sum3A_2066 [1] : vector<8x12800xi32> to vector<8xi32>
    %broadcast_in_dim3A_2068 = vector.shape_cast %reduce_sum3A_2067 : vector<8xi32> to vector<8x1xi32>
    %add3A_2069 = arith.addi %broadcast_in_dim3A_2059, %broadcast_in_dim3A_2068 : vector<8x1xi32>
    %get3A_2070 = arith.constant 0 : index
    %get3A_2071 = arith.constant 25600 : index
    %get3A_2072 = vector.load %arg3[%get3A_2070, %get3A_2071] : memref<8x100000xf32, #tpu.memory_space<vmem>>, vector<8x12800xf32>
    %ge3A_2073 = vector.broadcast %bitcast_convert_type3A_2050 : vector<8x1xf32> to vector<8x12800xf32>
    %ge3A_2074 = arith.cmpf oge, %get3A_2072, %ge3A_2073 : vector<8x12800xf32>
    %convert_element_type3A_2075 = arith.extui %ge3A_2074 : vector<8x12800xi1> to vector<8x12800xi32>
    %reduce_sum3A_2076 = arith.constant dense<0> : vector<8xi32>
    %reduce_sum3A_2077 = vector.multi_reduction <add>, %convert_element_type3A_2075, %reduce_sum3A_2076 [1] : vector<8x12800xi32> to vector<8xi32>
    %broadcast_in_dim3A_2078 = vector.shape_cast %reduce_sum3A_2077 : vector<8xi32> to vector<8x1xi32>
    %add3A_2079 = arith.addi %add3A_2069, %broadcast_in_dim3A_2078 : vector<8x1xi32>
    %get3A_2080 = arith.constant 0 : index
    %get3A_2081 = arith.constant 38400 : index
    %get3A_2082 = vector.load %arg3[%get3A_2080, %get3A_2081] : memref<8x100000xf32, #tpu.memory_space<vmem>>, vector<8x12800xf32>
    %ge3A_2083 = vector.broadcast %bitcast_convert_type3A_2050 : vector<8x1xf32> to vector<8x12800xf32>
    %ge3A_2084 = arith.cmpf oge, %get3A_2082, %ge3A_2083 : vector<8x12800xf32>
    %convert_element_type3A_2085 = arith.extui %ge3A_2084 : vector<8x12800xi1> to vector<8x12800xi32>
    %reduce_sum3A_2086 = arith.constant dense<0> : vector<8xi32>
    %reduce_sum3A_2087 = vector.multi_reduction <add>, %convert_element_type3A_2085, %reduce_sum3A_2086 [1] : vector<8x12800xi32> to vector<8xi32>
    %broadcast_in_dim3A_2088 = vector.shape_cast %reduce_sum3A_2087 : vector<8xi32> to vector<8x1xi32>
    %add3A_2089 = arith.addi %add3A_2079, %broadcast_in_dim3A_2088 : vector<8x1xi32>
    %get3A_2090 = arith.constant 0 : index
    %get3A_2091 = arith.constant 51200 : index
    %get3A_2092 = vector.load %arg3[%get3A_2090, %get3A_2091] : memref<8x100000xf32, #tpu.memory_space<vmem>>, vector<8x12800xf32>
    %ge3A_2093 = vector.broadcast %bitcast_convert_type3A_2050 : vector<8x1xf32> to vector<8x12800xf32>
    %ge3A_2094 = arith.cmpf oge, %get3A_2092, %ge3A_2093 : vector<8x12800xf32>
    %convert_element_type3A_2095 = arith.extui %ge3A_2094 : vector<8x12800xi1> to vector<8x12800xi32>
    %reduce_sum3A_2096 = arith.constant dense<0> : vector<8xi32>
    %reduce_sum3A_2097 = vector.multi_reduction <add>, %convert_element_type3A_2095, %reduce_sum3A_2096 [1] : vector<8x12800xi32> to vector<8xi32>
    %broadcast_in_dim3A_2098 = vector.shape_cast %reduce_sum3A_2097 : vector<8xi32> to vector<8x1xi32>
    %add3A_2099 = arith.addi %add3A_2089, %broadcast_in_dim3A_2098 : vector<8x1xi32>
    %get3A_2100 = arith.constant 0 : index
    %get3A_2101 = arith.constant 64000 : index
    %get3A_2102 = vector.load %arg3[%get3A_2100, %get3A_2101] : memref<8x100000xf32, #tpu.memory_space<vmem>>, vector<8x12800xf32>
    %ge3A_2103 = vector.broadcast %bitcast_convert_type3A_2050 : vector<8x1xf32> to vector<8x12800xf32>
    %ge3A_2104 = arith.cmpf oge, %get3A_2102, %ge3A_2103 : vector<8x12800xf32>
    %convert_element_type3A_2105 = arith.extui %ge3A_2104 : vector<8x12800xi1> to vector<8x12800xi32>
    %reduce_sum3A_2106 = arith.constant dense<0> : vector<8xi32>
    %reduce_sum3A_2107 = vector.multi_reduction <add>, %convert_element_type3A_2105, %reduce_sum3A_2106 [1] : vector<8x12800xi32> to vector<8xi32>
    %broadcast_in_dim3A_2108 = vector.shape_cast %reduce_sum3A_2107 : vector<8xi32> to vector<8x1xi32>
    %add3A_2109 = arith.addi %add3A_2099, %broadcast_in_dim3A_2108 : vector<8x1xi32>
    %get3A_2110 = arith.constant 0 : index
    %get3A_2111 = arith.constant 76800 : index
    %get3A_2112 = vector.load %arg3[%get3A_2110, %get3A_2111] : memref<8x100000xf32, #tpu.memory_space<vmem>>, vector<8x12800xf32>
    %ge3A_2113 = vector.broadcast %bitcast_convert_type3A_2050 : vector<8x1xf32> to vector<8x12800xf32>
    %ge3A_2114 = arith.cmpf oge, %get3A_2112, %ge3A_2113 : vector<8x12800xf32>
    %convert_element_type3A_2115 = arith.extui %ge3A_2114 : vector<8x12800xi1> to vector<8x12800xi32>
    %reduce_sum3A_2116 = arith.constant dense<0> : vector<8xi32>
    %reduce_sum3A_2117 = vector.multi_reduction <add>, %convert_element_type3A_2115, %reduce_sum3A_2116 [1] : vector<8x12800xi32> to vector<8xi32>
    %broadcast_in_dim3A_2118 = vector.shape_cast %reduce_sum3A_2117 : vector<8xi32> to vector<8x1xi32>
    %add3A_2119 = arith.addi %add3A_2109, %broadcast_in_dim3A_2118 : vector<8x1xi32>
    %get3A_2120 = arith.constant 0 : index
    %get3A_2121 = arith.constant 89600 : index
    %get3A_2122 = vector.load %arg3[%get3A_2120, %get3A_2121] : memref<8x100000xf32, #tpu.memory_space<vmem>>, vector<8x10400xf32>
    %ge3A_2123 = vector.broadcast %bitcast_convert_type3A_2050 : vector<8x1xf32> to vector<8x10400xf32>
    %ge3A_2124 = arith.cmpf oge, %get3A_2122, %ge3A_2123 : vector<8x10400xf32>
    %convert_element_type3A_2125 = arith.extui %ge3A_2124 : vector<8x10400xi1> to vector<8x10400xi32>
    %reduce_sum3A_2126 = arith.constant dense<0> : vector<8xi32>
    %reduce_sum3A_2127 = vector.multi_reduction <add>, %convert_element_type3A_2125, %reduce_sum3A_2126 [1] : vector<8x10400xi32> to vector<8xi32>
    %broadcast_in_dim3A_2128 = vector.shape_cast %reduce_sum3A_2127 : vector<8xi32> to vector<8x1xi32>
    %add3A_2129 = arith.addi %add3A_2119, %broadcast_in_dim3A_2128 : vector<8x1xi32>
    %ge3A_2130 = vector.broadcast %get3A_1 : i32 to vector<8x1xi32>
    %ge3A_2131 = arith.cmpi sge, %add3A_2129, %ge3A_2130 : vector<8x1xi32>
    %select_n3A_2132 = arith.select %ge3A_2131, %or3A_2042, %select_n3A_2039 : vector<8x1xi1>, vector<8x1xi32>
    %or3A_2133 = arith.constant 256 : i32
    %or3A_2134 = vector.broadcast %or3A_2133 : i32 to vector<8x1xi32>
    %or3A_2135 = arith.ori %select_n3A_2132, %or3A_2134 : vector<8x1xi32>
    %ge3A_2136 = arith.constant 0 : i32
    %ge3A_2137 = vector.broadcast %ge3A_2136 : i32 to vector<8x1xi32>
    %ge3A_2138 = arith.cmpi sge, %or3A_2135, %ge3A_2137 : vector<8x1xi32>
    %xor3A_2139 = arith.constant 2147483647 : i32
    %xor3A_2140 = vector.broadcast %xor3A_2139 : i32 to vector<8x1xi32>
    %xor3A_2141 = arith.xori %or3A_2135, %xor3A_2140 : vector<8x1xi32>
    %select_n3A_2142 = arith.select %ge3A_2138, %or3A_2135, %xor3A_2141 : vector<8x1xi1>, vector<8x1xi32>
    %bitcast_convert_type3A_2143 = tpu.bitcast %select_n3A_2142 : vector<8x1xi32> -> vector<8x1xf32>
    %get3A_2144 = arith.constant 0 : index
    %get3A_2145 = arith.constant 0 : index
    %get3A_2146 = vector.load %arg3[%get3A_2144, %get3A_2145] : memref<8x100000xf32, #tpu.memory_space<vmem>>, vector<8x12800xf32>
    %ge3A_2147 = vector.broadcast %bitcast_convert_type3A_2143 : vector<8x1xf32> to vector<8x12800xf32>
    %ge3A_2148 = arith.cmpf oge, %get3A_2146, %ge3A_2147 : vector<8x12800xf32>
    %convert_element_type3A_2149 = arith.extui %ge3A_2148 : vector<8x12800xi1> to vector<8x12800xi32>
    %reduce_sum3A_2150 = arith.constant dense<0> : vector<8xi32>
    %reduce_sum3A_2151 = vector.multi_reduction <add>, %convert_element_type3A_2149, %reduce_sum3A_2150 [1] : vector<8x12800xi32> to vector<8xi32>
    %broadcast_in_dim3A_2152 = vector.shape_cast %reduce_sum3A_2151 : vector<8xi32> to vector<8x1xi32>
    %get3A_2153 = arith.constant 0 : index
    %get3A_2154 = arith.constant 12800 : index
    %get3A_2155 = vector.load %arg3[%get3A_2153, %get3A_2154] : memref<8x100000xf32, #tpu.memory_space<vmem>>, vector<8x12800xf32>
    %ge3A_2156 = vector.broadcast %bitcast_convert_type3A_2143 : vector<8x1xf32> to vector<8x12800xf32>
    %ge3A_2157 = arith.cmpf oge, %get3A_2155, %ge3A_2156 : vector<8x12800xf32>
    %convert_element_type3A_2158 = arith.extui %ge3A_2157 : vector<8x12800xi1> to vector<8x12800xi32>
    %reduce_sum3A_2159 = arith.constant dense<0> : vector<8xi32>
    %reduce_sum3A_2160 = vector.multi_reduction <add>, %convert_element_type3A_2158, %reduce_sum3A_2159 [1] : vector<8x12800xi32> to vector<8xi32>
    %broadcast_in_dim3A_2161 = vector.shape_cast %reduce_sum3A_2160 : vector<8xi32> to vector<8x1xi32>
    %add3A_2162 = arith.addi %broadcast_in_dim3A_2152, %broadcast_in_dim3A_2161 : vector<8x1xi32>
    %get3A_2163 = arith.constant 0 : index
    %get3A_2164 = arith.constant 25600 : index
    %get3A_2165 = vector.load %arg3[%get3A_2163, %get3A_2164] : memref<8x100000xf32, #tpu.memory_space<vmem>>, vector<8x12800xf32>
    %ge3A_2166 = vector.broadcast %bitcast_convert_type3A_2143 : vector<8x1xf32> to vector<8x12800xf32>
    %ge3A_2167 = arith.cmpf oge, %get3A_2165, %ge3A_2166 : vector<8x12800xf32>
    %convert_element_type3A_2168 = arith.extui %ge3A_2167 : vector<8x12800xi1> to vector<8x12800xi32>
    %reduce_sum3A_2169 = arith.constant dense<0> : vector<8xi32>
    %reduce_sum3A_2170 = vector.multi_reduction <add>, %convert_element_type3A_2168, %reduce_sum3A_2169 [1] : vector<8x12800xi32> to vector<8xi32>
    %broadcast_in_dim3A_2171 = vector.shape_cast %reduce_sum3A_2170 : vector<8xi32> to vector<8x1xi32>
    %add3A_2172 = arith.addi %add3A_2162, %broadcast_in_dim3A_2171 : vector<8x1xi32>
    %get3A_2173 = arith.constant 0 : index
    %get3A_2174 = arith.constant 38400 : index
    %get3A_2175 = vector.load %arg3[%get3A_2173, %get3A_2174] : memref<8x100000xf32, #tpu.memory_space<vmem>>, vector<8x12800xf32>
    %ge3A_2176 = vector.broadcast %bitcast_convert_type3A_2143 : vector<8x1xf32> to vector<8x12800xf32>
    %ge3A_2177 = arith.cmpf oge, %get3A_2175, %ge3A_2176 : vector<8x12800xf32>
    %convert_element_type3A_2178 = arith.extui %ge3A_2177 : vector<8x12800xi1> to vector<8x12800xi32>
    %reduce_sum3A_2179 = arith.constant dense<0> : vector<8xi32>
    %reduce_sum3A_2180 = vector.multi_reduction <add>, %convert_element_type3A_2178, %reduce_sum3A_2179 [1] : vector<8x12800xi32> to vector<8xi32>
    %broadcast_in_dim3A_2181 = vector.shape_cast %reduce_sum3A_2180 : vector<8xi32> to vector<8x1xi32>
    %add3A_2182 = arith.addi %add3A_2172, %broadcast_in_dim3A_2181 : vector<8x1xi32>
    %get3A_2183 = arith.constant 0 : index
    %get3A_2184 = arith.constant 51200 : index
    %get3A_2185 = vector.load %arg3[%get3A_2183, %get3A_2184] : memref<8x100000xf32, #tpu.memory_space<vmem>>, vector<8x12800xf32>
    %ge3A_2186 = vector.broadcast %bitcast_convert_type3A_2143 : vector<8x1xf32> to vector<8x12800xf32>
    %ge3A_2187 = arith.cmpf oge, %get3A_2185, %ge3A_2186 : vector<8x12800xf32>
    %convert_element_type3A_2188 = arith.extui %ge3A_2187 : vector<8x12800xi1> to vector<8x12800xi32>
    %reduce_sum3A_2189 = arith.constant dense<0> : vector<8xi32>
    %reduce_sum3A_2190 = vector.multi_reduction <add>, %convert_element_type3A_2188, %reduce_sum3A_2189 [1] : vector<8x12800xi32> to vector<8xi32>
    %broadcast_in_dim3A_2191 = vector.shape_cast %reduce_sum3A_2190 : vector<8xi32> to vector<8x1xi32>
    %add3A_2192 = arith.addi %add3A_2182, %broadcast_in_dim3A_2191 : vector<8x1xi32>
    %get3A_2193 = arith.constant 0 : index
    %get3A_2194 = arith.constant 64000 : index
    %get3A_2195 = vector.load %arg3[%get3A_2193, %get3A_2194] : memref<8x100000xf32, #tpu.memory_space<vmem>>, vector<8x12800xf32>
    %ge3A_2196 = vector.broadcast %bitcast_convert_type3A_2143 : vector<8x1xf32> to vector<8x12800xf32>
    %ge3A_2197 = arith.cmpf oge, %get3A_2195, %ge3A_2196 : vector<8x12800xf32>
    %convert_element_type3A_2198 = arith.extui %ge3A_2197 : vector<8x12800xi1> to vector<8x12800xi32>
    %reduce_sum3A_2199 = arith.constant dense<0> : vector<8xi32>
    %reduce_sum3A_2200 = vector.multi_reduction <add>, %convert_element_type3A_2198, %reduce_sum3A_2199 [1] : vector<8x12800xi32> to vector<8xi32>
    %broadcast_in_dim3A_2201 = vector.shape_cast %reduce_sum3A_2200 : vector<8xi32> to vector<8x1xi32>
    %add3A_2202 = arith.addi %add3A_2192, %broadcast_in_dim3A_2201 : vector<8x1xi32>
    %get3A_2203 = arith.constant 0 : index
    %get3A_2204 = arith.constant 76800 : index
    %get3A_2205 = vector.load %arg3[%get3A_2203, %get3A_2204] : memref<8x100000xf32, #tpu.memory_space<vmem>>, vector<8x12800xf32>
    %ge3A_2206 = vector.broadcast %bitcast_convert_type3A_2143 : vector<8x1xf32> to vector<8x12800xf32>
    %ge3A_2207 = arith.cmpf oge, %get3A_2205, %ge3A_2206 : vector<8x12800xf32>
    %convert_element_type3A_2208 = arith.extui %ge3A_2207 : vector<8x12800xi1> to vector<8x12800xi32>
    %reduce_sum3A_2209 = arith.constant dense<0> : vector<8xi32>
    %reduce_sum3A_2210 = vector.multi_reduction <add>, %convert_element_type3A_2208, %reduce_sum3A_2209 [1] : vector<8x12800xi32> to vector<8xi32>
    %broadcast_in_dim3A_2211 = vector.shape_cast %reduce_sum3A_2210 : vector<8xi32> to vector<8x1xi32>
    %add3A_2212 = arith.addi %add3A_2202, %broadcast_in_dim3A_2211 : vector<8x1xi32>
    %get3A_2213 = arith.constant 0 : index
    %get3A_2214 = arith.constant 89600 : index
    %get3A_2215 = vector.load %arg3[%get3A_2213, %get3A_2214] : memref<8x100000xf32, #tpu.memory_space<vmem>>, vector<8x10400xf32>
    %ge3A_2216 = vector.broadcast %bitcast_convert_type3A_2143 : vector<8x1xf32> to vector<8x10400xf32>
    %ge3A_2217 = arith.cmpf oge, %get3A_2215, %ge3A_2216 : vector<8x10400xf32>
    %convert_element_type3A_2218 = arith.extui %ge3A_2217 : vector<8x10400xi1> to vector<8x10400xi32>
    %reduce_sum3A_2219 = arith.constant dense<0> : vector<8xi32>
    %reduce_sum3A_2220 = vector.multi_reduction <add>, %convert_element_type3A_2218, %reduce_sum3A_2219 [1] : vector<8x10400xi32> to vector<8xi32>
    %broadcast_in_dim3A_2221 = vector.shape_cast %reduce_sum3A_2220 : vector<8xi32> to vector<8x1xi32>
    %add3A_2222 = arith.addi %add3A_2212, %broadcast_in_dim3A_2221 : vector<8x1xi32>
    %ge3A_2223 = vector.broadcast %get3A_1 : i32 to vector<8x1xi32>
    %ge3A_2224 = arith.cmpi sge, %add3A_2222, %ge3A_2223 : vector<8x1xi32>
    %select_n3A_2225 = arith.select %ge3A_2224, %or3A_2135, %select_n3A_2132 : vector<8x1xi1>, vector<8x1xi32>
    %or3A_2226 = arith.constant 128 : i32
    %or3A_2227 = vector.broadcast %or3A_2226 : i32 to vector<8x1xi32>
    %or3A_2228 = arith.ori %select_n3A_2225, %or3A_2227 : vector<8x1xi32>
    %ge3A_2229 = arith.constant 0 : i32
    %ge3A_2230 = vector.broadcast %ge3A_2229 : i32 to vector<8x1xi32>
    %ge3A_2231 = arith.cmpi sge, %or3A_2228, %ge3A_2230 : vector<8x1xi32>
    %xor3A_2232 = arith.constant 2147483647 : i32
    %xor3A_2233 = vector.broadcast %xor3A_2232 : i32 to vector<8x1xi32>
    %xor3A_2234 = arith.xori %or3A_2228, %xor3A_2233 : vector<8x1xi32>
    %select_n3A_2235 = arith.select %ge3A_2231, %or3A_2228, %xor3A_2234 : vector<8x1xi1>, vector<8x1xi32>
    %bitcast_convert_type3A_2236 = tpu.bitcast %select_n3A_2235 : vector<8x1xi32> -> vector<8x1xf32>
    %get3A_2237 = arith.constant 0 : index
    %get3A_2238 = arith.constant 0 : index
    %get3A_2239 = vector.load %arg3[%get3A_2237, %get3A_2238] : memref<8x100000xf32, #tpu.memory_space<vmem>>, vector<8x12800xf32>
    %ge3A_2240 = vector.broadcast %bitcast_convert_type3A_2236 : vector<8x1xf32> to vector<8x12800xf32>
    %ge3A_2241 = arith.cmpf oge, %get3A_2239, %ge3A_2240 : vector<8x12800xf32>
    %convert_element_type3A_2242 = arith.extui %ge3A_2241 : vector<8x12800xi1> to vector<8x12800xi32>
    %reduce_sum3A_2243 = arith.constant dense<0> : vector<8xi32>
    %reduce_sum3A_2244 = vector.multi_reduction <add>, %convert_element_type3A_2242, %reduce_sum3A_2243 [1] : vector<8x12800xi32> to vector<8xi32>
    %broadcast_in_dim3A_2245 = vector.shape_cast %reduce_sum3A_2244 : vector<8xi32> to vector<8x1xi32>
    %get3A_2246 = arith.constant 0 : index
    %get3A_2247 = arith.constant 12800 : index
    %get3A_2248 = vector.load %arg3[%get3A_2246, %get3A_2247] : memref<8x100000xf32, #tpu.memory_space<vmem>>, vector<8x12800xf32>
    %ge3A_2249 = vector.broadcast %bitcast_convert_type3A_2236 : vector<8x1xf32> to vector<8x12800xf32>
    %ge3A_2250 = arith.cmpf oge, %get3A_2248, %ge3A_2249 : vector<8x12800xf32>
    %convert_element_type3A_2251 = arith.extui %ge3A_2250 : vector<8x12800xi1> to vector<8x12800xi32>
    %reduce_sum3A_2252 = arith.constant dense<0> : vector<8xi32>
    %reduce_sum3A_2253 = vector.multi_reduction <add>, %convert_element_type3A_2251, %reduce_sum3A_2252 [1] : vector<8x12800xi32> to vector<8xi32>
    %broadcast_in_dim3A_2254 = vector.shape_cast %reduce_sum3A_2253 : vector<8xi32> to vector<8x1xi32>
    %add3A_2255 = arith.addi %broadcast_in_dim3A_2245, %broadcast_in_dim3A_2254 : vector<8x1xi32>
    %get3A_2256 = arith.constant 0 : index
    %get3A_2257 = arith.constant 25600 : index
    %get3A_2258 = vector.load %arg3[%get3A_2256, %get3A_2257] : memref<8x100000xf32, #tpu.memory_space<vmem>>, vector<8x12800xf32>
    %ge3A_2259 = vector.broadcast %bitcast_convert_type3A_2236 : vector<8x1xf32> to vector<8x12800xf32>
    %ge3A_2260 = arith.cmpf oge, %get3A_2258, %ge3A_2259 : vector<8x12800xf32>
    %convert_element_type3A_2261 = arith.extui %ge3A_2260 : vector<8x12800xi1> to vector<8x12800xi32>
    %reduce_sum3A_2262 = arith.constant dense<0> : vector<8xi32>
    %reduce_sum3A_2263 = vector.multi_reduction <add>, %convert_element_type3A_2261, %reduce_sum3A_2262 [1] : vector<8x12800xi32> to vector<8xi32>
    %broadcast_in_dim3A_2264 = vector.shape_cast %reduce_sum3A_2263 : vector<8xi32> to vector<8x1xi32>
    %add3A_2265 = arith.addi %add3A_2255, %broadcast_in_dim3A_2264 : vector<8x1xi32>
    %get3A_2266 = arith.constant 0 : index
    %get3A_2267 = arith.constant 38400 : index
    %get3A_2268 = vector.load %arg3[%get3A_2266, %get3A_2267] : memref<8x100000xf32, #tpu.memory_space<vmem>>, vector<8x12800xf32>
    %ge3A_2269 = vector.broadcast %bitcast_convert_type3A_2236 : vector<8x1xf32> to vector<8x12800xf32>
    %ge3A_2270 = arith.cmpf oge, %get3A_2268, %ge3A_2269 : vector<8x12800xf32>
    %convert_element_type3A_2271 = arith.extui %ge3A_2270 : vector<8x12800xi1> to vector<8x12800xi32>
    %reduce_sum3A_2272 = arith.constant dense<0> : vector<8xi32>
    %reduce_sum3A_2273 = vector.multi_reduction <add>, %convert_element_type3A_2271, %reduce_sum3A_2272 [1] : vector<8x12800xi32> to vector<8xi32>
    %broadcast_in_dim3A_2274 = vector.shape_cast %reduce_sum3A_2273 : vector<8xi32> to vector<8x1xi32>
    %add3A_2275 = arith.addi %add3A_2265, %broadcast_in_dim3A_2274 : vector<8x1xi32>
    %get3A_2276 = arith.constant 0 : index
    %get3A_2277 = arith.constant 51200 : index
    %get3A_2278 = vector.load %arg3[%get3A_2276, %get3A_2277] : memref<8x100000xf32, #tpu.memory_space<vmem>>, vector<8x12800xf32>
    %ge3A_2279 = vector.broadcast %bitcast_convert_type3A_2236 : vector<8x1xf32> to vector<8x12800xf32>
    %ge3A_2280 = arith.cmpf oge, %get3A_2278, %ge3A_2279 : vector<8x12800xf32>
    %convert_element_type3A_2281 = arith.extui %ge3A_2280 : vector<8x12800xi1> to vector<8x12800xi32>
    %reduce_sum3A_2282 = arith.constant dense<0> : vector<8xi32>
    %reduce_sum3A_2283 = vector.multi_reduction <add>, %convert_element_type3A_2281, %reduce_sum3A_2282 [1] : vector<8x12800xi32> to vector<8xi32>
    %broadcast_in_dim3A_2284 = vector.shape_cast %reduce_sum3A_2283 : vector<8xi32> to vector<8x1xi32>
    %add3A_2285 = arith.addi %add3A_2275, %broadcast_in_dim3A_2284 : vector<8x1xi32>
    %get3A_2286 = arith.constant 0 : index
    %get3A_2287 = arith.constant 64000 : index
    %get3A_2288 = vector.load %arg3[%get3A_2286, %get3A_2287] : memref<8x100000xf32, #tpu.memory_space<vmem>>, vector<8x12800xf32>
    %ge3A_2289 = vector.broadcast %bitcast_convert_type3A_2236 : vector<8x1xf32> to vector<8x12800xf32>
    %ge3A_2290 = arith.cmpf oge, %get3A_2288, %ge3A_2289 : vector<8x12800xf32>
    %convert_element_type3A_2291 = arith.extui %ge3A_2290 : vector<8x12800xi1> to vector<8x12800xi32>
    %reduce_sum3A_2292 = arith.constant dense<0> : vector<8xi32>
    %reduce_sum3A_2293 = vector.multi_reduction <add>, %convert_element_type3A_2291, %reduce_sum3A_2292 [1] : vector<8x12800xi32> to vector<8xi32>
    %broadcast_in_dim3A_2294 = vector.shape_cast %reduce_sum3A_2293 : vector<8xi32> to vector<8x1xi32>
    %add3A_2295 = arith.addi %add3A_2285, %broadcast_in_dim3A_2294 : vector<8x1xi32>
    %get3A_2296 = arith.constant 0 : index
    %get3A_2297 = arith.constant 76800 : index
    %get3A_2298 = vector.load %arg3[%get3A_2296, %get3A_2297] : memref<8x100000xf32, #tpu.memory_space<vmem>>, vector<8x12800xf32>
    %ge3A_2299 = vector.broadcast %bitcast_convert_type3A_2236 : vector<8x1xf32> to vector<8x12800xf32>
    %ge3A_2300 = arith.cmpf oge, %get3A_2298, %ge3A_2299 : vector<8x12800xf32>
    %convert_element_type3A_2301 = arith.extui %ge3A_2300 : vector<8x12800xi1> to vector<8x12800xi32>
    %reduce_sum3A_2302 = arith.constant dense<0> : vector<8xi32>
    %reduce_sum3A_2303 = vector.multi_reduction <add>, %convert_element_type3A_2301, %reduce_sum3A_2302 [1] : vector<8x12800xi32> to vector<8xi32>
    %broadcast_in_dim3A_2304 = vector.shape_cast %reduce_sum3A_2303 : vector<8xi32> to vector<8x1xi32>
    %add3A_2305 = arith.addi %add3A_2295, %broadcast_in_dim3A_2304 : vector<8x1xi32>
    %get3A_2306 = arith.constant 0 : index
    %get3A_2307 = arith.constant 89600 : index
    %get3A_2308 = vector.load %arg3[%get3A_2306, %get3A_2307] : memref<8x100000xf32, #tpu.memory_space<vmem>>, vector<8x10400xf32>
    %ge3A_2309 = vector.broadcast %bitcast_convert_type3A_2236 : vector<8x1xf32> to vector<8x10400xf32>
    %ge3A_2310 = arith.cmpf oge, %get3A_2308, %ge3A_2309 : vector<8x10400xf32>
    %convert_element_type3A_2311 = arith.extui %ge3A_2310 : vector<8x10400xi1> to vector<8x10400xi32>
    %reduce_sum3A_2312 = arith.constant dense<0> : vector<8xi32>
    %reduce_sum3A_2313 = vector.multi_reduction <add>, %convert_element_type3A_2311, %reduce_sum3A_2312 [1] : vector<8x10400xi32> to vector<8xi32>
    %broadcast_in_dim3A_2314 = vector.shape_cast %reduce_sum3A_2313 : vector<8xi32> to vector<8x1xi32>
    %add3A_2315 = arith.addi %add3A_2305, %broadcast_in_dim3A_2314 : vector<8x1xi32>
    %ge3A_2316 = vector.broadcast %get3A_1 : i32 to vector<8x1xi32>
    %ge3A_2317 = arith.cmpi sge, %add3A_2315, %ge3A_2316 : vector<8x1xi32>
    %select_n3A_2318 = arith.select %ge3A_2317, %or3A_2228, %select_n3A_2225 : vector<8x1xi1>, vector<8x1xi32>
    %or3A_2319 = arith.constant 64 : i32
    %or3A_2320 = vector.broadcast %or3A_2319 : i32 to vector<8x1xi32>
    %or3A_2321 = arith.ori %select_n3A_2318, %or3A_2320 : vector<8x1xi32>
    %ge3A_2322 = arith.constant 0 : i32
    %ge3A_2323 = vector.broadcast %ge3A_2322 : i32 to vector<8x1xi32>
    %ge3A_2324 = arith.cmpi sge, %or3A_2321, %ge3A_2323 : vector<8x1xi32>
    %xor3A_2325 = arith.constant 2147483647 : i32
    %xor3A_2326 = vector.broadcast %xor3A_2325 : i32 to vector<8x1xi32>
    %xor3A_2327 = arith.xori %or3A_2321, %xor3A_2326 : vector<8x1xi32>
    %select_n3A_2328 = arith.select %ge3A_2324, %or3A_2321, %xor3A_2327 : vector<8x1xi1>, vector<8x1xi32>
    %bitcast_convert_type3A_2329 = tpu.bitcast %select_n3A_2328 : vector<8x1xi32> -> vector<8x1xf32>
    %get3A_2330 = arith.constant 0 : index
    %get3A_2331 = arith.constant 0 : index
    %get3A_2332 = vector.load %arg3[%get3A_2330, %get3A_2331] : memref<8x100000xf32, #tpu.memory_space<vmem>>, vector<8x12800xf32>
    %ge3A_2333 = vector.broadcast %bitcast_convert_type3A_2329 : vector<8x1xf32> to vector<8x12800xf32>
    %ge3A_2334 = arith.cmpf oge, %get3A_2332, %ge3A_2333 : vector<8x12800xf32>
    %convert_element_type3A_2335 = arith.extui %ge3A_2334 : vector<8x12800xi1> to vector<8x12800xi32>
    %reduce_sum3A_2336 = arith.constant dense<0> : vector<8xi32>
    %reduce_sum3A_2337 = vector.multi_reduction <add>, %convert_element_type3A_2335, %reduce_sum3A_2336 [1] : vector<8x12800xi32> to vector<8xi32>
    %broadcast_in_dim3A_2338 = vector.shape_cast %reduce_sum3A_2337 : vector<8xi32> to vector<8x1xi32>
    %get3A_2339 = arith.constant 0 : index
    %get3A_2340 = arith.constant 12800 : index
    %get3A_2341 = vector.load %arg3[%get3A_2339, %get3A_2340] : memref<8x100000xf32, #tpu.memory_space<vmem>>, vector<8x12800xf32>
    %ge3A_2342 = vector.broadcast %bitcast_convert_type3A_2329 : vector<8x1xf32> to vector<8x12800xf32>
    %ge3A_2343 = arith.cmpf oge, %get3A_2341, %ge3A_2342 : vector<8x12800xf32>
    %convert_element_type3A_2344 = arith.extui %ge3A_2343 : vector<8x12800xi1> to vector<8x12800xi32>
    %reduce_sum3A_2345 = arith.constant dense<0> : vector<8xi32>
    %reduce_sum3A_2346 = vector.multi_reduction <add>, %convert_element_type3A_2344, %reduce_sum3A_2345 [1] : vector<8x12800xi32> to vector<8xi32>
    %broadcast_in_dim3A_2347 = vector.shape_cast %reduce_sum3A_2346 : vector<8xi32> to vector<8x1xi32>
    %add3A_2348 = arith.addi %broadcast_in_dim3A_2338, %broadcast_in_dim3A_2347 : vector<8x1xi32>
    %get3A_2349 = arith.constant 0 : index
    %get3A_2350 = arith.constant 25600 : index
    %get3A_2351 = vector.load %arg3[%get3A_2349, %get3A_2350] : memref<8x100000xf32, #tpu.memory_space<vmem>>, vector<8x12800xf32>
    %ge3A_2352 = vector.broadcast %bitcast_convert_type3A_2329 : vector<8x1xf32> to vector<8x12800xf32>
    %ge3A_2353 = arith.cmpf oge, %get3A_2351, %ge3A_2352 : vector<8x12800xf32>
    %convert_element_type3A_2354 = arith.extui %ge3A_2353 : vector<8x12800xi1> to vector<8x12800xi32>
    %reduce_sum3A_2355 = arith.constant dense<0> : vector<8xi32>
    %reduce_sum3A_2356 = vector.multi_reduction <add>, %convert_element_type3A_2354, %reduce_sum3A_2355 [1] : vector<8x12800xi32> to vector<8xi32>
    %broadcast_in_dim3A_2357 = vector.shape_cast %reduce_sum3A_2356 : vector<8xi32> to vector<8x1xi32>
    %add3A_2358 = arith.addi %add3A_2348, %broadcast_in_dim3A_2357 : vector<8x1xi32>
    %get3A_2359 = arith.constant 0 : index
    %get3A_2360 = arith.constant 38400 : index
    %get3A_2361 = vector.load %arg3[%get3A_2359, %get3A_2360] : memref<8x100000xf32, #tpu.memory_space<vmem>>, vector<8x12800xf32>
    %ge3A_2362 = vector.broadcast %bitcast_convert_type3A_2329 : vector<8x1xf32> to vector<8x12800xf32>
    %ge3A_2363 = arith.cmpf oge, %get3A_2361, %ge3A_2362 : vector<8x12800xf32>
    %convert_element_type3A_2364 = arith.extui %ge3A_2363 : vector<8x12800xi1> to vector<8x12800xi32>
    %reduce_sum3A_2365 = arith.constant dense<0> : vector<8xi32>
    %reduce_sum3A_2366 = vector.multi_reduction <add>, %convert_element_type3A_2364, %reduce_sum3A_2365 [1] : vector<8x12800xi32> to vector<8xi32>
    %broadcast_in_dim3A_2367 = vector.shape_cast %reduce_sum3A_2366 : vector<8xi32> to vector<8x1xi32>
    %add3A_2368 = arith.addi %add3A_2358, %broadcast_in_dim3A_2367 : vector<8x1xi32>
    %get3A_2369 = arith.constant 0 : index
    %get3A_2370 = arith.constant 51200 : index
    %get3A_2371 = vector.load %arg3[%get3A_2369, %get3A_2370] : memref<8x100000xf32, #tpu.memory_space<vmem>>, vector<8x12800xf32>
    %ge3A_2372 = vector.broadcast %bitcast_convert_type3A_2329 : vector<8x1xf32> to vector<8x12800xf32>
    %ge3A_2373 = arith.cmpf oge, %get3A_2371, %ge3A_2372 : vector<8x12800xf32>
    %convert_element_type3A_2374 = arith.extui %ge3A_2373 : vector<8x12800xi1> to vector<8x12800xi32>
    %reduce_sum3A_2375 = arith.constant dense<0> : vector<8xi32>
    %reduce_sum3A_2376 = vector.multi_reduction <add>, %convert_element_type3A_2374, %reduce_sum3A_2375 [1] : vector<8x12800xi32> to vector<8xi32>
    %broadcast_in_dim3A_2377 = vector.shape_cast %reduce_sum3A_2376 : vector<8xi32> to vector<8x1xi32>
    %add3A_2378 = arith.addi %add3A_2368, %broadcast_in_dim3A_2377 : vector<8x1xi32>
    %get3A_2379 = arith.constant 0 : index
    %get3A_2380 = arith.constant 64000 : index
    %get3A_2381 = vector.load %arg3[%get3A_2379, %get3A_2380] : memref<8x100000xf32, #tpu.memory_space<vmem>>, vector<8x12800xf32>
    %ge3A_2382 = vector.broadcast %bitcast_convert_type3A_2329 : vector<8x1xf32> to vector<8x12800xf32>
    %ge3A_2383 = arith.cmpf oge, %get3A_2381, %ge3A_2382 : vector<8x12800xf32>
    %convert_element_type3A_2384 = arith.extui %ge3A_2383 : vector<8x12800xi1> to vector<8x12800xi32>
    %reduce_sum3A_2385 = arith.constant dense<0> : vector<8xi32>
    %reduce_sum3A_2386 = vector.multi_reduction <add>, %convert_element_type3A_2384, %reduce_sum3A_2385 [1] : vector<8x12800xi32> to vector<8xi32>
    %broadcast_in_dim3A_2387 = vector.shape_cast %reduce_sum3A_2386 : vector<8xi32> to vector<8x1xi32>
    %add3A_2388 = arith.addi %add3A_2378, %broadcast_in_dim3A_2387 : vector<8x1xi32>
    %get3A_2389 = arith.constant 0 : index
    %get3A_2390 = arith.constant 76800 : index
    %get3A_2391 = vector.load %arg3[%get3A_2389, %get3A_2390] : memref<8x100000xf32, #tpu.memory_space<vmem>>, vector<8x12800xf32>
    %ge3A_2392 = vector.broadcast %bitcast_convert_type3A_2329 : vector<8x1xf32> to vector<8x12800xf32>
    %ge3A_2393 = arith.cmpf oge, %get3A_2391, %ge3A_2392 : vector<8x12800xf32>
    %convert_element_type3A_2394 = arith.extui %ge3A_2393 : vector<8x12800xi1> to vector<8x12800xi32>
    %reduce_sum3A_2395 = arith.constant dense<0> : vector<8xi32>
    %reduce_sum3A_2396 = vector.multi_reduction <add>, %convert_element_type3A_2394, %reduce_sum3A_2395 [1] : vector<8x12800xi32> to vector<8xi32>
    %broadcast_in_dim3A_2397 = vector.shape_cast %reduce_sum3A_2396 : vector<8xi32> to vector<8x1xi32>
    %add3A_2398 = arith.addi %add3A_2388, %broadcast_in_dim3A_2397 : vector<8x1xi32>
    %get3A_2399 = arith.constant 0 : index
    %get3A_2400 = arith.constant 89600 : index
    %get3A_2401 = vector.load %arg3[%get3A_2399, %get3A_2400] : memref<8x100000xf32, #tpu.memory_space<vmem>>, vector<8x10400xf32>
    %ge3A_2402 = vector.broadcast %bitcast_convert_type3A_2329 : vector<8x1xf32> to vector<8x10400xf32>
    %ge3A_2403 = arith.cmpf oge, %get3A_2401, %ge3A_2402 : vector<8x10400xf32>
    %convert_element_type3A_2404 = arith.extui %ge3A_2403 : vector<8x10400xi1> to vector<8x10400xi32>
    %reduce_sum3A_2405 = arith.constant dense<0> : vector<8xi32>
    %reduce_sum3A_2406 = vector.multi_reduction <add>, %convert_element_type3A_2404, %reduce_sum3A_2405 [1] : vector<8x10400xi32> to vector<8xi32>
    %broadcast_in_dim3A_2407 = vector.shape_cast %reduce_sum3A_2406 : vector<8xi32> to vector<8x1xi32>
    %add3A_2408 = arith.addi %add3A_2398, %broadcast_in_dim3A_2407 : vector<8x1xi32>
    %ge3A_2409 = vector.broadcast %get3A_1 : i32 to vector<8x1xi32>
    %ge3A_2410 = arith.cmpi sge, %add3A_2408, %ge3A_2409 : vector<8x1xi32>
    %select_n3A_2411 = arith.select %ge3A_2410, %or3A_2321, %select_n3A_2318 : vector<8x1xi1>, vector<8x1xi32>
    %or3A_2412 = arith.constant 32 : i32
    %or3A_2413 = vector.broadcast %or3A_2412 : i32 to vector<8x1xi32>
    %or3A_2414 = arith.ori %select_n3A_2411, %or3A_2413 : vector<8x1xi32>
    %ge3A_2415 = arith.constant 0 : i32
    %ge3A_2416 = vector.broadcast %ge3A_2415 : i32 to vector<8x1xi32>
    %ge3A_2417 = arith.cmpi sge, %or3A_2414, %ge3A_2416 : vector<8x1xi32>
    %xor3A_2418 = arith.constant 2147483647 : i32
    %xor3A_2419 = vector.broadcast %xor3A_2418 : i32 to vector<8x1xi32>
    %xor3A_2420 = arith.xori %or3A_2414, %xor3A_2419 : vector<8x1xi32>
    %select_n3A_2421 = arith.select %ge3A_2417, %or3A_2414, %xor3A_2420 : vector<8x1xi1>, vector<8x1xi32>
    %bitcast_convert_type3A_2422 = tpu.bitcast %select_n3A_2421 : vector<8x1xi32> -> vector<8x1xf32>
    %get3A_2423 = arith.constant 0 : index
    %get3A_2424 = arith.constant 0 : index
    %get3A_2425 = vector.load %arg3[%get3A_2423, %get3A_2424] : memref<8x100000xf32, #tpu.memory_space<vmem>>, vector<8x12800xf32>
    %ge3A_2426 = vector.broadcast %bitcast_convert_type3A_2422 : vector<8x1xf32> to vector<8x12800xf32>
    %ge3A_2427 = arith.cmpf oge, %get3A_2425, %ge3A_2426 : vector<8x12800xf32>
    %convert_element_type3A_2428 = arith.extui %ge3A_2427 : vector<8x12800xi1> to vector<8x12800xi32>
    %reduce_sum3A_2429 = arith.constant dense<0> : vector<8xi32>
    %reduce_sum3A_2430 = vector.multi_reduction <add>, %convert_element_type3A_2428, %reduce_sum3A_2429 [1] : vector<8x12800xi32> to vector<8xi32>
    %broadcast_in_dim3A_2431 = vector.shape_cast %reduce_sum3A_2430 : vector<8xi32> to vector<8x1xi32>
    %get3A_2432 = arith.constant 0 : index
    %get3A_2433 = arith.constant 12800 : index
    %get3A_2434 = vector.load %arg3[%get3A_2432, %get3A_2433] : memref<8x100000xf32, #tpu.memory_space<vmem>>, vector<8x12800xf32>
    %ge3A_2435 = vector.broadcast %bitcast_convert_type3A_2422 : vector<8x1xf32> to vector<8x12800xf32>
    %ge3A_2436 = arith.cmpf oge, %get3A_2434, %ge3A_2435 : vector<8x12800xf32>
    %convert_element_type3A_2437 = arith.extui %ge3A_2436 : vector<8x12800xi1> to vector<8x12800xi32>
    %reduce_sum3A_2438 = arith.constant dense<0> : vector<8xi32>
    %reduce_sum3A_2439 = vector.multi_reduction <add>, %convert_element_type3A_2437, %reduce_sum3A_2438 [1] : vector<8x12800xi32> to vector<8xi32>
    %broadcast_in_dim3A_2440 = vector.shape_cast %reduce_sum3A_2439 : vector<8xi32> to vector<8x1xi32>
    %add3A_2441 = arith.addi %broadcast_in_dim3A_2431, %broadcast_in_dim3A_2440 : vector<8x1xi32>
    %get3A_2442 = arith.constant 0 : index
    %get3A_2443 = arith.constant 25600 : index
    %get3A_2444 = vector.load %arg3[%get3A_2442, %get3A_2443] : memref<8x100000xf32, #tpu.memory_space<vmem>>, vector<8x12800xf32>
    %ge3A_2445 = vector.broadcast %bitcast_convert_type3A_2422 : vector<8x1xf32> to vector<8x12800xf32>
    %ge3A_2446 = arith.cmpf oge, %get3A_2444, %ge3A_2445 : vector<8x12800xf32>
    %convert_element_type3A_2447 = arith.extui %ge3A_2446 : vector<8x12800xi1> to vector<8x12800xi32>
    %reduce_sum3A_2448 = arith.constant dense<0> : vector<8xi32>
    %reduce_sum3A_2449 = vector.multi_reduction <add>, %convert_element_type3A_2447, %reduce_sum3A_2448 [1] : vector<8x12800xi32> to vector<8xi32>
    %broadcast_in_dim3A_2450 = vector.shape_cast %reduce_sum3A_2449 : vector<8xi32> to vector<8x1xi32>
    %add3A_2451 = arith.addi %add3A_2441, %broadcast_in_dim3A_2450 : vector<8x1xi32>
    %get3A_2452 = arith.constant 0 : index
    %get3A_2453 = arith.constant 38400 : index
    %get3A_2454 = vector.load %arg3[%get3A_2452, %get3A_2453] : memref<8x100000xf32, #tpu.memory_space<vmem>>, vector<8x12800xf32>
    %ge3A_2455 = vector.broadcast %bitcast_convert_type3A_2422 : vector<8x1xf32> to vector<8x12800xf32>
    %ge3A_2456 = arith.cmpf oge, %get3A_2454, %ge3A_2455 : vector<8x12800xf32>
    %convert_element_type3A_2457 = arith.extui %ge3A_2456 : vector<8x12800xi1> to vector<8x12800xi32>
    %reduce_sum3A_2458 = arith.constant dense<0> : vector<8xi32>
    %reduce_sum3A_2459 = vector.multi_reduction <add>, %convert_element_type3A_2457, %reduce_sum3A_2458 [1] : vector<8x12800xi32> to vector<8xi32>
    %broadcast_in_dim3A_2460 = vector.shape_cast %reduce_sum3A_2459 : vector<8xi32> to vector<8x1xi32>
    %add3A_2461 = arith.addi %add3A_2451, %broadcast_in_dim3A_2460 : vector<8x1xi32>
    %get3A_2462 = arith.constant 0 : index
    %get3A_2463 = arith.constant 51200 : index
    %get3A_2464 = vector.load %arg3[%get3A_2462, %get3A_2463] : memref<8x100000xf32, #tpu.memory_space<vmem>>, vector<8x12800xf32>
    %ge3A_2465 = vector.broadcast %bitcast_convert_type3A_2422 : vector<8x1xf32> to vector<8x12800xf32>
    %ge3A_2466 = arith.cmpf oge, %get3A_2464, %ge3A_2465 : vector<8x12800xf32>
    %convert_element_type3A_2467 = arith.extui %ge3A_2466 : vector<8x12800xi1> to vector<8x12800xi32>
    %reduce_sum3A_2468 = arith.constant dense<0> : vector<8xi32>
    %reduce_sum3A_2469 = vector.multi_reduction <add>, %convert_element_type3A_2467, %reduce_sum3A_2468 [1] : vector<8x12800xi32> to vector<8xi32>
    %broadcast_in_dim3A_2470 = vector.shape_cast %reduce_sum3A_2469 : vector<8xi32> to vector<8x1xi32>
    %add3A_2471 = arith.addi %add3A_2461, %broadcast_in_dim3A_2470 : vector<8x1xi32>
    %get3A_2472 = arith.constant 0 : index
    %get3A_2473 = arith.constant 64000 : index
    %get3A_2474 = vector.load %arg3[%get3A_2472, %get3A_2473] : memref<8x100000xf32, #tpu.memory_space<vmem>>, vector<8x12800xf32>
    %ge3A_2475 = vector.broadcast %bitcast_convert_type3A_2422 : vector<8x1xf32> to vector<8x12800xf32>
    %ge3A_2476 = arith.cmpf oge, %get3A_2474, %ge3A_2475 : vector<8x12800xf32>
    %convert_element_type3A_2477 = arith.extui %ge3A_2476 : vector<8x12800xi1> to vector<8x12800xi32>
    %reduce_sum3A_2478 = arith.constant dense<0> : vector<8xi32>
    %reduce_sum3A_2479 = vector.multi_reduction <add>, %convert_element_type3A_2477, %reduce_sum3A_2478 [1] : vector<8x12800xi32> to vector<8xi32>
    %broadcast_in_dim3A_2480 = vector.shape_cast %reduce_sum3A_2479 : vector<8xi32> to vector<8x1xi32>
    %add3A_2481 = arith.addi %add3A_2471, %broadcast_in_dim3A_2480 : vector<8x1xi32>
    %get3A_2482 = arith.constant 0 : index
    %get3A_2483 = arith.constant 76800 : index
    %get3A_2484 = vector.load %arg3[%get3A_2482, %get3A_2483] : memref<8x100000xf32, #tpu.memory_space<vmem>>, vector<8x12800xf32>
    %ge3A_2485 = vector.broadcast %bitcast_convert_type3A_2422 : vector<8x1xf32> to vector<8x12800xf32>
    %ge3A_2486 = arith.cmpf oge, %get3A_2484, %ge3A_2485 : vector<8x12800xf32>
    %convert_element_type3A_2487 = arith.extui %ge3A_2486 : vector<8x12800xi1> to vector<8x12800xi32>
    %reduce_sum3A_2488 = arith.constant dense<0> : vector<8xi32>
    %reduce_sum3A_2489 = vector.multi_reduction <add>, %convert_element_type3A_2487, %reduce_sum3A_2488 [1] : vector<8x12800xi32> to vector<8xi32>
    %broadcast_in_dim3A_2490 = vector.shape_cast %reduce_sum3A_2489 : vector<8xi32> to vector<8x1xi32>
    %add3A_2491 = arith.addi %add3A_2481, %broadcast_in_dim3A_2490 : vector<8x1xi32>
    %get3A_2492 = arith.constant 0 : index
    %get3A_2493 = arith.constant 89600 : index
    %get3A_2494 = vector.load %arg3[%get3A_2492, %get3A_2493] : memref<8x100000xf32, #tpu.memory_space<vmem>>, vector<8x10400xf32>
    %ge3A_2495 = vector.broadcast %bitcast_convert_type3A_2422 : vector<8x1xf32> to vector<8x10400xf32>
    %ge3A_2496 = arith.cmpf oge, %get3A_2494, %ge3A_2495 : vector<8x10400xf32>
    %convert_element_type3A_2497 = arith.extui %ge3A_2496 : vector<8x10400xi1> to vector<8x10400xi32>
    %reduce_sum3A_2498 = arith.constant dense<0> : vector<8xi32>
    %reduce_sum3A_2499 = vector.multi_reduction <add>, %convert_element_type3A_2497, %reduce_sum3A_2498 [1] : vector<8x10400xi32> to vector<8xi32>
    %broadcast_in_dim3A_2500 = vector.shape_cast %reduce_sum3A_2499 : vector<8xi32> to vector<8x1xi32>
    %add3A_2501 = arith.addi %add3A_2491, %broadcast_in_dim3A_2500 : vector<8x1xi32>
    %ge3A_2502 = vector.broadcast %get3A_1 : i32 to vector<8x1xi32>
    %ge3A_2503 = arith.cmpi sge, %add3A_2501, %ge3A_2502 : vector<8x1xi32>
    %select_n3A_2504 = arith.select %ge3A_2503, %or3A_2414, %select_n3A_2411 : vector<8x1xi1>, vector<8x1xi32>
    %or3A_2505 = arith.constant 16 : i32
    %or3A_2506 = vector.broadcast %or3A_2505 : i32 to vector<8x1xi32>
    %or3A_2507 = arith.ori %select_n3A_2504, %or3A_2506 : vector<8x1xi32>
    %ge3A_2508 = arith.constant 0 : i32
    %ge3A_2509 = vector.broadcast %ge3A_2508 : i32 to vector<8x1xi32>
    %ge3A_2510 = arith.cmpi sge, %or3A_2507, %ge3A_2509 : vector<8x1xi32>
    %xor3A_2511 = arith.constant 2147483647 : i32
    %xor3A_2512 = vector.broadcast %xor3A_2511 : i32 to vector<8x1xi32>
    %xor3A_2513 = arith.xori %or3A_2507, %xor3A_2512 : vector<8x1xi32>
    %select_n3A_2514 = arith.select %ge3A_2510, %or3A_2507, %xor3A_2513 : vector<8x1xi1>, vector<8x1xi32>
    %bitcast_convert_type3A_2515 = tpu.bitcast %select_n3A_2514 : vector<8x1xi32> -> vector<8x1xf32>
    %get3A_2516 = arith.constant 0 : index
    %get3A_2517 = arith.constant 0 : index
    %get3A_2518 = vector.load %arg3[%get3A_2516, %get3A_2517] : memref<8x100000xf32, #tpu.memory_space<vmem>>, vector<8x12800xf32>
    %ge3A_2519 = vector.broadcast %bitcast_convert_type3A_2515 : vector<8x1xf32> to vector<8x12800xf32>
    %ge3A_2520 = arith.cmpf oge, %get3A_2518, %ge3A_2519 : vector<8x12800xf32>
    %convert_element_type3A_2521 = arith.extui %ge3A_2520 : vector<8x12800xi1> to vector<8x12800xi32>
    %reduce_sum3A_2522 = arith.constant dense<0> : vector<8xi32>
    %reduce_sum3A_2523 = vector.multi_reduction <add>, %convert_element_type3A_2521, %reduce_sum3A_2522 [1] : vector<8x12800xi32> to vector<8xi32>
    %broadcast_in_dim3A_2524 = vector.shape_cast %reduce_sum3A_2523 : vector<8xi32> to vector<8x1xi32>
    %get3A_2525 = arith.constant 0 : index
    %get3A_2526 = arith.constant 12800 : index
    %get3A_2527 = vector.load %arg3[%get3A_2525, %get3A_2526] : memref<8x100000xf32, #tpu.memory_space<vmem>>, vector<8x12800xf32>
    %ge3A_2528 = vector.broadcast %bitcast_convert_type3A_2515 : vector<8x1xf32> to vector<8x12800xf32>
    %ge3A_2529 = arith.cmpf oge, %get3A_2527, %ge3A_2528 : vector<8x12800xf32>
    %convert_element_type3A_2530 = arith.extui %ge3A_2529 : vector<8x12800xi1> to vector<8x12800xi32>
    %reduce_sum3A_2531 = arith.constant dense<0> : vector<8xi32>
    %reduce_sum3A_2532 = vector.multi_reduction <add>, %convert_element_type3A_2530, %reduce_sum3A_2531 [1] : vector<8x12800xi32> to vector<8xi32>
    %broadcast_in_dim3A_2533 = vector.shape_cast %reduce_sum3A_2532 : vector<8xi32> to vector<8x1xi32>
    %add3A_2534 = arith.addi %broadcast_in_dim3A_2524, %broadcast_in_dim3A_2533 : vector<8x1xi32>
    %get3A_2535 = arith.constant 0 : index
    %get3A_2536 = arith.constant 25600 : index
    %get3A_2537 = vector.load %arg3[%get3A_2535, %get3A_2536] : memref<8x100000xf32, #tpu.memory_space<vmem>>, vector<8x12800xf32>
    %ge3A_2538 = vector.broadcast %bitcast_convert_type3A_2515 : vector<8x1xf32> to vector<8x12800xf32>
    %ge3A_2539 = arith.cmpf oge, %get3A_2537, %ge3A_2538 : vector<8x12800xf32>
    %convert_element_type3A_2540 = arith.extui %ge3A_2539 : vector<8x12800xi1> to vector<8x12800xi32>
    %reduce_sum3A_2541 = arith.constant dense<0> : vector<8xi32>
    %reduce_sum3A_2542 = vector.multi_reduction <add>, %convert_element_type3A_2540, %reduce_sum3A_2541 [1] : vector<8x12800xi32> to vector<8xi32>
    %broadcast_in_dim3A_2543 = vector.shape_cast %reduce_sum3A_2542 : vector<8xi32> to vector<8x1xi32>
    %add3A_2544 = arith.addi %add3A_2534, %broadcast_in_dim3A_2543 : vector<8x1xi32>
    %get3A_2545 = arith.constant 0 : index
    %get3A_2546 = arith.constant 38400 : index
    %get3A_2547 = vector.load %arg3[%get3A_2545, %get3A_2546] : memref<8x100000xf32, #tpu.memory_space<vmem>>, vector<8x12800xf32>
    %ge3A_2548 = vector.broadcast %bitcast_convert_type3A_2515 : vector<8x1xf32> to vector<8x12800xf32>
    %ge3A_2549 = arith.cmpf oge, %get3A_2547, %ge3A_2548 : vector<8x12800xf32>
    %convert_element_type3A_2550 = arith.extui %ge3A_2549 : vector<8x12800xi1> to vector<8x12800xi32>
    %reduce_sum3A_2551 = arith.constant dense<0> : vector<8xi32>
    %reduce_sum3A_2552 = vector.multi_reduction <add>, %convert_element_type3A_2550, %reduce_sum3A_2551 [1] : vector<8x12800xi32> to vector<8xi32>
    %broadcast_in_dim3A_2553 = vector.shape_cast %reduce_sum3A_2552 : vector<8xi32> to vector<8x1xi32>
    %add3A_2554 = arith.addi %add3A_2544, %broadcast_in_dim3A_2553 : vector<8x1xi32>
    %get3A_2555 = arith.constant 0 : index
    %get3A_2556 = arith.constant 51200 : index
    %get3A_2557 = vector.load %arg3[%get3A_2555, %get3A_2556] : memref<8x100000xf32, #tpu.memory_space<vmem>>, vector<8x12800xf32>
    %ge3A_2558 = vector.broadcast %bitcast_convert_type3A_2515 : vector<8x1xf32> to vector<8x12800xf32>
    %ge3A_2559 = arith.cmpf oge, %get3A_2557, %ge3A_2558 : vector<8x12800xf32>
    %convert_element_type3A_2560 = arith.extui %ge3A_2559 : vector<8x12800xi1> to vector<8x12800xi32>
    %reduce_sum3A_2561 = arith.constant dense<0> : vector<8xi32>
    %reduce_sum3A_2562 = vector.multi_reduction <add>, %convert_element_type3A_2560, %reduce_sum3A_2561 [1] : vector<8x12800xi32> to vector<8xi32>
    %broadcast_in_dim3A_2563 = vector.shape_cast %reduce_sum3A_2562 : vector<8xi32> to vector<8x1xi32>
    %add3A_2564 = arith.addi %add3A_2554, %broadcast_in_dim3A_2563 : vector<8x1xi32>
    %get3A_2565 = arith.constant 0 : index
    %get3A_2566 = arith.constant 64000 : index
    %get3A_2567 = vector.load %arg3[%get3A_2565, %get3A_2566] : memref<8x100000xf32, #tpu.memory_space<vmem>>, vector<8x12800xf32>
    %ge3A_2568 = vector.broadcast %bitcast_convert_type3A_2515 : vector<8x1xf32> to vector<8x12800xf32>
    %ge3A_2569 = arith.cmpf oge, %get3A_2567, %ge3A_2568 : vector<8x12800xf32>
    %convert_element_type3A_2570 = arith.extui %ge3A_2569 : vector<8x12800xi1> to vector<8x12800xi32>
    %reduce_sum3A_2571 = arith.constant dense<0> : vector<8xi32>
    %reduce_sum3A_2572 = vector.multi_reduction <add>, %convert_element_type3A_2570, %reduce_sum3A_2571 [1] : vector<8x12800xi32> to vector<8xi32>
    %broadcast_in_dim3A_2573 = vector.shape_cast %reduce_sum3A_2572 : vector<8xi32> to vector<8x1xi32>
    %add3A_2574 = arith.addi %add3A_2564, %broadcast_in_dim3A_2573 : vector<8x1xi32>
    %get3A_2575 = arith.constant 0 : index
    %get3A_2576 = arith.constant 76800 : index
    %get3A_2577 = vector.load %arg3[%get3A_2575, %get3A_2576] : memref<8x100000xf32, #tpu.memory_space<vmem>>, vector<8x12800xf32>
    %ge3A_2578 = vector.broadcast %bitcast_convert_type3A_2515 : vector<8x1xf32> to vector<8x12800xf32>
    %ge3A_2579 = arith.cmpf oge, %get3A_2577, %ge3A_2578 : vector<8x12800xf32>
    %convert_element_type3A_2580 = arith.extui %ge3A_2579 : vector<8x12800xi1> to vector<8x12800xi32>
    %reduce_sum3A_2581 = arith.constant dense<0> : vector<8xi32>
    %reduce_sum3A_2582 = vector.multi_reduction <add>, %convert_element_type3A_2580, %reduce_sum3A_2581 [1] : vector<8x12800xi32> to vector<8xi32>
    %broadcast_in_dim3A_2583 = vector.shape_cast %reduce_sum3A_2582 : vector<8xi32> to vector<8x1xi32>
    %add3A_2584 = arith.addi %add3A_2574, %broadcast_in_dim3A_2583 : vector<8x1xi32>
    %get3A_2585 = arith.constant 0 : index
    %get3A_2586 = arith.constant 89600 : index
    %get3A_2587 = vector.load %arg3[%get3A_2585, %get3A_2586] : memref<8x100000xf32, #tpu.memory_space<vmem>>, vector<8x10400xf32>
    %ge3A_2588 = vector.broadcast %bitcast_convert_type3A_2515 : vector<8x1xf32> to vector<8x10400xf32>
    %ge3A_2589 = arith.cmpf oge, %get3A_2587, %ge3A_2588 : vector<8x10400xf32>
    %convert_element_type3A_2590 = arith.extui %ge3A_2589 : vector<8x10400xi1> to vector<8x10400xi32>
    %reduce_sum3A_2591 = arith.constant dense<0> : vector<8xi32>
    %reduce_sum3A_2592 = vector.multi_reduction <add>, %convert_element_type3A_2590, %reduce_sum3A_2591 [1] : vector<8x10400xi32> to vector<8xi32>
    %broadcast_in_dim3A_2593 = vector.shape_cast %reduce_sum3A_2592 : vector<8xi32> to vector<8x1xi32>
    %add3A_2594 = arith.addi %add3A_2584, %broadcast_in_dim3A_2593 : vector<8x1xi32>
    %ge3A_2595 = vector.broadcast %get3A_1 : i32 to vector<8x1xi32>
    %ge3A_2596 = arith.cmpi sge, %add3A_2594, %ge3A_2595 : vector<8x1xi32>
    %select_n3A_2597 = arith.select %ge3A_2596, %or3A_2507, %select_n3A_2504 : vector<8x1xi1>, vector<8x1xi32>
    %or3A_2598 = arith.constant 8 : i32
    %or3A_2599 = vector.broadcast %or3A_2598 : i32 to vector<8x1xi32>
    %or3A_2600 = arith.ori %select_n3A_2597, %or3A_2599 : vector<8x1xi32>
    %ge3A_2601 = arith.constant 0 : i32
    %ge3A_2602 = vector.broadcast %ge3A_2601 : i32 to vector<8x1xi32>
    %ge3A_2603 = arith.cmpi sge, %or3A_2600, %ge3A_2602 : vector<8x1xi32>
    %xor3A_2604 = arith.constant 2147483647 : i32
    %xor3A_2605 = vector.broadcast %xor3A_2604 : i32 to vector<8x1xi32>
    %xor3A_2606 = arith.xori %or3A_2600, %xor3A_2605 : vector<8x1xi32>
    %select_n3A_2607 = arith.select %ge3A_2603, %or3A_2600, %xor3A_2606 : vector<8x1xi1>, vector<8x1xi32>
    %bitcast_convert_type3A_2608 = tpu.bitcast %select_n3A_2607 : vector<8x1xi32> -> vector<8x1xf32>
    %get3A_2609 = arith.constant 0 : index
    %get3A_2610 = arith.constant 0 : index
    %get3A_2611 = vector.load %arg3[%get3A_2609, %get3A_2610] : memref<8x100000xf32, #tpu.memory_space<vmem>>, vector<8x12800xf32>
    %ge3A_2612 = vector.broadcast %bitcast_convert_type3A_2608 : vector<8x1xf32> to vector<8x12800xf32>
    %ge3A_2613 = arith.cmpf oge, %get3A_2611, %ge3A_2612 : vector<8x12800xf32>
    %convert_element_type3A_2614 = arith.extui %ge3A_2613 : vector<8x12800xi1> to vector<8x12800xi32>
    %reduce_sum3A_2615 = arith.constant dense<0> : vector<8xi32>
    %reduce_sum3A_2616 = vector.multi_reduction <add>, %convert_element_type3A_2614, %reduce_sum3A_2615 [1] : vector<8x12800xi32> to vector<8xi32>
    %broadcast_in_dim3A_2617 = vector.shape_cast %reduce_sum3A_2616 : vector<8xi32> to vector<8x1xi32>
    %get3A_2618 = arith.constant 0 : index
    %get3A_2619 = arith.constant 12800 : index
    %get3A_2620 = vector.load %arg3[%get3A_2618, %get3A_2619] : memref<8x100000xf32, #tpu.memory_space<vmem>>, vector<8x12800xf32>
    %ge3A_2621 = vector.broadcast %bitcast_convert_type3A_2608 : vector<8x1xf32> to vector<8x12800xf32>
    %ge3A_2622 = arith.cmpf oge, %get3A_2620, %ge3A_2621 : vector<8x12800xf32>
    %convert_element_type3A_2623 = arith.extui %ge3A_2622 : vector<8x12800xi1> to vector<8x12800xi32>
    %reduce_sum3A_2624 = arith.constant dense<0> : vector<8xi32>
    %reduce_sum3A_2625 = vector.multi_reduction <add>, %convert_element_type3A_2623, %reduce_sum3A_2624 [1] : vector<8x12800xi32> to vector<8xi32>
    %broadcast_in_dim3A_2626 = vector.shape_cast %reduce_sum3A_2625 : vector<8xi32> to vector<8x1xi32>
    %add3A_2627 = arith.addi %broadcast_in_dim3A_2617, %broadcast_in_dim3A_2626 : vector<8x1xi32>
    %get3A_2628 = arith.constant 0 : index
    %get3A_2629 = arith.constant 25600 : index
    %get3A_2630 = vector.load %arg3[%get3A_2628, %get3A_2629] : memref<8x100000xf32, #tpu.memory_space<vmem>>, vector<8x12800xf32>
    %ge3A_2631 = vector.broadcast %bitcast_convert_type3A_2608 : vector<8x1xf32> to vector<8x12800xf32>
    %ge3A_2632 = arith.cmpf oge, %get3A_2630, %ge3A_2631 : vector<8x12800xf32>
    %convert_element_type3A_2633 = arith.extui %ge3A_2632 : vector<8x12800xi1> to vector<8x12800xi32>
    %reduce_sum3A_2634 = arith.constant dense<0> : vector<8xi32>
    %reduce_sum3A_2635 = vector.multi_reduction <add>, %convert_element_type3A_2633, %reduce_sum3A_2634 [1] : vector<8x12800xi32> to vector<8xi32>
    %broadcast_in_dim3A_2636 = vector.shape_cast %reduce_sum3A_2635 : vector<8xi32> to vector<8x1xi32>
    %add3A_2637 = arith.addi %add3A_2627, %broadcast_in_dim3A_2636 : vector<8x1xi32>
    %get3A_2638 = arith.constant 0 : index
    %get3A_2639 = arith.constant 38400 : index
    %get3A_2640 = vector.load %arg3[%get3A_2638, %get3A_2639] : memref<8x100000xf32, #tpu.memory_space<vmem>>, vector<8x12800xf32>
    %ge3A_2641 = vector.broadcast %bitcast_convert_type3A_2608 : vector<8x1xf32> to vector<8x12800xf32>
    %ge3A_2642 = arith.cmpf oge, %get3A_2640, %ge3A_2641 : vector<8x12800xf32>
    %convert_element_type3A_2643 = arith.extui %ge3A_2642 : vector<8x12800xi1> to vector<8x12800xi32>
    %reduce_sum3A_2644 = arith.constant dense<0> : vector<8xi32>
    %reduce_sum3A_2645 = vector.multi_reduction <add>, %convert_element_type3A_2643, %reduce_sum3A_2644 [1] : vector<8x12800xi32> to vector<8xi32>
    %broadcast_in_dim3A_2646 = vector.shape_cast %reduce_sum3A_2645 : vector<8xi32> to vector<8x1xi32>
    %add3A_2647 = arith.addi %add3A_2637, %broadcast_in_dim3A_2646 : vector<8x1xi32>
    %get3A_2648 = arith.constant 0 : index
    %get3A_2649 = arith.constant 51200 : index
    %get3A_2650 = vector.load %arg3[%get3A_2648, %get3A_2649] : memref<8x100000xf32, #tpu.memory_space<vmem>>, vector<8x12800xf32>
    %ge3A_2651 = vector.broadcast %bitcast_convert_type3A_2608 : vector<8x1xf32> to vector<8x12800xf32>
    %ge3A_2652 = arith.cmpf oge, %get3A_2650, %ge3A_2651 : vector<8x12800xf32>
    %convert_element_type3A_2653 = arith.extui %ge3A_2652 : vector<8x12800xi1> to vector<8x12800xi32>
    %reduce_sum3A_2654 = arith.constant dense<0> : vector<8xi32>
    %reduce_sum3A_2655 = vector.multi_reduction <add>, %convert_element_type3A_2653, %reduce_sum3A_2654 [1] : vector<8x12800xi32> to vector<8xi32>
    %broadcast_in_dim3A_2656 = vector.shape_cast %reduce_sum3A_2655 : vector<8xi32> to vector<8x1xi32>
    %add3A_2657 = arith.addi %add3A_2647, %broadcast_in_dim3A_2656 : vector<8x1xi32>
    %get3A_2658 = arith.constant 0 : index
    %get3A_2659 = arith.constant 64000 : index
    %get3A_2660 = vector.load %arg3[%get3A_2658, %get3A_2659] : memref<8x100000xf32, #tpu.memory_space<vmem>>, vector<8x12800xf32>
    %ge3A_2661 = vector.broadcast %bitcast_convert_type3A_2608 : vector<8x1xf32> to vector<8x12800xf32>
    %ge3A_2662 = arith.cmpf oge, %get3A_2660, %ge3A_2661 : vector<8x12800xf32>
    %convert_element_type3A_2663 = arith.extui %ge3A_2662 : vector<8x12800xi1> to vector<8x12800xi32>
    %reduce_sum3A_2664 = arith.constant dense<0> : vector<8xi32>
    %reduce_sum3A_2665 = vector.multi_reduction <add>, %convert_element_type3A_2663, %reduce_sum3A_2664 [1] : vector<8x12800xi32> to vector<8xi32>
    %broadcast_in_dim3A_2666 = vector.shape_cast %reduce_sum3A_2665 : vector<8xi32> to vector<8x1xi32>
    %add3A_2667 = arith.addi %add3A_2657, %broadcast_in_dim3A_2666 : vector<8x1xi32>
    %get3A_2668 = arith.constant 0 : index
    %get3A_2669 = arith.constant 76800 : index
    %get3A_2670 = vector.load %arg3[%get3A_2668, %get3A_2669] : memref<8x100000xf32, #tpu.memory_space<vmem>>, vector<8x12800xf32>
    %ge3A_2671 = vector.broadcast %bitcast_convert_type3A_2608 : vector<8x1xf32> to vector<8x12800xf32>
    %ge3A_2672 = arith.cmpf oge, %get3A_2670, %ge3A_2671 : vector<8x12800xf32>
    %convert_element_type3A_2673 = arith.extui %ge3A_2672 : vector<8x12800xi1> to vector<8x12800xi32>
    %reduce_sum3A_2674 = arith.constant dense<0> : vector<8xi32>
    %reduce_sum3A_2675 = vector.multi_reduction <add>, %convert_element_type3A_2673, %reduce_sum3A_2674 [1] : vector<8x12800xi32> to vector<8xi32>
    %broadcast_in_dim3A_2676 = vector.shape_cast %reduce_sum3A_2675 : vector<8xi32> to vector<8x1xi32>
    %add3A_2677 = arith.addi %add3A_2667, %broadcast_in_dim3A_2676 : vector<8x1xi32>
    %get3A_2678 = arith.constant 0 : index
    %get3A_2679 = arith.constant 89600 : index
    %get3A_2680 = vector.load %arg3[%get3A_2678, %get3A_2679] : memref<8x100000xf32, #tpu.memory_space<vmem>>, vector<8x10400xf32>
    %ge3A_2681 = vector.broadcast %bitcast_convert_type3A_2608 : vector<8x1xf32> to vector<8x10400xf32>
    %ge3A_2682 = arith.cmpf oge, %get3A_2680, %ge3A_2681 : vector<8x10400xf32>
    %convert_element_type3A_2683 = arith.extui %ge3A_2682 : vector<8x10400xi1> to vector<8x10400xi32>
    %reduce_sum3A_2684 = arith.constant dense<0> : vector<8xi32>
    %reduce_sum3A_2685 = vector.multi_reduction <add>, %convert_element_type3A_2683, %reduce_sum3A_2684 [1] : vector<8x10400xi32> to vector<8xi32>
    %broadcast_in_dim3A_2686 = vector.shape_cast %reduce_sum3A_2685 : vector<8xi32> to vector<8x1xi32>
    %add3A_2687 = arith.addi %add3A_2677, %broadcast_in_dim3A_2686 : vector<8x1xi32>
    %ge3A_2688 = vector.broadcast %get3A_1 : i32 to vector<8x1xi32>
    %ge3A_2689 = arith.cmpi sge, %add3A_2687, %ge3A_2688 : vector<8x1xi32>
    %select_n3A_2690 = arith.select %ge3A_2689, %or3A_2600, %select_n3A_2597 : vector<8x1xi1>, vector<8x1xi32>
    %or3A_2691 = arith.constant 4 : i32
    %or3A_2692 = vector.broadcast %or3A_2691 : i32 to vector<8x1xi32>
    %or3A_2693 = arith.ori %select_n3A_2690, %or3A_2692 : vector<8x1xi32>
    %ge3A_2694 = arith.constant 0 : i32
    %ge3A_2695 = vector.broadcast %ge3A_2694 : i32 to vector<8x1xi32>
    %ge3A_2696 = arith.cmpi sge, %or3A_2693, %ge3A_2695 : vector<8x1xi32>
    %xor3A_2697 = arith.constant 2147483647 : i32
    %xor3A_2698 = vector.broadcast %xor3A_2697 : i32 to vector<8x1xi32>
    %xor3A_2699 = arith.xori %or3A_2693, %xor3A_2698 : vector<8x1xi32>
    %select_n3A_2700 = arith.select %ge3A_2696, %or3A_2693, %xor3A_2699 : vector<8x1xi1>, vector<8x1xi32>
    %bitcast_convert_type3A_2701 = tpu.bitcast %select_n3A_2700 : vector<8x1xi32> -> vector<8x1xf32>
    %get3A_2702 = arith.constant 0 : index
    %get3A_2703 = arith.constant 0 : index
    %get3A_2704 = vector.load %arg3[%get3A_2702, %get3A_2703] : memref<8x100000xf32, #tpu.memory_space<vmem>>, vector<8x12800xf32>
    %ge3A_2705 = vector.broadcast %bitcast_convert_type3A_2701 : vector<8x1xf32> to vector<8x12800xf32>
    %ge3A_2706 = arith.cmpf oge, %get3A_2704, %ge3A_2705 : vector<8x12800xf32>
    %convert_element_type3A_2707 = arith.extui %ge3A_2706 : vector<8x12800xi1> to vector<8x12800xi32>
    %reduce_sum3A_2708 = arith.constant dense<0> : vector<8xi32>
    %reduce_sum3A_2709 = vector.multi_reduction <add>, %convert_element_type3A_2707, %reduce_sum3A_2708 [1] : vector<8x12800xi32> to vector<8xi32>
    %broadcast_in_dim3A_2710 = vector.shape_cast %reduce_sum3A_2709 : vector<8xi32> to vector<8x1xi32>
    %get3A_2711 = arith.constant 0 : index
    %get3A_2712 = arith.constant 12800 : index
    %get3A_2713 = vector.load %arg3[%get3A_2711, %get3A_2712] : memref<8x100000xf32, #tpu.memory_space<vmem>>, vector<8x12800xf32>
    %ge3A_2714 = vector.broadcast %bitcast_convert_type3A_2701 : vector<8x1xf32> to vector<8x12800xf32>
    %ge3A_2715 = arith.cmpf oge, %get3A_2713, %ge3A_2714 : vector<8x12800xf32>
    %convert_element_type3A_2716 = arith.extui %ge3A_2715 : vector<8x12800xi1> to vector<8x12800xi32>
    %reduce_sum3A_2717 = arith.constant dense<0> : vector<8xi32>
    %reduce_sum3A_2718 = vector.multi_reduction <add>, %convert_element_type3A_2716, %reduce_sum3A_2717 [1] : vector<8x12800xi32> to vector<8xi32>
    %broadcast_in_dim3A_2719 = vector.shape_cast %reduce_sum3A_2718 : vector<8xi32> to vector<8x1xi32>
    %add3A_2720 = arith.addi %broadcast_in_dim3A_2710, %broadcast_in_dim3A_2719 : vector<8x1xi32>
    %get3A_2721 = arith.constant 0 : index
    %get3A_2722 = arith.constant 25600 : index
    %get3A_2723 = vector.load %arg3[%get3A_2721, %get3A_2722] : memref<8x100000xf32, #tpu.memory_space<vmem>>, vector<8x12800xf32>
    %ge3A_2724 = vector.broadcast %bitcast_convert_type3A_2701 : vector<8x1xf32> to vector<8x12800xf32>
    %ge3A_2725 = arith.cmpf oge, %get3A_2723, %ge3A_2724 : vector<8x12800xf32>
    %convert_element_type3A_2726 = arith.extui %ge3A_2725 : vector<8x12800xi1> to vector<8x12800xi32>
    %reduce_sum3A_2727 = arith.constant dense<0> : vector<8xi32>
    %reduce_sum3A_2728 = vector.multi_reduction <add>, %convert_element_type3A_2726, %reduce_sum3A_2727 [1] : vector<8x12800xi32> to vector<8xi32>
    %broadcast_in_dim3A_2729 = vector.shape_cast %reduce_sum3A_2728 : vector<8xi32> to vector<8x1xi32>
    %add3A_2730 = arith.addi %add3A_2720, %broadcast_in_dim3A_2729 : vector<8x1xi32>
    %get3A_2731 = arith.constant 0 : index
    %get3A_2732 = arith.constant 38400 : index
    %get3A_2733 = vector.load %arg3[%get3A_2731, %get3A_2732] : memref<8x100000xf32, #tpu.memory_space<vmem>>, vector<8x12800xf32>
    %ge3A_2734 = vector.broadcast %bitcast_convert_type3A_2701 : vector<8x1xf32> to vector<8x12800xf32>
    %ge3A_2735 = arith.cmpf oge, %get3A_2733, %ge3A_2734 : vector<8x12800xf32>
    %convert_element_type3A_2736 = arith.extui %ge3A_2735 : vector<8x12800xi1> to vector<8x12800xi32>
    %reduce_sum3A_2737 = arith.constant dense<0> : vector<8xi32>
    %reduce_sum3A_2738 = vector.multi_reduction <add>, %convert_element_type3A_2736, %reduce_sum3A_2737 [1] : vector<8x12800xi32> to vector<8xi32>
    %broadcast_in_dim3A_2739 = vector.shape_cast %reduce_sum3A_2738 : vector<8xi32> to vector<8x1xi32>
    %add3A_2740 = arith.addi %add3A_2730, %broadcast_in_dim3A_2739 : vector<8x1xi32>
    %get3A_2741 = arith.constant 0 : index
    %get3A_2742 = arith.constant 51200 : index
    %get3A_2743 = vector.load %arg3[%get3A_2741, %get3A_2742] : memref<8x100000xf32, #tpu.memory_space<vmem>>, vector<8x12800xf32>
    %ge3A_2744 = vector.broadcast %bitcast_convert_type3A_2701 : vector<8x1xf32> to vector<8x12800xf32>
    %ge3A_2745 = arith.cmpf oge, %get3A_2743, %ge3A_2744 : vector<8x12800xf32>
    %convert_element_type3A_2746 = arith.extui %ge3A_2745 : vector<8x12800xi1> to vector<8x12800xi32>
    %reduce_sum3A_2747 = arith.constant dense<0> : vector<8xi32>
    %reduce_sum3A_2748 = vector.multi_reduction <add>, %convert_element_type3A_2746, %reduce_sum3A_2747 [1] : vector<8x12800xi32> to vector<8xi32>
    %broadcast_in_dim3A_2749 = vector.shape_cast %reduce_sum3A_2748 : vector<8xi32> to vector<8x1xi32>
    %add3A_2750 = arith.addi %add3A_2740, %broadcast_in_dim3A_2749 : vector<8x1xi32>
    %get3A_2751 = arith.constant 0 : index
    %get3A_2752 = arith.constant 64000 : index
    %get3A_2753 = vector.load %arg3[%get3A_2751, %get3A_2752] : memref<8x100000xf32, #tpu.memory_space<vmem>>, vector<8x12800xf32>
    %ge3A_2754 = vector.broadcast %bitcast_convert_type3A_2701 : vector<8x1xf32> to vector<8x12800xf32>
    %ge3A_2755 = arith.cmpf oge, %get3A_2753, %ge3A_2754 : vector<8x12800xf32>
    %convert_element_type3A_2756 = arith.extui %ge3A_2755 : vector<8x12800xi1> to vector<8x12800xi32>
    %reduce_sum3A_2757 = arith.constant dense<0> : vector<8xi32>
    %reduce_sum3A_2758 = vector.multi_reduction <add>, %convert_element_type3A_2756, %reduce_sum3A_2757 [1] : vector<8x12800xi32> to vector<8xi32>
    %broadcast_in_dim3A_2759 = vector.shape_cast %reduce_sum3A_2758 : vector<8xi32> to vector<8x1xi32>
    %add3A_2760 = arith.addi %add3A_2750, %broadcast_in_dim3A_2759 : vector<8x1xi32>
    %get3A_2761 = arith.constant 0 : index
    %get3A_2762 = arith.constant 76800 : index
    %get3A_2763 = vector.load %arg3[%get3A_2761, %get3A_2762] : memref<8x100000xf32, #tpu.memory_space<vmem>>, vector<8x12800xf32>
    %ge3A_2764 = vector.broadcast %bitcast_convert_type3A_2701 : vector<8x1xf32> to vector<8x12800xf32>
    %ge3A_2765 = arith.cmpf oge, %get3A_2763, %ge3A_2764 : vector<8x12800xf32>
    %convert_element_type3A_2766 = arith.extui %ge3A_2765 : vector<8x12800xi1> to vector<8x12800xi32>
    %reduce_sum3A_2767 = arith.constant dense<0> : vector<8xi32>
    %reduce_sum3A_2768 = vector.multi_reduction <add>, %convert_element_type3A_2766, %reduce_sum3A_2767 [1] : vector<8x12800xi32> to vector<8xi32>
    %broadcast_in_dim3A_2769 = vector.shape_cast %reduce_sum3A_2768 : vector<8xi32> to vector<8x1xi32>
    %add3A_2770 = arith.addi %add3A_2760, %broadcast_in_dim3A_2769 : vector<8x1xi32>
    %get3A_2771 = arith.constant 0 : index
    %get3A_2772 = arith.constant 89600 : index
    %get3A_2773 = vector.load %arg3[%get3A_2771, %get3A_2772] : memref<8x100000xf32, #tpu.memory_space<vmem>>, vector<8x10400xf32>
    %ge3A_2774 = vector.broadcast %bitcast_convert_type3A_2701 : vector<8x1xf32> to vector<8x10400xf32>
    %ge3A_2775 = arith.cmpf oge, %get3A_2773, %ge3A_2774 : vector<8x10400xf32>
    %convert_element_type3A_2776 = arith.extui %ge3A_2775 : vector<8x10400xi1> to vector<8x10400xi32>
    %reduce_sum3A_2777 = arith.constant dense<0> : vector<8xi32>
    %reduce_sum3A_2778 = vector.multi_reduction <add>, %convert_element_type3A_2776, %reduce_sum3A_2777 [1] : vector<8x10400xi32> to vector<8xi32>
    %broadcast_in_dim3A_2779 = vector.shape_cast %reduce_sum3A_2778 : vector<8xi32> to vector<8x1xi32>
    %add3A_2780 = arith.addi %add3A_2770, %broadcast_in_dim3A_2779 : vector<8x1xi32>
    %ge3A_2781 = vector.broadcast %get3A_1 : i32 to vector<8x1xi32>
    %ge3A_2782 = arith.cmpi sge, %add3A_2780, %ge3A_2781 : vector<8x1xi32>
    %select_n3A_2783 = arith.select %ge3A_2782, %or3A_2693, %select_n3A_2690 : vector<8x1xi1>, vector<8x1xi32>
    %or3A_2784 = arith.constant 2 : i32
    %or3A_2785 = vector.broadcast %or3A_2784 : i32 to vector<8x1xi32>
    %or3A_2786 = arith.ori %select_n3A_2783, %or3A_2785 : vector<8x1xi32>
    %ge3A_2787 = arith.constant 0 : i32
    %ge3A_2788 = vector.broadcast %ge3A_2787 : i32 to vector<8x1xi32>
    %ge3A_2789 = arith.cmpi sge, %or3A_2786, %ge3A_2788 : vector<8x1xi32>
    %xor3A_2790 = arith.constant 2147483647 : i32
    %xor3A_2791 = vector.broadcast %xor3A_2790 : i32 to vector<8x1xi32>
    %xor3A_2792 = arith.xori %or3A_2786, %xor3A_2791 : vector<8x1xi32>
    %select_n3A_2793 = arith.select %ge3A_2789, %or3A_2786, %xor3A_2792 : vector<8x1xi1>, vector<8x1xi32>
    %bitcast_convert_type3A_2794 = tpu.bitcast %select_n3A_2793 : vector<8x1xi32> -> vector<8x1xf32>
    %get3A_2795 = arith.constant 0 : index
    %get3A_2796 = arith.constant 0 : index
    %get3A_2797 = vector.load %arg3[%get3A_2795, %get3A_2796] : memref<8x100000xf32, #tpu.memory_space<vmem>>, vector<8x12800xf32>
    %ge3A_2798 = vector.broadcast %bitcast_convert_type3A_2794 : vector<8x1xf32> to vector<8x12800xf32>
    %ge3A_2799 = arith.cmpf oge, %get3A_2797, %ge3A_2798 : vector<8x12800xf32>
    %convert_element_type3A_2800 = arith.extui %ge3A_2799 : vector<8x12800xi1> to vector<8x12800xi32>
    %reduce_sum3A_2801 = arith.constant dense<0> : vector<8xi32>
    %reduce_sum3A_2802 = vector.multi_reduction <add>, %convert_element_type3A_2800, %reduce_sum3A_2801 [1] : vector<8x12800xi32> to vector<8xi32>
    %broadcast_in_dim3A_2803 = vector.shape_cast %reduce_sum3A_2802 : vector<8xi32> to vector<8x1xi32>
    %get3A_2804 = arith.constant 0 : index
    %get3A_2805 = arith.constant 12800 : index
    %get3A_2806 = vector.load %arg3[%get3A_2804, %get3A_2805] : memref<8x100000xf32, #tpu.memory_space<vmem>>, vector<8x12800xf32>
    %ge3A_2807 = vector.broadcast %bitcast_convert_type3A_2794 : vector<8x1xf32> to vector<8x12800xf32>
    %ge3A_2808 = arith.cmpf oge, %get3A_2806, %ge3A_2807 : vector<8x12800xf32>
    %convert_element_type3A_2809 = arith.extui %ge3A_2808 : vector<8x12800xi1> to vector<8x12800xi32>
    %reduce_sum3A_2810 = arith.constant dense<0> : vector<8xi32>
    %reduce_sum3A_2811 = vector.multi_reduction <add>, %convert_element_type3A_2809, %reduce_sum3A_2810 [1] : vector<8x12800xi32> to vector<8xi32>
    %broadcast_in_dim3A_2812 = vector.shape_cast %reduce_sum3A_2811 : vector<8xi32> to vector<8x1xi32>
    %add3A_2813 = arith.addi %broadcast_in_dim3A_2803, %broadcast_in_dim3A_2812 : vector<8x1xi32>
    %get3A_2814 = arith.constant 0 : index
    %get3A_2815 = arith.constant 25600 : index
    %get3A_2816 = vector.load %arg3[%get3A_2814, %get3A_2815] : memref<8x100000xf32, #tpu.memory_space<vmem>>, vector<8x12800xf32>
    %ge3A_2817 = vector.broadcast %bitcast_convert_type3A_2794 : vector<8x1xf32> to vector<8x12800xf32>
    %ge3A_2818 = arith.cmpf oge, %get3A_2816, %ge3A_2817 : vector<8x12800xf32>
    %convert_element_type3A_2819 = arith.extui %ge3A_2818 : vector<8x12800xi1> to vector<8x12800xi32>
    %reduce_sum3A_2820 = arith.constant dense<0> : vector<8xi32>
    %reduce_sum3A_2821 = vector.multi_reduction <add>, %convert_element_type3A_2819, %reduce_sum3A_2820 [1] : vector<8x12800xi32> to vector<8xi32>
    %broadcast_in_dim3A_2822 = vector.shape_cast %reduce_sum3A_2821 : vector<8xi32> to vector<8x1xi32>
    %add3A_2823 = arith.addi %add3A_2813, %broadcast_in_dim3A_2822 : vector<8x1xi32>
    %get3A_2824 = arith.constant 0 : index
    %get3A_2825 = arith.constant 38400 : index
    %get3A_2826 = vector.load %arg3[%get3A_2824, %get3A_2825] : memref<8x100000xf32, #tpu.memory_space<vmem>>, vector<8x12800xf32>
    %ge3A_2827 = vector.broadcast %bitcast_convert_type3A_2794 : vector<8x1xf32> to vector<8x12800xf32>
    %ge3A_2828 = arith.cmpf oge, %get3A_2826, %ge3A_2827 : vector<8x12800xf32>
    %convert_element_type3A_2829 = arith.extui %ge3A_2828 : vector<8x12800xi1> to vector<8x12800xi32>
    %reduce_sum3A_2830 = arith.constant dense<0> : vector<8xi32>
    %reduce_sum3A_2831 = vector.multi_reduction <add>, %convert_element_type3A_2829, %reduce_sum3A_2830 [1] : vector<8x12800xi32> to vector<8xi32>
    %broadcast_in_dim3A_2832 = vector.shape_cast %reduce_sum3A_2831 : vector<8xi32> to vector<8x1xi32>
    %add3A_2833 = arith.addi %add3A_2823, %broadcast_in_dim3A_2832 : vector<8x1xi32>
    %get3A_2834 = arith.constant 0 : index
    %get3A_2835 = arith.constant 51200 : index
    %get3A_2836 = vector.load %arg3[%get3A_2834, %get3A_2835] : memref<8x100000xf32, #tpu.memory_space<vmem>>, vector<8x12800xf32>
    %ge3A_2837 = vector.broadcast %bitcast_convert_type3A_2794 : vector<8x1xf32> to vector<8x12800xf32>
    %ge3A_2838 = arith.cmpf oge, %get3A_2836, %ge3A_2837 : vector<8x12800xf32>
    %convert_element_type3A_2839 = arith.extui %ge3A_2838 : vector<8x12800xi1> to vector<8x12800xi32>
    %reduce_sum3A_2840 = arith.constant dense<0> : vector<8xi32>
    %reduce_sum3A_2841 = vector.multi_reduction <add>, %convert_element_type3A_2839, %reduce_sum3A_2840 [1] : vector<8x12800xi32> to vector<8xi32>
    %broadcast_in_dim3A_2842 = vector.shape_cast %reduce_sum3A_2841 : vector<8xi32> to vector<8x1xi32>
    %add3A_2843 = arith.addi %add3A_2833, %broadcast_in_dim3A_2842 : vector<8x1xi32>
    %get3A_2844 = arith.constant 0 : index
    %get3A_2845 = arith.constant 64000 : index
    %get3A_2846 = vector.load %arg3[%get3A_2844, %get3A_2845] : memref<8x100000xf32, #tpu.memory_space<vmem>>, vector<8x12800xf32>
    %ge3A_2847 = vector.broadcast %bitcast_convert_type3A_2794 : vector<8x1xf32> to vector<8x12800xf32>
    %ge3A_2848 = arith.cmpf oge, %get3A_2846, %ge3A_2847 : vector<8x12800xf32>
    %convert_element_type3A_2849 = arith.extui %ge3A_2848 : vector<8x12800xi1> to vector<8x12800xi32>
    %reduce_sum3A_2850 = arith.constant dense<0> : vector<8xi32>
    %reduce_sum3A_2851 = vector.multi_reduction <add>, %convert_element_type3A_2849, %reduce_sum3A_2850 [1] : vector<8x12800xi32> to vector<8xi32>
    %broadcast_in_dim3A_2852 = vector.shape_cast %reduce_sum3A_2851 : vector<8xi32> to vector<8x1xi32>
    %add3A_2853 = arith.addi %add3A_2843, %broadcast_in_dim3A_2852 : vector<8x1xi32>
    %get3A_2854 = arith.constant 0 : index
    %get3A_2855 = arith.constant 76800 : index
    %get3A_2856 = vector.load %arg3[%get3A_2854, %get3A_2855] : memref<8x100000xf32, #tpu.memory_space<vmem>>, vector<8x12800xf32>
    %ge3A_2857 = vector.broadcast %bitcast_convert_type3A_2794 : vector<8x1xf32> to vector<8x12800xf32>
    %ge3A_2858 = arith.cmpf oge, %get3A_2856, %ge3A_2857 : vector<8x12800xf32>
    %convert_element_type3A_2859 = arith.extui %ge3A_2858 : vector<8x12800xi1> to vector<8x12800xi32>
    %reduce_sum3A_2860 = arith.constant dense<0> : vector<8xi32>
    %reduce_sum3A_2861 = vector.multi_reduction <add>, %convert_element_type3A_2859, %reduce_sum3A_2860 [1] : vector<8x12800xi32> to vector<8xi32>
    %broadcast_in_dim3A_2862 = vector.shape_cast %reduce_sum3A_2861 : vector<8xi32> to vector<8x1xi32>
    %add3A_2863 = arith.addi %add3A_2853, %broadcast_in_dim3A_2862 : vector<8x1xi32>
    %get3A_2864 = arith.constant 0 : index
    %get3A_2865 = arith.constant 89600 : index
    %get3A_2866 = vector.load %arg3[%get3A_2864, %get3A_2865] : memref<8x100000xf32, #tpu.memory_space<vmem>>, vector<8x10400xf32>
    %ge3A_2867 = vector.broadcast %bitcast_convert_type3A_2794 : vector<8x1xf32> to vector<8x10400xf32>
    %ge3A_2868 = arith.cmpf oge, %get3A_2866, %ge3A_2867 : vector<8x10400xf32>
    %convert_element_type3A_2869 = arith.extui %ge3A_2868 : vector<8x10400xi1> to vector<8x10400xi32>
    %reduce_sum3A_2870 = arith.constant dense<0> : vector<8xi32>
    %reduce_sum3A_2871 = vector.multi_reduction <add>, %convert_element_type3A_2869, %reduce_sum3A_2870 [1] : vector<8x10400xi32> to vector<8xi32>
    %broadcast_in_dim3A_2872 = vector.shape_cast %reduce_sum3A_2871 : vector<8xi32> to vector<8x1xi32>
    %add3A_2873 = arith.addi %add3A_2863, %broadcast_in_dim3A_2872 : vector<8x1xi32>
    %ge3A_2874 = vector.broadcast %get3A_1 : i32 to vector<8x1xi32>
    %ge3A_2875 = arith.cmpi sge, %add3A_2873, %ge3A_2874 : vector<8x1xi32>
    %select_n3A_2876 = arith.select %ge3A_2875, %or3A_2786, %select_n3A_2783 : vector<8x1xi1>, vector<8x1xi32>
    %or3A_2877 = arith.constant 1 : i32
    %or3A_2878 = vector.broadcast %or3A_2877 : i32 to vector<8x1xi32>
    %or3A_2879 = arith.ori %select_n3A_2876, %or3A_2878 : vector<8x1xi32>
    %ge3A_2880 = arith.constant 0 : i32
    %ge3A_2881 = vector.broadcast %ge3A_2880 : i32 to vector<8x1xi32>
    %ge3A_2882 = arith.cmpi sge, %or3A_2879, %ge3A_2881 : vector<8x1xi32>
    %xor3A_2883 = arith.constant 2147483647 : i32
    %xor3A_2884 = vector.broadcast %xor3A_2883 : i32 to vector<8x1xi32>
    %xor3A_2885 = arith.xori %or3A_2879, %xor3A_2884 : vector<8x1xi32>
    %select_n3A_2886 = arith.select %ge3A_2882, %or3A_2879, %xor3A_2885 : vector<8x1xi1>, vector<8x1xi32>
    %bitcast_convert_type3A_2887 = tpu.bitcast %select_n3A_2886 : vector<8x1xi32> -> vector<8x1xf32>
    %get3A_2888 = arith.constant 0 : index
    %get3A_2889 = arith.constant 0 : index
    %get3A_2890 = vector.load %arg3[%get3A_2888, %get3A_2889] : memref<8x100000xf32, #tpu.memory_space<vmem>>, vector<8x12800xf32>
    %ge3A_2891 = vector.broadcast %bitcast_convert_type3A_2887 : vector<8x1xf32> to vector<8x12800xf32>
    %ge3A_2892 = arith.cmpf oge, %get3A_2890, %ge3A_2891 : vector<8x12800xf32>
    %convert_element_type3A_2893 = arith.extui %ge3A_2892 : vector<8x12800xi1> to vector<8x12800xi32>
    %reduce_sum3A_2894 = arith.constant dense<0> : vector<8xi32>
    %reduce_sum3A_2895 = vector.multi_reduction <add>, %convert_element_type3A_2893, %reduce_sum3A_2894 [1] : vector<8x12800xi32> to vector<8xi32>
    %broadcast_in_dim3A_2896 = vector.shape_cast %reduce_sum3A_2895 : vector<8xi32> to vector<8x1xi32>
    %get3A_2897 = arith.constant 0 : index
    %get3A_2898 = arith.constant 12800 : index
    %get3A_2899 = vector.load %arg3[%get3A_2897, %get3A_2898] : memref<8x100000xf32, #tpu.memory_space<vmem>>, vector<8x12800xf32>
    %ge3A_2900 = vector.broadcast %bitcast_convert_type3A_2887 : vector<8x1xf32> to vector<8x12800xf32>
    %ge3A_2901 = arith.cmpf oge, %get3A_2899, %ge3A_2900 : vector<8x12800xf32>
    %convert_element_type3A_2902 = arith.extui %ge3A_2901 : vector<8x12800xi1> to vector<8x12800xi32>
    %reduce_sum3A_2903 = arith.constant dense<0> : vector<8xi32>
    %reduce_sum3A_2904 = vector.multi_reduction <add>, %convert_element_type3A_2902, %reduce_sum3A_2903 [1] : vector<8x12800xi32> to vector<8xi32>
    %broadcast_in_dim3A_2905 = vector.shape_cast %reduce_sum3A_2904 : vector<8xi32> to vector<8x1xi32>
    %add3A_2906 = arith.addi %broadcast_in_dim3A_2896, %broadcast_in_dim3A_2905 : vector<8x1xi32>
    %get3A_2907 = arith.constant 0 : index
    %get3A_2908 = arith.constant 25600 : index
    %get3A_2909 = vector.load %arg3[%get3A_2907, %get3A_2908] : memref<8x100000xf32, #tpu.memory_space<vmem>>, vector<8x12800xf32>
    %ge3A_2910 = vector.broadcast %bitcast_convert_type3A_2887 : vector<8x1xf32> to vector<8x12800xf32>
    %ge3A_2911 = arith.cmpf oge, %get3A_2909, %ge3A_2910 : vector<8x12800xf32>
    %convert_element_type3A_2912 = arith.extui %ge3A_2911 : vector<8x12800xi1> to vector<8x12800xi32>
    %reduce_sum3A_2913 = arith.constant dense<0> : vector<8xi32>
    %reduce_sum3A_2914 = vector.multi_reduction <add>, %convert_element_type3A_2912, %reduce_sum3A_2913 [1] : vector<8x12800xi32> to vector<8xi32>
    %broadcast_in_dim3A_2915 = vector.shape_cast %reduce_sum3A_2914 : vector<8xi32> to vector<8x1xi32>
    %add3A_2916 = arith.addi %add3A_2906, %broadcast_in_dim3A_2915 : vector<8x1xi32>
    %get3A_2917 = arith.constant 0 : index
    %get3A_2918 = arith.constant 38400 : index
    %get3A_2919 = vector.load %arg3[%get3A_2917, %get3A_2918] : memref<8x100000xf32, #tpu.memory_space<vmem>>, vector<8x12800xf32>
    %ge3A_2920 = vector.broadcast %bitcast_convert_type3A_2887 : vector<8x1xf32> to vector<8x12800xf32>
    %ge3A_2921 = arith.cmpf oge, %get3A_2919, %ge3A_2920 : vector<8x12800xf32>
    %convert_element_type3A_2922 = arith.extui %ge3A_2921 : vector<8x12800xi1> to vector<8x12800xi32>
    %reduce_sum3A_2923 = arith.constant dense<0> : vector<8xi32>
    %reduce_sum3A_2924 = vector.multi_reduction <add>, %convert_element_type3A_2922, %reduce_sum3A_2923 [1] : vector<8x12800xi32> to vector<8xi32>
    %broadcast_in_dim3A_2925 = vector.shape_cast %reduce_sum3A_2924 : vector<8xi32> to vector<8x1xi32>
    %add3A_2926 = arith.addi %add3A_2916, %broadcast_in_dim3A_2925 : vector<8x1xi32>
    %get3A_2927 = arith.constant 0 : index
    %get3A_2928 = arith.constant 51200 : index
    %get3A_2929 = vector.load %arg3[%get3A_2927, %get3A_2928] : memref<8x100000xf32, #tpu.memory_space<vmem>>, vector<8x12800xf32>
    %ge3A_2930 = vector.broadcast %bitcast_convert_type3A_2887 : vector<8x1xf32> to vector<8x12800xf32>
    %ge3A_2931 = arith.cmpf oge, %get3A_2929, %ge3A_2930 : vector<8x12800xf32>
    %convert_element_type3A_2932 = arith.extui %ge3A_2931 : vector<8x12800xi1> to vector<8x12800xi32>
    %reduce_sum3A_2933 = arith.constant dense<0> : vector<8xi32>
    %reduce_sum3A_2934 = vector.multi_reduction <add>, %convert_element_type3A_2932, %reduce_sum3A_2933 [1] : vector<8x12800xi32> to vector<8xi32>
    %broadcast_in_dim3A_2935 = vector.shape_cast %reduce_sum3A_2934 : vector<8xi32> to vector<8x1xi32>
    %add3A_2936 = arith.addi %add3A_2926, %broadcast_in_dim3A_2935 : vector<8x1xi32>
    %get3A_2937 = arith.constant 0 : index
    %get3A_2938 = arith.constant 64000 : index
    %get3A_2939 = vector.load %arg3[%get3A_2937, %get3A_2938] : memref<8x100000xf32, #tpu.memory_space<vmem>>, vector<8x12800xf32>
    %ge3A_2940 = vector.broadcast %bitcast_convert_type3A_2887 : vector<8x1xf32> to vector<8x12800xf32>
    %ge3A_2941 = arith.cmpf oge, %get3A_2939, %ge3A_2940 : vector<8x12800xf32>
    %convert_element_type3A_2942 = arith.extui %ge3A_2941 : vector<8x12800xi1> to vector<8x12800xi32>
    %reduce_sum3A_2943 = arith.constant dense<0> : vector<8xi32>
    %reduce_sum3A_2944 = vector.multi_reduction <add>, %convert_element_type3A_2942, %reduce_sum3A_2943 [1] : vector<8x12800xi32> to vector<8xi32>
    %broadcast_in_dim3A_2945 = vector.shape_cast %reduce_sum3A_2944 : vector<8xi32> to vector<8x1xi32>
    %add3A_2946 = arith.addi %add3A_2936, %broadcast_in_dim3A_2945 : vector<8x1xi32>
    %get3A_2947 = arith.constant 0 : index
    %get3A_2948 = arith.constant 76800 : index
    %get3A_2949 = vector.load %arg3[%get3A_2947, %get3A_2948] : memref<8x100000xf32, #tpu.memory_space<vmem>>, vector<8x12800xf32>
    %ge3A_2950 = vector.broadcast %bitcast_convert_type3A_2887 : vector<8x1xf32> to vector<8x12800xf32>
    %ge3A_2951 = arith.cmpf oge, %get3A_2949, %ge3A_2950 : vector<8x12800xf32>
    %convert_element_type3A_2952 = arith.extui %ge3A_2951 : vector<8x12800xi1> to vector<8x12800xi32>
    %reduce_sum3A_2953 = arith.constant dense<0> : vector<8xi32>
    %reduce_sum3A_2954 = vector.multi_reduction <add>, %convert_element_type3A_2952, %reduce_sum3A_2953 [1] : vector<8x12800xi32> to vector<8xi32>
    %broadcast_in_dim3A_2955 = vector.shape_cast %reduce_sum3A_2954 : vector<8xi32> to vector<8x1xi32>
    %add3A_2956 = arith.addi %add3A_2946, %broadcast_in_dim3A_2955 : vector<8x1xi32>
    %get3A_2957 = arith.constant 0 : index
    %get3A_2958 = arith.constant 89600 : index
    %get3A_2959 = vector.load %arg3[%get3A_2957, %get3A_2958] : memref<8x100000xf32, #tpu.memory_space<vmem>>, vector<8x10400xf32>
    %ge3A_2960 = vector.broadcast %bitcast_convert_type3A_2887 : vector<8x1xf32> to vector<8x10400xf32>
    %ge3A_2961 = arith.cmpf oge, %get3A_2959, %ge3A_2960 : vector<8x10400xf32>
    %convert_element_type3A_2962 = arith.extui %ge3A_2961 : vector<8x10400xi1> to vector<8x10400xi32>
    %reduce_sum3A_2963 = arith.constant dense<0> : vector<8xi32>
    %reduce_sum3A_2964 = vector.multi_reduction <add>, %convert_element_type3A_2962, %reduce_sum3A_2963 [1] : vector<8x10400xi32> to vector<8xi32>
    %broadcast_in_dim3A_2965 = vector.shape_cast %reduce_sum3A_2964 : vector<8xi32> to vector<8x1xi32>
    %add3A_2966 = arith.addi %add3A_2956, %broadcast_in_dim3A_2965 : vector<8x1xi32>
    %ge3A_2967 = vector.broadcast %get3A_1 : i32 to vector<8x1xi32>
    %ge3A_2968 = arith.cmpi sge, %add3A_2966, %ge3A_2967 : vector<8x1xi32>
    %select_n3A_2969 = arith.select %ge3A_2968, %or3A_2879, %select_n3A_2876 : vector<8x1xi1>, vector<8x1xi32>
    %get3A_2970 = arith.constant 0 : index
    %get3A_2971 = arith.constant 0 : index
    %get3A_2972 = memref.load %arg1[%get3A_2970, %get3A_2971] : memref<1x1xf32, #tpu.memory_space<smem>>
    %max3A = arith.constant 9.99999974E-6 : f32
    %max3A_2973 = arith.maximumf %get3A_2972, %max3A : f32
    %ge3A_2974 = arith.constant 0 : i32
    %ge3A_2975 = vector.broadcast %ge3A_2974 : i32 to vector<8x1xi32>
    %ge3A_2976 = arith.cmpi sge, %select_n3A_2969, %ge3A_2975 : vector<8x1xi32>
    %xor3A_2977 = arith.constant 2147483647 : i32
    %xor3A_2978 = vector.broadcast %xor3A_2977 : i32 to vector<8x1xi32>
    %xor3A_2979 = arith.xori %select_n3A_2969, %xor3A_2978 : vector<8x1xi32>
    %select_n3A_2980 = arith.select %ge3A_2976, %select_n3A_2969, %xor3A_2979 : vector<8x1xi1>, vector<8x1xi32>
    %bitcast_convert_type3A_2981 = tpu.bitcast %select_n3A_2980 : vector<8x1xi32> -> vector<8x1xf32>
    %div3A = vector.broadcast %max3A_2973 : f32 to vector<8x1xf32>
    %div3A_2982 = arith.divf %bitcast_convert_type3A_2981, %div3A : vector<8x1xf32>
    %get3A_2983 = arith.constant 0 : index
    %get3A_2984 = arith.constant 0 : index
    %get3A_2985 = vector.load %arg3[%get3A_2983, %get3A_2984] : memref<8x100000xf32, #tpu.memory_space<vmem>>, vector<8x100000xf32>
    %div3A_2986 = vector.broadcast %max3A_2973 : f32 to vector<8x100000xf32>
    %div3A_2987 = arith.divf %get3A_2985, %div3A_2986 : vector<8x100000xf32>
    %get3A_2988 = arith.constant 0 : index
    %get3A_2989 = arith.constant 0 : index
    %get3A_2990 = vector.load %arg4[%get3A_2988, %get3A_2989] : memref<8x100000xf32, #tpu.memory_space<vmem>>, vector<8x100000xf32>
    %log3A = math.log %get3A_2990 : vector<8x100000xf32>
    %neg3A = arith.constant 0.000000e+00 : f32
    %neg3A_2991 = vector.broadcast %neg3A : f32 to vector<8x100000xf32>
    %neg3A_2992 = arith.subf %neg3A_2991, %log3A : vector<8x100000xf32>
    %log3A_2993 = math.log %neg3A_2992 : vector<8x100000xf32>
    %sub3A = arith.subf %div3A_2987, %log3A_2993 : vector<8x100000xf32>
    %ge3A_2994 = vector.broadcast %div3A_2982 : vector<8x1xf32> to vector<8x100000xf32>
    %ge3A_2995 = arith.cmpf oge, %div3A_2987, %ge3A_2994 : vector<8x100000xf32>
    %jit3A = arith.constant 0xFF800000 : f32
    %broadcast_in_dim3A_2996 = vector.broadcast %jit3A : f32 to vector<8x100000xf32>
    %select_n3A_2997 = arith.select %ge3A_2995, %sub3A, %broadcast_in_dim3A_2996 : vector<8x100000xi1>, vector<8x100000xf32>
    %reduce_max3A = arith.constant dense<0xFF800000> : vector<8xf32>
    %reduce_max3A_2998 = vector.multi_reduction <maximumf>, %select_n3A_2997, %reduce_max3A [1] : vector<8x100000xf32> to vector<8xf32>
    %broadcast_in_dim3A_2999 = vector.shape_cast %reduce_max3A_2998 : vector<8xf32> to vector<8x1xf32>
    %iota3A = tpu.iota {dimensions = array<i32: 1>} : vector<8x100000xi32>
    %eq3A = vector.broadcast %broadcast_in_dim3A_2999 : vector<8x1xf32> to vector<8x100000xf32>
    %eq3A_3000 = arith.cmpf oeq, %select_n3A_2997, %eq3A : vector<8x100000xf32>
    %jit3A_3001 = arith.constant 2147483647 : i32
    %broadcast_in_dim3A_3002 = vector.broadcast %jit3A_3001 : i32 to vector<8x100000xi32>
    %select_n3A_3003 = arith.select %eq3A_3000, %iota3A, %broadcast_in_dim3A_3002 : vector<8x100000xi1>, vector<8x100000xi32>
    %reduce_min3A = arith.constant dense<2147483647> : vector<8xi32>
    %reduce_min3A_3004 = vector.multi_reduction <minsi>, %select_n3A_3003, %reduce_min3A [1] : vector<8x100000xi32> to vector<8xi32>
    %broadcast_in_dim3A_3005 = vector.shape_cast %reduce_min3A_3004 : vector<8xi32> to vector<8x1xi32>
    %swap3A = arith.constant 0 : index
    %swap3A_3006 = arith.constant 0 : index
    %swap3A_3007 = vector.load %arg5[%swap3A, %swap3A_3006] : memref<8x1xi32, #tpu.memory_space<vmem>>, vector<8x1xi32>
    tpu.vector_store %arg5[%swap3A, %swap3A_3006], %broadcast_in_dim3A_3005 {strides = array<i32>} : memref<8x1xi32, #tpu.memory_space<vmem>>, vector<8x1xi32>,
    return
  }
  func.func @transform_0(%arg0: i32) -> (i32, i32) {
    %c0_i32 = arith.constant 0 : i32
    %c0_i32_0 = arith.constant 0 : i32
    %c0_i32_1 = arith.constant 0 : i32
    return %c0_i32, %c0_i32_0 : i32, i32
  }
  func.func @transform_1(%arg0: i32) -> (i32, i32) {
    %c0_i32 = arith.constant 0 : i32
    %c0_i32_0 = arith.constant 0 : i32
    %c0_i32_1 = arith.constant 0 : i32
    return %c0_i32, %c0_i32_0 : i32, i32
  }
  func.func @transform_2(%arg0: i32) -> (i32, i32) {
    %c0_i32 = arith.constant 0 : i32
    %c0_i32_0 = arith.constant 0 : i32
    return %arg0, %c0_i32 : i32, i32
  }
  func.func @transform_3(%arg0: i32) -> (i32, i32) {
    %c0_i32 = arith.constant 0 : i32
    %c0_i32_0 = arith.constant 0 : i32
    return %arg0, %c0_i32 : i32, i32
  }
  func.func @transform_4(%arg0: i32) -> (i32, i32) {
    %c0_i32 = arith.constant 0 : i32
    %c0_i32_0 = arith.constant 0 : i32
    return %arg0, %c0_i32 : i32, i32
  }
}

</mosaic_0001>

<sc_bundles>
// kernel: kernel.4.cloned.1.call-start
scs
__scs_entry_jumppad:
0x0: {  	(pc) =	sbr.rel $0x88, $3  }
0x1: {  	(tag) =	ssettag $0x0;
	lr =	simm.s32 $0x1  }
0x2: {  	[smem:$0x3F9B] =	sst lr;
	_ =	strace $0xD0000000  }
0x3: {  	_ = 	snop  }
0x4: {  	_ = 	snop  }
0x5: {  	_ = 	snop  }
0x6: {  	_ = 	snop  }
0x7: {  	_ = 	snop  }
__scs_overlays_trampoline_lowered:
0x8: {  	[smem:$0x3FAA] =	sst s0  }
0x9: {  	[smem:$0x3FAB] =	sst s1  }
0xa: {  	[smem:$0x3FAC] =	sst s2  }
0xb: {  	[smem:$0x3FAD] =	sst s3  }
0xc: {  	[smem:$0x3FAE] =	sst s4  }
0xd: {  	[smem:$0x3FAF] =	sst s5  }
0xe: {  	[smem:$0x3FB0] =	sst s6  }
0xf: {  	[smem:$0x3FB1] =	sst s7  }
0x10: {  	[smem:$0x3FB2] =	sst s8  }
0x11: {  	[smem:$0x3FB3] =	sst s9;
	s0 =	simm.s32 @!p0 $0x0  }
0x12: {  	s1 =	sld [smem:$0x3F99];
	s0 =	simm.s32 @p0 $0x1  }
0x13: {  	[smem:$0x3FB4] =	sst s0;
	s0 =	simm.s32 @!p1 $0x0  }
0x14: {  	s2 =	sld [smem:$0x3F98];
	s0 =	simm.s32 @p1 $0x1  }
0x15: {  	[smem:$0x3FB5] =	sst s0;
	s0 =	simm.s32 @!p2 $0x0  }
0x16: {  	s3 =	sld [smem:$0x3FDB];
	s0 =	simm.s32 @p2 $0x1  }
0x17: {  	s4 =	simm.s32 $0x1BF5;
	[smem:$0x3FB7] =	sst s0  }
0x18: {  	s0 =	sld [smem:$0x3F9A];
	_ =	swait.ge [sflag:s4], $0x0  }
0x19: {  	s7 =	sld [smem:$0x3F9B]  }
0x1a: {  	s8 =	sadd.s32 $0xFFFFE003, lr  }
0x1b: {  	s9 =	sadd.s32 $0xFFFFFEF7, lr;
	s5 =	simm.s32 $0xFFFFFFFF;
	p2 =	slt.u32 s8, $0xFFFFF086  }
0x1c: {  	p1 =	slt.u32 s9, $0xF7A;
	s5 =	simm.s32 @!p2 $0x0  }
0x1d: {  	s5 =	simm.s32 @p1 $0x1;
	p0 =	seq.s32 s7, s2  }
0x1e: {  	s7 =	smul.u32 @!p0 $0xF7A, s2;
	p2 =	seq.s32 @!p0 s5, $0x0  }
0x1f: {  	s9 =	smul.u32 $0xF7A, s1;
	s8 =	simm.s32 @!p0 $0x1BF5;
	p2 =	por !p2, p0  }
0x20: {  	[sflag:s8] =	ssyncset.s32 @!p0 $0xFFFFF086;
	s6 =	sadd.s32 @!p0 s3, s7;
	s7 =	simm.s32 @!p0 $0x108  }
0x21: {  	s3 =	sadd.s32 s3, s9;
	s6 =	sadd.s32 @!p0 $0x88, s6;
	s7 =	simm.s32 @p2 $0x1082  }
0x22: {  	[simem:s7], [sflag:s8] =	dma.local @!p0 [hbm:s6], $0xF7A  }
0x23: {  	s9 =	sor.u32 $0xD0000000, s2;
	s6 =	simm.s32 $0x108;
	_ =	swait.ge @!p0 [sflag:s8], $0x0  }
0x24: {  	s3 =	sadd.s32 $0x88, s3;
	s6 =	simm.s32 @!p1 $0x1082;
	[sflag:s4] =	ssyncset.s32 $0xFFFFF086  }
0x25: {  	[simem:s6], [sflag:s4] =	dma.local [hbm:s3], $0xF7A  }
0x26: {  	[smem:$0x3F9B] =	sst s1;
	(tag) =	ssettag s2;
	_ =	strace s9  }
0x27: {  	s1 =	sld [smem:$0x3FAB]  }
0x28: {  	s2 =	sld [smem:$0x3FAC]  }
0x29: {  	s4 =	sld [smem:$0x3FAE]  }
0x2a: {  	p0 =	seq.s32 s5, $0x0;
	s5 =	sld [smem:$0x3FAF]  }
0x2b: {  	s6 =	sld [smem:$0x3FB0]  }
0x2c: {  	s7 =	sld [smem:$0x3FB1]  }
0x2d: {  	s3 =	simm.s32 $0x108;
	s8 =	sld [smem:$0x3FB2]  }
0x2e: {  	s3 =	simm.s32 @!p0 $0x1082;
	s9 =	sld [smem:$0x3FB3]  }
0x2f: {  	lr =	sadd.s32 s0, s3;
	s0 =	sld [smem:$0x3FAA]  }
0x30: {  	s3 =	sld [smem:$0x3FAD]  }
0x31: {  	[smem:$0x3FB6] =	sst s10  }
0x32: {  	s10 =	sld [smem:$0x3FB4];
	_ =	sdelay $0x3  }
0x33: {  	p0 =	seq.s32 s10, $0x1;
	s10 =	sld [smem:$0x3FB6];
	_ =	sdelay $0x3  }
0x34: {  	[smem:$0x3FB6] =	sst s10  }
0x35: {  	s10 =	sld [smem:$0x3FB5];
	_ =	sdelay $0x3  }
0x36: {  	p1 =	seq.s32 s10, $0x1;
	s10 =	sld [smem:$0x3FB6];
	_ =	sdelay $0x3  }
0x37: {  	[smem:$0x3FB6] =	sst s10  }
0x38: {  	s10 =	sld [smem:$0x3FB7]  }
0x39: {  	_ = 	snop;
	(pc) =	sbr.ind lr, $3  }
0x3a: {  	_ = 	snop  }
0x3b: {  	_ = 	snop  }
0x3c: {  	p2 =	seq.s32 s10, $0x1;
	s10 =	sld [smem:$0x3FB6]  }
0x3d: {  	_ =	shalt  }
0x3e: {  	_ =	shalt  }
0x3f: {  	_ =	shalt  }
0x40: {  	_ =	shalt  }
0x41: {  	_ =	shalt  }
0x42: {  	_ =	shalt  }
0x43: {  	_ =	shalt  }
0x44: {  	_ =	shalt  }
0x45: {  	_ =	shalt  }
0x46: {  	_ =	shalt  }
0x47: {  	_ =	shalt  }
0x48: {  	_ =	shalt  }
0x49: {  	_ =	shalt  }
0x4a: {  	_ =	shalt  }
0x4b: {  	_ =	shalt  }
0x4c: {  	_ =	shalt  }
0x4d: {  	_ =	shalt  }
0x4e: {  	_ =	shalt  }
0x4f: {  	_ =	shalt  }
0x50: {  	_ =	shalt  }
0x51: {  	_ =	shalt  }
0x52: {  	_ =	shalt  }
0x53: {  	_ =	shalt  }
0x54: {  	_ =	shalt  }
0x55: {  	_ =	shalt  }
0x56: {  	_ =	shalt  }
0x57: {  	_ =	shalt  }
0x58: {  	_ =	shalt  }
0x59: {  	_ =	shalt  }
0x5a: {  	_ =	shalt  }
0x5b: {  	_ =	shalt  }
0x5c: {  	_ =	shalt  }
0x5d: {  	_ =	shalt  }
0x5e: {  	_ =	shalt  }
0x5f: {  	_ =	shalt  }
0x60: {  	_ =	shalt  }
0x61: {  	_ =	shalt  }
0x62: {  	_ =	shalt  }
0x63: {  	_ =	shalt  }
0x64: {  	_ =	shalt  }
0x65: {  	_ =	shalt  }
0x66: {  	_ =	shalt  }
0x67: {  	_ =	shalt  }
0x68: {  	_ =	shalt  }
0x69: {  	_ =	shalt  }
0x6a: {  	_ =	shalt  }
0x6b: {  	_ =	shalt  }
0x6c: {  	_ =	shalt  }
0x6d: {  	_ =	shalt  }
0x6e: {  	_ =	shalt  }
0x6f: {  	_ =	shalt  }
0x70: {  	_ =	shalt  }
0x71: {  	_ =	shalt  }
0x72: {  	_ =	shalt  }
0x73: {  	_ =	shalt  }
0x74: {  	_ =	shalt  }
0x75: {  	_ =	shalt  }
0x76: {  	_ =	shalt  }
0x77: {  	_ =	shalt  }
0x78: {  	_ =	shalt  }
0x79: {  	_ =	shalt  }
0x7a: {  	_ =	shalt  }
0x7b: {  	_ =	shalt  }
0x7c: {  	_ =	shalt  }
0x7d: {  	_ =	shalt  }
0x7e: {  	_ =	shalt  }
0x7f: {  	_ =	shalt  }
0x80: {  	_ =	shalt  }
0x81: {  	_ =	shalt  }
0x82: {  	_ =	shalt  }
0x83: {  	_ =	shalt  }
0x84: {  	_ =	shalt  }
0x85: {  	_ =	shalt  }
0x86: {  	_ =	shalt  }
0x87: {  	_ =	shalt  }
.Lfunc_end0:
.L_simem_size_0:
called_computation_lowered:
.L_overlay_start_0:
0x88: {  	s2 =	sld [smem:$0x3FD9]  }
0x89: {  	s3 =	sld [smem:$0x3FFE];
	_ =	sdelay $0x1  }
0x8a: {  	s1 =	srdreg.scid  }
0x8b: {  	s0 =	sand.u32 $0x1, s1  }
0x8c: {  	s16 =	sshll.u32 s0, $0xA;
	s2 =	sadd.s32 s3, s2  }
0x8d: {  	s2 =	sadd.s32 s2, s16  }
0x8e: {  	[smem:$0x3FC2] =	sst s2  }
0x8f: {  	_ = 	snop  }
0x90: {  	(tm) =	ssettm $0x1  }
0x91: {  	s17 =	sld [smem:$0x3FFB];
	_ =	sdelay $0x3  }
0x92: {  	_ =	strace s17  }
0x93: {  	s2 =	sld [smem:$0x3FFC];
	_ =	sdelay $0x3  }
0x94: {  	_ =	strace s2  }
0x95: {  	s2 =	sld [smem:$0x3FFD];
	_ =	sdelay $0x3  }
0x96: {  	_ =	strace s2  }
0x97: {  	_ =	strace $0x8FFFFFFF  }
0x98: {  	s18 =	sld [smem:$0x3FDB];
	_ =	sdelay $0x1  }
0x99: {  	s19 =	simm.s32 $_scs_section_size  }
0x9a: {  	s4 =	simm.s32 $_size__tile_overlayer_lowered;
	s5 =	simm.s32 $_tile_overlayer_lowered  }
0x9b: {  	s22 =	simm.s32 $0x1BFF;
	s21 =	sshll.u32 s5, $0x1;
	s2 =	sadd.s32 s19, s18  }
0x9c: {  	s6 =	simm.s32 $0x0;
	s20 =	sshll.u32 s4, $0x1;
	s4 =	sadd.s32 s21, s2  }
0x9d: {  	[timem:s6], [sflag:s22] =	dma.local [hbm:s4], s20  }
0x9e: {  	_ =	swait.ge [sflag:s22], s20  }
0x9f: {  	s3 =	ssub.s32 $0x0, s20;
	[sflag:s22] =	ssyncset.done $0x0  }
0xa0: {  	[sflag:s22] =	ssyncadd.s32 s3;
	_ =	sdelay $0x1  }
0xa1: {  	s23 =	simm.s32 $0x1B8B  }
0xa2: {  	_ =	swait.ge [sflag:s23], $0x1  }
0xa3: {  	[sflag:s23] =	ssyncset.done $0x0  }
0xa4: {  	s25 =	simm.s32 $0x1B8E;
	s24 =	sld [smem:$0x3FFE];
	[sflag:s23] =	ssyncadd.s32 $0xFFFFFFFF  }
0xa5: {  	s26 =	simm.s32 $execute0_lowered;
	[smem:$0x3FD2] =	sst s25  }
0xa6: {  	s4 =	sshll.u32 s26, $0x1;
	_ =	strace $0x80000046;
	[dreg:$0x1] =	wrdreg $0xFFFFFFFF  }
0xa7: {  	s28 =	simm.s32 $_size_execute0_lowered;
	s2 =	sadd.s32 s2, s4;
	[dreg:$0x0] =	wrdreg $0x0  }
0xa8: {  	s4 =	sshll.u32 s28, $0x1;
	[dreg:$0x2] =	wrdreg s2  }
0xa9: {  	[dreg:$0x3] =	wrdreg s4  }
0xaa: {  	[dreg:$0x4] =	wrdreg $0xC0  }
0xab: {  	_ =	task [dreg:s6], $0x5FFFF  }
0xac: {  	[dreg:$0x1] =	wrdreg $0xFFFFFFFF  }
0xad: {  	[dreg:$0x0] =	wrdreg $0x60  }
0xae: {  	[dreg:$0x2] =	wrdreg s24  }
0xaf: {  	[dreg:$0x3] =	wrdreg $0x9  }
0xb0: {  	_ =	task.clear_ibuf [dreg:s6], $0x4FFFF;
	_ =	strace $0x90000046  }
0xb1: {  	s29 =	simm.s32 $0x9;
	_ =	strace $0x80000048  }
0xb2: {  	_ =	swait.ge [sflag:s29], $0x1  }
0xb3: {  	[sflag:s29] =	ssyncadd.s32 $0xFFFFFFFF  }
0xb4: {  	_ =	strace $0x90000048  }
0xb5: {  	_ =	sfence  }
0xb6: {  	s30 =	sld [smem:$0x0];
	_ =	sdelay $0x2  }
0xb7: {  	s31 =	sshll.u32 s1, $0xD;
	s1 =	sshrl.u32 s1, $0x2  }
0xb8: {  	s3 =	sand.u32 $0x4000, s31;
	s1 =	sadd.s32 s1, s30  }
0xb9: {  	s0 =	sor.u32 s3, s0;
	s1 =	sshll.u32 s1, $0x11  }
0xba: {  	s0 =	sor.u32 s1, s0  }
0xbb: {  	s0 =	sadd.s32 $0x8F2B, s0  }
0xbc: {  	[sflag:s0] =	ssyncadd.remote.s32 $0x1  }
0xbd: {  	_ =	sfence.sel $0xFFFF  }
0xbe: {  	[dreg:$0x0] =	wrdreg $0xFFFFFFFF;
	(pc) =	sbr.abs _section_cstart, $3  }
0xbf: {  	[dreg:$0x1] =	wrdreg $0xFFFFFFFF  }
0xc0: {  	_ =	task.clear_ibuf [dreg:s6], $0x2FFFF;
	_ =	strace $0x9FFFFFFF  }
0xc1: {  	(tm) =	ssettm $0x7FFFFFFF  }
tec
execute0_lowered:
.L_overlay_start_1:
0x0: {  	(tag) =	ssettag $0x1  }
0x1: {  	s5 =	rddreg [dreg:$0x0];
	s2 =	simm.s32 $0x0  }
0x2: {  	s1 =	stileid.u32;
	s0 =	srdreg.scid;
	s28 =	simm.s32 $0x300  }
0x3: {  	s29 =	simm.s32 $0x180;
	s31 =	simm.s32 $0x9;
	[smem:$0x7FF] =	sst s2  }
0x4: {  	s6 =	sand.u32 $0x1, s0;
	s20 =	sshll.u32 s1, $0x1;
	s4 =	sshll.u32 s1, $0x7  }
0x5: {  	s8 =	sadd.s32 $0xC4000, s5;
	s3 =	sadd.s32 $0x200, s5;
	_ =	strace $0x80000047  }
0x6: {  	s7 =	sor.u32 s6, s20;
	s9 =	sand.u32 $0x700, s4;
	[dreg:$0x2] =	wrdreg s8  }
0x7: {  	s4 =	sadd.s32 $0xC4200, s5;
	s0 =	smul.u32 $0x30D40, s7;
	s7 =	sshll.u32 s7, $0x5  }
0x8: {  	s6 =	ssub.s32 $0x2, s6;
	s5 =	sadd.s32 s9, s5;
	s7 =	sand.u32 $0x60, s7  }
0x9: {  	s21 =	sadd.s32 $0x61A8, s0;
	s10 =	sshrl.u32 s0, $0x3;
	s11 =	sadd.s32 $0x124F8, s0  }
0xa: {  	s30 =	sadd.s32 $0x186A0, s0;
	s15 =	sadd.s32 $0x1E848, s0;
	s17 =	sadd.s32 $0x2AB98, s0  }
0xb: {  	v0 =	vmov s0;
	s0 =	simm.s32 $0xA;
	s12 =	sadd.s32 s3, s10;
	s8 =	sshrl.u32 s21, $0x3  }
0xc: {  	s13 =	sadd.s32 $0x186A, s10;
	s25 =	sadd.s32 s4, s10;
	[dreg:$0x3] =	wrdreg s12  }
0xd: {  	s11 =	sshrl.u32 s11, $0x3;
	s22 =	sadd.s32 s3, s8;
	[dreg:$0x7] =	wrdreg s25  }
0xe: {  	s14 =	sshrl.u32 s30, $0x3;
	s23 =	sadd.s32 s3, s13;
	[dreg:$0x4] =	wrdreg s22  }
0xf: {  	s1 =	sshrl.u32 s15, $0x3;
	s24 =	sadd.s32 s3, s11;
	[dreg:$0x5] =	wrdreg s23  }
0x10: {  	s16 =	sadd.s32 $0x493E, s10;
	s26 =	sadd.s32 s3, s14;
	[dreg:$0x6] =	wrdreg s24  }
0x11: {  	s10 =	sshrl.u32 s17, $0x3;
	s8 =	sadd.s32 s4, s8;
	[dreg:$0x8] =	wrdreg s26  }
0x12: {  	s21 =	sshrl.u32 s6, $0x1;
	s9 =	sadd.s32 s3, s1;
	[dreg:$0x9] =	wrdreg s8  }
0x13: {  	s17 =	simm.s32 $0x7;
	s15 =	sadd.s32 s4, s13;
	[dreg:$0xa] =	wrdreg s9  }
0x14: {  	v1 =	vmov s30;
	s30 =	simm.s32 $0x380;
	s18 =	sadd.s32 s3, s16;
	[dreg:$0xb] =	wrdreg s15  }
0x15: {  	s19 =	sadd.s32 s4, s11;
	s20 =	sadd.s32 s3, s10;
	[dreg:$0xc] =	wrdreg s18  }
0x16: {  	s25 =	ssub.s32 s6, s21;
	s11 =	simm.s32 $0x12C80;
	[dreg:$0xd] =	wrdreg s19  }
0x17: {  	s12 =	simm.s32 $0x1;
	s13 =	simm.s32 $0x5;
	[dreg:$0xe] =	wrdreg s20  }
0x18: {  	s22 =	sadd.s32 s4, s14;
	s23 =	sadd.s32 s4, s1;
	s24 =	sadd.s32 s4, s16  }
0x19: {  	s26 =	sadd.s32 s7, s5;
	s5 =	sadd.s32 s4, s10;
	s7 =	smax.u32 s25, $0x1  }
0x1a: {  	s8 =	simm.s32 $0x680;
	s9 =	simm.s32 $0x6880;
	s10 =	simm.s32 $0xCA80  }
0x1b: {  	s14 =	simm.s32 $0x2;
	s15 =	simm.s32 $0x6;
	s16 =	simm.s32 $0x3  }
0x1c: {  	s18 =	simm.s32 $0x4;
	s19 =	simm.s32 $0x8;
	[dreg:$0xf] =	wrdreg s22  }
0x1d: {  	s20 =	simm.s32 $0x100;
	s25 =	simm.s32 $0x200;
	[dreg:$0x10] =	wrdreg s23  }
0x1e: {  	[dreg:$0x11] =	wrdreg s24;
	s6 =	sadd.s32 $0xC3800, s26;
	s22 =	simm.s32 $0xB  }
0x1f: {  	s23 =	simm.s32 $0x600;
	s24 =	simm.s32 $0x80;
	s26 =	simm.s32 $0x280  }
.LBB2_1:
0x20: {  	s1 =	rddreg [dreg:$0x3]  }
0x21: {  	[tilespmem:s8], [sflag:$0x1] =	stream.linear.gather [hbm4b:s1+s2], $0x61A8, $0x38;
	[tilespmem:$0x18E80] =	vst v63  }
0x22: {  	s21 =	rddreg [dreg:$0x4]  }
0x23: {  	[tilespmem:s9], [sflag:$0x2] =	stream.linear.gather [hbm4b:s21+s2], $0x61A8, $0x38;
	[tilespmem:$0x18E80] =	vst v63  }
0x24: {  	s1 =	rddreg [dreg:$0x5]  }
0x25: {  	[tilespmem:s10], [sflag:$0x3] =	stream.linear.gather [hbm4b:s1+s2], $0x61A8, $0x38;
	[tilespmem:$0x18E80] =	vst v63  }
0x26: {  	s21 =	rddreg [dreg:$0x6]  }
0x27: {  	[tilespmem:s11], [sflag:$0x4] =	stream.linear.gather [hbm4b:s21+s2], $0x61A8, $0x38;
	[tilespmem:$0x18E80] =	vst v63  }
0x28: {  	_ =	swait.ge [sflag:s12], $0x61A8  }
0x29: {  	[sflag:s12] =	ssyncset.done $0x0  }
0x2a: {  	s21 =	rddreg [dreg:$0x7];
	[sflag:s12] =	ssyncadd.s32 $0xFFFF9E58  }
0x2b: {  	[hbm4b:s21+s2] =	stream.linear.scatter [tilespmem:s8], [sflag:$0x5], $0x61A8, $0x38;
	[tilespmem:$0x18E80] =	vst v63  }
0x2c: {  	_ =	swait.ge [sflag:s13], $0x61A8  }
0x2d: {  	[sflag:s13] =	ssyncset.done $0x0  }
0x2e: {  	s21 =	rddreg [dreg:$0x8];
	[sflag:s13] =	ssyncadd.s32 $0xFFFF9E58  }
0x2f: {  	[tilespmem:s8], [sflag:$0x1] =	stream.linear.gather [hbm4b:s21+s2], $0x61A8, $0x38;
	[tilespmem:$0x18E80] =	vst v63  }
0x30: {  	_ =	swait.ge [sflag:s14], $0x61A8  }
0x31: {  	[sflag:s14] =	ssyncset.done $0x0  }
0x32: {  	s21 =	rddreg [dreg:$0x9];
	[sflag:s14] =	ssyncadd.s32 $0xFFFF9E58  }
0x33: {  	[hbm4b:s21+s2] =	stream.linear.scatter [tilespmem:s9], [sflag:$0x6], $0x61A8, $0x38;
	[tilespmem:$0x18E80] =	vst v63  }
0x34: {  	_ =	swait.ge [sflag:s15], $0x61A8  }
0x35: {  	[sflag:s15] =	ssyncset.done $0x0  }
0x36: {  	s21 =	rddreg [dreg:$0xa];
	[sflag:s15] =	ssyncadd.s32 $0xFFFF9E58  }
0x37: {  	[tilespmem:s9], [sflag:$0x2] =	stream.linear.gather [hbm4b:s21+s2], $0x61A8, $0x38;
	[tilespmem:$0x18E80] =	vst v63  }
0x38: {  	_ =	swait.ge [sflag:s16], $0x61A8  }
0x39: {  	[sflag:s16] =	ssyncset.done $0x0  }
0x3a: {  	s21 =	rddreg [dreg:$0xb];
	[sflag:s16] =	ssyncadd.s32 $0xFFFF9E58  }
0x3b: {  	[hbm4b:s21+s2] =	stream.linear.scatter [tilespmem:s10], [sflag:$0x7], $0x61A8, $0x38;
	[tilespmem:$0x18E80] =	vst v63  }
0x3c: {  	_ =	swait.ge [sflag:s17], $0x61A8  }
0x3d: {  	[sflag:s17] =	ssyncset.done $0x0  }
0x3e: {  	s21 =	rddreg [dreg:$0xc];
	[sflag:s17] =	ssyncadd.s32 $0xFFFF9E58  }
0x3f: {  	[tilespmem:s10], [sflag:$0x3] =	stream.linear.gather [hbm4b:s21+s2], $0x61A8, $0x38;
	[tilespmem:$0x18E80] =	vst v63  }
0x40: {  	_ =	swait.ge [sflag:s18], $0x61A8  }
0x41: {  	[sflag:s18] =	ssyncset.done $0x0  }
0x42: {  	s21 =	rddreg [dreg:$0xd];
	[sflag:s18] =	ssyncadd.s32 $0xFFFF9E58  }
0x43: {  	[hbm4b:s21+s2] =	stream.linear.scatter [tilespmem:s11], [sflag:$0x8], $0x61A8, $0x38;
	[tilespmem:$0x18E80] =	vst v63  }
0x44: {  	_ =	swait.ge [sflag:s19], $0x61A8  }
0x45: {  	[sflag:s19] =	ssyncset.done $0x0  }
0x46: {  	s21 =	rddreg [dreg:$0xe];
	[sflag:s19] =	ssyncadd.s32 $0xFFFF9E58  }
0x47: {  	[tilespmem:s11], [sflag:$0x4] =	stream.linear.gather [hbm4b:s21+s2], $0x61A8, $0x38;
	[tilespmem:$0x18E80] =	vst v63  }
0x48: {  	_ =	swait.ge [sflag:s12], $0x61A8  }
0x49: {  	[sflag:s12] =	ssyncset.done $0x0  }
0x4a: {  	s21 =	rddreg [dreg:$0xf];
	[sflag:s12] =	ssyncadd.s32 $0xFFFF9E58  }
0x4b: {  	[hbm4b:s21+s2] =	stream.linear.scatter [tilespmem:s8], [sflag:$0x5], $0x61A8, $0x38;
	[tilespmem:$0x18E80] =	vst v63  }
0x4c: {  	_ =	swait.ge [sflag:s14], $0x61A8  }
0x4d: {  	[sflag:s14] =	ssyncset.done $0x0  }
0x4e: {  	s21 =	rddreg [dreg:$0x10];
	[sflag:s14] =	ssyncadd.s32 $0xFFFF9E58  }
0x4f: {  	[hbm4b:s21+s2] =	stream.linear.scatter [tilespmem:s9], [sflag:$0x6], $0x61A8, $0x38;
	[tilespmem:$0x18E80] =	vst v63  }
0x50: {  	_ =	swait.ge [sflag:s16], $0x61A8  }
0x51: {  	[sflag:s16] =	ssyncset.done $0x0  }
0x52: {  	s21 =	rddreg [dreg:$0x11];
	[sflag:s16] =	ssyncadd.s32 $0xFFFF9E58  }
0x53: {  	[hbm4b:s21+s2] =	stream.linear.scatter [tilespmem:s10], [sflag:$0x7], $0x61A8, $0x38;
	[tilespmem:$0x18E80] =	vst v63  }
0x54: {  	_ =	swait.ge [sflag:s18], $0x61A8  }
0x55: {  	[sflag:s18] =	ssyncset.done $0x0  }
0x56: {  	[sflag:s18] =	ssyncadd.s32 $0xFFFF9E58  }
0x57: {  	[hbm4b:s5+s2] =	stream.linear.scatter [tilespmem:s11], [sflag:$0x8], $0x61A8, $0x38;
	[tilespmem:$0x18E80] =	vst v63  }
0x58: {  	s21 =	simm.s32 $0x400  }
0x59: {  	[tilespmem:s21], [sflag:$0xB] =	stream.strided.gather [hbm4b:s6+s20], $0x200, s21, s20, $0x38;
	[tilespmem:$0x18E80] =	vst v63  }
0x5a: {  	_ =	swait.ge [sflag:s22], $0x200  }
0x5b: {  	[sflag:s22] =	ssyncset.done $0x0  }
0x5c: {  	s21 =	rddreg [dreg:$0x2];
	[sflag:s22] =	ssyncadd.s32 $0xFFFFFE00  }
0x5d: {  	[tilespmem:s23], [sflag:$0xB] =	stream.linear.gather [hbm4b:s21+s2], $0x80, $0x38;
	[tilespmem:$0x18E80] =	vst v63  }
0x5e: {  	_ =	swait.ge [sflag:s22], $0x80  }
0x5f: {  	[sflag:s22] =	ssyncset.done $0x0  }
0x60: {  	[sflag:s22] =	ssyncadd.s32 $0xFFFFFF80  }
0x61: {  	v2 =	vld [tilespmem:$0x400]  }
0x62: {  	v3 =	vld [tilespmem:$0x410]  }
0x63: {  	v4 =	vld [tilespmem:$0x420]  }
0x64: {  	v5 =	vld [tilespmem:$0x430]  }
0x65: {  	v6 =	vld [tilespmem:$0x440]  }
0x66: {  	v7 =	vld [tilespmem:$0x450];
	v2 =	vadd.s32 v0, v2  }
0x67: {  	[tilespmem:$0x0] =	vst v2;
	v2 =	vadd.s32 v0, v3;
	v3 =	vld [tilespmem:$0x460]  }
0x68: {  	v63 =	vld [tilespmem:$0x470];
	[tilespmem:$0x10] =	vst v2;
	v2 =	vadd.s32 v0, v4  }
0x69: {  	v9 =	vld [tilespmem:$0x500];
	[tilespmem:$0x20] =	vst v2;
	v2 =	vadd.s32 v0, v5  }
0x6a: {  	v10 =	vld [tilespmem:$0x510];
	[tilespmem:$0x30] =	vst v2;
	v2 =	vadd.s32 v0, v6  }
0x6b: {  	v11 =	vld [tilespmem:$0x520];
	[tilespmem:$0x40] =	vst v2;
	v2 =	vadd.s32 v0, v7  }
0x6c: {  	[tilespmem:$0x50] =	vst v2;
	v2 =	vadd.s32 v0, v3;
	v3 =	vld [tilespmem:$0x530]  }
0x6d: {  	v12 =	vld [tilespmem:$0x540];
	[tilespmem:$0x60] =	vst v2;
	v2 =	vadd.s32 v0, v63  }
0x6e: {  	v13 =	vld [tilespmem:$0x550];
	[tilespmem:$0x70] =	vst v2;
	v2 =	vadd.s32 v0, v9  }
0x6f: {  	v14 =	vld [tilespmem:$0x560];
	[tilespmem:$0x80] =	vst v2;
	v2 =	vadd.s32 v0, v10  }
0x70: {  	v15 =	vld [tilespmem:$0x570];
	[tilespmem:$0x90] =	vst v2;
	v2 =	vadd.s32 v0, v11  }
0x71: {  	[tilespmem:$0xA0] =	vst v2;
	v2 =	vadd.s32 v0, v3;
	v3 =	vld [tilespmem:$0x480]  }
0x72: {  	v16 =	vld [tilespmem:$0x490];
	[tilespmem:$0xB0] =	vst v2;
	v2 =	vadd.s32 v0, v12  }
0x73: {  	v17 =	vld [tilespmem:$0x4A0];
	[tilespmem:$0xC0] =	vst v2;
	v2 =	vadd.s32 v0, v13  }
0x74: {  	v18 =	vld [tilespmem:$0x4B0];
	[tilespmem:$0xD0] =	vst v2;
	v2 =	vadd.s32 v0, v14  }
0x75: {  	v19 =	vld [tilespmem:$0x4C0];
	[tilespmem:$0xE0] =	vst v2;
	v2 =	vadd.s32 v0, v15  }
0x76: {  	[tilespmem:$0xF0] =	vst v2;
	v2 =	vadd.s32 v1, v3;
	v3 =	vld [tilespmem:$0x4D0]  }
0x77: {  	v20 =	vld [tilespmem:$0x4E0];
	[tilespmem:$0x100] =	vst v2;
	v2 =	vadd.s32 v1, v16  }
0x78: {  	v21 =	vld [tilespmem:$0x4F0];
	[tilespmem:$0x110] =	vst v2;
	v2 =	vadd.s32 v1, v17  }
0x79: {  	v22 =	vld [tilespmem:$0x580];
	[tilespmem:$0x120] =	vst v2;
	v2 =	vadd.s32 v1, v18  }
0x7a: {  	v23 =	vld [tilespmem:$0x590];
	[tilespmem:$0x130] =	vst v2;
	v2 =	vadd.s32 v1, v19  }
0x7b: {  	[tilespmem:$0x140] =	vst v2;
	v2 =	vadd.s32 v1, v3;
	v3 =	vld [tilespmem:$0x5A0]  }
0x7c: {  	v24 =	vld [tilespmem:$0x5B0];
	[tilespmem:$0x150] =	vst v2;
	v2 =	vadd.s32 v1, v20  }
0x7d: {  	v25 =	vld [tilespmem:$0x5C0];
	[tilespmem:$0x160] =	vst v2;
	v2 =	vadd.s32 v1, v21  }
0x7e: {  	v26 =	vld [tilespmem:$0x5D0];
	[tilespmem:$0x170] =	vst v2;
	v2 =	vadd.s32 v1, v22  }
0x7f: {  	v27 =	vld [tilespmem:$0x5E0];
	[tilespmem:$0x180] =	vst v2;
	v2 =	vadd.s32 v1, v23  }
0x80: {  	[tilespmem:$0x190] =	vst v2;
	v2 =	vadd.s32 v1, v3;
	v3 =	vld [tilespmem:$0x5F0]  }
0x81: {  	[tilespmem:$0x1A0] =	vst v2;
	v2 =	vadd.s32 v1, v24  }
0x82: {  	[tilespmem:$0x1B0] =	vst v2;
	v2 =	vadd.s32 v1, v25  }
0x83: {  	[tilespmem:$0x1C0] =	vst v2;
	v2 =	vadd.s32 v1, v26  }
0x84: {  	[tilespmem:$0x1D0] =	vst v2;
	v2 =	vadd.s32 v1, v27  }
0x85: {  	[tilespmem:$0x1E0] =	vst v2;
	v3 =	vadd.s32 v1, v3  }
0x86: {  	[tilespmem:$0x1F0] =	vst v3  }
0x87: {  	v2 =	vld [tilespmem:$0x600];
	[tilespmem:s25], [sflag:$0x9] =	stream.indirect.gather [hbm4b:s3+s24], $0x1, s2, s24, $0xb8  }
0x88: {  	_ = 	snop  }
0x89: {  	[tilespmem:s26], [sflag:$0x9] =	stream.indirect.gather [hbm4b:s3+s24], $0x1, s24, s24, $0xb8;
	[tilespmem:$0x18E80] =	vst v63  }
0x8a: {  	_ = 	snop  }
0x8b: {  	[tilespmem:s28], [sflag:$0x9] =	stream.indirect.gather [hbm4b:s3+s24], $0x1, s20, s24, $0xb8;
	[tilespmem:$0x18E80] =	vst v63  }
0x8c: {  	_ = 	snop  }
0x8d: {  	[tilespmem:s30], [sflag:$0x9] =	stream.indirect.gather [hbm4b:s3+s24], $0x1, s29, s24, $0xb8;
	[tilespmem:$0x18E80] =	vst v63  }
0x8e: {  	_ =	swait.ge [sflag:s31], $0x80  }
0x8f: {  	[sflag:s31] =	ssyncset.done $0x0  }
0x90: {  	[sflag:s31] =	ssyncadd.s32 $0xFFFFFF80  }
0x91: {  	_ =	swait.ge [sflag:s31], $0x80  }
0x92: {  	[sflag:s31] =	ssyncset.done $0x0  }
0x93: {  	[sflag:s31] =	ssyncadd.s32 $0xFFFFFF80  }
0x94: {  	_ =	swait.ge [sflag:s31], $0x80  }
0x95: {  	[sflag:s31] =	ssyncset.done $0x0  }
0x96: {  	[sflag:s31] =	ssyncadd.s32 $0xFFFFFF80  }
0x97: {  	_ =	swait.ge [sflag:s31], $0x80  }
0x98: {  	(erf) = vrcp.f32 v2;
	_ =	sdelay $0x1  }
0x99: {  	[sflag:s31] =	ssyncset.done $0x0  }
0x9a: {  	[sflag:s31] =	ssyncadd.s32 $0xFFFFFF80  }
0x9b: {  	v28 =	vld [tilespmem:$0x200]  }
0x9c: {  	v29 =	vld [tilespmem:$0x210]  }
0x9d: {  	v30 =	vld [tilespmem:$0x220]  }
0x9e: {  	v31 =	vld [tilespmem:$0x230]  }
0x9f: {  	v8 =	vld [tilespmem:$0x240]  }
0xa0: {  	v9 =	vld [tilespmem:$0x250];
	vm0 =	vlt.f32 v28, $0.0e+00;
	v3 =	vpop (erf)  }
0xa1: {  	v11 =	vld [tilespmem:$0x260];
	vm9 =	vlt.f32 v29, $0.0e+00;
	v10 =	vsel vm0, v2, v3  }
0xa2: {  	v12 =	vld [tilespmem:$0x270];
	vm10 =	vlt.f32 v30, $0.0e+00;
	v32 =	vsel vm9, v2, v3;
	v4 =	vmul.f32 v10, v28  }
0xa3: {  	v13 =	vld [tilespmem:$0x280];
	vm11 =	vlt.f32 v31, $0.0e+00;
	v33 =	vsel vm10, v2, v3;
	v5 =	vmul.f32 v32, v29  }
0xa4: {  	v36 =	vld [tilespmem:$0x290];
	vm12 =	vlt.f32 v8, $0.0e+00;
	v35 =	vsel vm11, v2, v3;
	v34 =	vmul.f32 v33, v30;
	[tilespmem:$0x200] =	vst v4  }
0xa5: {  	v39 =	vld [tilespmem:$0x2A0];
	vm13 =	vlt.f32 v9, $0.0e+00;
	v38 =	vsel vm12, v2, v3;
	v37 =	vmul.f32 v35, v31;
	[tilespmem:$0x210] =	vst v5  }
0xa6: {  	v42 =	vld [tilespmem:$0x2B0];
	vm14 =	vlt.f32 v11, $0.0e+00;
	v41 =	vsel vm13, v2, v3;
	v40 =	vmul.f32 v38, v8;
	[tilespmem:$0x220] =	vst v34  }
0xa7: {  	v45 =	vld [tilespmem:$0x2C0];
	vm15 =	vlt.f32 v12, $0.0e+00;
	v44 =	vsel vm14, v2, v3;
	v43 =	vmul.f32 v41, v9;
	[tilespmem:$0x230] =	vst v37  }
0xa8: {  	v48 =	vld [tilespmem:$0x2D0];
	vm4 =	vlt.f32 v13, $0.0e+00;
	v47 =	vsel vm15, v2, v3;
	v46 =	vmul.f32 v44, v11;
	[tilespmem:$0x240] =	vst v40  }
0xa9: {  	v51 =	vld [tilespmem:$0x2E0];
	vm5 =	vlt.f32 v36, $0.0e+00;
	v50 =	vsel vm4, v2, v3;
	v49 =	vmul.f32 v47, v12;
	[tilespmem:$0x250] =	vst v43  }
0xaa: {  	v54 =	vld [tilespmem:$0x2F0];
	vm6 =	vlt.f32 v39, $0.0e+00;
	v53 =	vsel vm5, v2, v3;
	v52 =	vmul.f32 v50, v13;
	[tilespmem:$0x260] =	vst v46  }
0xab: {  	v57 =	vld [tilespmem:$0x300];
	vm7 =	vlt.f32 v42, $0.0e+00;
	v56 =	vsel vm6, v2, v3;
	v55 =	vmul.f32 v53, v36;
	[tilespmem:$0x270] =	vst v49  }
0xac: {  	v60 =	vld [tilespmem:$0x310];
	vm8 =	vlt.f32 v45, $0.0e+00;
	v59 =	vsel vm7, v2, v3;
	v58 =	vmul.f32 v56, v39;
	[tilespmem:$0x280] =	vst v52  }
0xad: {  	v63 =	vld [tilespmem:$0x320];
	v62 =	vsel vm8, v2, v3;
	vm9 =	vlt.f32 v48, $0.0e+00;
	v61 =	vmul.f32 v59, v42;
	[tilespmem:$0x290] =	vst v55  }
0xae: {  	v16 =	vld [tilespmem:$0x330];
	vm10 =	vlt.f32 v51, $0.0e+00;
	v14 =	vmul.f32 v62, v45;
	v15 =	vsel vm9, v2, v3;
	[tilespmem:$0x2A0] =	vst v58  }
0xaf: {  	v19 =	vld [tilespmem:$0x340];
	vm11 =	vlt.f32 v54, $0.0e+00;
	v18 =	vsel vm10, v2, v3;
	v17 =	vmul.f32 v15, v48;
	[tilespmem:$0x2B0] =	vst v61  }
0xb0: {  	v22 =	vld [tilespmem:$0x350];
	vm12 =	vlt.f32 v57, $0.0e+00;
	v21 =	vsel vm11, v2, v3;
	v20 =	vmul.f32 v18, v51;
	[tilespmem:$0x2C0] =	vst v14  }
0xb1: {  	v25 =	vld [tilespmem:$0x360];
	vm13 =	vlt.f32 v60, $0.0e+00;
	v24 =	vsel vm12, v2, v3;
	v23 =	vmul.f32 v21, v54;
	[tilespmem:$0x2D0] =	vst v17  }
0xb2: {  	vm14 =	vlt.f32 v63, $0.0e+00;
	v27 =	vsel vm13, v2, v3;
	v28 =	vld [tilespmem:$0x370];
	v26 =	vmul.f32 v24, v57;
	[tilespmem:$0x2E0] =	vst v20  }
0xb3: {  	vm15 =	vlt.f32 v16, $0.0e+00;
	v30 =	vsel vm14, v2, v3;
	v31 =	vld [tilespmem:$0x380];
	v29 =	vmul.f32 v27, v60;
	[tilespmem:$0x2F0] =	vst v23  }
0xb4: {  	vm4 =	vlt.f32 v19, $0.0e+00;
	v33 =	vsel vm15, v2, v3;
	v32 =	vmul.f32 v30, v63;
	v34 =	vld [tilespmem:$0x390];
	[tilespmem:$0x300] =	vst v26  }
0xb5: {  	vm5 =	vlt.f32 v22, $0.0e+00;
	v36 =	vsel vm4, v2, v3;
	v35 =	vmul.f32 v33, v16;
	v37 =	vld [tilespmem:$0x3A0];
	[tilespmem:$0x310] =	vst v29  }
0xb6: {  	vm6 =	vlt.f32 v25, $0.0e+00;
	v39 =	vsel vm5, v2, v3;
	v38 =	vmul.f32 v36, v19;
	v40 =	vld [tilespmem:$0x3B0];
	[tilespmem:$0x320] =	vst v32  }
0xb7: {  	v42 =	vsel vm6, v2, v3;
	v41 =	vmul.f32 v39, v22;
	v43 =	vld [tilespmem:$0x3C0];
	[tilespmem:$0x330] =	vst v35;
	vm7 =	vlt.f32 v28, $0.0e+00  }
0xb8: {  	v44 =	vmul.f32 v42, v25;
	v46 =	vld [tilespmem:$0x3D0];
	[tilespmem:$0x340] =	vst v38;
	vm8 =	vlt.f32 v31, $0.0e+00;
	v45 =	vsel vm7, v2, v3  }
0xb9: {  	v49 =	vld [tilespmem:$0x3E0];
	[tilespmem:$0x350] =	vst v41;
	v48 =	vsel vm8, v2, v3;
	v47 =	vmul.f32 v45, v28;
	vm9 =	vlt.f32 v34, $0.0e+00  }
0xba: {  	v52 =	vld [tilespmem:$0x3F0];
	[tilespmem:$0x360] =	vst v44;
	v50 =	vmul.f32 v48, v31;
	vm10 =	vlt.f32 v37, $0.0e+00;
	v51 =	vsel vm9, v2, v3  }
0xbb: {  	vm11 =	vlt.f32 v40, $0.0e+00;
	v54 =	vsel vm10, v2, v3;
	[tilespmem:$0x370] =	vst v47;
	v53 =	vmul.f32 v51, v34  }
0xbc: {  	vm12 =	vlt.f32 v43, $0.0e+00;
	v56 =	vsel vm11, v2, v3;
	[tilespmem:$0x380] =	vst v50;
	v55 =	vmul.f32 v54, v37  }
0xbd: {  	vm13 =	vlt.f32 v46, $0.0e+00;
	v58 =	vsel vm12, v2, v3;
	v57 =	vmul.f32 v56, v40;
	[tilespmem:$0x390] =	vst v53  }
0xbe: {  	vm14 =	vlt.f32 v49, $0.0e+00;
	v60 =	vsel vm13, v2, v3;
	v59 =	vmul.f32 v58, v43;
	[tilespmem:$0x3A0] =	vst v55  }
0xbf: {  	vm15 =	vlt.f32 v52, $0.0e+00;
	v62 =	vsel vm14, v2, v3;
	v61 =	vmul.f32 v60, v46;
	[tilespmem:$0x3B0] =	vst v57  }
0xc0: {  	v2 =	vsel vm15, v2, v3;
	v63 =	vmul.f32 v62, v49;
	[tilespmem:$0x3C0] =	vst v59  }
0xc1: {  	v2 =	vmul.f32 v2, v52;
	[tilespmem:$0x3D0] =	vst v61  }
0xc2: {  	[tilespmem:$0x3E0] =	vst v63  }
0xc3: {  	[tilespmem:$0x3F0] =	vst v2  }
0xc4: {  	_ =	swait.ge [sflag:s13], $0x61A8  }
0xc5: {  	[sflag:s13] =	ssyncset.done $0x0  }
0xc6: {  	[sflag:s13] =	ssyncadd.s32 $0xFFFF9E58  }
0xc7: {  	_ =	swait.ge [sflag:s15], $0x61A8  }
0xc8: {  	[sflag:s15] =	ssyncset.done $0x0  }
0xc9: {  	[sflag:s15] =	ssyncadd.s32 $0xFFFF9E58  }
0xca: {  	_ =	swait.ge [sflag:s17], $0x61A8  }
0xcb: {  	[sflag:s17] =	ssyncset.done $0x0  }
0xcc: {  	[sflag:s17] =	ssyncadd.s32 $0xFFFF9E58  }
0xcd: {  	_ =	swait.ge [sflag:s19], $0x61A8  }
0xce: {  	[sflag:s19] =	ssyncset.done $0x0  }
0xcf: {  	[sflag:s19] =	ssyncadd.s32 $0xFFFF9E58  }
0xd0: {  	[hbm4b:s4+s24] =	stream.indirect.scatter [tilespmem:s25], [sflag:$0xA], $0x1, s2, s24, $0xb8;
	[tilespmem:$0x18E80] =	vst v63  }
0xd1: {  	_ = 	snop  }
0xd2: {  	[hbm4b:s4+s24] =	stream.indirect.scatter [tilespmem:s26], [sflag:$0xA], $0x1, s24, s24, $0xb8;
	[tilespmem:$0x18E80] =	vst v63  }
0xd3: {  	_ = 	snop  }
0xd4: {  	[hbm4b:s4+s24] =	stream.indirect.scatter [tilespmem:s28], [sflag:$0xA], $0x1, s20, s24, $0xb8;
	[tilespmem:$0x18E80] =	vst v63  }
0xd5: {  	_ = 	snop  }
0xd6: {  	[hbm4b:s4+s24] =	stream.indirect.scatter [tilespmem:s30], [sflag:$0xA], $0x1, s29, s24, $0xb8;
	[tilespmem:$0x18E80] =	vst v63  }
0xd7: {  	_ =	swait.ge [sflag:s0], $0x80  }
0xd8: {  	[sflag:s0] =	ssyncset.done $0x0  }
0xd9: {  	[sflag:s0] =	ssyncadd.s32 $0xFFFFFF80  }
0xda: {  	_ =	swait.ge [sflag:s0], $0x80  }
0xdb: {  	[sflag:s0] =	ssyncset.done $0x0  }
0xdc: {  	[sflag:s0] =	ssyncadd.s32 $0xFFFFFF80  }
0xdd: {  	p0 =	sne.s32 s7, $0x1;
	_ =	swait.ge [sflag:s0], $0x80  }
.Ltmp0:
0xde: {  	[sflag:s0] =	ssyncset.done $0x0;
	(pc) =	sbr.rel @p0 .LBB2_1-.Ltmp0, $4  }
0xdf: {  	[sflag:s0] =	ssyncadd.s32 $0xFFFFFF80  }
0xe0: {  	_ =	swait.ge [sflag:s0], $0x80  }
0xe1: {  	[sflag:s0] =	ssyncset.done $0x0  }
0xe2: {  	s7 =	sadd.s32 $0xFFFFFFFF, s7;
	[sflag:s0] =	ssyncadd.s32 $0xFFFFFF80  }
0xe3: {  	_ =	sfence.sel $0x180000  }
0xe4: {  	[bflag:$0x0] =	sbarrier.arrive $0xFFFF  }
0xe5: {  	_ =	strace $0x90000047  }
0xe6: {  	s0 =	stileid.u32;
	[bflag:$0x2] =	sbarrier.arrive $0xFFFF  }
0xe7: {  	p0 =	sne.s32 s0, $0x0;
	s0 =	rddreg [dreg:$0x1]  }
0xe8: {  	s0 =	sadd.s32 @!p0 $0x100000, s0  }
0xe9: {  	[sflag:s0] =	ssyncadd.tile.s32 @!p0 $0x1;
	_ =	shalt  }
.Lfunc_end2:
_tile_overlayer_lowered:
.L_overlay_start_2:
0xea: {  	(tag) =	ssettag $0x2  }
0xeb: {  	s0 =	rddreg [dreg:$0x0];
	s2 =	stileid.u32  }
0xec: {  	s1 =	rddreg [dreg:$0x1];
	p0 =	sne.s32 s2, $0x0  }
0xed: {  	s3 =	rddreg [dreg:$0x2];
	[bflag:$0x3] =	sbarrier.arrive $0xFFFF;
	s2 =	simm.s32 @!p0 $0x1C0B  }
0xee: {  	[timem:s3], [sflag:s2] =	dma.local @!p0 [hbm:s0], s1  }
0xef: {  	s0 =	simm.s32 @!p0 $0xB  }
0xf0: {  	_ =	swait.ge @!p0 [sflag:s0], s1  }
0xf1: {  	s1 =	ssub.s32 @!p0 $0x0, s1;
	[sflag:s0] =	ssyncset.done @!p0 $0x0  }
0xf2: {  	[sflag:s0] =	ssyncadd.s32 @!p0 s1  }
0xf3: {  	[bflag:$0x3] =	sbarrier.arrive $0xFFFF  }
0xf4: {  	_ =	shalt  }

</sc_bundles>
